<compile_context>
chip_gen: v7x
topology: tpu7x:2x2x1
jax: 0.10.2.dev20260603
libtpu: 0.0.44.dev20260713+nightly
codegen_flags: <defaults>
</compile_context>

<pallas_src>
import functools

import jax
import jax.numpy as jnp
from jax import lax
from jax.experimental import pallas as pl
from jax.experimental.pallas import tpu as pltpu
from jax.experimental.pallas import tpu_sc as plsc

N = 10000
E = 320000
NT = 10240
E_PAD = 327680
CHUNK = 64
NSC = 2
NTILE = 16
ROWS_PER_TILE = NT // NTILE
BLK = 400
NBLK = N // BLK



def _make_seg_sum4(rows_per_tile_idx, grp, shared_dst=False):
    C = rows_per_tile_idx
    G = C // grp
    assert grp % 4 == 0 and G % 2 == 0
    mesh = plsc.VectorSubcoreMesh(
        core_axis_name="c", subcore_axis_name="s",
        num_cores=NSC, num_subcores=NTILE)

    @functools.partial(
        pl.kernel, mesh=mesh,
        out_type=jax.ShapeDtypeStruct((NSC, NT, 128), jnp.float32),
        scratch_types=[
            pltpu.VMEM((grp, CHUNK), jnp.int32),
            pltpu.VMEM((grp, CHUNK), jnp.int32),
            pltpu.VMEM((grp, CHUNK), jnp.int32),
            pltpu.VMEM((grp, CHUNK), jnp.int32),
            pltpu.VMEM((CHUNK, 128), jnp.float32),
            pltpu.VMEM((CHUNK, 128), jnp.float32),
            pltpu.VMEM((CHUNK, 128), jnp.float32),
            pltpu.VMEM((CHUNK, 128), jnp.float32),
            pltpu.VMEM_SHARED((NT, 128), jnp.float32),
            pltpu.SemaphoreType.DMA,
            pltpu.SemaphoreType.DMA,
            pltpu.SemaphoreType.DMA,
            pltpu.SemaphoreType.DMA,
            pltpu.SemaphoreType.DMA,
            pltpu.SemaphoreType.DMA,
            pltpu.SemaphoreType.DMA,
            pltpu.SemaphoreType.DMA,
            pltpu.SemaphoreType.DMA,
            pltpu.SemaphoreType.DMA,
        ],
    )
    def seg_sum(tab, srcr, dstr, zrows, out,
                sv0, sv1, dv0, dv1, b0, b1, b2, b3, acc,
                g0, g1, g2, g3, s0, s1, s2, s3, i0, i1):
        cid = lax.axis_index("c")
        sid = lax.axis_index("s")
        pltpu.sync_copy(zrows, acc.at[pl.ds(sid * ROWS_PER_TILE,
                                            ROWS_PER_TILE)])
        plsc.subcore_barrier()

        svs = (sv0, sv1)
        dvs = (dv0, dv1)
        bufs = (b0, b1, b2, b3)
        gsem = (g0, g1, g2, g3)
        ssem = (s0, s1, s2, s3)
        isem = (i0, i1)
        row0 = sid * C
        dcid = 0 if shared_dst else cid

        def idx_load(g, p):
            pltpu.async_copy(srcr.at[cid, pl.ds(row0 + g * grp, grp)],
                             svs[p], isem[p])
            pltpu.async_copy(dstr.at[dcid, pl.ds(row0 + g * grp, grp)],
                             dvs[p], isem[p])

        def idx_wait(g, p):
            pltpu.make_async_copy(srcr.at[cid, pl.ds(row0 + g * grp, grp)],
                                  svs[p], isem[p]).wait()
            pltpu.make_async_copy(dstr.at[dcid, pl.ds(row0 + g * grp, grp)],
                                  dvs[p], isem[p]).wait()

        idx_load(0, 0)

        def outer(go, _):
            for p in range(2):
                g = 2 * go + p
                idx_wait(g, p)

                @pl.when(g + 1 < G)
                def _():
                    idx_load(g + 1, 1 - p)

                sv, dv = svs[p], dvs[p]
                for k in range(2):
                    pltpu.async_copy(tab.at[sv.at[k]], bufs[k], gsem[k])

                def quad(q, _):
                    for k in range(4):
                        c = 4 * q + k
                        pltpu.make_async_copy(tab.at[sv.at[c]], bufs[k],
                                              gsem[k]).wait()
                        pltpu.async_copy(bufs[k], acc.at[dv.at[c]],
                                         ssem[k], add=True)
                        cn = c + 2
                        kn = (k + 2) % 4

                        @pl.when(cn < grp)
                        def _():
                            @pl.when(c > 1)
                            def _():
                                pltpu.make_async_copy(
                                    bufs[kn], acc.at[dv.at[0]],
                                    ssem[kn]).wait()
                            pltpu.async_copy(tab.at[sv.at[cn]], bufs[kn],
                                             gsem[kn])
                    return 0

                lax.fori_loop(0, grp // 4, quad, 0)
                for k in range(4):
                    pltpu.make_async_copy(bufs[k], acc.at[dv.at[0]],
                                          ssem[k]).wait()
            return 0

        lax.fori_loop(0, G // 2, outer, 0)
        plsc.subcore_barrier()
        pltpu.sync_copy(acc.at[pl.ds(sid * ROWS_PER_TILE, ROWS_PER_TILE)],
                        out.at[cid, pl.ds(sid * ROWS_PER_TILE,
                                          ROWS_PER_TILE)])

    return seg_sum



_seg_sum_l0 = _make_seg_sum4(E_PAD // 2 // NTILE // CHUNK, 16)
_seg_sum_l12 = _make_seg_sum4(E_PAD // NTILE // CHUNK, 32,
                              shared_dst=True)



def _lrelu(h):
    return jnp.where(h > 0, h, 0.01 * h)


def _make_layer_tc(layer0):

    def body(eps_ref, x_ref, agg_ref, wt_ref, b_ref, g_ref, be_ref,
             out_ref, hbuf_ref, acc_ref):
        i = pl.program_id(0)

        @pl.when(i < NBLK)
        def _phase1():
            if layer0:
                a = ((1.0 + eps_ref[0, 0]) * x_ref[...]
                     + agg_ref[0] + agg_ref[1])
            else:
                x = jnp.concatenate([x_ref[0], x_ref[1]], axis=1)
                agg = jnp.concatenate([agg_ref[0], agg_ref[1]], axis=1)
                a = (1.0 + eps_ref[0, 0]) * x + agg
            h = jnp.dot(a, wt_ref[...], preferred_element_type=jnp.float32) \
                + b_ref[...]
            hbuf_ref[pl.ds(i * BLK, BLK), :] = h

            @pl.when(i == 0)
            def _():
                acc_ref[...] = jnp.zeros_like(acc_ref)

            acc_ref[0:1, :] += jnp.sum(h, axis=0, keepdims=True)
            acc_ref[1:2, :] += jnp.sum(h * h, axis=0, keepdims=True)

        @pl.when(i >= NBLK)
        def _phase2():
            j = i - NBLK
            mean = acc_ref[0:1, :] * (1.0 / N)
            var = acc_ref[1:2, :] * (1.0 / N) - mean * mean
            scale = lax.rsqrt(var + 1e-5) * g_ref[...]
            h = (hbuf_ref[pl.ds(j * BLK, BLK), :] - mean) * scale \
                + be_ref[...]
            h = _lrelu(_lrelu(h))
            out_ref[...] = jnp.stack([h[:, :128], h[:, 128:]])

    d_in = 128 if layer0 else 256
    x_spec = (pl.BlockSpec((BLK, 128), lambda i: (jnp.minimum(i, NBLK - 1), 0))
              if layer0 else
              pl.BlockSpec((2, BLK, 128),
                           lambda i: (0, jnp.minimum(i, NBLK - 1), 0)))
    return pl.pallas_call(
        body,
        grid=(2 * NBLK,),
        in_specs=[
            pl.BlockSpec(memory_space=pltpu.SMEM),
            x_spec,
            pl.BlockSpec((2, BLK, 128),
                         lambda i: (0, jnp.minimum(i, NBLK - 1), 0)),
            pl.BlockSpec((d_in, 256), lambda i: (0, 0)),
            pl.BlockSpec((1, 256), lambda i: (0, 0)),
            pl.BlockSpec((1, 256), lambda i: (0, 0)),
            pl.BlockSpec((1, 256), lambda i: (0, 0)),
        ],
        out_specs=pl.BlockSpec((2, BLK, 128),
                               lambda i: (0, jnp.maximum(i - NBLK, 0), 0)),
        out_shape=jax.ShapeDtypeStruct((2, NT, 128), jnp.float32),
        scratch_shapes=[
            pltpu.VMEM((N, 256), jnp.float32),
            pltpu.VMEM((8, 256), jnp.float32),
        ],
    )


_layer_tc_l0 = _make_layer_tc(True)
_layer_tc_l12 = _make_layer_tc(False)


def _classifier_body(h_ref, wc_ref, bc_ref, wk1_ref, bk1_ref,
                     wk2_ref, bk2_ref, wf_ref, bf_ref, out_ref):
    h = jnp.concatenate([h_ref[0], h_ref[1]], axis=1)
    t = jnp.dot(h, wc_ref[...], preferred_element_type=jnp.float32) \
        + bc_ref[...]
    t = _lrelu(jnp.dot(t, wk1_ref[...],
                       preferred_element_type=jnp.float32) + bk1_ref[...])
    t = _lrelu(jnp.dot(t, wk2_ref[...],
                       preferred_element_type=jnp.float32) + bk2_ref[...])
    o = jnp.dot(t, wf_ref[...], preferred_element_type=jnp.float32) \
        + bf_ref[...]
    out_ref[...] = 1.0 / (1.0 + jnp.exp(-o))


_classifier = pl.pallas_call(
    _classifier_body,
    grid=(NBLK,),
    in_specs=[
        pl.BlockSpec((2, BLK, 128), lambda i: (0, i, 0)),
        pl.BlockSpec((256, 256), lambda i: (0, 0)),
        pl.BlockSpec((1, 256), lambda i: (0, 0)),
        pl.BlockSpec((256, 256), lambda i: (0, 0)),
        pl.BlockSpec((1, 256), lambda i: (0, 0)),
        pl.BlockSpec((256, 256), lambda i: (0, 0)),
        pl.BlockSpec((1, 256), lambda i: (0, 0)),
        pl.BlockSpec((256, 1), lambda i: (0, 0)),
        pl.BlockSpec((1, 1), lambda i: (0, 0)),
    ],
    out_specs=pl.BlockSpec((BLK, 1), lambda i: (i, 0)),
    out_shape=jax.ShapeDtypeStruct((N, 1), jnp.float32),
)



def kernel(x, edge_index, eps0, W0, b0, g0, be0, eps1, W1, b1, g1, be1,
           eps2, W2, b2, g2, be2, Wc, bc, Wk1, bk1, Wk2, bk2, Wf, bf):
    pad = E_PAD - E
    pad_ids = jnp.arange(pad, dtype=jnp.int32)
    src = jnp.concatenate([edge_index[0], pad_ids % N])
    dst = jnp.concatenate([edge_index[1], N + pad_ids % (NT - N)])
    src0 = src.reshape(NSC, E_PAD // 2 // CHUNK, CHUNK)
    dst0 = dst.reshape(NSC, E_PAD // 2 // CHUNK, CHUNK)
    src12 = jnp.stack([src, src + NT]).reshape(NSC, E_PAD // CHUNK, CHUNK)
    dst12 = dst.reshape(1, E_PAD // CHUNK, CHUNK)
    zrows = jnp.zeros((ROWS_PER_TILE, 128), jnp.float32)

    def layer(h_split, tab, eps, W, b, g, be, first):
        if first:
            agg = _seg_sum_l0(tab, src0, dst0, zrows)
            return _layer_tc_l0(eps.reshape(1, 1), tab, agg, W.T,
                                b.reshape(1, 256), g.reshape(1, 256),
                                be.reshape(1, 256))
        agg = _seg_sum_l12(tab, src12, dst12, zrows)
        return _layer_tc_l12(eps.reshape(1, 1), h_split, agg, W.T,
                             b.reshape(1, 256), g.reshape(1, 256),
                             be.reshape(1, 256))

    h1 = layer(None, x, eps0, W0, b0, g0, be0, True)
    h2 = layer(h1, h1.reshape(NSC * NT, 128), eps1, W1, b1, g1, be1, False)
    h3 = layer(h2, h2.reshape(NSC * NT, 128), eps2, W2, b2, g2, be2, False)

    return _classifier(h3, Wc.T, bc.reshape(1, 256),
                       Wk1.T, bk1.reshape(1, 256),
                       Wk2.T, bk2.reshape(1, 256),
                       Wf.T, bf.reshape(1, 1))

# --- scband reference (transcript-rebuilt; emitter-appended) ---
"""Pipeline reference for scband-ginna-33578054320561 (READ-ONLY COPY).

The authoritative reference and input builder live on the scoring server;
editing this copy changes nothing except your own understanding.
"""

import jax, jax.numpy as jnp
import numpy as np

N = 10000
E = 320000
D_IN = 128
D_OUT = 256
D_CLS = 256


def _lin_init(k, out_d, in_d):
    bound = 1.0 / np.sqrt(in_d)
    kw, kb = jax.random.split(k)
    W = jax.random.uniform(kw, (out_d, in_d), minval=-bound, maxval=bound, dtype=jnp.float32)
    b = jax.random.uniform(kb, (out_d,), minval=-bound, maxval=bound, dtype=jnp.float32)
    return W, b


def setup_inputs(seed: int = 0):
    key = jax.random.key(seed)
    ks = jax.random.split(key, 12)
    inp = {}
    inp["x"] = jax.random.normal(ks[0], (N, D_IN), dtype=jnp.float32)
    inp["edge_index"] = jax.random.randint(ks[1], (2, E), 0, N, dtype=jnp.int32)
    inp["eps0"] = jnp.zeros((), jnp.float32)
    inp["W0"], inp["b0"] = _lin_init(ks[2], D_OUT, D_IN)
    inp["g0"] = jnp.ones((D_OUT,), jnp.float32)
    inp["be0"] = jnp.zeros((D_OUT,), jnp.float32)
    inp["eps1"] = jnp.zeros((), jnp.float32)
    inp["W1"], inp["b1"] = _lin_init(ks[3], D_OUT, D_OUT)
    inp["g1"] = jnp.ones((D_OUT,), jnp.float32)
    inp["be1"] = jnp.zeros((D_OUT,), jnp.float32)
    inp["eps2"] = jnp.zeros((), jnp.float32)
    inp["W2"], inp["b2"] = _lin_init(ks[4], D_OUT, D_OUT)
    inp["g2"] = jnp.ones((D_OUT,), jnp.float32)
    inp["be2"] = jnp.zeros((D_OUT,), jnp.float32)
    inp["Wc"], inp["bc"] = _lin_init(ks[5], D_CLS, D_OUT)
    inp["Wk1"], inp["bk1"] = _lin_init(ks[6], D_CLS, D_CLS)
    inp["Wk2"], inp["bk2"] = _lin_init(ks[7], D_CLS, D_CLS)
    inp["Wf"], inp["bf"] = _lin_init(ks[8], 1, D_CLS)
    return inp


def _lrelu(h):
    return jnp.where(h > 0, h, 0.01 * h)


def _bn(h, g, b):
    m = jnp.mean(h, axis=0)
    v = jnp.var(h, axis=0)
    return (h - m) / jnp.sqrt(v + 1e-5) * g + b


def _gin(x, ei, eps, W, b, g, be):
    # GINConv: nn((1+eps)*x + sum_{j in N(i)} x_j); nn = Linear -> BatchNorm1d -> LeakyReLU -> Dropout(p=0)
    agg = jax.ops.segment_sum(x[ei[0]], ei[1], num_segments=N)
    h = (1.0 + eps) * x + agg
    h = h @ W.T + b
    h = _bn(h, g, be)
    h = _lrelu(h)
    return h


def reference(x, edge_index, eps0, W0, b0, g0, be0, eps1, W1, b1, g1, be1, eps2, W2, b2, g2, be2, Wc, bc, Wk1, bk1, Wk2, bk2, Wf, bf):
    h = _lrelu(_gin(x, edge_index, eps0, W0, b0, g0, be0))
    h = _lrelu(_gin(h, edge_index, eps1, W1, b1, g1, be1))
    h = _lrelu(_gin(h, edge_index, eps2, W2, b2, g2, be2))
    h = h @ Wc.T + bc
    h = _lrelu(h @ Wk1.T + bk1)
    h = _lrelu(h @ Wk2.T + bk2)
    h = h @ Wf.T + bf
    return jax.nn.sigmoid(h)

if __name__ == "__main__":
    import jax
    _d = setup_inputs()
    print(jax.jit(kernel)(*tuple(_d.values())))

</pallas_src>

<mosaic_0001>
#map = affine_map<(d0, d1) -> (0, 0)>
#map1 = affine_map<(d0, d1) -> (0, 0, 0)>
module attributes {stable_mosaic.version = 14 : i64} {
  func.func @seg_sum(%arg0: i32, %arg1: i32, %arg2: memref<20480x128xf32, #tpu.memory_space<hbm>>, %arg3: memref<2x5120x64xi32, #tpu.memory_space<hbm>>, %arg4: memref<1x5120x64xi32, #tpu.memory_space<hbm>>, %arg5: memref<640x128xf32, #tpu.memory_space<hbm>>, %arg6: memref<2x10240x128xf32, #tpu.memory_space<hbm>>, %arg7: memref<32x64xi32, #tpu.memory_space<vmem>>, %arg8: memref<32x64xi32, #tpu.memory_space<vmem>>, %arg9: memref<32x64xi32, #tpu.memory_space<vmem>>, %arg10: memref<32x64xi32, #tpu.memory_space<vmem>>, %arg11: memref<64x128xf32, #tpu.memory_space<vmem>>, %arg12: memref<64x128xf32, #tpu.memory_space<vmem>>, %arg13: memref<64x128xf32, #tpu.memory_space<vmem>>, %arg14: memref<64x128xf32, #tpu.memory_space<vmem>>, %arg15: memref<10240x128xf32, #tpu.memory_space<vmem_shared>>, %arg16: memref<!tpu.dma_semaphore, #tpu.memory_space<semaphore_mem>>, %arg17: memref<!tpu.dma_semaphore, #tpu.memory_space<semaphore_mem>>, %arg18: memref<!tpu.dma_semaphore, #tpu.memory_space<semaphore_mem>>, %arg19: memref<!tpu.dma_semaphore, #tpu.memory_space<semaphore_mem>>, %arg20: memref<!tpu.dma_semaphore, #tpu.memory_space<semaphore_mem>>, %arg21: memref<!tpu.dma_semaphore, #tpu.memory_space<semaphore_mem>>, %arg22: memref<!tpu.dma_semaphore, #tpu.memory_space<semaphore_mem>>, %arg23: memref<!tpu.dma_semaphore, #tpu.memory_space<semaphore_mem>>, %arg24: memref<!tpu.dma_semaphore, #tpu.memory_space<semaphore_mem>>, %arg25: memref<!tpu.dma_semaphore, #tpu.memory_space<semaphore_mem>>) attributes {dimension_semantics = [#tpu.dimension_semantics<core_parallel>, #tpu.dimension_semantics<subcore_parallel>], iteration_bounds = array<i64: 2, 16>, scalar_prefetch = 0 : i64, scratch_operands = 19 : i64, tpu.core_type = #tpu.core_type<sc_vector_subcore>, window_params = [{transform_indices = #map}, {transform_indices = #map1}, {transform_indices = #map1}, {transform_indices = #map}, {transform_indices = #map1}]} {
    %mul3A = arith.constant 640 : i32
    %mul3A_0 = arith.muli %arg1, %mul3A : i32
    "tpu.region"() ({
      %run_scoped3A = tpu.sem_alloc : memref<!tpu.dma_semaphore, #tpu.memory_space<semaphore_mem>>
      %dma_start3A_29 = arith.constant 0 : i32
      %dma_start3A_30 = tpu.memref_slice %arg15[%mul3A_0, %dma_start3A_29] : memref<10240x128xf32, #tpu.memory_space<vmem_shared>> -> memref<640x128xf32, #tpu.memory_space<vmem_shared>>
      tpu.enqueue_dma source(%arg5 : memref<640x128xf32, #tpu.memory_space<hbm>>) target(%dma_start3A_30 : memref<640x128xf32, #tpu.memory_space<vmem_shared>>) target_semaphore(%run_scoped3A : memref<!tpu.dma_semaphore, #tpu.memory_space<semaphore_mem>>)
      %dma_wait3A = arith.constant 0 : i32
      %dma_wait3A_31 = tpu.memref_slice %arg15[%mul3A_0, %dma_wait3A] : memref<10240x128xf32, #tpu.memory_space<vmem_shared>> -> memref<640x128xf32, #tpu.memory_space<vmem_shared>>
      tpu.wait_dma2 semaphore(%run_scoped3A : memref<!tpu.dma_semaphore, #tpu.memory_space<semaphore_mem>>) src(%arg5 : memref<640x128xf32, #tpu.memory_space<hbm>>) dst(%dma_wait3A_31 : memref<640x128xf32, #tpu.memory_space<vmem_shared>>)
      tpu.yield
    }) : () -> ()
    %barrier3A = arith.constant 0 : index
    tpu.barrier barrier_id(%barrier3A)
    %mul3A_1 = arith.constant 320 : i32
    %mul3A_2 = arith.muli %arg1, %mul3A_1 : i32
    %add3A = arith.constant 0 : i32
    %add3A_3 = arith.addi %mul3A_2, %add3A : i32
    %dma_start3A = arith.constant 0 : i32
    %dma_start3A_4 = tpu.memref_slice %arg3[%arg0, %add3A_3, %dma_start3A] : memref<2x5120x64xi32, #tpu.memory_space<hbm>> -> memref<1x32x64xi32, #tpu.memory_space<hbm>>
    %dma_start3A_5 = tpu.memref_squeeze %dma_start3A_4 : memref<1x32x64xi32, #tpu.memory_space<hbm>> -> memref<32x64xi32, #tpu.memory_space<hbm>>
    %dma_start3A_6 = arith.constant 0 : i32
    %dma_start3A_7 = tpu.memref_slice %arg3[%arg0, %add3A_3, %dma_start3A_6] : memref<2x5120x64xi32, #tpu.memory_space<hbm>> -> memref<1x32x64xi32, #tpu.memory_space<hbm>>
    %dma_start3A_8 = tpu.memref_squeeze %dma_start3A_7 : memref<1x32x64xi32, #tpu.memory_space<hbm>> -> memref<32x64xi32, #tpu.memory_space<hbm>>
    tpu.enqueue_dma source(%dma_start3A_8 : memref<32x64xi32, #tpu.memory_space<hbm>>) target(%arg7 : memref<32x64xi32, #tpu.memory_space<vmem>>) target_semaphore(%arg24 : memref<!tpu.dma_semaphore, #tpu.memory_space<semaphore_mem>>)
    %add3A_9 = arith.constant 0 : i32
    %add3A_10 = arith.addi %mul3A_2, %add3A_9 : i32
    %dma_start3A_11 = arith.constant 0 : i32
    %dma_start3A_12 = arith.constant 0 : i32
    %dma_start3A_13 = tpu.memref_slice %arg4[%dma_start3A_11, %add3A_10, %dma_start3A_12] : memref<1x5120x64xi32, #tpu.memory_space<hbm>> -> memref<1x32x64xi32, #tpu.memory_space<hbm>>
    %dma_start3A_14 = tpu.memref_squeeze %dma_start3A_13 : memref<1x32x64xi32, #tpu.memory_space<hbm>> -> memref<32x64xi32, #tpu.memory_space<hbm>>
    %dma_start3A_15 = arith.constant 0 : i32
    %dma_start3A_16 = tpu.memref_slice %arg4[%dma_start3A_11, %add3A_10, %dma_start3A_15] : memref<1x5120x64xi32, #tpu.memory_space<hbm>> -> memref<1x32x64xi32, #tpu.memory_space<hbm>>
    %dma_start3A_17 = tpu.memref_squeeze %dma_start3A_16 : memref<1x32x64xi32, #tpu.memory_space<hbm>> -> memref<32x64xi32, #tpu.memory_space<hbm>>
    tpu.enqueue_dma source(%dma_start3A_17 : memref<32x64xi32, #tpu.memory_space<hbm>>) target(%arg9 : memref<32x64xi32, #tpu.memory_space<vmem>>) target_semaphore(%arg24 : memref<!tpu.dma_semaphore, #tpu.memory_space<semaphore_mem>>)
    %scan3A = arith.constant 0 : i32
    %scan3A_18 = arith.constant 0 : i32
    %scan3A_19 = arith.constant 5 : i32
    %scan3A_20 = arith.addi %scan3A_18, %scan3A_19 : i32
    %scan3A_21 = arith.constant 1 : i32
    %scan3A_22 = scf.for %scan3A_29 = %scan3A_18 to %scan3A_20 step %scan3A_21 iter_args(%scan3A_30 = %scan3A) -> (i32)  : i32 {
      %mul3A_31 = arith.constant 2 : i32
      %mul3A_32 = arith.muli %mul3A_31, %scan3A_29 : i32
      %add3A_33 = arith.constant 0 : i32
      %add3A_34 = arith.addi %mul3A_32, %add3A_33 : i32
      %mul3A_35 = arith.constant 32 : i32
      %mul3A_36 = arith.muli %add3A_34, %mul3A_35 : i32
      %add3A_37 = arith.addi %mul3A_2, %mul3A_36 : i32
      %dma_wait3A = arith.constant 0 : i32
      %dma_wait3A_38 = tpu.memref_slice %arg3[%arg0, %add3A_37, %dma_wait3A] : memref<2x5120x64xi32, #tpu.memory_space<hbm>> -> memref<1x32x64xi32, #tpu.memory_space<hbm>>
      %dma_wait3A_39 = tpu.memref_squeeze %dma_wait3A_38 : memref<1x32x64xi32, #tpu.memory_space<hbm>> -> memref<32x64xi32, #tpu.memory_space<hbm>>
      %dma_wait3A_40 = arith.constant 0 : i32
      %dma_wait3A_41 = tpu.memref_slice %arg3[%arg0, %add3A_37, %dma_wait3A_40] : memref<2x5120x64xi32, #tpu.memory_space<hbm>> -> memref<1x32x64xi32, #tpu.memory_space<hbm>>
      %dma_wait3A_42 = tpu.memref_squeeze %dma_wait3A_41 : memref<1x32x64xi32, #tpu.memory_space<hbm>> -> memref<32x64xi32, #tpu.memory_space<hbm>>
      tpu.wait_dma2 semaphore(%arg24 : memref<!tpu.dma_semaphore, #tpu.memory_space<semaphore_mem>>) src(%dma_wait3A_42 : memref<32x64xi32, #tpu.memory_space<hbm>>) dst(%arg7 : memref<32x64xi32, #tpu.memory_space<vmem>>)
      %mul3A_43 = arith.constant 32 : i32
      %mul3A_44 = arith.muli %add3A_34, %mul3A_43 : i32
      %add3A_45 = arith.addi %mul3A_2, %mul3A_44 : i32
      %dma_wait3A_46 = arith.constant 0 : i32
      %dma_wait3A_47 = arith.constant 0 : i32
      %dma_wait3A_48 = tpu.memref_slice %arg4[%dma_wait3A_46, %add3A_45, %dma_wait3A_47] : memref<1x5120x64xi32, #tpu.memory_space<hbm>> -> memref<1x32x64xi32, #tpu.memory_space<hbm>>
      %dma_wait3A_49 = tpu.memref_squeeze %dma_wait3A_48 : memref<1x32x64xi32, #tpu.memory_space<hbm>> -> memref<32x64xi32, #tpu.memory_space<hbm>>
      %dma_wait3A_50 = arith.constant 0 : i32
      %dma_wait3A_51 = tpu.memref_slice %arg4[%dma_wait3A_46, %add3A_45, %dma_wait3A_50] : memref<1x5120x64xi32, #tpu.memory_space<hbm>> -> memref<1x32x64xi32, #tpu.memory_space<hbm>>
      %dma_wait3A_52 = tpu.memref_squeeze %dma_wait3A_51 : memref<1x32x64xi32, #tpu.memory_space<hbm>> -> memref<32x64xi32, #tpu.memory_space<hbm>>
      tpu.wait_dma2 semaphore(%arg24 : memref<!tpu.dma_semaphore, #tpu.memory_space<semaphore_mem>>) src(%dma_wait3A_52 : memref<32x64xi32, #tpu.memory_space<hbm>>) dst(%arg9 : memref<32x64xi32, #tpu.memory_space<vmem>>)
      %add3A_53 = arith.constant 1 : i32
      %add3A_54 = arith.addi %add3A_34, %add3A_53 : i32
      %lt3A = arith.constant 10 : i32
      %lt3A_55 = arith.cmpi slt, %add3A_54, %lt3A : i32
      %convert_element_type3A = arith.extui %lt3A_55 : i1 to i32
      %cond3A = arith.constant 0 : i32
      %cond3A_56 = arith.cmpi ne, %convert_element_type3A, %cond3A : i32
      scf.if %cond3A_56 {
        %add3A_186 = arith.constant 1 : i32
        %add3A_187 = arith.addi %add3A_34, %add3A_186 : i32
        %mul3A_188 = arith.constant 32 : i32
        %mul3A_189 = arith.muli %add3A_187, %mul3A_188 : i32
        %add3A_190 = arith.addi %mul3A_2, %mul3A_189 : i32
        %dma_start3A_191 = arith.constant 0 : i32
        %dma_start3A_192 = tpu.memref_slice %arg3[%arg0, %add3A_190, %dma_start3A_191] : memref<2x5120x64xi32, #tpu.memory_space<hbm>> -> memref<1x32x64xi32, #tpu.memory_space<hbm>>
        %dma_start3A_193 = tpu.memref_squeeze %dma_start3A_192 : memref<1x32x64xi32, #tpu.memory_space<hbm>> -> memref<32x64xi32, #tpu.memory_space<hbm>>
        %dma_start3A_194 = arith.constant 0 : i32
        %dma_start3A_195 = tpu.memref_slice %arg3[%arg0, %add3A_190, %dma_start3A_194] : memref<2x5120x64xi32, #tpu.memory_space<hbm>> -> memref<1x32x64xi32, #tpu.memory_space<hbm>>
        %dma_start3A_196 = tpu.memref_squeeze %dma_start3A_195 : memref<1x32x64xi32, #tpu.memory_space<hbm>> -> memref<32x64xi32, #tpu.memory_space<hbm>>
        tpu.enqueue_dma source(%dma_start3A_196 : memref<32x64xi32, #tpu.memory_space<hbm>>) target(%arg8 : memref<32x64xi32, #tpu.memory_space<vmem>>) target_semaphore(%arg25 : memref<!tpu.dma_semaphore, #tpu.memory_space<semaphore_mem>>)
        %mul3A_197 = arith.constant 32 : i32
        %mul3A_198 = arith.muli %add3A_187, %mul3A_197 : i32
        %add3A_199 = arith.addi %mul3A_2, %mul3A_198 : i32
        %dma_start3A_200 = arith.constant 0 : i32
        %dma_start3A_201 = arith.constant 0 : i32
        %dma_start3A_202 = tpu.memref_slice %arg4[%dma_start3A_200, %add3A_199, %dma_start3A_201] : memref<1x5120x64xi32, #tpu.memory_space<hbm>> -> memref<1x32x64xi32, #tpu.memory_space<hbm>>
        %dma_start3A_203 = tpu.memref_squeeze %dma_start3A_202 : memref<1x32x64xi32, #tpu.memory_space<hbm>> -> memref<32x64xi32, #tpu.memory_space<hbm>>
        %dma_start3A_204 = arith.constant 0 : i32
        %dma_start3A_205 = tpu.memref_slice %arg4[%dma_start3A_200, %add3A_199, %dma_start3A_204] : memref<1x5120x64xi32, #tpu.memory_space<hbm>> -> memref<1x32x64xi32, #tpu.memory_space<hbm>>
        %dma_start3A_206 = tpu.memref_squeeze %dma_start3A_205 : memref<1x32x64xi32, #tpu.memory_space<hbm>> -> memref<32x64xi32, #tpu.memory_space<hbm>>
        tpu.enqueue_dma source(%dma_start3A_206 : memref<32x64xi32, #tpu.memory_space<hbm>>) target(%arg10 : memref<32x64xi32, #tpu.memory_space<vmem>>) target_semaphore(%arg25 : memref<!tpu.dma_semaphore, #tpu.memory_space<semaphore_mem>>)
      } else {
      }
      %dma_start3A_57 = arith.constant 0 : i32
      %dma_start3A_58 = arith.constant 0 : i32
      %dma_start3A_59 = tpu.memref_slice %arg7[%dma_start3A_57, %dma_start3A_58] : memref<32x64xi32, #tpu.memory_space<vmem>> -> memref<1x64xi32, #tpu.memory_space<vmem>>
      %dma_start3A_60 = tpu.memref_squeeze %dma_start3A_59 : memref<1x64xi32, #tpu.memory_space<vmem>> -> memref<64xi32, #tpu.memory_space<vmem>>
      %dma_start3A_61 = arith.constant 0 : i32
      %dma_start3A_62 = arith.constant 0 : i32
      %dma_start3A_63 = tpu.memref_slice %arg2[%dma_start3A_61, %dma_start3A_62] : memref<20480x128xf32, #tpu.memory_space<hbm>> -> memref<20480x128xf32, #tpu.memory_space<hbm>>
      tpu.enqueue_indirect_dma source(%dma_start3A_63 : memref<20480x128xf32, #tpu.memory_space<hbm>>) target(%arg11 : memref<64x128xf32, #tpu.memory_space<vmem>>) offsets(%dma_start3A_60 : memref<64xi32, #tpu.memory_space<vmem>>) semaphore(%arg16 : memref<!tpu.dma_semaphore, #tpu.memory_space<semaphore_mem>>)
      %dma_start3A_64 = arith.constant 1 : i32
      %dma_start3A_65 = arith.constant 0 : i32
      %dma_start3A_66 = tpu.memref_slice %arg7[%dma_start3A_64, %dma_start3A_65] : memref<32x64xi32, #tpu.memory_space<vmem>> -> memref<1x64xi32, #tpu.memory_space<vmem>>
      %dma_start3A_67 = tpu.memref_squeeze %dma_start3A_66 : memref<1x64xi32, #tpu.memory_space<vmem>> -> memref<64xi32, #tpu.memory_space<vmem>>
      %dma_start3A_68 = arith.constant 0 : i32
      %dma_start3A_69 = arith.constant 0 : i32
      %dma_start3A_70 = tpu.memref_slice %arg2[%dma_start3A_68, %dma_start3A_69] : memref<20480x128xf32, #tpu.memory_space<hbm>> -> memref<20480x128xf32, #tpu.memory_space<hbm>>
      tpu.enqueue_indirect_dma source(%dma_start3A_70 : memref<20480x128xf32, #tpu.memory_space<hbm>>) target(%arg12 : memref<64x128xf32, #tpu.memory_space<vmem>>) offsets(%dma_start3A_67 : memref<64xi32, #tpu.memory_space<vmem>>) semaphore(%arg17 : memref<!tpu.dma_semaphore, #tpu.memory_space<semaphore_mem>>)
      %scan3A_71 = arith.constant 0 : i32
      %scan3A_72 = arith.constant 0 : i32
      %scan3A_73 = arith.constant 8 : i32
      %scan3A_74 = arith.addi %scan3A_72, %scan3A_73 : i32
      %scan3A_75 = arith.constant 1 : i32
      %scan3A_76 = scf.for %scan3A_186 = %scan3A_72 to %scan3A_74 step %scan3A_75 iter_args(%scan3A_187 = %scan3A_71) -> (i32)  : i32 {
        %mul3A_188 = arith.constant 4 : i32
        %mul3A_189 = arith.muli %mul3A_188, %scan3A_186 : i32
        %add3A_190 = arith.constant 0 : i32
        %add3A_191 = arith.addi %mul3A_189, %add3A_190 : i32
        %dma_wait3A_192 = arith.constant 0 : i32
        %dma_wait3A_193 = tpu.memref_slice %arg7[%add3A_191, %dma_wait3A_192] : memref<32x64xi32, #tpu.memory_space<vmem>> -> memref<1x64xi32, #tpu.memory_space<vmem>>
        %dma_wait3A_194 = tpu.memref_squeeze %dma_wait3A_193 : memref<1x64xi32, #tpu.memory_space<vmem>> -> memref<64xi32, #tpu.memory_space<vmem>>
        %dma_wait3A_195 = arith.constant 0 : i32
        %dma_wait3A_196 = arith.constant 0 : i32
        %dma_wait3A_197 = tpu.memref_slice %arg2[%dma_wait3A_195, %dma_wait3A_196] : memref<20480x128xf32, #tpu.memory_space<hbm>> -> memref<20480x128xf32, #tpu.memory_space<hbm>>
        tpu.wait_indirect_dma semaphore(%arg16 : memref<!tpu.dma_semaphore, #tpu.memory_space<semaphore_mem>>) src(%dma_wait3A_197 : memref<20480x128xf32, #tpu.memory_space<hbm>>) dst(%arg11 : memref<64x128xf32, #tpu.memory_space<vmem>>)
        %dma_start3A_198 = arith.constant 0 : i32
        %dma_start3A_199 = tpu.memref_slice %arg9[%add3A_191, %dma_start3A_198] : memref<32x64xi32, #tpu.memory_space<vmem>> -> memref<1x64xi32, #tpu.memory_space<vmem>>
        %dma_start3A_200 = tpu.memref_squeeze %dma_start3A_199 : memref<1x64xi32, #tpu.memory_space<vmem>> -> memref<64xi32, #tpu.memory_space<vmem>>
        %dma_start3A_201 = arith.constant 0 : i32
        %dma_start3A_202 = arith.constant 0 : i32
        %dma_start3A_203 = tpu.memref_slice %arg15[%dma_start3A_201, %dma_start3A_202] : memref<10240x128xf32, #tpu.memory_space<vmem_shared>> -> memref<10240x128xf32, #tpu.memory_space<vmem_shared>>
        tpu.enqueue_indirect_dma source(%arg11 : memref<64x128xf32, #tpu.memory_space<vmem>>) target(%dma_start3A_203 : memref<10240x128xf32, #tpu.memory_space<vmem_shared>>) offsets(%dma_start3A_200 : memref<64xi32, #tpu.memory_space<vmem>>) semaphore(%arg20 : memref<!tpu.dma_semaphore, #tpu.memory_space<semaphore_mem>>) {add = true}
        %add3A_204 = arith.constant 2 : i32
        %add3A_205 = arith.addi %add3A_191, %add3A_204 : i32
        %lt3A_206 = arith.constant 32 : i32
        %lt3A_207 = arith.cmpi slt, %add3A_205, %lt3A_206 : i32
        %convert_element_type3A_208 = arith.extui %lt3A_207 : i1 to i32
        %cond3A_209 = arith.constant 0 : i32
        %cond3A_210 = arith.cmpi ne, %convert_element_type3A_208, %cond3A_209 : i32
        scf.if %cond3A_210 {
          %gt3A = arith.constant 1 : i32
          %gt3A_281 = arith.cmpi sgt, %add3A_191, %gt3A : i32
          %convert_element_type3A_282 = arith.extui %gt3A_281 : i1 to i32
          %cond3A_283 = arith.constant 0 : i32
          %cond3A_284 = arith.cmpi ne, %convert_element_type3A_282, %cond3A_283 : i32
          scf.if %cond3A_284 {
            %dma_wait3A_291 = arith.constant 0 : i32
            %dma_wait3A_292 = arith.constant 0 : i32
            %dma_wait3A_293 = tpu.memref_slice %arg9[%dma_wait3A_291, %dma_wait3A_292] : memref<32x64xi32, #tpu.memory_space<vmem>> -> memref<1x64xi32, #tpu.memory_space<vmem>>
            %dma_wait3A_294 = tpu.memref_squeeze %dma_wait3A_293 : memref<1x64xi32, #tpu.memory_space<vmem>> -> memref<64xi32, #tpu.memory_space<vmem>>
            %dma_wait3A_295 = arith.constant 0 : i32
            %dma_wait3A_296 = arith.constant 0 : i32
            %dma_wait3A_297 = tpu.memref_slice %arg15[%dma_wait3A_295, %dma_wait3A_296] : memref<10240x128xf32, #tpu.memory_space<vmem_shared>> -> memref<10240x128xf32, #tpu.memory_space<vmem_shared>>
            tpu.wait_indirect_dma semaphore(%arg22 : memref<!tpu.dma_semaphore, #tpu.memory_space<semaphore_mem>>) src(%arg13 : memref<64x128xf32, #tpu.memory_space<vmem>>) dst(%dma_wait3A_297 : memref<10240x128xf32, #tpu.memory_space<vmem_shared>>)
          } else {
          }
          %dma_start3A_285 = arith.constant 0 : i32
          %dma_start3A_286 = tpu.memref_slice %arg7[%add3A_205, %dma_start3A_285] : memref<32x64xi32, #tpu.memory_space<vmem>> -> memref<1x64xi32, #tpu.memory_space<vmem>>
          %dma_start3A_287 = tpu.memref_squeeze %dma_start3A_286 : memref<1x64xi32, #tpu.memory_space<vmem>> -> memref<64xi32, #tpu.memory_space<vmem>>
          %dma_start3A_288 = arith.constant 0 : i32
          %dma_start3A_289 = arith.constant 0 : i32
          %dma_start3A_290 = tpu.memref_slice %arg2[%dma_start3A_288, %dma_start3A_289] : memref<20480x128xf32, #tpu.memory_space<hbm>> -> memref<20480x128xf32, #tpu.memory_space<hbm>>
          tpu.enqueue_indirect_dma source(%dma_start3A_290 : memref<20480x128xf32, #tpu.memory_space<hbm>>) target(%arg13 : memref<64x128xf32, #tpu.memory_space<vmem>>) offsets(%dma_start3A_287 : memref<64xi32, #tpu.memory_space<vmem>>) semaphore(%arg18 : memref<!tpu.dma_semaphore, #tpu.memory_space<semaphore_mem>>)
        } else {
        }
        %mul3A_211 = arith.constant 4 : i32
        %mul3A_212 = arith.muli %mul3A_211, %scan3A_186 : i32
        %add3A_213 = arith.constant 1 : i32
        %add3A_214 = arith.addi %mul3A_212, %add3A_213 : i32
        %dma_wait3A_215 = arith.constant 0 : i32
        %dma_wait3A_216 = tpu.memref_slice %arg7[%add3A_214, %dma_wait3A_215] : memref<32x64xi32, #tpu.memory_space<vmem>> -> memref<1x64xi32, #tpu.memory_space<vmem>>
        %dma_wait3A_217 = tpu.memref_squeeze %dma_wait3A_216 : memref<1x64xi32, #tpu.memory_space<vmem>> -> memref<64xi32, #tpu.memory_space<vmem>>
        %dma_wait3A_218 = arith.constant 0 : i32
        %dma_wait3A_219 = arith.constant 0 : i32
        %dma_wait3A_220 = tpu.memref_slice %arg2[%dma_wait3A_218, %dma_wait3A_219] : memref<20480x128xf32, #tpu.memory_space<hbm>> -> memref<20480x128xf32, #tpu.memory_space<hbm>>
        tpu.wait_indirect_dma semaphore(%arg17 : memref<!tpu.dma_semaphore, #tpu.memory_space<semaphore_mem>>) src(%dma_wait3A_220 : memref<20480x128xf32, #tpu.memory_space<hbm>>) dst(%arg12 : memref<64x128xf32, #tpu.memory_space<vmem>>)
        %dma_start3A_221 = arith.constant 0 : i32
        %dma_start3A_222 = tpu.memref_slice %arg9[%add3A_214, %dma_start3A_221] : memref<32x64xi32, #tpu.memory_space<vmem>> -> memref<1x64xi32, #tpu.memory_space<vmem>>
        %dma_start3A_223 = tpu.memref_squeeze %dma_start3A_222 : memref<1x64xi32, #tpu.memory_space<vmem>> -> memref<64xi32, #tpu.memory_space<vmem>>
        %dma_start3A_224 = arith.constant 0 : i32
        %dma_start3A_225 = arith.constant 0 : i32
        %dma_start3A_226 = tpu.memref_slice %arg15[%dma_start3A_224, %dma_start3A_225] : memref<10240x128xf32, #tpu.memory_space<vmem_shared>> -> memref<10240x128xf32, #tpu.memory_space<vmem_shared>>
        tpu.enqueue_indirect_dma source(%arg12 : memref<64x128xf32, #tpu.memory_space<vmem>>) target(%dma_start3A_226 : memref<10240x128xf32, #tpu.memory_space<vmem_shared>>) offsets(%dma_start3A_223 : memref<64xi32, #tpu.memory_space<vmem>>) semaphore(%arg21 : memref<!tpu.dma_semaphore, #tpu.memory_space<semaphore_mem>>) {add = true}
        %add3A_227 = arith.constant 2 : i32
        %add3A_228 = arith.addi %add3A_214, %add3A_227 : i32
        %lt3A_229 = arith.constant 32 : i32
        %lt3A_230 = arith.cmpi slt, %add3A_228, %lt3A_229 : i32
        %convert_element_type3A_231 = arith.extui %lt3A_230 : i1 to i32
        %cond3A_232 = arith.constant 0 : i32
        %cond3A_233 = arith.cmpi ne, %convert_element_type3A_231, %cond3A_232 : i32
        scf.if %cond3A_233 {
          %gt3A = arith.constant 1 : i32
          %gt3A_281 = arith.cmpi sgt, %add3A_214, %gt3A : i32
          %convert_element_type3A_282 = arith.extui %gt3A_281 : i1 to i32
          %cond3A_283 = arith.constant 0 : i32
          %cond3A_284 = arith.cmpi ne, %convert_element_type3A_282, %cond3A_283 : i32
          scf.if %cond3A_284 {
            %dma_wait3A_291 = arith.constant 0 : i32
            %dma_wait3A_292 = arith.constant 0 : i32
            %dma_wait3A_293 = tpu.memref_slice %arg9[%dma_wait3A_291, %dma_wait3A_292] : memref<32x64xi32, #tpu.memory_space<vmem>> -> memref<1x64xi32, #tpu.memory_space<vmem>>
            %dma_wait3A_294 = tpu.memref_squeeze %dma_wait3A_293 : memref<1x64xi32, #tpu.memory_space<vmem>> -> memref<64xi32, #tpu.memory_space<vmem>>
            %dma_wait3A_295 = arith.constant 0 : i32
            %dma_wait3A_296 = arith.constant 0 : i32
            %dma_wait3A_297 = tpu.memref_slice %arg15[%dma_wait3A_295, %dma_wait3A_296] : memref<10240x128xf32, #tpu.memory_space<vmem_shared>> -> memref<10240x128xf32, #tpu.memory_space<vmem_shared>>
            tpu.wait_indirect_dma semaphore(%arg23 : memref<!tpu.dma_semaphore, #tpu.memory_space<semaphore_mem>>) src(%arg14 : memref<64x128xf32, #tpu.memory_space<vmem>>) dst(%dma_wait3A_297 : memref<10240x128xf32, #tpu.memory_space<vmem_shared>>)
          } else {
          }
          %dma_start3A_285 = arith.constant 0 : i32
          %dma_start3A_286 = tpu.memref_slice %arg7[%add3A_228, %dma_start3A_285] : memref<32x64xi32, #tpu.memory_space<vmem>> -> memref<1x64xi32, #tpu.memory_space<vmem>>
          %dma_start3A_287 = tpu.memref_squeeze %dma_start3A_286 : memref<1x64xi32, #tpu.memory_space<vmem>> -> memref<64xi32, #tpu.memory_space<vmem>>
          %dma_start3A_288 = arith.constant 0 : i32
          %dma_start3A_289 = arith.constant 0 : i32
          %dma_start3A_290 = tpu.memref_slice %arg2[%dma_start3A_288, %dma_start3A_289] : memref<20480x128xf32, #tpu.memory_space<hbm>> -> memref<20480x128xf32, #tpu.memory_space<hbm>>
          tpu.enqueue_indirect_dma source(%dma_start3A_290 : memref<20480x128xf32, #tpu.memory_space<hbm>>) target(%arg14 : memref<64x128xf32, #tpu.memory_space<vmem>>) offsets(%dma_start3A_287 : memref<64xi32, #tpu.memory_space<vmem>>) semaphore(%arg19 : memref<!tpu.dma_semaphore, #tpu.memory_space<semaphore_mem>>)
        } else {
        }
        %mul3A_234 = arith.constant 4 : i32
        %mul3A_235 = arith.muli %mul3A_234, %scan3A_186 : i32
        %add3A_236 = arith.constant 2 : i32
        %add3A_237 = arith.addi %mul3A_235, %add3A_236 : i32
        %dma_wait3A_238 = arith.constant 0 : i32
        %dma_wait3A_239 = tpu.memref_slice %arg7[%add3A_237, %dma_wait3A_238] : memref<32x64xi32, #tpu.memory_space<vmem>> -> memref<1x64xi32, #tpu.memory_space<vmem>>
        %dma_wait3A_240 = tpu.memref_squeeze %dma_wait3A_239 : memref<1x64xi32, #tpu.memory_space<vmem>> -> memref<64xi32, #tpu.memory_space<vmem>>
        %dma_wait3A_241 = arith.constant 0 : i32
        %dma_wait3A_242 = arith.constant 0 : i32
        %dma_wait3A_243 = tpu.memref_slice %arg2[%dma_wait3A_241, %dma_wait3A_242] : memref<20480x128xf32, #tpu.memory_space<hbm>> -> memref<20480x128xf32, #tpu.memory_space<hbm>>
        tpu.wait_indirect_dma semaphore(%arg18 : memref<!tpu.dma_semaphore, #tpu.memory_space<semaphore_mem>>) src(%dma_wait3A_243 : memref<20480x128xf32, #tpu.memory_space<hbm>>) dst(%arg13 : memref<64x128xf32, #tpu.memory_space<vmem>>)
        %dma_start3A_244 = arith.constant 0 : i32
        %dma_start3A_245 = tpu.memref_slice %arg9[%add3A_237, %dma_start3A_244] : memref<32x64xi32, #tpu.memory_space<vmem>> -> memref<1x64xi32, #tpu.memory_space<vmem>>
        %dma_start3A_246 = tpu.memref_squeeze %dma_start3A_245 : memref<1x64xi32, #tpu.memory_space<vmem>> -> memref<64xi32, #tpu.memory_space<vmem>>
        %dma_start3A_247 = arith.constant 0 : i32
        %dma_start3A_248 = arith.constant 0 : i32
        %dma_start3A_249 = tpu.memref_slice %arg15[%dma_start3A_247, %dma_start3A_248] : memref<10240x128xf32, #tpu.memory_space<vmem_shared>> -> memref<10240x128xf32, #tpu.memory_space<vmem_shared>>
        tpu.enqueue_indirect_dma source(%arg13 : memref<64x128xf32, #tpu.memory_space<vmem>>) target(%dma_start3A_249 : memref<10240x128xf32, #tpu.memory_space<vmem_shared>>) offsets(%dma_start3A_246 : memref<64xi32, #tpu.memory_space<vmem>>) semaphore(%arg22 : memref<!tpu.dma_semaphore, #tpu.memory_space<semaphore_mem>>) {add = true}
        %add3A_250 = arith.constant 2 : i32
        %add3A_251 = arith.addi %add3A_237, %add3A_250 : i32
        %lt3A_252 = arith.constant 32 : i32
        %lt3A_253 = arith.cmpi slt, %add3A_251, %lt3A_252 : i32
        %convert_element_type3A_254 = arith.extui %lt3A_253 : i1 to i32
        %cond3A_255 = arith.constant 0 : i32
        %cond3A_256 = arith.cmpi ne, %convert_element_type3A_254, %cond3A_255 : i32
        scf.if %cond3A_256 {
          %gt3A = arith.constant 1 : i32
          %gt3A_281 = arith.cmpi sgt, %add3A_237, %gt3A : i32
          %convert_element_type3A_282 = arith.extui %gt3A_281 : i1 to i32
          %cond3A_283 = arith.constant 0 : i32
          %cond3A_284 = arith.cmpi ne, %convert_element_type3A_282, %cond3A_283 : i32
          scf.if %cond3A_284 {
            %dma_wait3A_291 = arith.constant 0 : i32
            %dma_wait3A_292 = arith.constant 0 : i32
            %dma_wait3A_293 = tpu.memref_slice %arg9[%dma_wait3A_291, %dma_wait3A_292] : memref<32x64xi32, #tpu.memory_space<vmem>> -> memref<1x64xi32, #tpu.memory_space<vmem>>
            %dma_wait3A_294 = tpu.memref_squeeze %dma_wait3A_293 : memref<1x64xi32, #tpu.memory_space<vmem>> -> memref<64xi32, #tpu.memory_space<vmem>>
            %dma_wait3A_295 = arith.constant 0 : i32
            %dma_wait3A_296 = arith.constant 0 : i32
            %dma_wait3A_297 = tpu.memref_slice %arg15[%dma_wait3A_295, %dma_wait3A_296] : memref<10240x128xf32, #tpu.memory_space<vmem_shared>> -> memref<10240x128xf32, #tpu.memory_space<vmem_shared>>
            tpu.wait_indirect_dma semaphore(%arg20 : memref<!tpu.dma_semaphore, #tpu.memory_space<semaphore_mem>>) src(%arg11 : memref<64x128xf32, #tpu.memory_space<vmem>>) dst(%dma_wait3A_297 : memref<10240x128xf32, #tpu.memory_space<vmem_shared>>)
          } else {
          }
          %dma_start3A_285 = arith.constant 0 : i32
          %dma_start3A_286 = tpu.memref_slice %arg7[%add3A_251, %dma_start3A_285] : memref<32x64xi32, #tpu.memory_space<vmem>> -> memref<1x64xi32, #tpu.memory_space<vmem>>
          %dma_start3A_287 = tpu.memref_squeeze %dma_start3A_286 : memref<1x64xi32, #tpu.memory_space<vmem>> -> memref<64xi32, #tpu.memory_space<vmem>>
          %dma_start3A_288 = arith.constant 0 : i32
          %dma_start3A_289 = arith.constant 0 : i32
          %dma_start3A_290 = tpu.memref_slice %arg2[%dma_start3A_288, %dma_start3A_289] : memref<20480x128xf32, #tpu.memory_space<hbm>> -> memref<20480x128xf32, #tpu.memory_space<hbm>>
          tpu.enqueue_indirect_dma source(%dma_start3A_290 : memref<20480x128xf32, #tpu.memory_space<hbm>>) target(%arg11 : memref<64x128xf32, #tpu.memory_space<vmem>>) offsets(%dma_start3A_287 : memref<64xi32, #tpu.memory_space<vmem>>) semaphore(%arg16 : memref<!tpu.dma_semaphore, #tpu.memory_space<semaphore_mem>>)
        } else {
        }
        %mul3A_257 = arith.constant 4 : i32
        %mul3A_258 = arith.muli %mul3A_257, %scan3A_186 : i32
        %add3A_259 = arith.constant 3 : i32
        %add3A_260 = arith.addi %mul3A_258, %add3A_259 : i32
        %dma_wait3A_261 = arith.constant 0 : i32
        %dma_wait3A_262 = tpu.memref_slice %arg7[%add3A_260, %dma_wait3A_261] : memref<32x64xi32, #tpu.memory_space<vmem>> -> memref<1x64xi32, #tpu.memory_space<vmem>>
        %dma_wait3A_263 = tpu.memref_squeeze %dma_wait3A_262 : memref<1x64xi32, #tpu.memory_space<vmem>> -> memref<64xi32, #tpu.memory_space<vmem>>
        %dma_wait3A_264 = arith.constant 0 : i32
        %dma_wait3A_265 = arith.constant 0 : i32
        %dma_wait3A_266 = tpu.memref_slice %arg2[%dma_wait3A_264, %dma_wait3A_265] : memref<20480x128xf32, #tpu.memory_space<hbm>> -> memref<20480x128xf32, #tpu.memory_space<hbm>>
        tpu.wait_indirect_dma semaphore(%arg19 : memref<!tpu.dma_semaphore, #tpu.memory_space<semaphore_mem>>) src(%dma_wait3A_266 : memref<20480x128xf32, #tpu.memory_space<hbm>>) dst(%arg14 : memref<64x128xf32, #tpu.memory_space<vmem>>)
        %dma_start3A_267 = arith.constant 0 : i32
        %dma_start3A_268 = tpu.memref_slice %arg9[%add3A_260, %dma_start3A_267] : memref<32x64xi32, #tpu.memory_space<vmem>> -> memref<1x64xi32, #tpu.memory_space<vmem>>
        %dma_start3A_269 = tpu.memref_squeeze %dma_start3A_268 : memref<1x64xi32, #tpu.memory_space<vmem>> -> memref<64xi32, #tpu.memory_space<vmem>>
        %dma_start3A_270 = arith.constant 0 : i32
        %dma_start3A_271 = arith.constant 0 : i32
        %dma_start3A_272 = tpu.memref_slice %arg15[%dma_start3A_270, %dma_start3A_271] : memref<10240x128xf32, #tpu.memory_space<vmem_shared>> -> memref<10240x128xf32, #tpu.memory_space<vmem_shared>>
        tpu.enqueue_indirect_dma source(%arg14 : memref<64x128xf32, #tpu.memory_space<vmem>>) target(%dma_start3A_272 : memref<10240x128xf32, #tpu.memory_space<vmem_shared>>) offsets(%dma_start3A_269 : memref<64xi32, #tpu.memory_space<vmem>>) semaphore(%arg23 : memref<!tpu.dma_semaphore, #tpu.memory_space<semaphore_mem>>) {add = true}
        %add3A_273 = arith.constant 2 : i32
        %add3A_274 = arith.addi %add3A_260, %add3A_273 : i32
        %lt3A_275 = arith.constant 32 : i32
        %lt3A_276 = arith.cmpi slt, %add3A_274, %lt3A_275 : i32
        %convert_element_type3A_277 = arith.extui %lt3A_276 : i1 to i32
        %cond3A_278 = arith.constant 0 : i32
        %cond3A_279 = arith.cmpi ne, %convert_element_type3A_277, %cond3A_278 : i32
        scf.if %cond3A_279 {
          %gt3A = arith.constant 1 : i32
          %gt3A_281 = arith.cmpi sgt, %add3A_260, %gt3A : i32
          %convert_element_type3A_282 = arith.extui %gt3A_281 : i1 to i32
          %cond3A_283 = arith.constant 0 : i32
          %cond3A_284 = arith.cmpi ne, %convert_element_type3A_282, %cond3A_283 : i32
          scf.if %cond3A_284 {
            %dma_wait3A_291 = arith.constant 0 : i32
            %dma_wait3A_292 = arith.constant 0 : i32
            %dma_wait3A_293 = tpu.memref_slice %arg9[%dma_wait3A_291, %dma_wait3A_292] : memref<32x64xi32, #tpu.memory_space<vmem>> -> memref<1x64xi32, #tpu.memory_space<vmem>>
            %dma_wait3A_294 = tpu.memref_squeeze %dma_wait3A_293 : memref<1x64xi32, #tpu.memory_space<vmem>> -> memref<64xi32, #tpu.memory_space<vmem>>
            %dma_wait3A_295 = arith.constant 0 : i32
            %dma_wait3A_296 = arith.constant 0 : i32
            %dma_wait3A_297 = tpu.memref_slice %arg15[%dma_wait3A_295, %dma_wait3A_296] : memref<10240x128xf32, #tpu.memory_space<vmem_shared>> -> memref<10240x128xf32, #tpu.memory_space<vmem_shared>>
            tpu.wait_indirect_dma semaphore(%arg21 : memref<!tpu.dma_semaphore, #tpu.memory_space<semaphore_mem>>) src(%arg12 : memref<64x128xf32, #tpu.memory_space<vmem>>) dst(%dma_wait3A_297 : memref<10240x128xf32, #tpu.memory_space<vmem_shared>>)
          } else {
          }
          %dma_start3A_285 = arith.constant 0 : i32
          %dma_start3A_286 = tpu.memref_slice %arg7[%add3A_274, %dma_start3A_285] : memref<32x64xi32, #tpu.memory_space<vmem>> -> memref<1x64xi32, #tpu.memory_space<vmem>>
          %dma_start3A_287 = tpu.memref_squeeze %dma_start3A_286 : memref<1x64xi32, #tpu.memory_space<vmem>> -> memref<64xi32, #tpu.memory_space<vmem>>
          %dma_start3A_288 = arith.constant 0 : i32
          %dma_start3A_289 = arith.constant 0 : i32
          %dma_start3A_290 = tpu.memref_slice %arg2[%dma_start3A_288, %dma_start3A_289] : memref<20480x128xf32, #tpu.memory_space<hbm>> -> memref<20480x128xf32, #tpu.memory_space<hbm>>
          tpu.enqueue_indirect_dma source(%dma_start3A_290 : memref<20480x128xf32, #tpu.memory_space<hbm>>) target(%arg12 : memref<64x128xf32, #tpu.memory_space<vmem>>) offsets(%dma_start3A_287 : memref<64xi32, #tpu.memory_space<vmem>>) semaphore(%arg17 : memref<!tpu.dma_semaphore, #tpu.memory_space<semaphore_mem>>)
        } else {
        }
        %scan3A_280 = arith.constant 0 : i32
        scf.yield %scan3A_280 : i32
      }
      %scan3A_77 = arith.constant 8 : i32
      %dma_wait3A_78 = arith.constant 0 : i32
      %dma_wait3A_79 = arith.constant 0 : i32
      %dma_wait3A_80 = tpu.memref_slice %arg9[%dma_wait3A_78, %dma_wait3A_79] : memref<32x64xi32, #tpu.memory_space<vmem>> -> memref<1x64xi32, #tpu.memory_space<vmem>>
      %dma_wait3A_81 = tpu.memref_squeeze %dma_wait3A_80 : memref<1x64xi32, #tpu.memory_space<vmem>> -> memref<64xi32, #tpu.memory_space<vmem>>
      %dma_wait3A_82 = arith.constant 0 : i32
      %dma_wait3A_83 = arith.constant 0 : i32
      %dma_wait3A_84 = tpu.memref_slice %arg15[%dma_wait3A_82, %dma_wait3A_83] : memref<10240x128xf32, #tpu.memory_space<vmem_shared>> -> memref<10240x128xf32, #tpu.memory_space<vmem_shared>>
      tpu.wait_indirect_dma semaphore(%arg20 : memref<!tpu.dma_semaphore, #tpu.memory_space<semaphore_mem>>) src(%arg11 : memref<64x128xf32, #tpu.memory_space<vmem>>) dst(%dma_wait3A_84 : memref<10240x128xf32, #tpu.memory_space<vmem_shared>>)
      %dma_wait3A_85 = arith.constant 0 : i32
      %dma_wait3A_86 = arith.constant 0 : i32
      %dma_wait3A_87 = tpu.memref_slice %arg9[%dma_wait3A_85, %dma_wait3A_86] : memref<32x64xi32, #tpu.memory_space<vmem>> -> memref<1x64xi32, #tpu.memory_space<vmem>>
      %dma_wait3A_88 = tpu.memref_squeeze %dma_wait3A_87 : memref<1x64xi32, #tpu.memory_space<vmem>> -> memref<64xi32, #tpu.memory_space<vmem>>
      %dma_wait3A_89 = arith.constant 0 : i32
      %dma_wait3A_90 = arith.constant 0 : i32
      %dma_wait3A_91 = tpu.memref_slice %arg15[%dma_wait3A_89, %dma_wait3A_90] : memref<10240x128xf32, #tpu.memory_space<vmem_shared>> -> memref<10240x128xf32, #tpu.memory_space<vmem_shared>>
      tpu.wait_indirect_dma semaphore(%arg21 : memref<!tpu.dma_semaphore, #tpu.memory_space<semaphore_mem>>) src(%arg12 : memref<64x128xf32, #tpu.memory_space<vmem>>) dst(%dma_wait3A_91 : memref<10240x128xf32, #tpu.memory_space<vmem_shared>>)
      %dma_wait3A_92 = arith.constant 0 : i32
      %dma_wait3A_93 = arith.constant 0 : i32
      %dma_wait3A_94 = tpu.memref_slice %arg9[%dma_wait3A_92, %dma_wait3A_93] : memref<32x64xi32, #tpu.memory_space<vmem>> -> memref<1x64xi32, #tpu.memory_space<vmem>>
      %dma_wait3A_95 = tpu.memref_squeeze %dma_wait3A_94 : memref<1x64xi32, #tpu.memory_space<vmem>> -> memref<64xi32, #tpu.memory_space<vmem>>
      %dma_wait3A_96 = arith.constant 0 : i32
      %dma_wait3A_97 = arith.constant 0 : i32
      %dma_wait3A_98 = tpu.memref_slice %arg15[%dma_wait3A_96, %dma_wait3A_97] : memref<10240x128xf32, #tpu.memory_space<vmem_shared>> -> memref<10240x128xf32, #tpu.memory_space<vmem_shared>>
      tpu.wait_indirect_dma semaphore(%arg22 : memref<!tpu.dma_semaphore, #tpu.memory_space<semaphore_mem>>) src(%arg13 : memref<64x128xf32, #tpu.memory_space<vmem>>) dst(%dma_wait3A_98 : memref<10240x128xf32, #tpu.memory_space<vmem_shared>>)
      %dma_wait3A_99 = arith.constant 0 : i32
      %dma_wait3A_100 = arith.constant 0 : i32
      %dma_wait3A_101 = tpu.memref_slice %arg9[%dma_wait3A_99, %dma_wait3A_100] : memref<32x64xi32, #tpu.memory_space<vmem>> -> memref<1x64xi32, #tpu.memory_space<vmem>>
      %dma_wait3A_102 = tpu.memref_squeeze %dma_wait3A_101 : memref<1x64xi32, #tpu.memory_space<vmem>> -> memref<64xi32, #tpu.memory_space<vmem>>
      %dma_wait3A_103 = arith.constant 0 : i32
      %dma_wait3A_104 = arith.constant 0 : i32
      %dma_wait3A_105 = tpu.memref_slice %arg15[%dma_wait3A_103, %dma_wait3A_104] : memref<10240x128xf32, #tpu.memory_space<vmem_shared>> -> memref<10240x128xf32, #tpu.memory_space<vmem_shared>>
      tpu.wait_indirect_dma semaphore(%arg23 : memref<!tpu.dma_semaphore, #tpu.memory_space<semaphore_mem>>) src(%arg14 : memref<64x128xf32, #tpu.memory_space<vmem>>) dst(%dma_wait3A_105 : memref<10240x128xf32, #tpu.memory_space<vmem_shared>>)
      %mul3A_106 = arith.constant 2 : i32
      %mul3A_107 = arith.muli %mul3A_106, %scan3A_29 : i32
      %add3A_108 = arith.constant 1 : i32
      %add3A_109 = arith.addi %mul3A_107, %add3A_108 : i32
      %mul3A_110 = arith.constant 32 : i32
      %mul3A_111 = arith.muli %add3A_109, %mul3A_110 : i32
      %add3A_112 = arith.addi %mul3A_2, %mul3A_111 : i32
      %dma_wait3A_113 = arith.constant 0 : i32
      %dma_wait3A_114 = tpu.memref_slice %arg3[%arg0, %add3A_112, %dma_wait3A_113] : memref<2x5120x64xi32, #tpu.memory_space<hbm>> -> memref<1x32x64xi32, #tpu.memory_space<hbm>>
      %dma_wait3A_115 = tpu.memref_squeeze %dma_wait3A_114 : memref<1x32x64xi32, #tpu.memory_space<hbm>> -> memref<32x64xi32, #tpu.memory_space<hbm>>
      %dma_wait3A_116 = arith.constant 0 : i32
      %dma_wait3A_117 = tpu.memref_slice %arg3[%arg0, %add3A_112, %dma_wait3A_116] : memref<2x5120x64xi32, #tpu.memory_space<hbm>> -> memref<1x32x64xi32, #tpu.memory_space<hbm>>
      %dma_wait3A_118 = tpu.memref_squeeze %dma_wait3A_117 : memref<1x32x64xi32, #tpu.memory_space<hbm>> -> memref<32x64xi32, #tpu.memory_space<hbm>>
      tpu.wait_dma2 semaphore(%arg25 : memref<!tpu.dma_semaphore, #tpu.memory_space<semaphore_mem>>) src(%dma_wait3A_118 : memref<32x64xi32, #tpu.memory_space<hbm>>) dst(%arg8 : memref<32x64xi32, #tpu.memory_space<vmem>>)
      %mul3A_119 = arith.constant 32 : i32
      %mul3A_120 = arith.muli %add3A_109, %mul3A_119 : i32
      %add3A_121 = arith.addi %mul3A_2, %mul3A_120 : i32
      %dma_wait3A_122 = arith.constant 0 : i32
      %dma_wait3A_123 = arith.constant 0 : i32
      %dma_wait3A_124 = tpu.memref_slice %arg4[%dma_wait3A_122, %add3A_121, %dma_wait3A_123] : memref<1x5120x64xi32, #tpu.memory_space<hbm>> -> memref<1x32x64xi32, #tpu.memory_space<hbm>>
      %dma_wait3A_125 = tpu.memref_squeeze %dma_wait3A_124 : memref<1x32x64xi32, #tpu.memory_space<hbm>> -> memref<32x64xi32, #tpu.memory_space<hbm>>
      %dma_wait3A_126 = arith.constant 0 : i32
      %dma_wait3A_127 = tpu.memref_slice %arg4[%dma_wait3A_122, %add3A_121, %dma_wait3A_126] : memref<1x5120x64xi32, #tpu.memory_space<hbm>> -> memref<1x32x64xi32, #tpu.memory_space<hbm>>
      %dma_wait3A_128 = tpu.memref_squeeze %dma_wait3A_127 : memref<1x32x64xi32, #tpu.memory_space<hbm>> -> memref<32x64xi32, #tpu.memory_space<hbm>>
      tpu.wait_dma2 semaphore(%arg25 : memref<!tpu.dma_semaphore, #tpu.memory_space<semaphore_mem>>) src(%dma_wait3A_128 : memref<32x64xi32, #tpu.memory_space<hbm>>) dst(%arg10 : memref<32x64xi32, #tpu.memory_space<vmem>>)
      %add3A_129 = arith.constant 1 : i32
      %add3A_130 = arith.addi %add3A_109, %add3A_129 : i32
      %lt3A_131 = arith.constant 10 : i32
      %lt3A_132 = arith.cmpi slt, %add3A_130, %lt3A_131 : i32
      %convert_element_type3A_133 = arith.extui %lt3A_132 : i1 to i32
      %cond3A_134 = arith.constant 0 : i32
      %cond3A_135 = arith.cmpi ne, %convert_element_type3A_133, %cond3A_134 : i32
      scf.if %cond3A_135 {
        %add3A_186 = arith.constant 1 : i32
        %add3A_187 = arith.addi %add3A_109, %add3A_186 : i32
        %mul3A_188 = arith.constant 32 : i32
        %mul3A_189 = arith.muli %add3A_187, %mul3A_188 : i32
        %add3A_190 = arith.addi %mul3A_2, %mul3A_189 : i32
        %dma_start3A_191 = arith.constant 0 : i32
        %dma_start3A_192 = tpu.memref_slice %arg3[%arg0, %add3A_190, %dma_start3A_191] : memref<2x5120x64xi32, #tpu.memory_space<hbm>> -> memref<1x32x64xi32, #tpu.memory_space<hbm>>
        %dma_start3A_193 = tpu.memref_squeeze %dma_start3A_192 : memref<1x32x64xi32, #tpu.memory_space<hbm>> -> memref<32x64xi32, #tpu.memory_space<hbm>>
        %dma_start3A_194 = arith.constant 0 : i32
        %dma_start3A_195 = tpu.memref_slice %arg3[%arg0, %add3A_190, %dma_start3A_194] : memref<2x5120x64xi32, #tpu.memory_space<hbm>> -> memref<1x32x64xi32, #tpu.memory_space<hbm>>
        %dma_start3A_196 = tpu.memref_squeeze %dma_start3A_195 : memref<1x32x64xi32, #tpu.memory_space<hbm>> -> memref<32x64xi32, #tpu.memory_space<hbm>>
        tpu.enqueue_dma source(%dma_start3A_196 : memref<32x64xi32, #tpu.memory_space<hbm>>) target(%arg7 : memref<32x64xi32, #tpu.memory_space<vmem>>) target_semaphore(%arg24 : memref<!tpu.dma_semaphore, #tpu.memory_space<semaphore_mem>>)
        %mul3A_197 = arith.constant 32 : i32
        %mul3A_198 = arith.muli %add3A_187, %mul3A_197 : i32
        %add3A_199 = arith.addi %mul3A_2, %mul3A_198 : i32
        %dma_start3A_200 = arith.constant 0 : i32
        %dma_start3A_201 = arith.constant 0 : i32
        %dma_start3A_202 = tpu.memref_slice %arg4[%dma_start3A_200, %add3A_199, %dma_start3A_201] : memref<1x5120x64xi32, #tpu.memory_space<hbm>> -> memref<1x32x64xi32, #tpu.memory_space<hbm>>
        %dma_start3A_203 = tpu.memref_squeeze %dma_start3A_202 : memref<1x32x64xi32, #tpu.memory_space<hbm>> -> memref<32x64xi32, #tpu.memory_space<hbm>>
        %dma_start3A_204 = arith.constant 0 : i32
        %dma_start3A_205 = tpu.memref_slice %arg4[%dma_start3A_200, %add3A_199, %dma_start3A_204] : memref<1x5120x64xi32, #tpu.memory_space<hbm>> -> memref<1x32x64xi32, #tpu.memory_space<hbm>>
        %dma_start3A_206 = tpu.memref_squeeze %dma_start3A_205 : memref<1x32x64xi32, #tpu.memory_space<hbm>> -> memref<32x64xi32, #tpu.memory_space<hbm>>
        tpu.enqueue_dma source(%dma_start3A_206 : memref<32x64xi32, #tpu.memory_space<hbm>>) target(%arg9 : memref<32x64xi32, #tpu.memory_space<vmem>>) target_semaphore(%arg24 : memref<!tpu.dma_semaphore, #tpu.memory_space<semaphore_mem>>)
      } else {
      }
      %dma_start3A_136 = arith.constant 0 : i32
      %dma_start3A_137 = arith.constant 0 : i32
      %dma_start3A_138 = tpu.memref_slice %arg8[%dma_start3A_136, %dma_start3A_137] : memref<32x64xi32, #tpu.memory_space<vmem>> -> memref<1x64xi32, #tpu.memory_space<vmem>>
      %dma_start3A_139 = tpu.memref_squeeze %dma_start3A_138 : memref<1x64xi32, #tpu.memory_space<vmem>> -> memref<64xi32, #tpu.memory_space<vmem>>
      %dma_start3A_140 = arith.constant 0 : i32
      %dma_start3A_141 = arith.constant 0 : i32
      %dma_start3A_142 = tpu.memref_slice %arg2[%dma_start3A_140, %dma_start3A_141] : memref<20480x128xf32, #tpu.memory_space<hbm>> -> memref<20480x128xf32, #tpu.memory_space<hbm>>
      tpu.enqueue_indirect_dma source(%dma_start3A_142 : memref<20480x128xf32, #tpu.memory_space<hbm>>) target(%arg11 : memref<64x128xf32, #tpu.memory_space<vmem>>) offsets(%dma_start3A_139 : memref<64xi32, #tpu.memory_space<vmem>>) semaphore(%arg16 : memref<!tpu.dma_semaphore, #tpu.memory_space<semaphore_mem>>)
      %dma_start3A_143 = arith.constant 1 : i32
      %dma_start3A_144 = arith.constant 0 : i32
      %dma_start3A_145 = tpu.memref_slice %arg8[%dma_start3A_143, %dma_start3A_144] : memref<32x64xi32, #tpu.memory_space<vmem>> -> memref<1x64xi32, #tpu.memory_space<vmem>>
      %dma_start3A_146 = tpu.memref_squeeze %dma_start3A_145 : memref<1x64xi32, #tpu.memory_space<vmem>> -> memref<64xi32, #tpu.memory_space<vmem>>
      %dma_start3A_147 = arith.constant 0 : i32
      %dma_start3A_148 = arith.constant 0 : i32
      %dma_start3A_149 = tpu.memref_slice %arg2[%dma_start3A_147, %dma_start3A_148] : memref<20480x128xf32, #tpu.memory_space<hbm>> -> memref<20480x128xf32, #tpu.memory_space<hbm>>
      tpu.enqueue_indirect_dma source(%dma_start3A_149 : memref<20480x128xf32, #tpu.memory_space<hbm>>) target(%arg12 : memref<64x128xf32, #tpu.memory_space<vmem>>) offsets(%dma_start3A_146 : memref<64xi32, #tpu.memory_space<vmem>>) semaphore(%arg17 : memref<!tpu.dma_semaphore, #tpu.memory_space<semaphore_mem>>)
      %scan3A_150 = arith.constant 0 : i32
      %scan3A_151 = arith.constant 0 : i32
      %scan3A_152 = arith.constant 8 : i32
      %scan3A_153 = arith.addi %scan3A_151, %scan3A_152 : i32
      %scan3A_154 = arith.constant 1 : i32
      %scan3A_155 = scf.for %scan3A_186 = %scan3A_151 to %scan3A_153 step %scan3A_154 iter_args(%scan3A_187 = %scan3A_150) -> (i32)  : i32 {
        %mul3A_188 = arith.constant 4 : i32
        %mul3A_189 = arith.muli %mul3A_188, %scan3A_186 : i32
        %add3A_190 = arith.constant 0 : i32
        %add3A_191 = arith.addi %mul3A_189, %add3A_190 : i32
        %dma_wait3A_192 = arith.constant 0 : i32
        %dma_wait3A_193 = tpu.memref_slice %arg8[%add3A_191, %dma_wait3A_192] : memref<32x64xi32, #tpu.memory_space<vmem>> -> memref<1x64xi32, #tpu.memory_space<vmem>>
        %dma_wait3A_194 = tpu.memref_squeeze %dma_wait3A_193 : memref<1x64xi32, #tpu.memory_space<vmem>> -> memref<64xi32, #tpu.memory_space<vmem>>
        %dma_wait3A_195 = arith.constant 0 : i32
        %dma_wait3A_196 = arith.constant 0 : i32
        %dma_wait3A_197 = tpu.memref_slice %arg2[%dma_wait3A_195, %dma_wait3A_196] : memref<20480x128xf32, #tpu.memory_space<hbm>> -> memref<20480x128xf32, #tpu.memory_space<hbm>>
        tpu.wait_indirect_dma semaphore(%arg16 : memref<!tpu.dma_semaphore, #tpu.memory_space<semaphore_mem>>) src(%dma_wait3A_197 : memref<20480x128xf32, #tpu.memory_space<hbm>>) dst(%arg11 : memref<64x128xf32, #tpu.memory_space<vmem>>)
        %dma_start3A_198 = arith.constant 0 : i32
        %dma_start3A_199 = tpu.memref_slice %arg10[%add3A_191, %dma_start3A_198] : memref<32x64xi32, #tpu.memory_space<vmem>> -> memref<1x64xi32, #tpu.memory_space<vmem>>
        %dma_start3A_200 = tpu.memref_squeeze %dma_start3A_199 : memref<1x64xi32, #tpu.memory_space<vmem>> -> memref<64xi32, #tpu.memory_space<vmem>>
        %dma_start3A_201 = arith.constant 0 : i32
        %dma_start3A_202 = arith.constant 0 : i32
        %dma_start3A_203 = tpu.memref_slice %arg15[%dma_start3A_201, %dma_start3A_202] : memref<10240x128xf32, #tpu.memory_space<vmem_shared>> -> memref<10240x128xf32, #tpu.memory_space<vmem_shared>>
        tpu.enqueue_indirect_dma source(%arg11 : memref<64x128xf32, #tpu.memory_space<vmem>>) target(%dma_start3A_203 : memref<10240x128xf32, #tpu.memory_space<vmem_shared>>) offsets(%dma_start3A_200 : memref<64xi32, #tpu.memory_space<vmem>>) semaphore(%arg20 : memref<!tpu.dma_semaphore, #tpu.memory_space<semaphore_mem>>) {add = true}
        %add3A_204 = arith.constant 2 : i32
        %add3A_205 = arith.addi %add3A_191, %add3A_204 : i32
        %lt3A_206 = arith.constant 32 : i32
        %lt3A_207 = arith.cmpi slt, %add3A_205, %lt3A_206 : i32
        %convert_element_type3A_208 = arith.extui %lt3A_207 : i1 to i32
        %cond3A_209 = arith.constant 0 : i32
        %cond3A_210 = arith.cmpi ne, %convert_element_type3A_208, %cond3A_209 : i32
        scf.if %cond3A_210 {
          %gt3A = arith.constant 1 : i32
          %gt3A_281 = arith.cmpi sgt, %add3A_191, %gt3A : i32
          %convert_element_type3A_282 = arith.extui %gt3A_281 : i1 to i32
          %cond3A_283 = arith.constant 0 : i32
          %cond3A_284 = arith.cmpi ne, %convert_element_type3A_282, %cond3A_283 : i32
          scf.if %cond3A_284 {
            %dma_wait3A_291 = arith.constant 0 : i32
            %dma_wait3A_292 = arith.constant 0 : i32
            %dma_wait3A_293 = tpu.memref_slice %arg10[%dma_wait3A_291, %dma_wait3A_292] : memref<32x64xi32, #tpu.memory_space<vmem>> -> memref<1x64xi32, #tpu.memory_space<vmem>>
            %dma_wait3A_294 = tpu.memref_squeeze %dma_wait3A_293 : memref<1x64xi32, #tpu.memory_space<vmem>> -> memref<64xi32, #tpu.memory_space<vmem>>
            %dma_wait3A_295 = arith.constant 0 : i32
            %dma_wait3A_296 = arith.constant 0 : i32
            %dma_wait3A_297 = tpu.memref_slice %arg15[%dma_wait3A_295, %dma_wait3A_296] : memref<10240x128xf32, #tpu.memory_space<vmem_shared>> -> memref<10240x128xf32, #tpu.memory_space<vmem_shared>>
            tpu.wait_indirect_dma semaphore(%arg22 : memref<!tpu.dma_semaphore, #tpu.memory_space<semaphore_mem>>) src(%arg13 : memref<64x128xf32, #tpu.memory_space<vmem>>) dst(%dma_wait3A_297 : memref<10240x128xf32, #tpu.memory_space<vmem_shared>>)
          } else {
          }
          %dma_start3A_285 = arith.constant 0 : i32
          %dma_start3A_286 = tpu.memref_slice %arg8[%add3A_205, %dma_start3A_285] : memref<32x64xi32, #tpu.memory_space<vmem>> -> memref<1x64xi32, #tpu.memory_space<vmem>>
          %dma_start3A_287 = tpu.memref_squeeze %dma_start3A_286 : memref<1x64xi32, #tpu.memory_space<vmem>> -> memref<64xi32, #tpu.memory_space<vmem>>
          %dma_start3A_288 = arith.constant 0 : i32
          %dma_start3A_289 = arith.constant 0 : i32
          %dma_start3A_290 = tpu.memref_slice %arg2[%dma_start3A_288, %dma_start3A_289] : memref<20480x128xf32, #tpu.memory_space<hbm>> -> memref<20480x128xf32, #tpu.memory_space<hbm>>
          tpu.enqueue_indirect_dma source(%dma_start3A_290 : memref<20480x128xf32, #tpu.memory_space<hbm>>) target(%arg13 : memref<64x128xf32, #tpu.memory_space<vmem>>) offsets(%dma_start3A_287 : memref<64xi32, #tpu.memory_space<vmem>>) semaphore(%arg18 : memref<!tpu.dma_semaphore, #tpu.memory_space<semaphore_mem>>)
        } else {
        }
        %mul3A_211 = arith.constant 4 : i32
        %mul3A_212 = arith.muli %mul3A_211, %scan3A_186 : i32
        %add3A_213 = arith.constant 1 : i32
        %add3A_214 = arith.addi %mul3A_212, %add3A_213 : i32
        %dma_wait3A_215 = arith.constant 0 : i32
        %dma_wait3A_216 = tpu.memref_slice %arg8[%add3A_214, %dma_wait3A_215] : memref<32x64xi32, #tpu.memory_space<vmem>> -> memref<1x64xi32, #tpu.memory_space<vmem>>
        %dma_wait3A_217 = tpu.memref_squeeze %dma_wait3A_216 : memref<1x64xi32, #tpu.memory_space<vmem>> -> memref<64xi32, #tpu.memory_space<vmem>>
        %dma_wait3A_218 = arith.constant 0 : i32
        %dma_wait3A_219 = arith.constant 0 : i32
        %dma_wait3A_220 = tpu.memref_slice %arg2[%dma_wait3A_218, %dma_wait3A_219] : memref<20480x128xf32, #tpu.memory_space<hbm>> -> memref<20480x128xf32, #tpu.memory_space<hbm>>
        tpu.wait_indirect_dma semaphore(%arg17 : memref<!tpu.dma_semaphore, #tpu.memory_space<semaphore_mem>>) src(%dma_wait3A_220 : memref<20480x128xf32, #tpu.memory_space<hbm>>) dst(%arg12 : memref<64x128xf32, #tpu.memory_space<vmem>>)
        %dma_start3A_221 = arith.constant 0 : i32
        %dma_start3A_222 = tpu.memref_slice %arg10[%add3A_214, %dma_start3A_221] : memref<32x64xi32, #tpu.memory_space<vmem>> -> memref<1x64xi32, #tpu.memory_space<vmem>>
        %dma_start3A_223 = tpu.memref_squeeze %dma_start3A_222 : memref<1x64xi32, #tpu.memory_space<vmem>> -> memref<64xi32, #tpu.memory_space<vmem>>
        %dma_start3A_224 = arith.constant 0 : i32
        %dma_start3A_225 = arith.constant 0 : i32
        %dma_start3A_226 = tpu.memref_slice %arg15[%dma_start3A_224, %dma_start3A_225] : memref<10240x128xf32, #tpu.memory_space<vmem_shared>> -> memref<10240x128xf32, #tpu.memory_space<vmem_shared>>
        tpu.enqueue_indirect_dma source(%arg12 : memref<64x128xf32, #tpu.memory_space<vmem>>) target(%dma_start3A_226 : memref<10240x128xf32, #tpu.memory_space<vmem_shared>>) offsets(%dma_start3A_223 : memref<64xi32, #tpu.memory_space<vmem>>) semaphore(%arg21 : memref<!tpu.dma_semaphore, #tpu.memory_space<semaphore_mem>>) {add = true}
        %add3A_227 = arith.constant 2 : i32
        %add3A_228 = arith.addi %add3A_214, %add3A_227 : i32
        %lt3A_229 = arith.constant 32 : i32
        %lt3A_230 = arith.cmpi slt, %add3A_228, %lt3A_229 : i32
        %convert_element_type3A_231 = arith.extui %lt3A_230 : i1 to i32
        %cond3A_232 = arith.constant 0 : i32
        %cond3A_233 = arith.cmpi ne, %convert_element_type3A_231, %cond3A_232 : i32
        scf.if %cond3A_233 {
          %gt3A = arith.constant 1 : i32
          %gt3A_281 = arith.cmpi sgt, %add3A_214, %gt3A : i32
          %convert_element_type3A_282 = arith.extui %gt3A_281 : i1 to i32
          %cond3A_283 = arith.constant 0 : i32
          %cond3A_284 = arith.cmpi ne, %convert_element_type3A_282, %cond3A_283 : i32
          scf.if %cond3A_284 {
            %dma_wait3A_291 = arith.constant 0 : i32
            %dma_wait3A_292 = arith.constant 0 : i32
            %dma_wait3A_293 = tpu.memref_slice %arg10[%dma_wait3A_291, %dma_wait3A_292] : memref<32x64xi32, #tpu.memory_space<vmem>> -> memref<1x64xi32, #tpu.memory_space<vmem>>
            %dma_wait3A_294 = tpu.memref_squeeze %dma_wait3A_293 : memref<1x64xi32, #tpu.memory_space<vmem>> -> memref<64xi32, #tpu.memory_space<vmem>>
            %dma_wait3A_295 = arith.constant 0 : i32
            %dma_wait3A_296 = arith.constant 0 : i32
            %dma_wait3A_297 = tpu.memref_slice %arg15[%dma_wait3A_295, %dma_wait3A_296] : memref<10240x128xf32, #tpu.memory_space<vmem_shared>> -> memref<10240x128xf32, #tpu.memory_space<vmem_shared>>
            tpu.wait_indirect_dma semaphore(%arg23 : memref<!tpu.dma_semaphore, #tpu.memory_space<semaphore_mem>>) src(%arg14 : memref<64x128xf32, #tpu.memory_space<vmem>>) dst(%dma_wait3A_297 : memref<10240x128xf32, #tpu.memory_space<vmem_shared>>)
          } else {
          }
          %dma_start3A_285 = arith.constant 0 : i32
          %dma_start3A_286 = tpu.memref_slice %arg8[%add3A_228, %dma_start3A_285] : memref<32x64xi32, #tpu.memory_space<vmem>> -> memref<1x64xi32, #tpu.memory_space<vmem>>
          %dma_start3A_287 = tpu.memref_squeeze %dma_start3A_286 : memref<1x64xi32, #tpu.memory_space<vmem>> -> memref<64xi32, #tpu.memory_space<vmem>>
          %dma_start3A_288 = arith.constant 0 : i32
          %dma_start3A_289 = arith.constant 0 : i32
          %dma_start3A_290 = tpu.memref_slice %arg2[%dma_start3A_288, %dma_start3A_289] : memref<20480x128xf32, #tpu.memory_space<hbm>> -> memref<20480x128xf32, #tpu.memory_space<hbm>>
          tpu.enqueue_indirect_dma source(%dma_start3A_290 : memref<20480x128xf32, #tpu.memory_space<hbm>>) target(%arg14 : memref<64x128xf32, #tpu.memory_space<vmem>>) offsets(%dma_start3A_287 : memref<64xi32, #tpu.memory_space<vmem>>) semaphore(%arg19 : memref<!tpu.dma_semaphore, #tpu.memory_space<semaphore_mem>>)
        } else {
        }
        %mul3A_234 = arith.constant 4 : i32
        %mul3A_235 = arith.muli %mul3A_234, %scan3A_186 : i32
        %add3A_236 = arith.constant 2 : i32
        %add3A_237 = arith.addi %mul3A_235, %add3A_236 : i32
        %dma_wait3A_238 = arith.constant 0 : i32
        %dma_wait3A_239 = tpu.memref_slice %arg8[%add3A_237, %dma_wait3A_238] : memref<32x64xi32, #tpu.memory_space<vmem>> -> memref<1x64xi32, #tpu.memory_space<vmem>>
        %dma_wait3A_240 = tpu.memref_squeeze %dma_wait3A_239 : memref<1x64xi32, #tpu.memory_space<vmem>> -> memref<64xi32, #tpu.memory_space<vmem>>
        %dma_wait3A_241 = arith.constant 0 : i32
        %dma_wait3A_242 = arith.constant 0 : i32
        %dma_wait3A_243 = tpu.memref_slice %arg2[%dma_wait3A_241, %dma_wait3A_242] : memref<20480x128xf32, #tpu.memory_space<hbm>> -> memref<20480x128xf32, #tpu.memory_space<hbm>>
        tpu.wait_indirect_dma semaphore(%arg18 : memref<!tpu.dma_semaphore, #tpu.memory_space<semaphore_mem>>) src(%dma_wait3A_243 : memref<20480x128xf32, #tpu.memory_space<hbm>>) dst(%arg13 : memref<64x128xf32, #tpu.memory_space<vmem>>)
        %dma_start3A_244 = arith.constant 0 : i32
        %dma_start3A_245 = tpu.memref_slice %arg10[%add3A_237, %dma_start3A_244] : memref<32x64xi32, #tpu.memory_space<vmem>> -> memref<1x64xi32, #tpu.memory_space<vmem>>
        %dma_start3A_246 = tpu.memref_squeeze %dma_start3A_245 : memref<1x64xi32, #tpu.memory_space<vmem>> -> memref<64xi32, #tpu.memory_space<vmem>>
        %dma_start3A_247 = arith.constant 0 : i32
        %dma_start3A_248 = arith.constant 0 : i32
        %dma_start3A_249 = tpu.memref_slice %arg15[%dma_start3A_247, %dma_start3A_248] : memref<10240x128xf32, #tpu.memory_space<vmem_shared>> -> memref<10240x128xf32, #tpu.memory_space<vmem_shared>>
        tpu.enqueue_indirect_dma source(%arg13 : memref<64x128xf32, #tpu.memory_space<vmem>>) target(%dma_start3A_249 : memref<10240x128xf32, #tpu.memory_space<vmem_shared>>) offsets(%dma_start3A_246 : memref<64xi32, #tpu.memory_space<vmem>>) semaphore(%arg22 : memref<!tpu.dma_semaphore, #tpu.memory_space<semaphore_mem>>) {add = true}
        %add3A_250 = arith.constant 2 : i32
        %add3A_251 = arith.addi %add3A_237, %add3A_250 : i32
        %lt3A_252 = arith.constant 32 : i32
        %lt3A_253 = arith.cmpi slt, %add3A_251, %lt3A_252 : i32
        %convert_element_type3A_254 = arith.extui %lt3A_253 : i1 to i32
        %cond3A_255 = arith.constant 0 : i32
        %cond3A_256 = arith.cmpi ne, %convert_element_type3A_254, %cond3A_255 : i32
        scf.if %cond3A_256 {
          %gt3A = arith.constant 1 : i32
          %gt3A_281 = arith.cmpi sgt, %add3A_237, %gt3A : i32
          %convert_element_type3A_282 = arith.extui %gt3A_281 : i1 to i32
          %cond3A_283 = arith.constant 0 : i32
          %cond3A_284 = arith.cmpi ne, %convert_element_type3A_282, %cond3A_283 : i32
          scf.if %cond3A_284 {
            %dma_wait3A_291 = arith.constant 0 : i32
            %dma_wait3A_292 = arith.constant 0 : i32
            %dma_wait3A_293 = tpu.memref_slice %arg10[%dma_wait3A_291, %dma_wait3A_292] : memref<32x64xi32, #tpu.memory_space<vmem>> -> memref<1x64xi32, #tpu.memory_space<vmem>>
            %dma_wait3A_294 = tpu.memref_squeeze %dma_wait3A_293 : memref<1x64xi32, #tpu.memory_space<vmem>> -> memref<64xi32, #tpu.memory_space<vmem>>
            %dma_wait3A_295 = arith.constant 0 : i32
            %dma_wait3A_296 = arith.constant 0 : i32
            %dma_wait3A_297 = tpu.memref_slice %arg15[%dma_wait3A_295, %dma_wait3A_296] : memref<10240x128xf32, #tpu.memory_space<vmem_shared>> -> memref<10240x128xf32, #tpu.memory_space<vmem_shared>>
            tpu.wait_indirect_dma semaphore(%arg20 : memref<!tpu.dma_semaphore, #tpu.memory_space<semaphore_mem>>) src(%arg11 : memref<64x128xf32, #tpu.memory_space<vmem>>) dst(%dma_wait3A_297 : memref<10240x128xf32, #tpu.memory_space<vmem_shared>>)
          } else {
          }
          %dma_start3A_285 = arith.constant 0 : i32
          %dma_start3A_286 = tpu.memref_slice %arg8[%add3A_251, %dma_start3A_285] : memref<32x64xi32, #tpu.memory_space<vmem>> -> memref<1x64xi32, #tpu.memory_space<vmem>>
          %dma_start3A_287 = tpu.memref_squeeze %dma_start3A_286 : memref<1x64xi32, #tpu.memory_space<vmem>> -> memref<64xi32, #tpu.memory_space<vmem>>
          %dma_start3A_288 = arith.constant 0 : i32
          %dma_start3A_289 = arith.constant 0 : i32
          %dma_start3A_290 = tpu.memref_slice %arg2[%dma_start3A_288, %dma_start3A_289] : memref<20480x128xf32, #tpu.memory_space<hbm>> -> memref<20480x128xf32, #tpu.memory_space<hbm>>
          tpu.enqueue_indirect_dma source(%dma_start3A_290 : memref<20480x128xf32, #tpu.memory_space<hbm>>) target(%arg11 : memref<64x128xf32, #tpu.memory_space<vmem>>) offsets(%dma_start3A_287 : memref<64xi32, #tpu.memory_space<vmem>>) semaphore(%arg16 : memref<!tpu.dma_semaphore, #tpu.memory_space<semaphore_mem>>)
        } else {
        }
        %mul3A_257 = arith.constant 4 : i32
        %mul3A_258 = arith.muli %mul3A_257, %scan3A_186 : i32
        %add3A_259 = arith.constant 3 : i32
        %add3A_260 = arith.addi %mul3A_258, %add3A_259 : i32
        %dma_wait3A_261 = arith.constant 0 : i32
        %dma_wait3A_262 = tpu.memref_slice %arg8[%add3A_260, %dma_wait3A_261] : memref<32x64xi32, #tpu.memory_space<vmem>> -> memref<1x64xi32, #tpu.memory_space<vmem>>
        %dma_wait3A_263 = tpu.memref_squeeze %dma_wait3A_262 : memref<1x64xi32, #tpu.memory_space<vmem>> -> memref<64xi32, #tpu.memory_space<vmem>>
        %dma_wait3A_264 = arith.constant 0 : i32
        %dma_wait3A_265 = arith.constant 0 : i32
        %dma_wait3A_266 = tpu.memref_slice %arg2[%dma_wait3A_264, %dma_wait3A_265] : memref<20480x128xf32, #tpu.memory_space<hbm>> -> memref<20480x128xf32, #tpu.memory_space<hbm>>
        tpu.wait_indirect_dma semaphore(%arg19 : memref<!tpu.dma_semaphore, #tpu.memory_space<semaphore_mem>>) src(%dma_wait3A_266 : memref<20480x128xf32, #tpu.memory_space<hbm>>) dst(%arg14 : memref<64x128xf32, #tpu.memory_space<vmem>>)
        %dma_start3A_267 = arith.constant 0 : i32
        %dma_start3A_268 = tpu.memref_slice %arg10[%add3A_260, %dma_start3A_267] : memref<32x64xi32, #tpu.memory_space<vmem>> -> memref<1x64xi32, #tpu.memory_space<vmem>>
        %dma_start3A_269 = tpu.memref_squeeze %dma_start3A_268 : memref<1x64xi32, #tpu.memory_space<vmem>> -> memref<64xi32, #tpu.memory_space<vmem>>
        %dma_start3A_270 = arith.constant 0 : i32
        %dma_start3A_271 = arith.constant 0 : i32
        %dma_start3A_272 = tpu.memref_slice %arg15[%dma_start3A_270, %dma_start3A_271] : memref<10240x128xf32, #tpu.memory_space<vmem_shared>> -> memref<10240x128xf32, #tpu.memory_space<vmem_shared>>
        tpu.enqueue_indirect_dma source(%arg14 : memref<64x128xf32, #tpu.memory_space<vmem>>) target(%dma_start3A_272 : memref<10240x128xf32, #tpu.memory_space<vmem_shared>>) offsets(%dma_start3A_269 : memref<64xi32, #tpu.memory_space<vmem>>) semaphore(%arg23 : memref<!tpu.dma_semaphore, #tpu.memory_space<semaphore_mem>>) {add = true}
        %add3A_273 = arith.constant 2 : i32
        %add3A_274 = arith.addi %add3A_260, %add3A_273 : i32
        %lt3A_275 = arith.constant 32 : i32
        %lt3A_276 = arith.cmpi slt, %add3A_274, %lt3A_275 : i32
        %convert_element_type3A_277 = arith.extui %lt3A_276 : i1 to i32
        %cond3A_278 = arith.constant 0 : i32
        %cond3A_279 = arith.cmpi ne, %convert_element_type3A_277, %cond3A_278 : i32
        scf.if %cond3A_279 {
          %gt3A = arith.constant 1 : i32
          %gt3A_281 = arith.cmpi sgt, %add3A_260, %gt3A : i32
          %convert_element_type3A_282 = arith.extui %gt3A_281 : i1 to i32
          %cond3A_283 = arith.constant 0 : i32
          %cond3A_284 = arith.cmpi ne, %convert_element_type3A_282, %cond3A_283 : i32
          scf.if %cond3A_284 {
            %dma_wait3A_291 = arith.constant 0 : i32
            %dma_wait3A_292 = arith.constant 0 : i32
            %dma_wait3A_293 = tpu.memref_slice %arg10[%dma_wait3A_291, %dma_wait3A_292] : memref<32x64xi32, #tpu.memory_space<vmem>> -> memref<1x64xi32, #tpu.memory_space<vmem>>
            %dma_wait3A_294 = tpu.memref_squeeze %dma_wait3A_293 : memref<1x64xi32, #tpu.memory_space<vmem>> -> memref<64xi32, #tpu.memory_space<vmem>>
            %dma_wait3A_295 = arith.constant 0 : i32
            %dma_wait3A_296 = arith.constant 0 : i32
            %dma_wait3A_297 = tpu.memref_slice %arg15[%dma_wait3A_295, %dma_wait3A_296] : memref<10240x128xf32, #tpu.memory_space<vmem_shared>> -> memref<10240x128xf32, #tpu.memory_space<vmem_shared>>
            tpu.wait_indirect_dma semaphore(%arg21 : memref<!tpu.dma_semaphore, #tpu.memory_space<semaphore_mem>>) src(%arg12 : memref<64x128xf32, #tpu.memory_space<vmem>>) dst(%dma_wait3A_297 : memref<10240x128xf32, #tpu.memory_space<vmem_shared>>)
          } else {
          }
          %dma_start3A_285 = arith.constant 0 : i32
          %dma_start3A_286 = tpu.memref_slice %arg8[%add3A_274, %dma_start3A_285] : memref<32x64xi32, #tpu.memory_space<vmem>> -> memref<1x64xi32, #tpu.memory_space<vmem>>
          %dma_start3A_287 = tpu.memref_squeeze %dma_start3A_286 : memref<1x64xi32, #tpu.memory_space<vmem>> -> memref<64xi32, #tpu.memory_space<vmem>>
          %dma_start3A_288 = arith.constant 0 : i32
          %dma_start3A_289 = arith.constant 0 : i32
          %dma_start3A_290 = tpu.memref_slice %arg2[%dma_start3A_288, %dma_start3A_289] : memref<20480x128xf32, #tpu.memory_space<hbm>> -> memref<20480x128xf32, #tpu.memory_space<hbm>>
          tpu.enqueue_indirect_dma source(%dma_start3A_290 : memref<20480x128xf32, #tpu.memory_space<hbm>>) target(%arg12 : memref<64x128xf32, #tpu.memory_space<vmem>>) offsets(%dma_start3A_287 : memref<64xi32, #tpu.memory_space<vmem>>) semaphore(%arg17 : memref<!tpu.dma_semaphore, #tpu.memory_space<semaphore_mem>>)
        } else {
        }
        %scan3A_280 = arith.constant 0 : i32
        scf.yield %scan3A_280 : i32
      }
      %scan3A_156 = arith.constant 8 : i32
      %dma_wait3A_157 = arith.constant 0 : i32
      %dma_wait3A_158 = arith.constant 0 : i32
      %dma_wait3A_159 = tpu.memref_slice %arg10[%dma_wait3A_157, %dma_wait3A_158] : memref<32x64xi32, #tpu.memory_space<vmem>> -> memref<1x64xi32, #tpu.memory_space<vmem>>
      %dma_wait3A_160 = tpu.memref_squeeze %dma_wait3A_159 : memref<1x64xi32, #tpu.memory_space<vmem>> -> memref<64xi32, #tpu.memory_space<vmem>>
      %dma_wait3A_161 = arith.constant 0 : i32
      %dma_wait3A_162 = arith.constant 0 : i32
      %dma_wait3A_163 = tpu.memref_slice %arg15[%dma_wait3A_161, %dma_wait3A_162] : memref<10240x128xf32, #tpu.memory_space<vmem_shared>> -> memref<10240x128xf32, #tpu.memory_space<vmem_shared>>
      tpu.wait_indirect_dma semaphore(%arg20 : memref<!tpu.dma_semaphore, #tpu.memory_space<semaphore_mem>>) src(%arg11 : memref<64x128xf32, #tpu.memory_space<vmem>>) dst(%dma_wait3A_163 : memref<10240x128xf32, #tpu.memory_space<vmem_shared>>)
      %dma_wait3A_164 = arith.constant 0 : i32
      %dma_wait3A_165 = arith.constant 0 : i32
      %dma_wait3A_166 = tpu.memref_slice %arg10[%dma_wait3A_164, %dma_wait3A_165] : memref<32x64xi32, #tpu.memory_space<vmem>> -> memref<1x64xi32, #tpu.memory_space<vmem>>
      %dma_wait3A_167 = tpu.memref_squeeze %dma_wait3A_166 : memref<1x64xi32, #tpu.memory_space<vmem>> -> memref<64xi32, #tpu.memory_space<vmem>>
      %dma_wait3A_168 = arith.constant 0 : i32
      %dma_wait3A_169 = arith.constant 0 : i32
      %dma_wait3A_170 = tpu.memref_slice %arg15[%dma_wait3A_168, %dma_wait3A_169] : memref<10240x128xf32, #tpu.memory_space<vmem_shared>> -> memref<10240x128xf32, #tpu.memory_space<vmem_shared>>
      tpu.wait_indirect_dma semaphore(%arg21 : memref<!tpu.dma_semaphore, #tpu.memory_space<semaphore_mem>>) src(%arg12 : memref<64x128xf32, #tpu.memory_space<vmem>>) dst(%dma_wait3A_170 : memref<10240x128xf32, #tpu.memory_space<vmem_shared>>)
      %dma_wait3A_171 = arith.constant 0 : i32
      %dma_wait3A_172 = arith.constant 0 : i32
      %dma_wait3A_173 = tpu.memref_slice %arg10[%dma_wait3A_171, %dma_wait3A_172] : memref<32x64xi32, #tpu.memory_space<vmem>> -> memref<1x64xi32, #tpu.memory_space<vmem>>
      %dma_wait3A_174 = tpu.memref_squeeze %dma_wait3A_173 : memref<1x64xi32, #tpu.memory_space<vmem>> -> memref<64xi32, #tpu.memory_space<vmem>>
      %dma_wait3A_175 = arith.constant 0 : i32
      %dma_wait3A_176 = arith.constant 0 : i32
      %dma_wait3A_177 = tpu.memref_slice %arg15[%dma_wait3A_175, %dma_wait3A_176] : memref<10240x128xf32, #tpu.memory_space<vmem_shared>> -> memref<10240x128xf32, #tpu.memory_space<vmem_shared>>
      tpu.wait_indirect_dma semaphore(%arg22 : memref<!tpu.dma_semaphore, #tpu.memory_space<semaphore_mem>>) src(%arg13 : memref<64x128xf32, #tpu.memory_space<vmem>>) dst(%dma_wait3A_177 : memref<10240x128xf32, #tpu.memory_space<vmem_shared>>)
      %dma_wait3A_178 = arith.constant 0 : i32
      %dma_wait3A_179 = arith.constant 0 : i32
      %dma_wait3A_180 = tpu.memref_slice %arg10[%dma_wait3A_178, %dma_wait3A_179] : memref<32x64xi32, #tpu.memory_space<vmem>> -> memref<1x64xi32, #tpu.memory_space<vmem>>
      %dma_wait3A_181 = tpu.memref_squeeze %dma_wait3A_180 : memref<1x64xi32, #tpu.memory_space<vmem>> -> memref<64xi32, #tpu.memory_space<vmem>>
      %dma_wait3A_182 = arith.constant 0 : i32
      %dma_wait3A_183 = arith.constant 0 : i32
      %dma_wait3A_184 = tpu.memref_slice %arg15[%dma_wait3A_182, %dma_wait3A_183] : memref<10240x128xf32, #tpu.memory_space<vmem_shared>> -> memref<10240x128xf32, #tpu.memory_space<vmem_shared>>
      tpu.wait_indirect_dma semaphore(%arg23 : memref<!tpu.dma_semaphore, #tpu.memory_space<semaphore_mem>>) src(%arg14 : memref<64x128xf32, #tpu.memory_space<vmem>>) dst(%dma_wait3A_184 : memref<10240x128xf32, #tpu.memory_space<vmem_shared>>)
      %scan3A_185 = arith.constant 0 : i32
      scf.yield %scan3A_185 : i32
    }
    %scan3A_23 = arith.constant 5 : i32
    %barrier3A_24 = arith.constant 0 : index
    tpu.barrier barrier_id(%barrier3A_24)
    %mul3A_25 = arith.constant 640 : i32
    %mul3A_26 = arith.muli %arg1, %mul3A_25 : i32
    %mul3A_27 = arith.constant 640 : i32
    %mul3A_28 = arith.muli %arg1, %mul3A_27 : i32
    "tpu.region"() ({
      %run_scoped3A = tpu.sem_alloc : memref<!tpu.dma_semaphore, #tpu.memory_space<semaphore_mem>>
      %dma_start3A_29 = arith.constant 0 : i32
      %dma_start3A_30 = tpu.memref_slice %arg6[%arg0, %mul3A_28, %dma_start3A_29] : memref<2x10240x128xf32, #tpu.memory_space<hbm>> -> memref<1x640x128xf32, #tpu.memory_space<hbm>>
      %dma_start3A_31 = tpu.memref_squeeze %dma_start3A_30 : memref<1x640x128xf32, #tpu.memory_space<hbm>> -> memref<640x128xf32, #tpu.memory_space<hbm>>
      %dma_start3A_32 = arith.constant 0 : i32
      %dma_start3A_33 = tpu.memref_slice %arg15[%mul3A_26, %dma_start3A_32] : memref<10240x128xf32, #tpu.memory_space<vmem_shared>> -> memref<640x128xf32, #tpu.memory_space<vmem_shared>>
      tpu.enqueue_dma source(%dma_start3A_33 : memref<640x128xf32, #tpu.memory_space<vmem_shared>>) target(%dma_start3A_31 : memref<640x128xf32, #tpu.memory_space<hbm>>) target_semaphore(%run_scoped3A : memref<!tpu.dma_semaphore, #tpu.memory_space<semaphore_mem>>)
      %dma_wait3A = arith.constant 0 : i32
      %dma_wait3A_34 = tpu.memref_slice %arg6[%arg0, %mul3A_28, %dma_wait3A] : memref<2x10240x128xf32, #tpu.memory_space<hbm>> -> memref<1x640x128xf32, #tpu.memory_space<hbm>>
      %dma_wait3A_35 = tpu.memref_squeeze %dma_wait3A_34 : memref<1x640x128xf32, #tpu.memory_space<hbm>> -> memref<640x128xf32, #tpu.memory_space<hbm>>
      %dma_wait3A_36 = arith.constant 0 : i32
      %dma_wait3A_37 = tpu.memref_slice %arg15[%mul3A_26, %dma_wait3A_36] : memref<10240x128xf32, #tpu.memory_space<vmem_shared>> -> memref<640x128xf32, #tpu.memory_space<vmem_shared>>
      tpu.wait_dma2 semaphore(%run_scoped3A : memref<!tpu.dma_semaphore, #tpu.memory_space<semaphore_mem>>) src(%dma_wait3A_37 : memref<640x128xf32, #tpu.memory_space<vmem_shared>>) dst(%dma_wait3A_35 : memref<640x128xf32, #tpu.memory_space<hbm>>)
      tpu.yield
    }) : () -> ()
    return
  }
}

#map = affine_map<(d0, d1) -> (0, 0)>
#map1 = affine_map<(d0, d1) -> (0, 0, 0)>
module attributes {stable_mosaic.version = 14 : i64} {
  func.func @seg_sum(%arg0: i32, %arg1: i32, %arg2: memref<10000x128xf32, #tpu.memory_space<hbm>>, %arg3: memref<2x2560x64xi32, #tpu.memory_space<hbm>>, %arg4: memref<2x2560x64xi32, #tpu.memory_space<hbm>>, %arg5: memref<640x128xf32, #tpu.memory_space<hbm>>, %arg6: memref<2x10240x128xf32, #tpu.memory_space<hbm>>, %arg7: memref<16x64xi32, #tpu.memory_space<vmem>>, %arg8: memref<16x64xi32, #tpu.memory_space<vmem>>, %arg9: memref<16x64xi32, #tpu.memory_space<vmem>>, %arg10: memref<16x64xi32, #tpu.memory_space<vmem>>, %arg11: memref<64x128xf32, #tpu.memory_space<vmem>>, %arg12: memref<64x128xf32, #tpu.memory_space<vmem>>, %arg13: memref<64x128xf32, #tpu.memory_space<vmem>>, %arg14: memref<64x128xf32, #tpu.memory_space<vmem>>, %arg15: memref<10240x128xf32, #tpu.memory_space<vmem_shared>>, %arg16: memref<!tpu.dma_semaphore, #tpu.memory_space<semaphore_mem>>, %arg17: memref<!tpu.dma_semaphore, #tpu.memory_space<semaphore_mem>>, %arg18: memref<!tpu.dma_semaphore, #tpu.memory_space<semaphore_mem>>, %arg19: memref<!tpu.dma_semaphore, #tpu.memory_space<semaphore_mem>>, %arg20: memref<!tpu.dma_semaphore, #tpu.memory_space<semaphore_mem>>, %arg21: memref<!tpu.dma_semaphore, #tpu.memory_space<semaphore_mem>>, %arg22: memref<!tpu.dma_semaphore, #tpu.memory_space<semaphore_mem>>, %arg23: memref<!tpu.dma_semaphore, #tpu.memory_space<semaphore_mem>>, %arg24: memref<!tpu.dma_semaphore, #tpu.memory_space<semaphore_mem>>, %arg25: memref<!tpu.dma_semaphore, #tpu.memory_space<semaphore_mem>>) attributes {dimension_semantics = [#tpu.dimension_semantics<core_parallel>, #tpu.dimension_semantics<subcore_parallel>], iteration_bounds = array<i64: 2, 16>, scalar_prefetch = 0 : i64, scratch_operands = 19 : i64, tpu.core_type = #tpu.core_type<sc_vector_subcore>, window_params = [{transform_indices = #map}, {transform_indices = #map1}, {transform_indices = #map1}, {transform_indices = #map}, {transform_indices = #map1}]} {
    %mul3A = arith.constant 640 : i32
    %mul3A_0 = arith.muli %arg1, %mul3A : i32
    "tpu.region"() ({
      %run_scoped3A = tpu.sem_alloc : memref<!tpu.dma_semaphore, #tpu.memory_space<semaphore_mem>>
      %dma_start3A_28 = arith.constant 0 : i32
      %dma_start3A_29 = tpu.memref_slice %arg15[%mul3A_0, %dma_start3A_28] : memref<10240x128xf32, #tpu.memory_space<vmem_shared>> -> memref<640x128xf32, #tpu.memory_space<vmem_shared>>
      tpu.enqueue_dma source(%arg5 : memref<640x128xf32, #tpu.memory_space<hbm>>) target(%dma_start3A_29 : memref<640x128xf32, #tpu.memory_space<vmem_shared>>) target_semaphore(%run_scoped3A : memref<!tpu.dma_semaphore, #tpu.memory_space<semaphore_mem>>)
      %dma_wait3A = arith.constant 0 : i32
      %dma_wait3A_30 = tpu.memref_slice %arg15[%mul3A_0, %dma_wait3A] : memref<10240x128xf32, #tpu.memory_space<vmem_shared>> -> memref<640x128xf32, #tpu.memory_space<vmem_shared>>
      tpu.wait_dma2 semaphore(%run_scoped3A : memref<!tpu.dma_semaphore, #tpu.memory_space<semaphore_mem>>) src(%arg5 : memref<640x128xf32, #tpu.memory_space<hbm>>) dst(%dma_wait3A_30 : memref<640x128xf32, #tpu.memory_space<vmem_shared>>)
      tpu.yield
    }) : () -> ()
    %barrier3A = arith.constant 0 : index
    tpu.barrier barrier_id(%barrier3A)
    %mul3A_1 = arith.constant 160 : i32
    %mul3A_2 = arith.muli %arg1, %mul3A_1 : i32
    %add3A = arith.constant 0 : i32
    %add3A_3 = arith.addi %mul3A_2, %add3A : i32
    %dma_start3A = arith.constant 0 : i32
    %dma_start3A_4 = tpu.memref_slice %arg3[%arg0, %add3A_3, %dma_start3A] : memref<2x2560x64xi32, #tpu.memory_space<hbm>> -> memref<1x16x64xi32, #tpu.memory_space<hbm>>
    %dma_start3A_5 = tpu.memref_squeeze %dma_start3A_4 : memref<1x16x64xi32, #tpu.memory_space<hbm>> -> memref<16x64xi32, #tpu.memory_space<hbm>>
    %dma_start3A_6 = arith.constant 0 : i32
    %dma_start3A_7 = tpu.memref_slice %arg3[%arg0, %add3A_3, %dma_start3A_6] : memref<2x2560x64xi32, #tpu.memory_space<hbm>> -> memref<1x16x64xi32, #tpu.memory_space<hbm>>
    %dma_start3A_8 = tpu.memref_squeeze %dma_start3A_7 : memref<1x16x64xi32, #tpu.memory_space<hbm>> -> memref<16x64xi32, #tpu.memory_space<hbm>>
    tpu.enqueue_dma source(%dma_start3A_8 : memref<16x64xi32, #tpu.memory_space<hbm>>) target(%arg7 : memref<16x64xi32, #tpu.memory_space<vmem>>) target_semaphore(%arg24 : memref<!tpu.dma_semaphore, #tpu.memory_space<semaphore_mem>>)
    %add3A_9 = arith.constant 0 : i32
    %add3A_10 = arith.addi %mul3A_2, %add3A_9 : i32
    %dma_start3A_11 = arith.constant 0 : i32
    %dma_start3A_12 = tpu.memref_slice %arg4[%arg0, %add3A_10, %dma_start3A_11] : memref<2x2560x64xi32, #tpu.memory_space<hbm>> -> memref<1x16x64xi32, #tpu.memory_space<hbm>>
    %dma_start3A_13 = tpu.memref_squeeze %dma_start3A_12 : memref<1x16x64xi32, #tpu.memory_space<hbm>> -> memref<16x64xi32, #tpu.memory_space<hbm>>
    %dma_start3A_14 = arith.constant 0 : i32
    %dma_start3A_15 = tpu.memref_slice %arg4[%arg0, %add3A_10, %dma_start3A_14] : memref<2x2560x64xi32, #tpu.memory_space<hbm>> -> memref<1x16x64xi32, #tpu.memory_space<hbm>>
    %dma_start3A_16 = tpu.memref_squeeze %dma_start3A_15 : memref<1x16x64xi32, #tpu.memory_space<hbm>> -> memref<16x64xi32, #tpu.memory_space<hbm>>
    tpu.enqueue_dma source(%dma_start3A_16 : memref<16x64xi32, #tpu.memory_space<hbm>>) target(%arg9 : memref<16x64xi32, #tpu.memory_space<vmem>>) target_semaphore(%arg24 : memref<!tpu.dma_semaphore, #tpu.memory_space<semaphore_mem>>)
    %scan3A = arith.constant 0 : i32
    %scan3A_17 = arith.constant 0 : i32
    %scan3A_18 = arith.constant 5 : i32
    %scan3A_19 = arith.addi %scan3A_17, %scan3A_18 : i32
    %scan3A_20 = arith.constant 1 : i32
    %scan3A_21 = scf.for %scan3A_28 = %scan3A_17 to %scan3A_19 step %scan3A_20 iter_args(%scan3A_29 = %scan3A) -> (i32)  : i32 {
      %mul3A_30 = arith.constant 2 : i32
      %mul3A_31 = arith.muli %mul3A_30, %scan3A_28 : i32
      %add3A_32 = arith.constant 0 : i32
      %add3A_33 = arith.addi %mul3A_31, %add3A_32 : i32
      %mul3A_34 = arith.constant 16 : i32
      %mul3A_35 = arith.muli %add3A_33, %mul3A_34 : i32
      %add3A_36 = arith.addi %mul3A_2, %mul3A_35 : i32
      %dma_wait3A = arith.constant 0 : i32
      %dma_wait3A_37 = tpu.memref_slice %arg3[%arg0, %add3A_36, %dma_wait3A] : memref<2x2560x64xi32, #tpu.memory_space<hbm>> -> memref<1x16x64xi32, #tpu.memory_space<hbm>>
      %dma_wait3A_38 = tpu.memref_squeeze %dma_wait3A_37 : memref<1x16x64xi32, #tpu.memory_space<hbm>> -> memref<16x64xi32, #tpu.memory_space<hbm>>
      %dma_wait3A_39 = arith.constant 0 : i32
      %dma_wait3A_40 = tpu.memref_slice %arg3[%arg0, %add3A_36, %dma_wait3A_39] : memref<2x2560x64xi32, #tpu.memory_space<hbm>> -> memref<1x16x64xi32, #tpu.memory_space<hbm>>
      %dma_wait3A_41 = tpu.memref_squeeze %dma_wait3A_40 : memref<1x16x64xi32, #tpu.memory_space<hbm>> -> memref<16x64xi32, #tpu.memory_space<hbm>>
      tpu.wait_dma2 semaphore(%arg24 : memref<!tpu.dma_semaphore, #tpu.memory_space<semaphore_mem>>) src(%dma_wait3A_41 : memref<16x64xi32, #tpu.memory_space<hbm>>) dst(%arg7 : memref<16x64xi32, #tpu.memory_space<vmem>>)
      %mul3A_42 = arith.constant 16 : i32
      %mul3A_43 = arith.muli %add3A_33, %mul3A_42 : i32
      %add3A_44 = arith.addi %mul3A_2, %mul3A_43 : i32
      %dma_wait3A_45 = arith.constant 0 : i32
      %dma_wait3A_46 = tpu.memref_slice %arg4[%arg0, %add3A_44, %dma_wait3A_45] : memref<2x2560x64xi32, #tpu.memory_space<hbm>> -> memref<1x16x64xi32, #tpu.memory_space<hbm>>
      %dma_wait3A_47 = tpu.memref_squeeze %dma_wait3A_46 : memref<1x16x64xi32, #tpu.memory_space<hbm>> -> memref<16x64xi32, #tpu.memory_space<hbm>>
      %dma_wait3A_48 = arith.constant 0 : i32
      %dma_wait3A_49 = tpu.memref_slice %arg4[%arg0, %add3A_44, %dma_wait3A_48] : memref<2x2560x64xi32, #tpu.memory_space<hbm>> -> memref<1x16x64xi32, #tpu.memory_space<hbm>>
      %dma_wait3A_50 = tpu.memref_squeeze %dma_wait3A_49 : memref<1x16x64xi32, #tpu.memory_space<hbm>> -> memref<16x64xi32, #tpu.memory_space<hbm>>
      tpu.wait_dma2 semaphore(%arg24 : memref<!tpu.dma_semaphore, #tpu.memory_space<semaphore_mem>>) src(%dma_wait3A_50 : memref<16x64xi32, #tpu.memory_space<hbm>>) dst(%arg9 : memref<16x64xi32, #tpu.memory_space<vmem>>)
      %add3A_51 = arith.constant 1 : i32
      %add3A_52 = arith.addi %add3A_33, %add3A_51 : i32
      %lt3A = arith.constant 10 : i32
      %lt3A_53 = arith.cmpi slt, %add3A_52, %lt3A : i32
      %convert_element_type3A = arith.extui %lt3A_53 : i1 to i32
      %cond3A = arith.constant 0 : i32
      %cond3A_54 = arith.cmpi ne, %convert_element_type3A, %cond3A : i32
      scf.if %cond3A_54 {
        %add3A_183 = arith.constant 1 : i32
        %add3A_184 = arith.addi %add3A_33, %add3A_183 : i32
        %mul3A_185 = arith.constant 16 : i32
        %mul3A_186 = arith.muli %add3A_184, %mul3A_185 : i32
        %add3A_187 = arith.addi %mul3A_2, %mul3A_186 : i32
        %dma_start3A_188 = arith.constant 0 : i32
        %dma_start3A_189 = tpu.memref_slice %arg3[%arg0, %add3A_187, %dma_start3A_188] : memref<2x2560x64xi32, #tpu.memory_space<hbm>> -> memref<1x16x64xi32, #tpu.memory_space<hbm>>
        %dma_start3A_190 = tpu.memref_squeeze %dma_start3A_189 : memref<1x16x64xi32, #tpu.memory_space<hbm>> -> memref<16x64xi32, #tpu.memory_space<hbm>>
        %dma_start3A_191 = arith.constant 0 : i32
        %dma_start3A_192 = tpu.memref_slice %arg3[%arg0, %add3A_187, %dma_start3A_191] : memref<2x2560x64xi32, #tpu.memory_space<hbm>> -> memref<1x16x64xi32, #tpu.memory_space<hbm>>
        %dma_start3A_193 = tpu.memref_squeeze %dma_start3A_192 : memref<1x16x64xi32, #tpu.memory_space<hbm>> -> memref<16x64xi32, #tpu.memory_space<hbm>>
        tpu.enqueue_dma source(%dma_start3A_193 : memref<16x64xi32, #tpu.memory_space<hbm>>) target(%arg8 : memref<16x64xi32, #tpu.memory_space<vmem>>) target_semaphore(%arg25 : memref<!tpu.dma_semaphore, #tpu.memory_space<semaphore_mem>>)
        %mul3A_194 = arith.constant 16 : i32
        %mul3A_195 = arith.muli %add3A_184, %mul3A_194 : i32
        %add3A_196 = arith.addi %mul3A_2, %mul3A_195 : i32
        %dma_start3A_197 = arith.constant 0 : i32
        %dma_start3A_198 = tpu.memref_slice %arg4[%arg0, %add3A_196, %dma_start3A_197] : memref<2x2560x64xi32, #tpu.memory_space<hbm>> -> memref<1x16x64xi32, #tpu.memory_space<hbm>>
        %dma_start3A_199 = tpu.memref_squeeze %dma_start3A_198 : memref<1x16x64xi32, #tpu.memory_space<hbm>> -> memref<16x64xi32, #tpu.memory_space<hbm>>
        %dma_start3A_200 = arith.constant 0 : i32
        %dma_start3A_201 = tpu.memref_slice %arg4[%arg0, %add3A_196, %dma_start3A_200] : memref<2x2560x64xi32, #tpu.memory_space<hbm>> -> memref<1x16x64xi32, #tpu.memory_space<hbm>>
        %dma_start3A_202 = tpu.memref_squeeze %dma_start3A_201 : memref<1x16x64xi32, #tpu.memory_space<hbm>> -> memref<16x64xi32, #tpu.memory_space<hbm>>
        tpu.enqueue_dma source(%dma_start3A_202 : memref<16x64xi32, #tpu.memory_space<hbm>>) target(%arg10 : memref<16x64xi32, #tpu.memory_space<vmem>>) target_semaphore(%arg25 : memref<!tpu.dma_semaphore, #tpu.memory_space<semaphore_mem>>)
      } else {
      }
      %dma_start3A_55 = arith.constant 0 : i32
      %dma_start3A_56 = arith.constant 0 : i32
      %dma_start3A_57 = tpu.memref_slice %arg7[%dma_start3A_55, %dma_start3A_56] : memref<16x64xi32, #tpu.memory_space<vmem>> -> memref<1x64xi32, #tpu.memory_space<vmem>>
      %dma_start3A_58 = tpu.memref_squeeze %dma_start3A_57 : memref<1x64xi32, #tpu.memory_space<vmem>> -> memref<64xi32, #tpu.memory_space<vmem>>
      %dma_start3A_59 = arith.constant 0 : i32
      %dma_start3A_60 = arith.constant 0 : i32
      %dma_start3A_61 = tpu.memref_slice %arg2[%dma_start3A_59, %dma_start3A_60] : memref<10000x128xf32, #tpu.memory_space<hbm>> -> memref<10000x128xf32, #tpu.memory_space<hbm>>
      tpu.enqueue_indirect_dma source(%dma_start3A_61 : memref<10000x128xf32, #tpu.memory_space<hbm>>) target(%arg11 : memref<64x128xf32, #tpu.memory_space<vmem>>) offsets(%dma_start3A_58 : memref<64xi32, #tpu.memory_space<vmem>>) semaphore(%arg16 : memref<!tpu.dma_semaphore, #tpu.memory_space<semaphore_mem>>)
      %dma_start3A_62 = arith.constant 1 : i32
      %dma_start3A_63 = arith.constant 0 : i32
      %dma_start3A_64 = tpu.memref_slice %arg7[%dma_start3A_62, %dma_start3A_63] : memref<16x64xi32, #tpu.memory_space<vmem>> -> memref<1x64xi32, #tpu.memory_space<vmem>>
      %dma_start3A_65 = tpu.memref_squeeze %dma_start3A_64 : memref<1x64xi32, #tpu.memory_space<vmem>> -> memref<64xi32, #tpu.memory_space<vmem>>
      %dma_start3A_66 = arith.constant 0 : i32
      %dma_start3A_67 = arith.constant 0 : i32
      %dma_start3A_68 = tpu.memref_slice %arg2[%dma_start3A_66, %dma_start3A_67] : memref<10000x128xf32, #tpu.memory_space<hbm>> -> memref<10000x128xf32, #tpu.memory_space<hbm>>
      tpu.enqueue_indirect_dma source(%dma_start3A_68 : memref<10000x128xf32, #tpu.memory_space<hbm>>) target(%arg12 : memref<64x128xf32, #tpu.memory_space<vmem>>) offsets(%dma_start3A_65 : memref<64xi32, #tpu.memory_space<vmem>>) semaphore(%arg17 : memref<!tpu.dma_semaphore, #tpu.memory_space<semaphore_mem>>)
      %scan3A_69 = arith.constant 0 : i32
      %scan3A_70 = arith.constant 0 : i32
      %scan3A_71 = arith.constant 4 : i32
      %scan3A_72 = arith.addi %scan3A_70, %scan3A_71 : i32
      %scan3A_73 = arith.constant 1 : i32
      %scan3A_74 = scf.for %scan3A_183 = %scan3A_70 to %scan3A_72 step %scan3A_73 iter_args(%scan3A_184 = %scan3A_69) -> (i32)  : i32 {
        %mul3A_185 = arith.constant 4 : i32
        %mul3A_186 = arith.muli %mul3A_185, %scan3A_183 : i32
        %add3A_187 = arith.constant 0 : i32
        %add3A_188 = arith.addi %mul3A_186, %add3A_187 : i32
        %dma_wait3A_189 = arith.constant 0 : i32
        %dma_wait3A_190 = tpu.memref_slice %arg7[%add3A_188, %dma_wait3A_189] : memref<16x64xi32, #tpu.memory_space<vmem>> -> memref<1x64xi32, #tpu.memory_space<vmem>>
        %dma_wait3A_191 = tpu.memref_squeeze %dma_wait3A_190 : memref<1x64xi32, #tpu.memory_space<vmem>> -> memref<64xi32, #tpu.memory_space<vmem>>
        %dma_wait3A_192 = arith.constant 0 : i32
        %dma_wait3A_193 = arith.constant 0 : i32
        %dma_wait3A_194 = tpu.memref_slice %arg2[%dma_wait3A_192, %dma_wait3A_193] : memref<10000x128xf32, #tpu.memory_space<hbm>> -> memref<10000x128xf32, #tpu.memory_space<hbm>>
        tpu.wait_indirect_dma semaphore(%arg16 : memref<!tpu.dma_semaphore, #tpu.memory_space<semaphore_mem>>) src(%dma_wait3A_194 : memref<10000x128xf32, #tpu.memory_space<hbm>>) dst(%arg11 : memref<64x128xf32, #tpu.memory_space<vmem>>)
        %dma_start3A_195 = arith.constant 0 : i32
        %dma_start3A_196 = tpu.memref_slice %arg9[%add3A_188, %dma_start3A_195] : memref<16x64xi32, #tpu.memory_space<vmem>> -> memref<1x64xi32, #tpu.memory_space<vmem>>
        %dma_start3A_197 = tpu.memref_squeeze %dma_start3A_196 : memref<1x64xi32, #tpu.memory_space<vmem>> -> memref<64xi32, #tpu.memory_space<vmem>>
        %dma_start3A_198 = arith.constant 0 : i32
        %dma_start3A_199 = arith.constant 0 : i32
        %dma_start3A_200 = tpu.memref_slice %arg15[%dma_start3A_198, %dma_start3A_199] : memref<10240x128xf32, #tpu.memory_space<vmem_shared>> -> memref<10240x128xf32, #tpu.memory_space<vmem_shared>>
        tpu.enqueue_indirect_dma source(%arg11 : memref<64x128xf32, #tpu.memory_space<vmem>>) target(%dma_start3A_200 : memref<10240x128xf32, #tpu.memory_space<vmem_shared>>) offsets(%dma_start3A_197 : memref<64xi32, #tpu.memory_space<vmem>>) semaphore(%arg20 : memref<!tpu.dma_semaphore, #tpu.memory_space<semaphore_mem>>) {add = true}
        %add3A_201 = arith.constant 2 : i32
        %add3A_202 = arith.addi %add3A_188, %add3A_201 : i32
        %lt3A_203 = arith.constant 16 : i32
        %lt3A_204 = arith.cmpi slt, %add3A_202, %lt3A_203 : i32
        %convert_element_type3A_205 = arith.extui %lt3A_204 : i1 to i32
        %cond3A_206 = arith.constant 0 : i32
        %cond3A_207 = arith.cmpi ne, %convert_element_type3A_205, %cond3A_206 : i32
        scf.if %cond3A_207 {
          %gt3A = arith.constant 1 : i32
          %gt3A_278 = arith.cmpi sgt, %add3A_188, %gt3A : i32
          %convert_element_type3A_279 = arith.extui %gt3A_278 : i1 to i32
          %cond3A_280 = arith.constant 0 : i32
          %cond3A_281 = arith.cmpi ne, %convert_element_type3A_279, %cond3A_280 : i32
          scf.if %cond3A_281 {
            %dma_wait3A_288 = arith.constant 0 : i32
            %dma_wait3A_289 = arith.constant 0 : i32
            %dma_wait3A_290 = tpu.memref_slice %arg9[%dma_wait3A_288, %dma_wait3A_289] : memref<16x64xi32, #tpu.memory_space<vmem>> -> memref<1x64xi32, #tpu.memory_space<vmem>>
            %dma_wait3A_291 = tpu.memref_squeeze %dma_wait3A_290 : memref<1x64xi32, #tpu.memory_space<vmem>> -> memref<64xi32, #tpu.memory_space<vmem>>
            %dma_wait3A_292 = arith.constant 0 : i32
            %dma_wait3A_293 = arith.constant 0 : i32
            %dma_wait3A_294 = tpu.memref_slice %arg15[%dma_wait3A_292, %dma_wait3A_293] : memref<10240x128xf32, #tpu.memory_space<vmem_shared>> -> memref<10240x128xf32, #tpu.memory_space<vmem_shared>>
            tpu.wait_indirect_dma semaphore(%arg22 : memref<!tpu.dma_semaphore, #tpu.memory_space<semaphore_mem>>) src(%arg13 : memref<64x128xf32, #tpu.memory_space<vmem>>) dst(%dma_wait3A_294 : memref<10240x128xf32, #tpu.memory_space<vmem_shared>>)
          } else {
          }
          %dma_start3A_282 = arith.constant 0 : i32
          %dma_start3A_283 = tpu.memref_slice %arg7[%add3A_202, %dma_start3A_282] : memref<16x64xi32, #tpu.memory_space<vmem>> -> memref<1x64xi32, #tpu.memory_space<vmem>>
          %dma_start3A_284 = tpu.memref_squeeze %dma_start3A_283 : memref<1x64xi32, #tpu.memory_space<vmem>> -> memref<64xi32, #tpu.memory_space<vmem>>
          %dma_start3A_285 = arith.constant 0 : i32
          %dma_start3A_286 = arith.constant 0 : i32
          %dma_start3A_287 = tpu.memref_slice %arg2[%dma_start3A_285, %dma_start3A_286] : memref<10000x128xf32, #tpu.memory_space<hbm>> -> memref<10000x128xf32, #tpu.memory_space<hbm>>
          tpu.enqueue_indirect_dma source(%dma_start3A_287 : memref<10000x128xf32, #tpu.memory_space<hbm>>) target(%arg13 : memref<64x128xf32, #tpu.memory_space<vmem>>) offsets(%dma_start3A_284 : memref<64xi32, #tpu.memory_space<vmem>>) semaphore(%arg18 : memref<!tpu.dma_semaphore, #tpu.memory_space<semaphore_mem>>)
        } else {
        }
        %mul3A_208 = arith.constant 4 : i32
        %mul3A_209 = arith.muli %mul3A_208, %scan3A_183 : i32
        %add3A_210 = arith.constant 1 : i32
        %add3A_211 = arith.addi %mul3A_209, %add3A_210 : i32
        %dma_wait3A_212 = arith.constant 0 : i32
        %dma_wait3A_213 = tpu.memref_slice %arg7[%add3A_211, %dma_wait3A_212] : memref<16x64xi32, #tpu.memory_space<vmem>> -> memref<1x64xi32, #tpu.memory_space<vmem>>
        %dma_wait3A_214 = tpu.memref_squeeze %dma_wait3A_213 : memref<1x64xi32, #tpu.memory_space<vmem>> -> memref<64xi32, #tpu.memory_space<vmem>>
        %dma_wait3A_215 = arith.constant 0 : i32
        %dma_wait3A_216 = arith.constant 0 : i32
        %dma_wait3A_217 = tpu.memref_slice %arg2[%dma_wait3A_215, %dma_wait3A_216] : memref<10000x128xf32, #tpu.memory_space<hbm>> -> memref<10000x128xf32, #tpu.memory_space<hbm>>
        tpu.wait_indirect_dma semaphore(%arg17 : memref<!tpu.dma_semaphore, #tpu.memory_space<semaphore_mem>>) src(%dma_wait3A_217 : memref<10000x128xf32, #tpu.memory_space<hbm>>) dst(%arg12 : memref<64x128xf32, #tpu.memory_space<vmem>>)
        %dma_start3A_218 = arith.constant 0 : i32
        %dma_start3A_219 = tpu.memref_slice %arg9[%add3A_211, %dma_start3A_218] : memref<16x64xi32, #tpu.memory_space<vmem>> -> memref<1x64xi32, #tpu.memory_space<vmem>>
        %dma_start3A_220 = tpu.memref_squeeze %dma_start3A_219 : memref<1x64xi32, #tpu.memory_space<vmem>> -> memref<64xi32, #tpu.memory_space<vmem>>
        %dma_start3A_221 = arith.constant 0 : i32
        %dma_start3A_222 = arith.constant 0 : i32
        %dma_start3A_223 = tpu.memref_slice %arg15[%dma_start3A_221, %dma_start3A_222] : memref<10240x128xf32, #tpu.memory_space<vmem_shared>> -> memref<10240x128xf32, #tpu.memory_space<vmem_shared>>
        tpu.enqueue_indirect_dma source(%arg12 : memref<64x128xf32, #tpu.memory_space<vmem>>) target(%dma_start3A_223 : memref<10240x128xf32, #tpu.memory_space<vmem_shared>>) offsets(%dma_start3A_220 : memref<64xi32, #tpu.memory_space<vmem>>) semaphore(%arg21 : memref<!tpu.dma_semaphore, #tpu.memory_space<semaphore_mem>>) {add = true}
        %add3A_224 = arith.constant 2 : i32
        %add3A_225 = arith.addi %add3A_211, %add3A_224 : i32
        %lt3A_226 = arith.constant 16 : i32
        %lt3A_227 = arith.cmpi slt, %add3A_225, %lt3A_226 : i32
        %convert_element_type3A_228 = arith.extui %lt3A_227 : i1 to i32
        %cond3A_229 = arith.constant 0 : i32
        %cond3A_230 = arith.cmpi ne, %convert_element_type3A_228, %cond3A_229 : i32
        scf.if %cond3A_230 {
          %gt3A = arith.constant 1 : i32
          %gt3A_278 = arith.cmpi sgt, %add3A_211, %gt3A : i32
          %convert_element_type3A_279 = arith.extui %gt3A_278 : i1 to i32
          %cond3A_280 = arith.constant 0 : i32
          %cond3A_281 = arith.cmpi ne, %convert_element_type3A_279, %cond3A_280 : i32
          scf.if %cond3A_281 {
            %dma_wait3A_288 = arith.constant 0 : i32
            %dma_wait3A_289 = arith.constant 0 : i32
            %dma_wait3A_290 = tpu.memref_slice %arg9[%dma_wait3A_288, %dma_wait3A_289] : memref<16x64xi32, #tpu.memory_space<vmem>> -> memref<1x64xi32, #tpu.memory_space<vmem>>
            %dma_wait3A_291 = tpu.memref_squeeze %dma_wait3A_290 : memref<1x64xi32, #tpu.memory_space<vmem>> -> memref<64xi32, #tpu.memory_space<vmem>>
            %dma_wait3A_292 = arith.constant 0 : i32
            %dma_wait3A_293 = arith.constant 0 : i32
            %dma_wait3A_294 = tpu.memref_slice %arg15[%dma_wait3A_292, %dma_wait3A_293] : memref<10240x128xf32, #tpu.memory_space<vmem_shared>> -> memref<10240x128xf32, #tpu.memory_space<vmem_shared>>
            tpu.wait_indirect_dma semaphore(%arg23 : memref<!tpu.dma_semaphore, #tpu.memory_space<semaphore_mem>>) src(%arg14 : memref<64x128xf32, #tpu.memory_space<vmem>>) dst(%dma_wait3A_294 : memref<10240x128xf32, #tpu.memory_space<vmem_shared>>)
          } else {
          }
          %dma_start3A_282 = arith.constant 0 : i32
          %dma_start3A_283 = tpu.memref_slice %arg7[%add3A_225, %dma_start3A_282] : memref<16x64xi32, #tpu.memory_space<vmem>> -> memref<1x64xi32, #tpu.memory_space<vmem>>
          %dma_start3A_284 = tpu.memref_squeeze %dma_start3A_283 : memref<1x64xi32, #tpu.memory_space<vmem>> -> memref<64xi32, #tpu.memory_space<vmem>>
          %dma_start3A_285 = arith.constant 0 : i32
          %dma_start3A_286 = arith.constant 0 : i32
          %dma_start3A_287 = tpu.memref_slice %arg2[%dma_start3A_285, %dma_start3A_286] : memref<10000x128xf32, #tpu.memory_space<hbm>> -> memref<10000x128xf32, #tpu.memory_space<hbm>>
          tpu.enqueue_indirect_dma source(%dma_start3A_287 : memref<10000x128xf32, #tpu.memory_space<hbm>>) target(%arg14 : memref<64x128xf32, #tpu.memory_space<vmem>>) offsets(%dma_start3A_284 : memref<64xi32, #tpu.memory_space<vmem>>) semaphore(%arg19 : memref<!tpu.dma_semaphore, #tpu.memory_space<semaphore_mem>>)
        } else {
        }
        %mul3A_231 = arith.constant 4 : i32
        %mul3A_232 = arith.muli %mul3A_231, %scan3A_183 : i32
        %add3A_233 = arith.constant 2 : i32
        %add3A_234 = arith.addi %mul3A_232, %add3A_233 : i32
        %dma_wait3A_235 = arith.constant 0 : i32
        %dma_wait3A_236 = tpu.memref_slice %arg7[%add3A_234, %dma_wait3A_235] : memref<16x64xi32, #tpu.memory_space<vmem>> -> memref<1x64xi32, #tpu.memory_space<vmem>>
        %dma_wait3A_237 = tpu.memref_squeeze %dma_wait3A_236 : memref<1x64xi32, #tpu.memory_space<vmem>> -> memref<64xi32, #tpu.memory_space<vmem>>
        %dma_wait3A_238 = arith.constant 0 : i32
        %dma_wait3A_239 = arith.constant 0 : i32
        %dma_wait3A_240 = tpu.memref_slice %arg2[%dma_wait3A_238, %dma_wait3A_239] : memref<10000x128xf32, #tpu.memory_space<hbm>> -> memref<10000x128xf32, #tpu.memory_space<hbm>>
        tpu.wait_indirect_dma semaphore(%arg18 : memref<!tpu.dma_semaphore, #tpu.memory_space<semaphore_mem>>) src(%dma_wait3A_240 : memref<10000x128xf32, #tpu.memory_space<hbm>>) dst(%arg13 : memref<64x128xf32, #tpu.memory_space<vmem>>)
        %dma_start3A_241 = arith.constant 0 : i32
        %dma_start3A_242 = tpu.memref_slice %arg9[%add3A_234, %dma_start3A_241] : memref<16x64xi32, #tpu.memory_space<vmem>> -> memref<1x64xi32, #tpu.memory_space<vmem>>
        %dma_start3A_243 = tpu.memref_squeeze %dma_start3A_242 : memref<1x64xi32, #tpu.memory_space<vmem>> -> memref<64xi32, #tpu.memory_space<vmem>>
        %dma_start3A_244 = arith.constant 0 : i32
        %dma_start3A_245 = arith.constant 0 : i32
        %dma_start3A_246 = tpu.memref_slice %arg15[%dma_start3A_244, %dma_start3A_245] : memref<10240x128xf32, #tpu.memory_space<vmem_shared>> -> memref<10240x128xf32, #tpu.memory_space<vmem_shared>>
        tpu.enqueue_indirect_dma source(%arg13 : memref<64x128xf32, #tpu.memory_space<vmem>>) target(%dma_start3A_246 : memref<10240x128xf32, #tpu.memory_space<vmem_shared>>) offsets(%dma_start3A_243 : memref<64xi32, #tpu.memory_space<vmem>>) semaphore(%arg22 : memref<!tpu.dma_semaphore, #tpu.memory_space<semaphore_mem>>) {add = true}
        %add3A_247 = arith.constant 2 : i32
        %add3A_248 = arith.addi %add3A_234, %add3A_247 : i32
        %lt3A_249 = arith.constant 16 : i32
        %lt3A_250 = arith.cmpi slt, %add3A_248, %lt3A_249 : i32
        %convert_element_type3A_251 = arith.extui %lt3A_250 : i1 to i32
        %cond3A_252 = arith.constant 0 : i32
        %cond3A_253 = arith.cmpi ne, %convert_element_type3A_251, %cond3A_252 : i32
        scf.if %cond3A_253 {
          %gt3A = arith.constant 1 : i32
          %gt3A_278 = arith.cmpi sgt, %add3A_234, %gt3A : i32
          %convert_element_type3A_279 = arith.extui %gt3A_278 : i1 to i32
          %cond3A_280 = arith.constant 0 : i32
          %cond3A_281 = arith.cmpi ne, %convert_element_type3A_279, %cond3A_280 : i32
          scf.if %cond3A_281 {
            %dma_wait3A_288 = arith.constant 0 : i32
            %dma_wait3A_289 = arith.constant 0 : i32
            %dma_wait3A_290 = tpu.memref_slice %arg9[%dma_wait3A_288, %dma_wait3A_289] : memref<16x64xi32, #tpu.memory_space<vmem>> -> memref<1x64xi32, #tpu.memory_space<vmem>>
            %dma_wait3A_291 = tpu.memref_squeeze %dma_wait3A_290 : memref<1x64xi32, #tpu.memory_space<vmem>> -> memref<64xi32, #tpu.memory_space<vmem>>
            %dma_wait3A_292 = arith.constant 0 : i32
            %dma_wait3A_293 = arith.constant 0 : i32
            %dma_wait3A_294 = tpu.memref_slice %arg15[%dma_wait3A_292, %dma_wait3A_293] : memref<10240x128xf32, #tpu.memory_space<vmem_shared>> -> memref<10240x128xf32, #tpu.memory_space<vmem_shared>>
            tpu.wait_indirect_dma semaphore(%arg20 : memref<!tpu.dma_semaphore, #tpu.memory_space<semaphore_mem>>) src(%arg11 : memref<64x128xf32, #tpu.memory_space<vmem>>) dst(%dma_wait3A_294 : memref<10240x128xf32, #tpu.memory_space<vmem_shared>>)
          } else {
          }
          %dma_start3A_282 = arith.constant 0 : i32
          %dma_start3A_283 = tpu.memref_slice %arg7[%add3A_248, %dma_start3A_282] : memref<16x64xi32, #tpu.memory_space<vmem>> -> memref<1x64xi32, #tpu.memory_space<vmem>>
          %dma_start3A_284 = tpu.memref_squeeze %dma_start3A_283 : memref<1x64xi32, #tpu.memory_space<vmem>> -> memref<64xi32, #tpu.memory_space<vmem>>
          %dma_start3A_285 = arith.constant 0 : i32
          %dma_start3A_286 = arith.constant 0 : i32
          %dma_start3A_287 = tpu.memref_slice %arg2[%dma_start3A_285, %dma_start3A_286] : memref<10000x128xf32, #tpu.memory_space<hbm>> -> memref<10000x128xf32, #tpu.memory_space<hbm>>
          tpu.enqueue_indirect_dma source(%dma_start3A_287 : memref<10000x128xf32, #tpu.memory_space<hbm>>) target(%arg11 : memref<64x128xf32, #tpu.memory_space<vmem>>) offsets(%dma_start3A_284 : memref<64xi32, #tpu.memory_space<vmem>>) semaphore(%arg16 : memref<!tpu.dma_semaphore, #tpu.memory_space<semaphore_mem>>)
        } else {
        }
        %mul3A_254 = arith.constant 4 : i32
        %mul3A_255 = arith.muli %mul3A_254, %scan3A_183 : i32
        %add3A_256 = arith.constant 3 : i32
        %add3A_257 = arith.addi %mul3A_255, %add3A_256 : i32
        %dma_wait3A_258 = arith.constant 0 : i32
        %dma_wait3A_259 = tpu.memref_slice %arg7[%add3A_257, %dma_wait3A_258] : memref<16x64xi32, #tpu.memory_space<vmem>> -> memref<1x64xi32, #tpu.memory_space<vmem>>
        %dma_wait3A_260 = tpu.memref_squeeze %dma_wait3A_259 : memref<1x64xi32, #tpu.memory_space<vmem>> -> memref<64xi32, #tpu.memory_space<vmem>>
        %dma_wait3A_261 = arith.constant 0 : i32
        %dma_wait3A_262 = arith.constant 0 : i32
        %dma_wait3A_263 = tpu.memref_slice %arg2[%dma_wait3A_261, %dma_wait3A_262] : memref<10000x128xf32, #tpu.memory_space<hbm>> -> memref<10000x128xf32, #tpu.memory_space<hbm>>
        tpu.wait_indirect_dma semaphore(%arg19 : memref<!tpu.dma_semaphore, #tpu.memory_space<semaphore_mem>>) src(%dma_wait3A_263 : memref<10000x128xf32, #tpu.memory_space<hbm>>) dst(%arg14 : memref<64x128xf32, #tpu.memory_space<vmem>>)
        %dma_start3A_264 = arith.constant 0 : i32
        %dma_start3A_265 = tpu.memref_slice %arg9[%add3A_257, %dma_start3A_264] : memref<16x64xi32, #tpu.memory_space<vmem>> -> memref<1x64xi32, #tpu.memory_space<vmem>>
        %dma_start3A_266 = tpu.memref_squeeze %dma_start3A_265 : memref<1x64xi32, #tpu.memory_space<vmem>> -> memref<64xi32, #tpu.memory_space<vmem>>
        %dma_start3A_267 = arith.constant 0 : i32
        %dma_start3A_268 = arith.constant 0 : i32
        %dma_start3A_269 = tpu.memref_slice %arg15[%dma_start3A_267, %dma_start3A_268] : memref<10240x128xf32, #tpu.memory_space<vmem_shared>> -> memref<10240x128xf32, #tpu.memory_space<vmem_shared>>
        tpu.enqueue_indirect_dma source(%arg14 : memref<64x128xf32, #tpu.memory_space<vmem>>) target(%dma_start3A_269 : memref<10240x128xf32, #tpu.memory_space<vmem_shared>>) offsets(%dma_start3A_266 : memref<64xi32, #tpu.memory_space<vmem>>) semaphore(%arg23 : memref<!tpu.dma_semaphore, #tpu.memory_space<semaphore_mem>>) {add = true}
        %add3A_270 = arith.constant 2 : i32
        %add3A_271 = arith.addi %add3A_257, %add3A_270 : i32
        %lt3A_272 = arith.constant 16 : i32
        %lt3A_273 = arith.cmpi slt, %add3A_271, %lt3A_272 : i32
        %convert_element_type3A_274 = arith.extui %lt3A_273 : i1 to i32
        %cond3A_275 = arith.constant 0 : i32
        %cond3A_276 = arith.cmpi ne, %convert_element_type3A_274, %cond3A_275 : i32
        scf.if %cond3A_276 {
          %gt3A = arith.constant 1 : i32
          %gt3A_278 = arith.cmpi sgt, %add3A_257, %gt3A : i32
          %convert_element_type3A_279 = arith.extui %gt3A_278 : i1 to i32
          %cond3A_280 = arith.constant 0 : i32
          %cond3A_281 = arith.cmpi ne, %convert_element_type3A_279, %cond3A_280 : i32
          scf.if %cond3A_281 {
            %dma_wait3A_288 = arith.constant 0 : i32
            %dma_wait3A_289 = arith.constant 0 : i32
            %dma_wait3A_290 = tpu.memref_slice %arg9[%dma_wait3A_288, %dma_wait3A_289] : memref<16x64xi32, #tpu.memory_space<vmem>> -> memref<1x64xi32, #tpu.memory_space<vmem>>
            %dma_wait3A_291 = tpu.memref_squeeze %dma_wait3A_290 : memref<1x64xi32, #tpu.memory_space<vmem>> -> memref<64xi32, #tpu.memory_space<vmem>>
            %dma_wait3A_292 = arith.constant 0 : i32
            %dma_wait3A_293 = arith.constant 0 : i32
            %dma_wait3A_294 = tpu.memref_slice %arg15[%dma_wait3A_292, %dma_wait3A_293] : memref<10240x128xf32, #tpu.memory_space<vmem_shared>> -> memref<10240x128xf32, #tpu.memory_space<vmem_shared>>
            tpu.wait_indirect_dma semaphore(%arg21 : memref<!tpu.dma_semaphore, #tpu.memory_space<semaphore_mem>>) src(%arg12 : memref<64x128xf32, #tpu.memory_space<vmem>>) dst(%dma_wait3A_294 : memref<10240x128xf32, #tpu.memory_space<vmem_shared>>)
          } else {
          }
          %dma_start3A_282 = arith.constant 0 : i32
          %dma_start3A_283 = tpu.memref_slice %arg7[%add3A_271, %dma_start3A_282] : memref<16x64xi32, #tpu.memory_space<vmem>> -> memref<1x64xi32, #tpu.memory_space<vmem>>
          %dma_start3A_284 = tpu.memref_squeeze %dma_start3A_283 : memref<1x64xi32, #tpu.memory_space<vmem>> -> memref<64xi32, #tpu.memory_space<vmem>>
          %dma_start3A_285 = arith.constant 0 : i32
          %dma_start3A_286 = arith.constant 0 : i32
          %dma_start3A_287 = tpu.memref_slice %arg2[%dma_start3A_285, %dma_start3A_286] : memref<10000x128xf32, #tpu.memory_space<hbm>> -> memref<10000x128xf32, #tpu.memory_space<hbm>>
          tpu.enqueue_indirect_dma source(%dma_start3A_287 : memref<10000x128xf32, #tpu.memory_space<hbm>>) target(%arg12 : memref<64x128xf32, #tpu.memory_space<vmem>>) offsets(%dma_start3A_284 : memref<64xi32, #tpu.memory_space<vmem>>) semaphore(%arg17 : memref<!tpu.dma_semaphore, #tpu.memory_space<semaphore_mem>>)
        } else {
        }
        %scan3A_277 = arith.constant 0 : i32
        scf.yield %scan3A_277 : i32
      }
      %scan3A_75 = arith.constant 4 : i32
      %dma_wait3A_76 = arith.constant 0 : i32
      %dma_wait3A_77 = arith.constant 0 : i32
      %dma_wait3A_78 = tpu.memref_slice %arg9[%dma_wait3A_76, %dma_wait3A_77] : memref<16x64xi32, #tpu.memory_space<vmem>> -> memref<1x64xi32, #tpu.memory_space<vmem>>
      %dma_wait3A_79 = tpu.memref_squeeze %dma_wait3A_78 : memref<1x64xi32, #tpu.memory_space<vmem>> -> memref<64xi32, #tpu.memory_space<vmem>>
      %dma_wait3A_80 = arith.constant 0 : i32
      %dma_wait3A_81 = arith.constant 0 : i32
      %dma_wait3A_82 = tpu.memref_slice %arg15[%dma_wait3A_80, %dma_wait3A_81] : memref<10240x128xf32, #tpu.memory_space<vmem_shared>> -> memref<10240x128xf32, #tpu.memory_space<vmem_shared>>
      tpu.wait_indirect_dma semaphore(%arg20 : memref<!tpu.dma_semaphore, #tpu.memory_space<semaphore_mem>>) src(%arg11 : memref<64x128xf32, #tpu.memory_space<vmem>>) dst(%dma_wait3A_82 : memref<10240x128xf32, #tpu.memory_space<vmem_shared>>)
      %dma_wait3A_83 = arith.constant 0 : i32
      %dma_wait3A_84 = arith.constant 0 : i32
      %dma_wait3A_85 = tpu.memref_slice %arg9[%dma_wait3A_83, %dma_wait3A_84] : memref<16x64xi32, #tpu.memory_space<vmem>> -> memref<1x64xi32, #tpu.memory_space<vmem>>
      %dma_wait3A_86 = tpu.memref_squeeze %dma_wait3A_85 : memref<1x64xi32, #tpu.memory_space<vmem>> -> memref<64xi32, #tpu.memory_space<vmem>>
      %dma_wait3A_87 = arith.constant 0 : i32
      %dma_wait3A_88 = arith.constant 0 : i32
      %dma_wait3A_89 = tpu.memref_slice %arg15[%dma_wait3A_87, %dma_wait3A_88] : memref<10240x128xf32, #tpu.memory_space<vmem_shared>> -> memref<10240x128xf32, #tpu.memory_space<vmem_shared>>
      tpu.wait_indirect_dma semaphore(%arg21 : memref<!tpu.dma_semaphore, #tpu.memory_space<semaphore_mem>>) src(%arg12 : memref<64x128xf32, #tpu.memory_space<vmem>>) dst(%dma_wait3A_89 : memref<10240x128xf32, #tpu.memory_space<vmem_shared>>)
      %dma_wait3A_90 = arith.constant 0 : i32
      %dma_wait3A_91 = arith.constant 0 : i32
      %dma_wait3A_92 = tpu.memref_slice %arg9[%dma_wait3A_90, %dma_wait3A_91] : memref<16x64xi32, #tpu.memory_space<vmem>> -> memref<1x64xi32, #tpu.memory_space<vmem>>
      %dma_wait3A_93 = tpu.memref_squeeze %dma_wait3A_92 : memref<1x64xi32, #tpu.memory_space<vmem>> -> memref<64xi32, #tpu.memory_space<vmem>>
      %dma_wait3A_94 = arith.constant 0 : i32
      %dma_wait3A_95 = arith.constant 0 : i32
      %dma_wait3A_96 = tpu.memref_slice %arg15[%dma_wait3A_94, %dma_wait3A_95] : memref<10240x128xf32, #tpu.memory_space<vmem_shared>> -> memref<10240x128xf32, #tpu.memory_space<vmem_shared>>
      tpu.wait_indirect_dma semaphore(%arg22 : memref<!tpu.dma_semaphore, #tpu.memory_space<semaphore_mem>>) src(%arg13 : memref<64x128xf32, #tpu.memory_space<vmem>>) dst(%dma_wait3A_96 : memref<10240x128xf32, #tpu.memory_space<vmem_shared>>)
      %dma_wait3A_97 = arith.constant 0 : i32
      %dma_wait3A_98 = arith.constant 0 : i32
      %dma_wait3A_99 = tpu.memref_slice %arg9[%dma_wait3A_97, %dma_wait3A_98] : memref<16x64xi32, #tpu.memory_space<vmem>> -> memref<1x64xi32, #tpu.memory_space<vmem>>
      %dma_wait3A_100 = tpu.memref_squeeze %dma_wait3A_99 : memref<1x64xi32, #tpu.memory_space<vmem>> -> memref<64xi32, #tpu.memory_space<vmem>>
      %dma_wait3A_101 = arith.constant 0 : i32
      %dma_wait3A_102 = arith.constant 0 : i32
      %dma_wait3A_103 = tpu.memref_slice %arg15[%dma_wait3A_101, %dma_wait3A_102] : memref<10240x128xf32, #tpu.memory_space<vmem_shared>> -> memref<10240x128xf32, #tpu.memory_space<vmem_shared>>
      tpu.wait_indirect_dma semaphore(%arg23 : memref<!tpu.dma_semaphore, #tpu.memory_space<semaphore_mem>>) src(%arg14 : memref<64x128xf32, #tpu.memory_space<vmem>>) dst(%dma_wait3A_103 : memref<10240x128xf32, #tpu.memory_space<vmem_shared>>)
      %mul3A_104 = arith.constant 2 : i32
      %mul3A_105 = arith.muli %mul3A_104, %scan3A_28 : i32
      %add3A_106 = arith.constant 1 : i32
      %add3A_107 = arith.addi %mul3A_105, %add3A_106 : i32
      %mul3A_108 = arith.constant 16 : i32
      %mul3A_109 = arith.muli %add3A_107, %mul3A_108 : i32
      %add3A_110 = arith.addi %mul3A_2, %mul3A_109 : i32
      %dma_wait3A_111 = arith.constant 0 : i32
      %dma_wait3A_112 = tpu.memref_slice %arg3[%arg0, %add3A_110, %dma_wait3A_111] : memref<2x2560x64xi32, #tpu.memory_space<hbm>> -> memref<1x16x64xi32, #tpu.memory_space<hbm>>
      %dma_wait3A_113 = tpu.memref_squeeze %dma_wait3A_112 : memref<1x16x64xi32, #tpu.memory_space<hbm>> -> memref<16x64xi32, #tpu.memory_space<hbm>>
      %dma_wait3A_114 = arith.constant 0 : i32
      %dma_wait3A_115 = tpu.memref_slice %arg3[%arg0, %add3A_110, %dma_wait3A_114] : memref<2x2560x64xi32, #tpu.memory_space<hbm>> -> memref<1x16x64xi32, #tpu.memory_space<hbm>>
      %dma_wait3A_116 = tpu.memref_squeeze %dma_wait3A_115 : memref<1x16x64xi32, #tpu.memory_space<hbm>> -> memref<16x64xi32, #tpu.memory_space<hbm>>
      tpu.wait_dma2 semaphore(%arg25 : memref<!tpu.dma_semaphore, #tpu.memory_space<semaphore_mem>>) src(%dma_wait3A_116 : memref<16x64xi32, #tpu.memory_space<hbm>>) dst(%arg8 : memref<16x64xi32, #tpu.memory_space<vmem>>)
      %mul3A_117 = arith.constant 16 : i32
      %mul3A_118 = arith.muli %add3A_107, %mul3A_117 : i32
      %add3A_119 = arith.addi %mul3A_2, %mul3A_118 : i32
      %dma_wait3A_120 = arith.constant 0 : i32
      %dma_wait3A_121 = tpu.memref_slice %arg4[%arg0, %add3A_119, %dma_wait3A_120] : memref<2x2560x64xi32, #tpu.memory_space<hbm>> -> memref<1x16x64xi32, #tpu.memory_space<hbm>>
      %dma_wait3A_122 = tpu.memref_squeeze %dma_wait3A_121 : memref<1x16x64xi32, #tpu.memory_space<hbm>> -> memref<16x64xi32, #tpu.memory_space<hbm>>
      %dma_wait3A_123 = arith.constant 0 : i32
      %dma_wait3A_124 = tpu.memref_slice %arg4[%arg0, %add3A_119, %dma_wait3A_123] : memref<2x2560x64xi32, #tpu.memory_space<hbm>> -> memref<1x16x64xi32, #tpu.memory_space<hbm>>
      %dma_wait3A_125 = tpu.memref_squeeze %dma_wait3A_124 : memref<1x16x64xi32, #tpu.memory_space<hbm>> -> memref<16x64xi32, #tpu.memory_space<hbm>>
      tpu.wait_dma2 semaphore(%arg25 : memref<!tpu.dma_semaphore, #tpu.memory_space<semaphore_mem>>) src(%dma_wait3A_125 : memref<16x64xi32, #tpu.memory_space<hbm>>) dst(%arg10 : memref<16x64xi32, #tpu.memory_space<vmem>>)
      %add3A_126 = arith.constant 1 : i32
      %add3A_127 = arith.addi %add3A_107, %add3A_126 : i32
      %lt3A_128 = arith.constant 10 : i32
      %lt3A_129 = arith.cmpi slt, %add3A_127, %lt3A_128 : i32
      %convert_element_type3A_130 = arith.extui %lt3A_129 : i1 to i32
      %cond3A_131 = arith.constant 0 : i32
      %cond3A_132 = arith.cmpi ne, %convert_element_type3A_130, %cond3A_131 : i32
      scf.if %cond3A_132 {
        %add3A_183 = arith.constant 1 : i32
        %add3A_184 = arith.addi %add3A_107, %add3A_183 : i32
        %mul3A_185 = arith.constant 16 : i32
        %mul3A_186 = arith.muli %add3A_184, %mul3A_185 : i32
        %add3A_187 = arith.addi %mul3A_2, %mul3A_186 : i32
        %dma_start3A_188 = arith.constant 0 : i32
        %dma_start3A_189 = tpu.memref_slice %arg3[%arg0, %add3A_187, %dma_start3A_188] : memref<2x2560x64xi32, #tpu.memory_space<hbm>> -> memref<1x16x64xi32, #tpu.memory_space<hbm>>
        %dma_start3A_190 = tpu.memref_squeeze %dma_start3A_189 : memref<1x16x64xi32, #tpu.memory_space<hbm>> -> memref<16x64xi32, #tpu.memory_space<hbm>>
        %dma_start3A_191 = arith.constant 0 : i32
        %dma_start3A_192 = tpu.memref_slice %arg3[%arg0, %add3A_187, %dma_start3A_191] : memref<2x2560x64xi32, #tpu.memory_space<hbm>> -> memref<1x16x64xi32, #tpu.memory_space<hbm>>
        %dma_start3A_193 = tpu.memref_squeeze %dma_start3A_192 : memref<1x16x64xi32, #tpu.memory_space<hbm>> -> memref<16x64xi32, #tpu.memory_space<hbm>>
        tpu.enqueue_dma source(%dma_start3A_193 : memref<16x64xi32, #tpu.memory_space<hbm>>) target(%arg7 : memref<16x64xi32, #tpu.memory_space<vmem>>) target_semaphore(%arg24 : memref<!tpu.dma_semaphore, #tpu.memory_space<semaphore_mem>>)
        %mul3A_194 = arith.constant 16 : i32
        %mul3A_195 = arith.muli %add3A_184, %mul3A_194 : i32
        %add3A_196 = arith.addi %mul3A_2, %mul3A_195 : i32
        %dma_start3A_197 = arith.constant 0 : i32
        %dma_start3A_198 = tpu.memref_slice %arg4[%arg0, %add3A_196, %dma_start3A_197] : memref<2x2560x64xi32, #tpu.memory_space<hbm>> -> memref<1x16x64xi32, #tpu.memory_space<hbm>>
        %dma_start3A_199 = tpu.memref_squeeze %dma_start3A_198 : memref<1x16x64xi32, #tpu.memory_space<hbm>> -> memref<16x64xi32, #tpu.memory_space<hbm>>
        %dma_start3A_200 = arith.constant 0 : i32
        %dma_start3A_201 = tpu.memref_slice %arg4[%arg0, %add3A_196, %dma_start3A_200] : memref<2x2560x64xi32, #tpu.memory_space<hbm>> -> memref<1x16x64xi32, #tpu.memory_space<hbm>>
        %dma_start3A_202 = tpu.memref_squeeze %dma_start3A_201 : memref<1x16x64xi32, #tpu.memory_space<hbm>> -> memref<16x64xi32, #tpu.memory_space<hbm>>
        tpu.enqueue_dma source(%dma_start3A_202 : memref<16x64xi32, #tpu.memory_space<hbm>>) target(%arg9 : memref<16x64xi32, #tpu.memory_space<vmem>>) target_semaphore(%arg24 : memref<!tpu.dma_semaphore, #tpu.memory_space<semaphore_mem>>)
      } else {
      }
      %dma_start3A_133 = arith.constant 0 : i32
      %dma_start3A_134 = arith.constant 0 : i32
      %dma_start3A_135 = tpu.memref_slice %arg8[%dma_start3A_133, %dma_start3A_134] : memref<16x64xi32, #tpu.memory_space<vmem>> -> memref<1x64xi32, #tpu.memory_space<vmem>>
      %dma_start3A_136 = tpu.memref_squeeze %dma_start3A_135 : memref<1x64xi32, #tpu.memory_space<vmem>> -> memref<64xi32, #tpu.memory_space<vmem>>
      %dma_start3A_137 = arith.constant 0 : i32
      %dma_start3A_138 = arith.constant 0 : i32
      %dma_start3A_139 = tpu.memref_slice %arg2[%dma_start3A_137, %dma_start3A_138] : memref<10000x128xf32, #tpu.memory_space<hbm>> -> memref<10000x128xf32, #tpu.memory_space<hbm>>
      tpu.enqueue_indirect_dma source(%dma_start3A_139 : memref<10000x128xf32, #tpu.memory_space<hbm>>) target(%arg11 : memref<64x128xf32, #tpu.memory_space<vmem>>) offsets(%dma_start3A_136 : memref<64xi32, #tpu.memory_space<vmem>>) semaphore(%arg16 : memref<!tpu.dma_semaphore, #tpu.memory_space<semaphore_mem>>)
      %dma_start3A_140 = arith.constant 1 : i32
      %dma_start3A_141 = arith.constant 0 : i32
      %dma_start3A_142 = tpu.memref_slice %arg8[%dma_start3A_140, %dma_start3A_141] : memref<16x64xi32, #tpu.memory_space<vmem>> -> memref<1x64xi32, #tpu.memory_space<vmem>>
      %dma_start3A_143 = tpu.memref_squeeze %dma_start3A_142 : memref<1x64xi32, #tpu.memory_space<vmem>> -> memref<64xi32, #tpu.memory_space<vmem>>
      %dma_start3A_144 = arith.constant 0 : i32
      %dma_start3A_145 = arith.constant 0 : i32
      %dma_start3A_146 = tpu.memref_slice %arg2[%dma_start3A_144, %dma_start3A_145] : memref<10000x128xf32, #tpu.memory_space<hbm>> -> memref<10000x128xf32, #tpu.memory_space<hbm>>
      tpu.enqueue_indirect_dma source(%dma_start3A_146 : memref<10000x128xf32, #tpu.memory_space<hbm>>) target(%arg12 : memref<64x128xf32, #tpu.memory_space<vmem>>) offsets(%dma_start3A_143 : memref<64xi32, #tpu.memory_space<vmem>>) semaphore(%arg17 : memref<!tpu.dma_semaphore, #tpu.memory_space<semaphore_mem>>)
      %scan3A_147 = arith.constant 0 : i32
      %scan3A_148 = arith.constant 0 : i32
      %scan3A_149 = arith.constant 4 : i32
      %scan3A_150 = arith.addi %scan3A_148, %scan3A_149 : i32
      %scan3A_151 = arith.constant 1 : i32
      %scan3A_152 = scf.for %scan3A_183 = %scan3A_148 to %scan3A_150 step %scan3A_151 iter_args(%scan3A_184 = %scan3A_147) -> (i32)  : i32 {
        %mul3A_185 = arith.constant 4 : i32
        %mul3A_186 = arith.muli %mul3A_185, %scan3A_183 : i32
        %add3A_187 = arith.constant 0 : i32
        %add3A_188 = arith.addi %mul3A_186, %add3A_187 : i32
        %dma_wait3A_189 = arith.constant 0 : i32
        %dma_wait3A_190 = tpu.memref_slice %arg8[%add3A_188, %dma_wait3A_189] : memref<16x64xi32, #tpu.memory_space<vmem>> -> memref<1x64xi32, #tpu.memory_space<vmem>>
        %dma_wait3A_191 = tpu.memref_squeeze %dma_wait3A_190 : memref<1x64xi32, #tpu.memory_space<vmem>> -> memref<64xi32, #tpu.memory_space<vmem>>
        %dma_wait3A_192 = arith.constant 0 : i32
        %dma_wait3A_193 = arith.constant 0 : i32
        %dma_wait3A_194 = tpu.memref_slice %arg2[%dma_wait3A_192, %dma_wait3A_193] : memref<10000x128xf32, #tpu.memory_space<hbm>> -> memref<10000x128xf32, #tpu.memory_space<hbm>>
        tpu.wait_indirect_dma semaphore(%arg16 : memref<!tpu.dma_semaphore, #tpu.memory_space<semaphore_mem>>) src(%dma_wait3A_194 : memref<10000x128xf32, #tpu.memory_space<hbm>>) dst(%arg11 : memref<64x128xf32, #tpu.memory_space<vmem>>)
        %dma_start3A_195 = arith.constant 0 : i32
        %dma_start3A_196 = tpu.memref_slice %arg10[%add3A_188, %dma_start3A_195] : memref<16x64xi32, #tpu.memory_space<vmem>> -> memref<1x64xi32, #tpu.memory_space<vmem>>
        %dma_start3A_197 = tpu.memref_squeeze %dma_start3A_196 : memref<1x64xi32, #tpu.memory_space<vmem>> -> memref<64xi32, #tpu.memory_space<vmem>>
        %dma_start3A_198 = arith.constant 0 : i32
        %dma_start3A_199 = arith.constant 0 : i32
        %dma_start3A_200 = tpu.memref_slice %arg15[%dma_start3A_198, %dma_start3A_199] : memref<10240x128xf32, #tpu.memory_space<vmem_shared>> -> memref<10240x128xf32, #tpu.memory_space<vmem_shared>>
        tpu.enqueue_indirect_dma source(%arg11 : memref<64x128xf32, #tpu.memory_space<vmem>>) target(%dma_start3A_200 : memref<10240x128xf32, #tpu.memory_space<vmem_shared>>) offsets(%dma_start3A_197 : memref<64xi32, #tpu.memory_space<vmem>>) semaphore(%arg20 : memref<!tpu.dma_semaphore, #tpu.memory_space<semaphore_mem>>) {add = true}
        %add3A_201 = arith.constant 2 : i32
        %add3A_202 = arith.addi %add3A_188, %add3A_201 : i32
        %lt3A_203 = arith.constant 16 : i32
        %lt3A_204 = arith.cmpi slt, %add3A_202, %lt3A_203 : i32
        %convert_element_type3A_205 = arith.extui %lt3A_204 : i1 to i32
        %cond3A_206 = arith.constant 0 : i32
        %cond3A_207 = arith.cmpi ne, %convert_element_type3A_205, %cond3A_206 : i32
        scf.if %cond3A_207 {
          %gt3A = arith.constant 1 : i32
          %gt3A_278 = arith.cmpi sgt, %add3A_188, %gt3A : i32
          %convert_element_type3A_279 = arith.extui %gt3A_278 : i1 to i32
          %cond3A_280 = arith.constant 0 : i32
          %cond3A_281 = arith.cmpi ne, %convert_element_type3A_279, %cond3A_280 : i32
          scf.if %cond3A_281 {
            %dma_wait3A_288 = arith.constant 0 : i32
            %dma_wait3A_289 = arith.constant 0 : i32
            %dma_wait3A_290 = tpu.memref_slice %arg10[%dma_wait3A_288, %dma_wait3A_289] : memref<16x64xi32, #tpu.memory_space<vmem>> -> memref<1x64xi32, #tpu.memory_space<vmem>>
            %dma_wait3A_291 = tpu.memref_squeeze %dma_wait3A_290 : memref<1x64xi32, #tpu.memory_space<vmem>> -> memref<64xi32, #tpu.memory_space<vmem>>
            %dma_wait3A_292 = arith.constant 0 : i32
            %dma_wait3A_293 = arith.constant 0 : i32
            %dma_wait3A_294 = tpu.memref_slice %arg15[%dma_wait3A_292, %dma_wait3A_293] : memref<10240x128xf32, #tpu.memory_space<vmem_shared>> -> memref<10240x128xf32, #tpu.memory_space<vmem_shared>>
            tpu.wait_indirect_dma semaphore(%arg22 : memref<!tpu.dma_semaphore, #tpu.memory_space<semaphore_mem>>) src(%arg13 : memref<64x128xf32, #tpu.memory_space<vmem>>) dst(%dma_wait3A_294 : memref<10240x128xf32, #tpu.memory_space<vmem_shared>>)
          } else {
          }
          %dma_start3A_282 = arith.constant 0 : i32
          %dma_start3A_283 = tpu.memref_slice %arg8[%add3A_202, %dma_start3A_282] : memref<16x64xi32, #tpu.memory_space<vmem>> -> memref<1x64xi32, #tpu.memory_space<vmem>>
          %dma_start3A_284 = tpu.memref_squeeze %dma_start3A_283 : memref<1x64xi32, #tpu.memory_space<vmem>> -> memref<64xi32, #tpu.memory_space<vmem>>
          %dma_start3A_285 = arith.constant 0 : i32
          %dma_start3A_286 = arith.constant 0 : i32
          %dma_start3A_287 = tpu.memref_slice %arg2[%dma_start3A_285, %dma_start3A_286] : memref<10000x128xf32, #tpu.memory_space<hbm>> -> memref<10000x128xf32, #tpu.memory_space<hbm>>
          tpu.enqueue_indirect_dma source(%dma_start3A_287 : memref<10000x128xf32, #tpu.memory_space<hbm>>) target(%arg13 : memref<64x128xf32, #tpu.memory_space<vmem>>) offsets(%dma_start3A_284 : memref<64xi32, #tpu.memory_space<vmem>>) semaphore(%arg18 : memref<!tpu.dma_semaphore, #tpu.memory_space<semaphore_mem>>)
        } else {
        }
        %mul3A_208 = arith.constant 4 : i32
        %mul3A_209 = arith.muli %mul3A_208, %scan3A_183 : i32
        %add3A_210 = arith.constant 1 : i32
        %add3A_211 = arith.addi %mul3A_209, %add3A_210 : i32
        %dma_wait3A_212 = arith.constant 0 : i32
        %dma_wait3A_213 = tpu.memref_slice %arg8[%add3A_211, %dma_wait3A_212] : memref<16x64xi32, #tpu.memory_space<vmem>> -> memref<1x64xi32, #tpu.memory_space<vmem>>
        %dma_wait3A_214 = tpu.memref_squeeze %dma_wait3A_213 : memref<1x64xi32, #tpu.memory_space<vmem>> -> memref<64xi32, #tpu.memory_space<vmem>>
        %dma_wait3A_215 = arith.constant 0 : i32
        %dma_wait3A_216 = arith.constant 0 : i32
        %dma_wait3A_217 = tpu.memref_slice %arg2[%dma_wait3A_215, %dma_wait3A_216] : memref<10000x128xf32, #tpu.memory_space<hbm>> -> memref<10000x128xf32, #tpu.memory_space<hbm>>
        tpu.wait_indirect_dma semaphore(%arg17 : memref<!tpu.dma_semaphore, #tpu.memory_space<semaphore_mem>>) src(%dma_wait3A_217 : memref<10000x128xf32, #tpu.memory_space<hbm>>) dst(%arg12 : memref<64x128xf32, #tpu.memory_space<vmem>>)
        %dma_start3A_218 = arith.constant 0 : i32
        %dma_start3A_219 = tpu.memref_slice %arg10[%add3A_211, %dma_start3A_218] : memref<16x64xi32, #tpu.memory_space<vmem>> -> memref<1x64xi32, #tpu.memory_space<vmem>>
        %dma_start3A_220 = tpu.memref_squeeze %dma_start3A_219 : memref<1x64xi32, #tpu.memory_space<vmem>> -> memref<64xi32, #tpu.memory_space<vmem>>
        %dma_start3A_221 = arith.constant 0 : i32
        %dma_start3A_222 = arith.constant 0 : i32
        %dma_start3A_223 = tpu.memref_slice %arg15[%dma_start3A_221, %dma_start3A_222] : memref<10240x128xf32, #tpu.memory_space<vmem_shared>> -> memref<10240x128xf32, #tpu.memory_space<vmem_shared>>
        tpu.enqueue_indirect_dma source(%arg12 : memref<64x128xf32, #tpu.memory_space<vmem>>) target(%dma_start3A_223 : memref<10240x128xf32, #tpu.memory_space<vmem_shared>>) offsets(%dma_start3A_220 : memref<64xi32, #tpu.memory_space<vmem>>) semaphore(%arg21 : memref<!tpu.dma_semaphore, #tpu.memory_space<semaphore_mem>>) {add = true}
        %add3A_224 = arith.constant 2 : i32
        %add3A_225 = arith.addi %add3A_211, %add3A_224 : i32
        %lt3A_226 = arith.constant 16 : i32
        %lt3A_227 = arith.cmpi slt, %add3A_225, %lt3A_226 : i32
        %convert_element_type3A_228 = arith.extui %lt3A_227 : i1 to i32
        %cond3A_229 = arith.constant 0 : i32
        %cond3A_230 = arith.cmpi ne, %convert_element_type3A_228, %cond3A_229 : i32
        scf.if %cond3A_230 {
          %gt3A = arith.constant 1 : i32
          %gt3A_278 = arith.cmpi sgt, %add3A_211, %gt3A : i32
          %convert_element_type3A_279 = arith.extui %gt3A_278 : i1 to i32
          %cond3A_280 = arith.constant 0 : i32
          %cond3A_281 = arith.cmpi ne, %convert_element_type3A_279, %cond3A_280 : i32
          scf.if %cond3A_281 {
            %dma_wait3A_288 = arith.constant 0 : i32
            %dma_wait3A_289 = arith.constant 0 : i32
            %dma_wait3A_290 = tpu.memref_slice %arg10[%dma_wait3A_288, %dma_wait3A_289] : memref<16x64xi32, #tpu.memory_space<vmem>> -> memref<1x64xi32, #tpu.memory_space<vmem>>
            %dma_wait3A_291 = tpu.memref_squeeze %dma_wait3A_290 : memref<1x64xi32, #tpu.memory_space<vmem>> -> memref<64xi32, #tpu.memory_space<vmem>>
            %dma_wait3A_292 = arith.constant 0 : i32
            %dma_wait3A_293 = arith.constant 0 : i32
            %dma_wait3A_294 = tpu.memref_slice %arg15[%dma_wait3A_292, %dma_wait3A_293] : memref<10240x128xf32, #tpu.memory_space<vmem_shared>> -> memref<10240x128xf32, #tpu.memory_space<vmem_shared>>
            tpu.wait_indirect_dma semaphore(%arg23 : memref<!tpu.dma_semaphore, #tpu.memory_space<semaphore_mem>>) src(%arg14 : memref<64x128xf32, #tpu.memory_space<vmem>>) dst(%dma_wait3A_294 : memref<10240x128xf32, #tpu.memory_space<vmem_shared>>)
          } else {
          }
          %dma_start3A_282 = arith.constant 0 : i32
          %dma_start3A_283 = tpu.memref_slice %arg8[%add3A_225, %dma_start3A_282] : memref<16x64xi32, #tpu.memory_space<vmem>> -> memref<1x64xi32, #tpu.memory_space<vmem>>
          %dma_start3A_284 = tpu.memref_squeeze %dma_start3A_283 : memref<1x64xi32, #tpu.memory_space<vmem>> -> memref<64xi32, #tpu.memory_space<vmem>>
          %dma_start3A_285 = arith.constant 0 : i32
          %dma_start3A_286 = arith.constant 0 : i32
          %dma_start3A_287 = tpu.memref_slice %arg2[%dma_start3A_285, %dma_start3A_286] : memref<10000x128xf32, #tpu.memory_space<hbm>> -> memref<10000x128xf32, #tpu.memory_space<hbm>>
          tpu.enqueue_indirect_dma source(%dma_start3A_287 : memref<10000x128xf32, #tpu.memory_space<hbm>>) target(%arg14 : memref<64x128xf32, #tpu.memory_space<vmem>>) offsets(%dma_start3A_284 : memref<64xi32, #tpu.memory_space<vmem>>) semaphore(%arg19 : memref<!tpu.dma_semaphore, #tpu.memory_space<semaphore_mem>>)
        } else {
        }
        %mul3A_231 = arith.constant 4 : i32
        %mul3A_232 = arith.muli %mul3A_231, %scan3A_183 : i32
        %add3A_233 = arith.constant 2 : i32
        %add3A_234 = arith.addi %mul3A_232, %add3A_233 : i32
        %dma_wait3A_235 = arith.constant 0 : i32
        %dma_wait3A_236 = tpu.memref_slice %arg8[%add3A_234, %dma_wait3A_235] : memref<16x64xi32, #tpu.memory_space<vmem>> -> memref<1x64xi32, #tpu.memory_space<vmem>>
        %dma_wait3A_237 = tpu.memref_squeeze %dma_wait3A_236 : memref<1x64xi32, #tpu.memory_space<vmem>> -> memref<64xi32, #tpu.memory_space<vmem>>
        %dma_wait3A_238 = arith.constant 0 : i32
        %dma_wait3A_239 = arith.constant 0 : i32
        %dma_wait3A_240 = tpu.memref_slice %arg2[%dma_wait3A_238, %dma_wait3A_239] : memref<10000x128xf32, #tpu.memory_space<hbm>> -> memref<10000x128xf32, #tpu.memory_space<hbm>>
        tpu.wait_indirect_dma semaphore(%arg18 : memref<!tpu.dma_semaphore, #tpu.memory_space<semaphore_mem>>) src(%dma_wait3A_240 : memref<10000x128xf32, #tpu.memory_space<hbm>>) dst(%arg13 : memref<64x128xf32, #tpu.memory_space<vmem>>)
        %dma_start3A_241 = arith.constant 0 : i32
        %dma_start3A_242 = tpu.memref_slice %arg10[%add3A_234, %dma_start3A_241] : memref<16x64xi32, #tpu.memory_space<vmem>> -> memref<1x64xi32, #tpu.memory_space<vmem>>
        %dma_start3A_243 = tpu.memref_squeeze %dma_start3A_242 : memref<1x64xi32, #tpu.memory_space<vmem>> -> memref<64xi32, #tpu.memory_space<vmem>>
        %dma_start3A_244 = arith.constant 0 : i32
        %dma_start3A_245 = arith.constant 0 : i32
        %dma_start3A_246 = tpu.memref_slice %arg15[%dma_start3A_244, %dma_start3A_245] : memref<10240x128xf32, #tpu.memory_space<vmem_shared>> -> memref<10240x128xf32, #tpu.memory_space<vmem_shared>>
        tpu.enqueue_indirect_dma source(%arg13 : memref<64x128xf32, #tpu.memory_space<vmem>>) target(%dma_start3A_246 : memref<10240x128xf32, #tpu.memory_space<vmem_shared>>) offsets(%dma_start3A_243 : memref<64xi32, #tpu.memory_space<vmem>>) semaphore(%arg22 : memref<!tpu.dma_semaphore, #tpu.memory_space<semaphore_mem>>) {add = true}
        %add3A_247 = arith.constant 2 : i32
        %add3A_248 = arith.addi %add3A_234, %add3A_247 : i32
        %lt3A_249 = arith.constant 16 : i32
        %lt3A_250 = arith.cmpi slt, %add3A_248, %lt3A_249 : i32
        %convert_element_type3A_251 = arith.extui %lt3A_250 : i1 to i32
        %cond3A_252 = arith.constant 0 : i32
        %cond3A_253 = arith.cmpi ne, %convert_element_type3A_251, %cond3A_252 : i32
        scf.if %cond3A_253 {
          %gt3A = arith.constant 1 : i32
          %gt3A_278 = arith.cmpi sgt, %add3A_234, %gt3A : i32
          %convert_element_type3A_279 = arith.extui %gt3A_278 : i1 to i32
          %cond3A_280 = arith.constant 0 : i32
          %cond3A_281 = arith.cmpi ne, %convert_element_type3A_279, %cond3A_280 : i32
          scf.if %cond3A_281 {
            %dma_wait3A_288 = arith.constant 0 : i32
            %dma_wait3A_289 = arith.constant 0 : i32
            %dma_wait3A_290 = tpu.memref_slice %arg10[%dma_wait3A_288, %dma_wait3A_289] : memref<16x64xi32, #tpu.memory_space<vmem>> -> memref<1x64xi32, #tpu.memory_space<vmem>>
            %dma_wait3A_291 = tpu.memref_squeeze %dma_wait3A_290 : memref<1x64xi32, #tpu.memory_space<vmem>> -> memref<64xi32, #tpu.memory_space<vmem>>
            %dma_wait3A_292 = arith.constant 0 : i32
            %dma_wait3A_293 = arith.constant 0 : i32
            %dma_wait3A_294 = tpu.memref_slice %arg15[%dma_wait3A_292, %dma_wait3A_293] : memref<10240x128xf32, #tpu.memory_space<vmem_shared>> -> memref<10240x128xf32, #tpu.memory_space<vmem_shared>>
            tpu.wait_indirect_dma semaphore(%arg20 : memref<!tpu.dma_semaphore, #tpu.memory_space<semaphore_mem>>) src(%arg11 : memref<64x128xf32, #tpu.memory_space<vmem>>) dst(%dma_wait3A_294 : memref<10240x128xf32, #tpu.memory_space<vmem_shared>>)
          } else {
          }
          %dma_start3A_282 = arith.constant 0 : i32
          %dma_start3A_283 = tpu.memref_slice %arg8[%add3A_248, %dma_start3A_282] : memref<16x64xi32, #tpu.memory_space<vmem>> -> memref<1x64xi32, #tpu.memory_space<vmem>>
          %dma_start3A_284 = tpu.memref_squeeze %dma_start3A_283 : memref<1x64xi32, #tpu.memory_space<vmem>> -> memref<64xi32, #tpu.memory_space<vmem>>
          %dma_start3A_285 = arith.constant 0 : i32
          %dma_start3A_286 = arith.constant 0 : i32
          %dma_start3A_287 = tpu.memref_slice %arg2[%dma_start3A_285, %dma_start3A_286] : memref<10000x128xf32, #tpu.memory_space<hbm>> -> memref<10000x128xf32, #tpu.memory_space<hbm>>
          tpu.enqueue_indirect_dma source(%dma_start3A_287 : memref<10000x128xf32, #tpu.memory_space<hbm>>) target(%arg11 : memref<64x128xf32, #tpu.memory_space<vmem>>) offsets(%dma_start3A_284 : memref<64xi32, #tpu.memory_space<vmem>>) semaphore(%arg16 : memref<!tpu.dma_semaphore, #tpu.memory_space<semaphore_mem>>)
        } else {
        }
        %mul3A_254 = arith.constant 4 : i32
        %mul3A_255 = arith.muli %mul3A_254, %scan3A_183 : i32
        %add3A_256 = arith.constant 3 : i32
        %add3A_257 = arith.addi %mul3A_255, %add3A_256 : i32
        %dma_wait3A_258 = arith.constant 0 : i32
        %dma_wait3A_259 = tpu.memref_slice %arg8[%add3A_257, %dma_wait3A_258] : memref<16x64xi32, #tpu.memory_space<vmem>> -> memref<1x64xi32, #tpu.memory_space<vmem>>
        %dma_wait3A_260 = tpu.memref_squeeze %dma_wait3A_259 : memref<1x64xi32, #tpu.memory_space<vmem>> -> memref<64xi32, #tpu.memory_space<vmem>>
        %dma_wait3A_261 = arith.constant 0 : i32
        %dma_wait3A_262 = arith.constant 0 : i32
        %dma_wait3A_263 = tpu.memref_slice %arg2[%dma_wait3A_261, %dma_wait3A_262] : memref<10000x128xf32, #tpu.memory_space<hbm>> -> memref<10000x128xf32, #tpu.memory_space<hbm>>
        tpu.wait_indirect_dma semaphore(%arg19 : memref<!tpu.dma_semaphore, #tpu.memory_space<semaphore_mem>>) src(%dma_wait3A_263 : memref<10000x128xf32, #tpu.memory_space<hbm>>) dst(%arg14 : memref<64x128xf32, #tpu.memory_space<vmem>>)
        %dma_start3A_264 = arith.constant 0 : i32
        %dma_start3A_265 = tpu.memref_slice %arg10[%add3A_257, %dma_start3A_264] : memref<16x64xi32, #tpu.memory_space<vmem>> -> memref<1x64xi32, #tpu.memory_space<vmem>>
        %dma_start3A_266 = tpu.memref_squeeze %dma_start3A_265 : memref<1x64xi32, #tpu.memory_space<vmem>> -> memref<64xi32, #tpu.memory_space<vmem>>
        %dma_start3A_267 = arith.constant 0 : i32
        %dma_start3A_268 = arith.constant 0 : i32
        %dma_start3A_269 = tpu.memref_slice %arg15[%dma_start3A_267, %dma_start3A_268] : memref<10240x128xf32, #tpu.memory_space<vmem_shared>> -> memref<10240x128xf32, #tpu.memory_space<vmem_shared>>
        tpu.enqueue_indirect_dma source(%arg14 : memref<64x128xf32, #tpu.memory_space<vmem>>) target(%dma_start3A_269 : memref<10240x128xf32, #tpu.memory_space<vmem_shared>>) offsets(%dma_start3A_266 : memref<64xi32, #tpu.memory_space<vmem>>) semaphore(%arg23 : memref<!tpu.dma_semaphore, #tpu.memory_space<semaphore_mem>>) {add = true}
        %add3A_270 = arith.constant 2 : i32
        %add3A_271 = arith.addi %add3A_257, %add3A_270 : i32
        %lt3A_272 = arith.constant 16 : i32
        %lt3A_273 = arith.cmpi slt, %add3A_271, %lt3A_272 : i32
        %convert_element_type3A_274 = arith.extui %lt3A_273 : i1 to i32
        %cond3A_275 = arith.constant 0 : i32
        %cond3A_276 = arith.cmpi ne, %convert_element_type3A_274, %cond3A_275 : i32
        scf.if %cond3A_276 {
          %gt3A = arith.constant 1 : i32
          %gt3A_278 = arith.cmpi sgt, %add3A_257, %gt3A : i32
          %convert_element_type3A_279 = arith.extui %gt3A_278 : i1 to i32
          %cond3A_280 = arith.constant 0 : i32
          %cond3A_281 = arith.cmpi ne, %convert_element_type3A_279, %cond3A_280 : i32
          scf.if %cond3A_281 {
            %dma_wait3A_288 = arith.constant 0 : i32
            %dma_wait3A_289 = arith.constant 0 : i32
            %dma_wait3A_290 = tpu.memref_slice %arg10[%dma_wait3A_288, %dma_wait3A_289] : memref<16x64xi32, #tpu.memory_space<vmem>> -> memref<1x64xi32, #tpu.memory_space<vmem>>
            %dma_wait3A_291 = tpu.memref_squeeze %dma_wait3A_290 : memref<1x64xi32, #tpu.memory_space<vmem>> -> memref<64xi32, #tpu.memory_space<vmem>>
            %dma_wait3A_292 = arith.constant 0 : i32
            %dma_wait3A_293 = arith.constant 0 : i32
            %dma_wait3A_294 = tpu.memref_slice %arg15[%dma_wait3A_292, %dma_wait3A_293] : memref<10240x128xf32, #tpu.memory_space<vmem_shared>> -> memref<10240x128xf32, #tpu.memory_space<vmem_shared>>
            tpu.wait_indirect_dma semaphore(%arg21 : memref<!tpu.dma_semaphore, #tpu.memory_space<semaphore_mem>>) src(%arg12 : memref<64x128xf32, #tpu.memory_space<vmem>>) dst(%dma_wait3A_294 : memref<10240x128xf32, #tpu.memory_space<vmem_shared>>)
          } else {
          }
          %dma_start3A_282 = arith.constant 0 : i32
          %dma_start3A_283 = tpu.memref_slice %arg8[%add3A_271, %dma_start3A_282] : memref<16x64xi32, #tpu.memory_space<vmem>> -> memref<1x64xi32, #tpu.memory_space<vmem>>
          %dma_start3A_284 = tpu.memref_squeeze %dma_start3A_283 : memref<1x64xi32, #tpu.memory_space<vmem>> -> memref<64xi32, #tpu.memory_space<vmem>>
          %dma_start3A_285 = arith.constant 0 : i32
          %dma_start3A_286 = arith.constant 0 : i32
          %dma_start3A_287 = tpu.memref_slice %arg2[%dma_start3A_285, %dma_start3A_286] : memref<10000x128xf32, #tpu.memory_space<hbm>> -> memref<10000x128xf32, #tpu.memory_space<hbm>>
          tpu.enqueue_indirect_dma source(%dma_start3A_287 : memref<10000x128xf32, #tpu.memory_space<hbm>>) target(%arg12 : memref<64x128xf32, #tpu.memory_space<vmem>>) offsets(%dma_start3A_284 : memref<64xi32, #tpu.memory_space<vmem>>) semaphore(%arg17 : memref<!tpu.dma_semaphore, #tpu.memory_space<semaphore_mem>>)
        } else {
        }
        %scan3A_277 = arith.constant 0 : i32
        scf.yield %scan3A_277 : i32
      }
      %scan3A_153 = arith.constant 4 : i32
      %dma_wait3A_154 = arith.constant 0 : i32
      %dma_wait3A_155 = arith.constant 0 : i32
      %dma_wait3A_156 = tpu.memref_slice %arg10[%dma_wait3A_154, %dma_wait3A_155] : memref<16x64xi32, #tpu.memory_space<vmem>> -> memref<1x64xi32, #tpu.memory_space<vmem>>
      %dma_wait3A_157 = tpu.memref_squeeze %dma_wait3A_156 : memref<1x64xi32, #tpu.memory_space<vmem>> -> memref<64xi32, #tpu.memory_space<vmem>>
      %dma_wait3A_158 = arith.constant 0 : i32
      %dma_wait3A_159 = arith.constant 0 : i32
      %dma_wait3A_160 = tpu.memref_slice %arg15[%dma_wait3A_158, %dma_wait3A_159] : memref<10240x128xf32, #tpu.memory_space<vmem_shared>> -> memref<10240x128xf32, #tpu.memory_space<vmem_shared>>
      tpu.wait_indirect_dma semaphore(%arg20 : memref<!tpu.dma_semaphore, #tpu.memory_space<semaphore_mem>>) src(%arg11 : memref<64x128xf32, #tpu.memory_space<vmem>>) dst(%dma_wait3A_160 : memref<10240x128xf32, #tpu.memory_space<vmem_shared>>)
      %dma_wait3A_161 = arith.constant 0 : i32
      %dma_wait3A_162 = arith.constant 0 : i32
      %dma_wait3A_163 = tpu.memref_slice %arg10[%dma_wait3A_161, %dma_wait3A_162] : memref<16x64xi32, #tpu.memory_space<vmem>> -> memref<1x64xi32, #tpu.memory_space<vmem>>
      %dma_wait3A_164 = tpu.memref_squeeze %dma_wait3A_163 : memref<1x64xi32, #tpu.memory_space<vmem>> -> memref<64xi32, #tpu.memory_space<vmem>>
      %dma_wait3A_165 = arith.constant 0 : i32
      %dma_wait3A_166 = arith.constant 0 : i32
      %dma_wait3A_167 = tpu.memref_slice %arg15[%dma_wait3A_165, %dma_wait3A_166] : memref<10240x128xf32, #tpu.memory_space<vmem_shared>> -> memref<10240x128xf32, #tpu.memory_space<vmem_shared>>
      tpu.wait_indirect_dma semaphore(%arg21 : memref<!tpu.dma_semaphore, #tpu.memory_space<semaphore_mem>>) src(%arg12 : memref<64x128xf32, #tpu.memory_space<vmem>>) dst(%dma_wait3A_167 : memref<10240x128xf32, #tpu.memory_space<vmem_shared>>)
      %dma_wait3A_168 = arith.constant 0 : i32
      %dma_wait3A_169 = arith.constant 0 : i32
      %dma_wait3A_170 = tpu.memref_slice %arg10[%dma_wait3A_168, %dma_wait3A_169] : memref<16x64xi32, #tpu.memory_space<vmem>> -> memref<1x64xi32, #tpu.memory_space<vmem>>
      %dma_wait3A_171 = tpu.memref_squeeze %dma_wait3A_170 : memref<1x64xi32, #tpu.memory_space<vmem>> -> memref<64xi32, #tpu.memory_space<vmem>>
      %dma_wait3A_172 = arith.constant 0 : i32
      %dma_wait3A_173 = arith.constant 0 : i32
      %dma_wait3A_174 = tpu.memref_slice %arg15[%dma_wait3A_172, %dma_wait3A_173] : memref<10240x128xf32, #tpu.memory_space<vmem_shared>> -> memref<10240x128xf32, #tpu.memory_space<vmem_shared>>
      tpu.wait_indirect_dma semaphore(%arg22 : memref<!tpu.dma_semaphore, #tpu.memory_space<semaphore_mem>>) src(%arg13 : memref<64x128xf32, #tpu.memory_space<vmem>>) dst(%dma_wait3A_174 : memref<10240x128xf32, #tpu.memory_space<vmem_shared>>)
      %dma_wait3A_175 = arith.constant 0 : i32
      %dma_wait3A_176 = arith.constant 0 : i32
      %dma_wait3A_177 = tpu.memref_slice %arg10[%dma_wait3A_175, %dma_wait3A_176] : memref<16x64xi32, #tpu.memory_space<vmem>> -> memref<1x64xi32, #tpu.memory_space<vmem>>
      %dma_wait3A_178 = tpu.memref_squeeze %dma_wait3A_177 : memref<1x64xi32, #tpu.memory_space<vmem>> -> memref<64xi32, #tpu.memory_space<vmem>>
      %dma_wait3A_179 = arith.constant 0 : i32
      %dma_wait3A_180 = arith.constant 0 : i32
      %dma_wait3A_181 = tpu.memref_slice %arg15[%dma_wait3A_179, %dma_wait3A_180] : memref<10240x128xf32, #tpu.memory_space<vmem_shared>> -> memref<10240x128xf32, #tpu.memory_space<vmem_shared>>
      tpu.wait_indirect_dma semaphore(%arg23 : memref<!tpu.dma_semaphore, #tpu.memory_space<semaphore_mem>>) src(%arg14 : memref<64x128xf32, #tpu.memory_space<vmem>>) dst(%dma_wait3A_181 : memref<10240x128xf32, #tpu.memory_space<vmem_shared>>)
      %scan3A_182 = arith.constant 0 : i32
      scf.yield %scan3A_182 : i32
    }
    %scan3A_22 = arith.constant 5 : i32
    %barrier3A_23 = arith.constant 0 : index
    tpu.barrier barrier_id(%barrier3A_23)
    %mul3A_24 = arith.constant 640 : i32
    %mul3A_25 = arith.muli %arg1, %mul3A_24 : i32
    %mul3A_26 = arith.constant 640 : i32
    %mul3A_27 = arith.muli %arg1, %mul3A_26 : i32
    "tpu.region"() ({
      %run_scoped3A = tpu.sem_alloc : memref<!tpu.dma_semaphore, #tpu.memory_space<semaphore_mem>>
      %dma_start3A_28 = arith.constant 0 : i32
      %dma_start3A_29 = tpu.memref_slice %arg6[%arg0, %mul3A_27, %dma_start3A_28] : memref<2x10240x128xf32, #tpu.memory_space<hbm>> -> memref<1x640x128xf32, #tpu.memory_space<hbm>>
      %dma_start3A_30 = tpu.memref_squeeze %dma_start3A_29 : memref<1x640x128xf32, #tpu.memory_space<hbm>> -> memref<640x128xf32, #tpu.memory_space<hbm>>
      %dma_start3A_31 = arith.constant 0 : i32
      %dma_start3A_32 = tpu.memref_slice %arg15[%mul3A_25, %dma_start3A_31] : memref<10240x128xf32, #tpu.memory_space<vmem_shared>> -> memref<640x128xf32, #tpu.memory_space<vmem_shared>>
      tpu.enqueue_dma source(%dma_start3A_32 : memref<640x128xf32, #tpu.memory_space<vmem_shared>>) target(%dma_start3A_30 : memref<640x128xf32, #tpu.memory_space<hbm>>) target_semaphore(%run_scoped3A : memref<!tpu.dma_semaphore, #tpu.memory_space<semaphore_mem>>)
      %dma_wait3A = arith.constant 0 : i32
      %dma_wait3A_33 = tpu.memref_slice %arg6[%arg0, %mul3A_27, %dma_wait3A] : memref<2x10240x128xf32, #tpu.memory_space<hbm>> -> memref<1x640x128xf32, #tpu.memory_space<hbm>>
      %dma_wait3A_34 = tpu.memref_squeeze %dma_wait3A_33 : memref<1x640x128xf32, #tpu.memory_space<hbm>> -> memref<640x128xf32, #tpu.memory_space<hbm>>
      %dma_wait3A_35 = arith.constant 0 : i32
      %dma_wait3A_36 = tpu.memref_slice %arg15[%mul3A_25, %dma_wait3A_35] : memref<10240x128xf32, #tpu.memory_space<vmem_shared>> -> memref<640x128xf32, #tpu.memory_space<vmem_shared>>
      tpu.wait_dma2 semaphore(%run_scoped3A : memref<!tpu.dma_semaphore, #tpu.memory_space<semaphore_mem>>) src(%dma_wait3A_36 : memref<640x128xf32, #tpu.memory_space<vmem_shared>>) dst(%dma_wait3A_34 : memref<640x128xf32, #tpu.memory_space<hbm>>)
      tpu.yield
    }) : () -> ()
    return
  }
}

#map = affine_map<(d0, d1) -> (0, 0)>
#map1 = affine_map<(d0, d1) -> (0, 0, 0)>
module attributes {stable_mosaic.version = 14 : i64} {
  func.func @seg_sum(%arg0: i32, %arg1: i32, %arg2: memref<20480x128xf32, #tpu.memory_space<hbm>>, %arg3: memref<2x5120x64xi32, #tpu.memory_space<hbm>>, %arg4: memref<1x5120x64xi32, #tpu.memory_space<hbm>>, %arg5: memref<640x128xf32, #tpu.memory_space<hbm>>, %arg6: memref<2x10240x128xf32, #tpu.memory_space<hbm>>, %arg7: memref<32x64xi32, #tpu.memory_space<vmem>>, %arg8: memref<32x64xi32, #tpu.memory_space<vmem>>, %arg9: memref<32x64xi32, #tpu.memory_space<vmem>>, %arg10: memref<32x64xi32, #tpu.memory_space<vmem>>, %arg11: memref<64x128xf32, #tpu.memory_space<vmem>>, %arg12: memref<64x128xf32, #tpu.memory_space<vmem>>, %arg13: memref<64x128xf32, #tpu.memory_space<vmem>>, %arg14: memref<64x128xf32, #tpu.memory_space<vmem>>, %arg15: memref<10240x128xf32, #tpu.memory_space<vmem_shared>>, %arg16: memref<!tpu.dma_semaphore, #tpu.memory_space<semaphore_mem>>, %arg17: memref<!tpu.dma_semaphore, #tpu.memory_space<semaphore_mem>>, %arg18: memref<!tpu.dma_semaphore, #tpu.memory_space<semaphore_mem>>, %arg19: memref<!tpu.dma_semaphore, #tpu.memory_space<semaphore_mem>>, %arg20: memref<!tpu.dma_semaphore, #tpu.memory_space<semaphore_mem>>, %arg21: memref<!tpu.dma_semaphore, #tpu.memory_space<semaphore_mem>>, %arg22: memref<!tpu.dma_semaphore, #tpu.memory_space<semaphore_mem>>, %arg23: memref<!tpu.dma_semaphore, #tpu.memory_space<semaphore_mem>>, %arg24: memref<!tpu.dma_semaphore, #tpu.memory_space<semaphore_mem>>, %arg25: memref<!tpu.dma_semaphore, #tpu.memory_space<semaphore_mem>>) attributes {dimension_semantics = [#tpu.dimension_semantics<core_parallel>, #tpu.dimension_semantics<subcore_parallel>], iteration_bounds = array<i64: 2, 16>, scalar_prefetch = 0 : i64, scratch_operands = 19 : i64, tpu.core_type = #tpu.core_type<sc_vector_subcore>, window_params = [{transform_indices = #map}, {transform_indices = #map1}, {transform_indices = #map1}, {transform_indices = #map}, {transform_indices = #map1}]} {
    %mul3A = arith.constant 640 : i32
    %mul3A_0 = arith.muli %arg1, %mul3A : i32
    "tpu.region"() ({
      %run_scoped3A = tpu.sem_alloc : memref<!tpu.dma_semaphore, #tpu.memory_space<semaphore_mem>>
      %dma_start3A_29 = arith.constant 0 : i32
      %dma_start3A_30 = tpu.memref_slice %arg15[%mul3A_0, %dma_start3A_29] : memref<10240x128xf32, #tpu.memory_space<vmem_shared>> -> memref<640x128xf32, #tpu.memory_space<vmem_shared>>
      tpu.enqueue_dma source(%arg5 : memref<640x128xf32, #tpu.memory_space<hbm>>) target(%dma_start3A_30 : memref<640x128xf32, #tpu.memory_space<vmem_shared>>) target_semaphore(%run_scoped3A : memref<!tpu.dma_semaphore, #tpu.memory_space<semaphore_mem>>)
      %dma_wait3A = arith.constant 0 : i32
      %dma_wait3A_31 = tpu.memref_slice %arg15[%mul3A_0, %dma_wait3A] : memref<10240x128xf32, #tpu.memory_space<vmem_shared>> -> memref<640x128xf32, #tpu.memory_space<vmem_shared>>
      tpu.wait_dma2 semaphore(%run_scoped3A : memref<!tpu.dma_semaphore, #tpu.memory_space<semaphore_mem>>) src(%arg5 : memref<640x128xf32, #tpu.memory_space<hbm>>) dst(%dma_wait3A_31 : memref<640x128xf32, #tpu.memory_space<vmem_shared>>)
      tpu.yield
    }) : () -> ()
    %barrier3A = arith.constant 0 : index
    tpu.barrier barrier_id(%barrier3A)
    %mul3A_1 = arith.constant 320 : i32
    %mul3A_2 = arith.muli %arg1, %mul3A_1 : i32
    %add3A = arith.constant 0 : i32
    %add3A_3 = arith.addi %mul3A_2, %add3A : i32
    %dma_start3A = arith.constant 0 : i32
    %dma_start3A_4 = tpu.memref_slice %arg3[%arg0, %add3A_3, %dma_start3A] : memref<2x5120x64xi32, #tpu.memory_space<hbm>> -> memref<1x32x64xi32, #tpu.memory_space<hbm>>
    %dma_start3A_5 = tpu.memref_squeeze %dma_start3A_4 : memref<1x32x64xi32, #tpu.memory_space<hbm>> -> memref<32x64xi32, #tpu.memory_space<hbm>>
    %dma_start3A_6 = arith.constant 0 : i32
    %dma_start3A_7 = tpu.memref_slice %arg3[%arg0, %add3A_3, %dma_start3A_6] : memref<2x5120x64xi32, #tpu.memory_space<hbm>> -> memref<1x32x64xi32, #tpu.memory_space<hbm>>
    %dma_start3A_8 = tpu.memref_squeeze %dma_start3A_7 : memref<1x32x64xi32, #tpu.memory_space<hbm>> -> memref<32x64xi32, #tpu.memory_space<hbm>>
    tpu.enqueue_dma source(%dma_start3A_8 : memref<32x64xi32, #tpu.memory_space<hbm>>) target(%arg7 : memref<32x64xi32, #tpu.memory_space<vmem>>) target_semaphore(%arg24 : memref<!tpu.dma_semaphore, #tpu.memory_space<semaphore_mem>>)
    %add3A_9 = arith.constant 0 : i32
    %add3A_10 = arith.addi %mul3A_2, %add3A_9 : i32
    %dma_start3A_11 = arith.constant 0 : i32
    %dma_start3A_12 = arith.constant 0 : i32
    %dma_start3A_13 = tpu.memref_slice %arg4[%dma_start3A_11, %add3A_10, %dma_start3A_12] : memref<1x5120x64xi32, #tpu.memory_space<hbm>> -> memref<1x32x64xi32, #tpu.memory_space<hbm>>
    %dma_start3A_14 = tpu.memref_squeeze %dma_start3A_13 : memref<1x32x64xi32, #tpu.memory_space<hbm>> -> memref<32x64xi32, #tpu.memory_space<hbm>>
    %dma_start3A_15 = arith.constant 0 : i32
    %dma_start3A_16 = tpu.memref_slice %arg4[%dma_start3A_11, %add3A_10, %dma_start3A_15] : memref<1x5120x64xi32, #tpu.memory_space<hbm>> -> memref<1x32x64xi32, #tpu.memory_space<hbm>>
    %dma_start3A_17 = tpu.memref_squeeze %dma_start3A_16 : memref<1x32x64xi32, #tpu.memory_space<hbm>> -> memref<32x64xi32, #tpu.memory_space<hbm>>
    tpu.enqueue_dma source(%dma_start3A_17 : memref<32x64xi32, #tpu.memory_space<hbm>>) target(%arg9 : memref<32x64xi32, #tpu.memory_space<vmem>>) target_semaphore(%arg24 : memref<!tpu.dma_semaphore, #tpu.memory_space<semaphore_mem>>)
    %scan3A = arith.constant 0 : i32
    %scan3A_18 = arith.constant 0 : i32
    %scan3A_19 = arith.constant 5 : i32
    %scan3A_20 = arith.addi %scan3A_18, %scan3A_19 : i32
    %scan3A_21 = arith.constant 1 : i32
    %scan3A_22 = scf.for %scan3A_29 = %scan3A_18 to %scan3A_20 step %scan3A_21 iter_args(%scan3A_30 = %scan3A) -> (i32)  : i32 {
      %mul3A_31 = arith.constant 2 : i32
      %mul3A_32 = arith.muli %mul3A_31, %scan3A_29 : i32
      %add3A_33 = arith.constant 0 : i32
      %add3A_34 = arith.addi %mul3A_32, %add3A_33 : i32
      %mul3A_35 = arith.constant 32 : i32
      %mul3A_36 = arith.muli %add3A_34, %mul3A_35 : i32
      %add3A_37 = arith.addi %mul3A_2, %mul3A_36 : i32
      %dma_wait3A = arith.constant 0 : i32
      %dma_wait3A_38 = tpu.memref_slice %arg3[%arg0, %add3A_37, %dma_wait3A] : memref<2x5120x64xi32, #tpu.memory_space<hbm>> -> memref<1x32x64xi32, #tpu.memory_space<hbm>>
      %dma_wait3A_39 = tpu.memref_squeeze %dma_wait3A_38 : memref<1x32x64xi32, #tpu.memory_space<hbm>> -> memref<32x64xi32, #tpu.memory_space<hbm>>
      %dma_wait3A_40 = arith.constant 0 : i32
      %dma_wait3A_41 = tpu.memref_slice %arg3[%arg0, %add3A_37, %dma_wait3A_40] : memref<2x5120x64xi32, #tpu.memory_space<hbm>> -> memref<1x32x64xi32, #tpu.memory_space<hbm>>
      %dma_wait3A_42 = tpu.memref_squeeze %dma_wait3A_41 : memref<1x32x64xi32, #tpu.memory_space<hbm>> -> memref<32x64xi32, #tpu.memory_space<hbm>>
      tpu.wait_dma2 semaphore(%arg24 : memref<!tpu.dma_semaphore, #tpu.memory_space<semaphore_mem>>) src(%dma_wait3A_42 : memref<32x64xi32, #tpu.memory_space<hbm>>) dst(%arg7 : memref<32x64xi32, #tpu.memory_space<vmem>>)
      %mul3A_43 = arith.constant 32 : i32
      %mul3A_44 = arith.muli %add3A_34, %mul3A_43 : i32
      %add3A_45 = arith.addi %mul3A_2, %mul3A_44 : i32
      %dma_wait3A_46 = arith.constant 0 : i32
      %dma_wait3A_47 = arith.constant 0 : i32
      %dma_wait3A_48 = tpu.memref_slice %arg4[%dma_wait3A_46, %add3A_45, %dma_wait3A_47] : memref<1x5120x64xi32, #tpu.memory_space<hbm>> -> memref<1x32x64xi32, #tpu.memory_space<hbm>>
      %dma_wait3A_49 = tpu.memref_squeeze %dma_wait3A_48 : memref<1x32x64xi32, #tpu.memory_space<hbm>> -> memref<32x64xi32, #tpu.memory_space<hbm>>
      %dma_wait3A_50 = arith.constant 0 : i32
      %dma_wait3A_51 = tpu.memref_slice %arg4[%dma_wait3A_46, %add3A_45, %dma_wait3A_50] : memref<1x5120x64xi32, #tpu.memory_space<hbm>> -> memref<1x32x64xi32, #tpu.memory_space<hbm>>
      %dma_wait3A_52 = tpu.memref_squeeze %dma_wait3A_51 : memref<1x32x64xi32, #tpu.memory_space<hbm>> -> memref<32x64xi32, #tpu.memory_space<hbm>>
      tpu.wait_dma2 semaphore(%arg24 : memref<!tpu.dma_semaphore, #tpu.memory_space<semaphore_mem>>) src(%dma_wait3A_52 : memref<32x64xi32, #tpu.memory_space<hbm>>) dst(%arg9 : memref<32x64xi32, #tpu.memory_space<vmem>>)
      %add3A_53 = arith.constant 1 : i32
      %add3A_54 = arith.addi %add3A_34, %add3A_53 : i32
      %lt3A = arith.constant 10 : i32
      %lt3A_55 = arith.cmpi slt, %add3A_54, %lt3A : i32
      %convert_element_type3A = arith.extui %lt3A_55 : i1 to i32
      %cond3A = arith.constant 0 : i32
      %cond3A_56 = arith.cmpi ne, %convert_element_type3A, %cond3A : i32
      scf.if %cond3A_56 {
        %add3A_186 = arith.constant 1 : i32
        %add3A_187 = arith.addi %add3A_34, %add3A_186 : i32
        %mul3A_188 = arith.constant 32 : i32
        %mul3A_189 = arith.muli %add3A_187, %mul3A_188 : i32
        %add3A_190 = arith.addi %mul3A_2, %mul3A_189 : i32
        %dma_start3A_191 = arith.constant 0 : i32
        %dma_start3A_192 = tpu.memref_slice %arg3[%arg0, %add3A_190, %dma_start3A_191] : memref<2x5120x64xi32, #tpu.memory_space<hbm>> -> memref<1x32x64xi32, #tpu.memory_space<hbm>>
        %dma_start3A_193 = tpu.memref_squeeze %dma_start3A_192 : memref<1x32x64xi32, #tpu.memory_space<hbm>> -> memref<32x64xi32, #tpu.memory_space<hbm>>
        %dma_start3A_194 = arith.constant 0 : i32
        %dma_start3A_195 = tpu.memref_slice %arg3[%arg0, %add3A_190, %dma_start3A_194] : memref<2x5120x64xi32, #tpu.memory_space<hbm>> -> memref<1x32x64xi32, #tpu.memory_space<hbm>>
        %dma_start3A_196 = tpu.memref_squeeze %dma_start3A_195 : memref<1x32x64xi32, #tpu.memory_space<hbm>> -> memref<32x64xi32, #tpu.memory_space<hbm>>
        tpu.enqueue_dma source(%dma_start3A_196 : memref<32x64xi32, #tpu.memory_space<hbm>>) target(%arg8 : memref<32x64xi32, #tpu.memory_space<vmem>>) target_semaphore(%arg25 : memref<!tpu.dma_semaphore, #tpu.memory_space<semaphore_mem>>)
        %mul3A_197 = arith.constant 32 : i32
        %mul3A_198 = arith.muli %add3A_187, %mul3A_197 : i32
        %add3A_199 = arith.addi %mul3A_2, %mul3A_198 : i32
        %dma_start3A_200 = arith.constant 0 : i32
        %dma_start3A_201 = arith.constant 0 : i32
        %dma_start3A_202 = tpu.memref_slice %arg4[%dma_start3A_200, %add3A_199, %dma_start3A_201] : memref<1x5120x64xi32, #tpu.memory_space<hbm>> -> memref<1x32x64xi32, #tpu.memory_space<hbm>>
        %dma_start3A_203 = tpu.memref_squeeze %dma_start3A_202 : memref<1x32x64xi32, #tpu.memory_space<hbm>> -> memref<32x64xi32, #tpu.memory_space<hbm>>
        %dma_start3A_204 = arith.constant 0 : i32
        %dma_start3A_205 = tpu.memref_slice %arg4[%dma_start3A_200, %add3A_199, %dma_start3A_204] : memref<1x5120x64xi32, #tpu.memory_space<hbm>> -> memref<1x32x64xi32, #tpu.memory_space<hbm>>
        %dma_start3A_206 = tpu.memref_squeeze %dma_start3A_205 : memref<1x32x64xi32, #tpu.memory_space<hbm>> -> memref<32x64xi32, #tpu.memory_space<hbm>>
        tpu.enqueue_dma source(%dma_start3A_206 : memref<32x64xi32, #tpu.memory_space<hbm>>) target(%arg10 : memref<32x64xi32, #tpu.memory_space<vmem>>) target_semaphore(%arg25 : memref<!tpu.dma_semaphore, #tpu.memory_space<semaphore_mem>>)
      } else {
      }
      %dma_start3A_57 = arith.constant 0 : i32
      %dma_start3A_58 = arith.constant 0 : i32
      %dma_start3A_59 = tpu.memref_slice %arg7[%dma_start3A_57, %dma_start3A_58] : memref<32x64xi32, #tpu.memory_space<vmem>> -> memref<1x64xi32, #tpu.memory_space<vmem>>
      %dma_start3A_60 = tpu.memref_squeeze %dma_start3A_59 : memref<1x64xi32, #tpu.memory_space<vmem>> -> memref<64xi32, #tpu.memory_space<vmem>>
      %dma_start3A_61 = arith.constant 0 : i32
      %dma_start3A_62 = arith.constant 0 : i32
      %dma_start3A_63 = tpu.memref_slice %arg2[%dma_start3A_61, %dma_start3A_62] : memref<20480x128xf32, #tpu.memory_space<hbm>> -> memref<20480x128xf32, #tpu.memory_space<hbm>>
      tpu.enqueue_indirect_dma source(%dma_start3A_63 : memref<20480x128xf32, #tpu.memory_space<hbm>>) target(%arg11 : memref<64x128xf32, #tpu.memory_space<vmem>>) offsets(%dma_start3A_60 : memref<64xi32, #tpu.memory_space<vmem>>) semaphore(%arg16 : memref<!tpu.dma_semaphore, #tpu.memory_space<semaphore_mem>>)
      %dma_start3A_64 = arith.constant 1 : i32
      %dma_start3A_65 = arith.constant 0 : i32
      %dma_start3A_66 = tpu.memref_slice %arg7[%dma_start3A_64, %dma_start3A_65] : memref<32x64xi32, #tpu.memory_space<vmem>> -> memref<1x64xi32, #tpu.memory_space<vmem>>
      %dma_start3A_67 = tpu.memref_squeeze %dma_start3A_66 : memref<1x64xi32, #tpu.memory_space<vmem>> -> memref<64xi32, #tpu.memory_space<vmem>>
      %dma_start3A_68 = arith.constant 0 : i32
      %dma_start3A_69 = arith.constant 0 : i32
      %dma_start3A_70 = tpu.memref_slice %arg2[%dma_start3A_68, %dma_start3A_69] : memref<20480x128xf32, #tpu.memory_space<hbm>> -> memref<20480x128xf32, #tpu.memory_space<hbm>>
      tpu.enqueue_indirect_dma source(%dma_start3A_70 : memref<20480x128xf32, #tpu.memory_space<hbm>>) target(%arg12 : memref<64x128xf32, #tpu.memory_space<vmem>>) offsets(%dma_start3A_67 : memref<64xi32, #tpu.memory_space<vmem>>) semaphore(%arg17 : memref<!tpu.dma_semaphore, #tpu.memory_space<semaphore_mem>>)
      %scan3A_71 = arith.constant 0 : i32
      %scan3A_72 = arith.constant 0 : i32
      %scan3A_73 = arith.constant 8 : i32
      %scan3A_74 = arith.addi %scan3A_72, %scan3A_73 : i32
      %scan3A_75 = arith.constant 1 : i32
      %scan3A_76 = scf.for %scan3A_186 = %scan3A_72 to %scan3A_74 step %scan3A_75 iter_args(%scan3A_187 = %scan3A_71) -> (i32)  : i32 {
        %mul3A_188 = arith.constant 4 : i32
        %mul3A_189 = arith.muli %mul3A_188, %scan3A_186 : i32
        %add3A_190 = arith.constant 0 : i32
        %add3A_191 = arith.addi %mul3A_189, %add3A_190 : i32
        %dma_wait3A_192 = arith.constant 0 : i32
        %dma_wait3A_193 = tpu.memref_slice %arg7[%add3A_191, %dma_wait3A_192] : memref<32x64xi32, #tpu.memory_space<vmem>> -> memref<1x64xi32, #tpu.memory_space<vmem>>
        %dma_wait3A_194 = tpu.memref_squeeze %dma_wait3A_193 : memref<1x64xi32, #tpu.memory_space<vmem>> -> memref<64xi32, #tpu.memory_space<vmem>>
        %dma_wait3A_195 = arith.constant 0 : i32
        %dma_wait3A_196 = arith.constant 0 : i32
        %dma_wait3A_197 = tpu.memref_slice %arg2[%dma_wait3A_195, %dma_wait3A_196] : memref<20480x128xf32, #tpu.memory_space<hbm>> -> memref<20480x128xf32, #tpu.memory_space<hbm>>
        tpu.wait_indirect_dma semaphore(%arg16 : memref<!tpu.dma_semaphore, #tpu.memory_space<semaphore_mem>>) src(%dma_wait3A_197 : memref<20480x128xf32, #tpu.memory_space<hbm>>) dst(%arg11 : memref<64x128xf32, #tpu.memory_space<vmem>>)
        %dma_start3A_198 = arith.constant 0 : i32
        %dma_start3A_199 = tpu.memref_slice %arg9[%add3A_191, %dma_start3A_198] : memref<32x64xi32, #tpu.memory_space<vmem>> -> memref<1x64xi32, #tpu.memory_space<vmem>>
        %dma_start3A_200 = tpu.memref_squeeze %dma_start3A_199 : memref<1x64xi32, #tpu.memory_space<vmem>> -> memref<64xi32, #tpu.memory_space<vmem>>
        %dma_start3A_201 = arith.constant 0 : i32
        %dma_start3A_202 = arith.constant 0 : i32
        %dma_start3A_203 = tpu.memref_slice %arg15[%dma_start3A_201, %dma_start3A_202] : memref<10240x128xf32, #tpu.memory_space<vmem_shared>> -> memref<10240x128xf32, #tpu.memory_space<vmem_shared>>
        tpu.enqueue_indirect_dma source(%arg11 : memref<64x128xf32, #tpu.memory_space<vmem>>) target(%dma_start3A_203 : memref<10240x128xf32, #tpu.memory_space<vmem_shared>>) offsets(%dma_start3A_200 : memref<64xi32, #tpu.memory_space<vmem>>) semaphore(%arg20 : memref<!tpu.dma_semaphore, #tpu.memory_space<semaphore_mem>>) {add = true}
        %add3A_204 = arith.constant 2 : i32
        %add3A_205 = arith.addi %add3A_191, %add3A_204 : i32
        %lt3A_206 = arith.constant 32 : i32
        %lt3A_207 = arith.cmpi slt, %add3A_205, %lt3A_206 : i32
        %convert_element_type3A_208 = arith.extui %lt3A_207 : i1 to i32
        %cond3A_209 = arith.constant 0 : i32
        %cond3A_210 = arith.cmpi ne, %convert_element_type3A_208, %cond3A_209 : i32
        scf.if %cond3A_210 {
          %gt3A = arith.constant 1 : i32
          %gt3A_281 = arith.cmpi sgt, %add3A_191, %gt3A : i32
          %convert_element_type3A_282 = arith.extui %gt3A_281 : i1 to i32
          %cond3A_283 = arith.constant 0 : i32
          %cond3A_284 = arith.cmpi ne, %convert_element_type3A_282, %cond3A_283 : i32
          scf.if %cond3A_284 {
            %dma_wait3A_291 = arith.constant 0 : i32
            %dma_wait3A_292 = arith.constant 0 : i32
            %dma_wait3A_293 = tpu.memref_slice %arg9[%dma_wait3A_291, %dma_wait3A_292] : memref<32x64xi32, #tpu.memory_space<vmem>> -> memref<1x64xi32, #tpu.memory_space<vmem>>
            %dma_wait3A_294 = tpu.memref_squeeze %dma_wait3A_293 : memref<1x64xi32, #tpu.memory_space<vmem>> -> memref<64xi32, #tpu.memory_space<vmem>>
            %dma_wait3A_295 = arith.constant 0 : i32
            %dma_wait3A_296 = arith.constant 0 : i32
            %dma_wait3A_297 = tpu.memref_slice %arg15[%dma_wait3A_295, %dma_wait3A_296] : memref<10240x128xf32, #tpu.memory_space<vmem_shared>> -> memref<10240x128xf32, #tpu.memory_space<vmem_shared>>
            tpu.wait_indirect_dma semaphore(%arg22 : memref<!tpu.dma_semaphore, #tpu.memory_space<semaphore_mem>>) src(%arg13 : memref<64x128xf32, #tpu.memory_space<vmem>>) dst(%dma_wait3A_297 : memref<10240x128xf32, #tpu.memory_space<vmem_shared>>)
          } else {
          }
          %dma_start3A_285 = arith.constant 0 : i32
          %dma_start3A_286 = tpu.memref_slice %arg7[%add3A_205, %dma_start3A_285] : memref<32x64xi32, #tpu.memory_space<vmem>> -> memref<1x64xi32, #tpu.memory_space<vmem>>
          %dma_start3A_287 = tpu.memref_squeeze %dma_start3A_286 : memref<1x64xi32, #tpu.memory_space<vmem>> -> memref<64xi32, #tpu.memory_space<vmem>>
          %dma_start3A_288 = arith.constant 0 : i32
          %dma_start3A_289 = arith.constant 0 : i32
          %dma_start3A_290 = tpu.memref_slice %arg2[%dma_start3A_288, %dma_start3A_289] : memref<20480x128xf32, #tpu.memory_space<hbm>> -> memref<20480x128xf32, #tpu.memory_space<hbm>>
          tpu.enqueue_indirect_dma source(%dma_start3A_290 : memref<20480x128xf32, #tpu.memory_space<hbm>>) target(%arg13 : memref<64x128xf32, #tpu.memory_space<vmem>>) offsets(%dma_start3A_287 : memref<64xi32, #tpu.memory_space<vmem>>) semaphore(%arg18 : memref<!tpu.dma_semaphore, #tpu.memory_space<semaphore_mem>>)
        } else {
        }
        %mul3A_211 = arith.constant 4 : i32
        %mul3A_212 = arith.muli %mul3A_211, %scan3A_186 : i32
        %add3A_213 = arith.constant 1 : i32
        %add3A_214 = arith.addi %mul3A_212, %add3A_213 : i32
        %dma_wait3A_215 = arith.constant 0 : i32
        %dma_wait3A_216 = tpu.memref_slice %arg7[%add3A_214, %dma_wait3A_215] : memref<32x64xi32, #tpu.memory_space<vmem>> -> memref<1x64xi32, #tpu.memory_space<vmem>>
        %dma_wait3A_217 = tpu.memref_squeeze %dma_wait3A_216 : memref<1x64xi32, #tpu.memory_space<vmem>> -> memref<64xi32, #tpu.memory_space<vmem>>
        %dma_wait3A_218 = arith.constant 0 : i32
        %dma_wait3A_219 = arith.constant 0 : i32
        %dma_wait3A_220 = tpu.memref_slice %arg2[%dma_wait3A_218, %dma_wait3A_219] : memref<20480x128xf32, #tpu.memory_space<hbm>> -> memref<20480x128xf32, #tpu.memory_space<hbm>>
        tpu.wait_indirect_dma semaphore(%arg17 : memref<!tpu.dma_semaphore, #tpu.memory_space<semaphore_mem>>) src(%dma_wait3A_220 : memref<20480x128xf32, #tpu.memory_space<hbm>>) dst(%arg12 : memref<64x128xf32, #tpu.memory_space<vmem>>)
        %dma_start3A_221 = arith.constant 0 : i32
        %dma_start3A_222 = tpu.memref_slice %arg9[%add3A_214, %dma_start3A_221] : memref<32x64xi32, #tpu.memory_space<vmem>> -> memref<1x64xi32, #tpu.memory_space<vmem>>
        %dma_start3A_223 = tpu.memref_squeeze %dma_start3A_222 : memref<1x64xi32, #tpu.memory_space<vmem>> -> memref<64xi32, #tpu.memory_space<vmem>>
        %dma_start3A_224 = arith.constant 0 : i32
        %dma_start3A_225 = arith.constant 0 : i32
        %dma_start3A_226 = tpu.memref_slice %arg15[%dma_start3A_224, %dma_start3A_225] : memref<10240x128xf32, #tpu.memory_space<vmem_shared>> -> memref<10240x128xf32, #tpu.memory_space<vmem_shared>>
        tpu.enqueue_indirect_dma source(%arg12 : memref<64x128xf32, #tpu.memory_space<vmem>>) target(%dma_start3A_226 : memref<10240x128xf32, #tpu.memory_space<vmem_shared>>) offsets(%dma_start3A_223 : memref<64xi32, #tpu.memory_space<vmem>>) semaphore(%arg21 : memref<!tpu.dma_semaphore, #tpu.memory_space<semaphore_mem>>) {add = true}
        %add3A_227 = arith.constant 2 : i32
        %add3A_228 = arith.addi %add3A_214, %add3A_227 : i32
        %lt3A_229 = arith.constant 32 : i32
        %lt3A_230 = arith.cmpi slt, %add3A_228, %lt3A_229 : i32
        %convert_element_type3A_231 = arith.extui %lt3A_230 : i1 to i32
        %cond3A_232 = arith.constant 0 : i32
        %cond3A_233 = arith.cmpi ne, %convert_element_type3A_231, %cond3A_232 : i32
        scf.if %cond3A_233 {
          %gt3A = arith.constant 1 : i32
          %gt3A_281 = arith.cmpi sgt, %add3A_214, %gt3A : i32
          %convert_element_type3A_282 = arith.extui %gt3A_281 : i1 to i32
          %cond3A_283 = arith.constant 0 : i32
          %cond3A_284 = arith.cmpi ne, %convert_element_type3A_282, %cond3A_283 : i32
          scf.if %cond3A_284 {
            %dma_wait3A_291 = arith.constant 0 : i32
            %dma_wait3A_292 = arith.constant 0 : i32
            %dma_wait3A_293 = tpu.memref_slice %arg9[%dma_wait3A_291, %dma_wait3A_292] : memref<32x64xi32, #tpu.memory_space<vmem>> -> memref<1x64xi32, #tpu.memory_space<vmem>>
            %dma_wait3A_294 = tpu.memref_squeeze %dma_wait3A_293 : memref<1x64xi32, #tpu.memory_space<vmem>> -> memref<64xi32, #tpu.memory_space<vmem>>
            %dma_wait3A_295 = arith.constant 0 : i32
            %dma_wait3A_296 = arith.constant 0 : i32
            %dma_wait3A_297 = tpu.memref_slice %arg15[%dma_wait3A_295, %dma_wait3A_296] : memref<10240x128xf32, #tpu.memory_space<vmem_shared>> -> memref<10240x128xf32, #tpu.memory_space<vmem_shared>>
            tpu.wait_indirect_dma semaphore(%arg23 : memref<!tpu.dma_semaphore, #tpu.memory_space<semaphore_mem>>) src(%arg14 : memref<64x128xf32, #tpu.memory_space<vmem>>) dst(%dma_wait3A_297 : memref<10240x128xf32, #tpu.memory_space<vmem_shared>>)
          } else {
          }
          %dma_start3A_285 = arith.constant 0 : i32
          %dma_start3A_286 = tpu.memref_slice %arg7[%add3A_228, %dma_start3A_285] : memref<32x64xi32, #tpu.memory_space<vmem>> -> memref<1x64xi32, #tpu.memory_space<vmem>>
          %dma_start3A_287 = tpu.memref_squeeze %dma_start3A_286 : memref<1x64xi32, #tpu.memory_space<vmem>> -> memref<64xi32, #tpu.memory_space<vmem>>
          %dma_start3A_288 = arith.constant 0 : i32
          %dma_start3A_289 = arith.constant 0 : i32
          %dma_start3A_290 = tpu.memref_slice %arg2[%dma_start3A_288, %dma_start3A_289] : memref<20480x128xf32, #tpu.memory_space<hbm>> -> memref<20480x128xf32, #tpu.memory_space<hbm>>
          tpu.enqueue_indirect_dma source(%dma_start3A_290 : memref<20480x128xf32, #tpu.memory_space<hbm>>) target(%arg14 : memref<64x128xf32, #tpu.memory_space<vmem>>) offsets(%dma_start3A_287 : memref<64xi32, #tpu.memory_space<vmem>>) semaphore(%arg19 : memref<!tpu.dma_semaphore, #tpu.memory_space<semaphore_mem>>)
        } else {
        }
        %mul3A_234 = arith.constant 4 : i32
        %mul3A_235 = arith.muli %mul3A_234, %scan3A_186 : i32
        %add3A_236 = arith.constant 2 : i32
        %add3A_237 = arith.addi %mul3A_235, %add3A_236 : i32
        %dma_wait3A_238 = arith.constant 0 : i32
        %dma_wait3A_239 = tpu.memref_slice %arg7[%add3A_237, %dma_wait3A_238] : memref<32x64xi32, #tpu.memory_space<vmem>> -> memref<1x64xi32, #tpu.memory_space<vmem>>
        %dma_wait3A_240 = tpu.memref_squeeze %dma_wait3A_239 : memref<1x64xi32, #tpu.memory_space<vmem>> -> memref<64xi32, #tpu.memory_space<vmem>>
        %dma_wait3A_241 = arith.constant 0 : i32
        %dma_wait3A_242 = arith.constant 0 : i32
        %dma_wait3A_243 = tpu.memref_slice %arg2[%dma_wait3A_241, %dma_wait3A_242] : memref<20480x128xf32, #tpu.memory_space<hbm>> -> memref<20480x128xf32, #tpu.memory_space<hbm>>
        tpu.wait_indirect_dma semaphore(%arg18 : memref<!tpu.dma_semaphore, #tpu.memory_space<semaphore_mem>>) src(%dma_wait3A_243 : memref<20480x128xf32, #tpu.memory_space<hbm>>) dst(%arg13 : memref<64x128xf32, #tpu.memory_space<vmem>>)
        %dma_start3A_244 = arith.constant 0 : i32
        %dma_start3A_245 = tpu.memref_slice %arg9[%add3A_237, %dma_start3A_244] : memref<32x64xi32, #tpu.memory_space<vmem>> -> memref<1x64xi32, #tpu.memory_space<vmem>>
        %dma_start3A_246 = tpu.memref_squeeze %dma_start3A_245 : memref<1x64xi32, #tpu.memory_space<vmem>> -> memref<64xi32, #tpu.memory_space<vmem>>
        %dma_start3A_247 = arith.constant 0 : i32
        %dma_start3A_248 = arith.constant 0 : i32
        %dma_start3A_249 = tpu.memref_slice %arg15[%dma_start3A_247, %dma_start3A_248] : memref<10240x128xf32, #tpu.memory_space<vmem_shared>> -> memref<10240x128xf32, #tpu.memory_space<vmem_shared>>
        tpu.enqueue_indirect_dma source(%arg13 : memref<64x128xf32, #tpu.memory_space<vmem>>) target(%dma_start3A_249 : memref<10240x128xf32, #tpu.memory_space<vmem_shared>>) offsets(%dma_start3A_246 : memref<64xi32, #tpu.memory_space<vmem>>) semaphore(%arg22 : memref<!tpu.dma_semaphore, #tpu.memory_space<semaphore_mem>>) {add = true}
        %add3A_250 = arith.constant 2 : i32
        %add3A_251 = arith.addi %add3A_237, %add3A_250 : i32
        %lt3A_252 = arith.constant 32 : i32
        %lt3A_253 = arith.cmpi slt, %add3A_251, %lt3A_252 : i32
        %convert_element_type3A_254 = arith.extui %lt3A_253 : i1 to i32
        %cond3A_255 = arith.constant 0 : i32
        %cond3A_256 = arith.cmpi ne, %convert_element_type3A_254, %cond3A_255 : i32
        scf.if %cond3A_256 {
          %gt3A = arith.constant 1 : i32
          %gt3A_281 = arith.cmpi sgt, %add3A_237, %gt3A : i32
          %convert_element_type3A_282 = arith.extui %gt3A_281 : i1 to i32
          %cond3A_283 = arith.constant 0 : i32
          %cond3A_284 = arith.cmpi ne, %convert_element_type3A_282, %cond3A_283 : i32
          scf.if %cond3A_284 {
            %dma_wait3A_291 = arith.constant 0 : i32
            %dma_wait3A_292 = arith.constant 0 : i32
            %dma_wait3A_293 = tpu.memref_slice %arg9[%dma_wait3A_291, %dma_wait3A_292] : memref<32x64xi32, #tpu.memory_space<vmem>> -> memref<1x64xi32, #tpu.memory_space<vmem>>
            %dma_wait3A_294 = tpu.memref_squeeze %dma_wait3A_293 : memref<1x64xi32, #tpu.memory_space<vmem>> -> memref<64xi32, #tpu.memory_space<vmem>>
            %dma_wait3A_295 = arith.constant 0 : i32
            %dma_wait3A_296 = arith.constant 0 : i32
            %dma_wait3A_297 = tpu.memref_slice %arg15[%dma_wait3A_295, %dma_wait3A_296] : memref<10240x128xf32, #tpu.memory_space<vmem_shared>> -> memref<10240x128xf32, #tpu.memory_space<vmem_shared>>
            tpu.wait_indirect_dma semaphore(%arg20 : memref<!tpu.dma_semaphore, #tpu.memory_space<semaphore_mem>>) src(%arg11 : memref<64x128xf32, #tpu.memory_space<vmem>>) dst(%dma_wait3A_297 : memref<10240x128xf32, #tpu.memory_space<vmem_shared>>)
          } else {
          }
          %dma_start3A_285 = arith.constant 0 : i32
          %dma_start3A_286 = tpu.memref_slice %arg7[%add3A_251, %dma_start3A_285] : memref<32x64xi32, #tpu.memory_space<vmem>> -> memref<1x64xi32, #tpu.memory_space<vmem>>
          %dma_start3A_287 = tpu.memref_squeeze %dma_start3A_286 : memref<1x64xi32, #tpu.memory_space<vmem>> -> memref<64xi32, #tpu.memory_space<vmem>>
          %dma_start3A_288 = arith.constant 0 : i32
          %dma_start3A_289 = arith.constant 0 : i32
          %dma_start3A_290 = tpu.memref_slice %arg2[%dma_start3A_288, %dma_start3A_289] : memref<20480x128xf32, #tpu.memory_space<hbm>> -> memref<20480x128xf32, #tpu.memory_space<hbm>>
          tpu.enqueue_indirect_dma source(%dma_start3A_290 : memref<20480x128xf32, #tpu.memory_space<hbm>>) target(%arg11 : memref<64x128xf32, #tpu.memory_space<vmem>>) offsets(%dma_start3A_287 : memref<64xi32, #tpu.memory_space<vmem>>) semaphore(%arg16 : memref<!tpu.dma_semaphore, #tpu.memory_space<semaphore_mem>>)
        } else {
        }
        %mul3A_257 = arith.constant 4 : i32
        %mul3A_258 = arith.muli %mul3A_257, %scan3A_186 : i32
        %add3A_259 = arith.constant 3 : i32
        %add3A_260 = arith.addi %mul3A_258, %add3A_259 : i32
        %dma_wait3A_261 = arith.constant 0 : i32
        %dma_wait3A_262 = tpu.memref_slice %arg7[%add3A_260, %dma_wait3A_261] : memref<32x64xi32, #tpu.memory_space<vmem>> -> memref<1x64xi32, #tpu.memory_space<vmem>>
        %dma_wait3A_263 = tpu.memref_squeeze %dma_wait3A_262 : memref<1x64xi32, #tpu.memory_space<vmem>> -> memref<64xi32, #tpu.memory_space<vmem>>
        %dma_wait3A_264 = arith.constant 0 : i32
        %dma_wait3A_265 = arith.constant 0 : i32
        %dma_wait3A_266 = tpu.memref_slice %arg2[%dma_wait3A_264, %dma_wait3A_265] : memref<20480x128xf32, #tpu.memory_space<hbm>> -> memref<20480x128xf32, #tpu.memory_space<hbm>>
        tpu.wait_indirect_dma semaphore(%arg19 : memref<!tpu.dma_semaphore, #tpu.memory_space<semaphore_mem>>) src(%dma_wait3A_266 : memref<20480x128xf32, #tpu.memory_space<hbm>>) dst(%arg14 : memref<64x128xf32, #tpu.memory_space<vmem>>)
        %dma_start3A_267 = arith.constant 0 : i32
        %dma_start3A_268 = tpu.memref_slice %arg9[%add3A_260, %dma_start3A_267] : memref<32x64xi32, #tpu.memory_space<vmem>> -> memref<1x64xi32, #tpu.memory_space<vmem>>
        %dma_start3A_269 = tpu.memref_squeeze %dma_start3A_268 : memref<1x64xi32, #tpu.memory_space<vmem>> -> memref<64xi32, #tpu.memory_space<vmem>>
        %dma_start3A_270 = arith.constant 0 : i32
        %dma_start3A_271 = arith.constant 0 : i32
        %dma_start3A_272 = tpu.memref_slice %arg15[%dma_start3A_270, %dma_start3A_271] : memref<10240x128xf32, #tpu.memory_space<vmem_shared>> -> memref<10240x128xf32, #tpu.memory_space<vmem_shared>>
        tpu.enqueue_indirect_dma source(%arg14 : memref<64x128xf32, #tpu.memory_space<vmem>>) target(%dma_start3A_272 : memref<10240x128xf32, #tpu.memory_space<vmem_shared>>) offsets(%dma_start3A_269 : memref<64xi32, #tpu.memory_space<vmem>>) semaphore(%arg23 : memref<!tpu.dma_semaphore, #tpu.memory_space<semaphore_mem>>) {add = true}
        %add3A_273 = arith.constant 2 : i32
        %add3A_274 = arith.addi %add3A_260, %add3A_273 : i32
        %lt3A_275 = arith.constant 32 : i32
        %lt3A_276 = arith.cmpi slt, %add3A_274, %lt3A_275 : i32
        %convert_element_type3A_277 = arith.extui %lt3A_276 : i1 to i32
        %cond3A_278 = arith.constant 0 : i32
        %cond3A_279 = arith.cmpi ne, %convert_element_type3A_277, %cond3A_278 : i32
        scf.if %cond3A_279 {
          %gt3A = arith.constant 1 : i32
          %gt3A_281 = arith.cmpi sgt, %add3A_260, %gt3A : i32
          %convert_element_type3A_282 = arith.extui %gt3A_281 : i1 to i32
          %cond3A_283 = arith.constant 0 : i32
          %cond3A_284 = arith.cmpi ne, %convert_element_type3A_282, %cond3A_283 : i32
          scf.if %cond3A_284 {
            %dma_wait3A_291 = arith.constant 0 : i32
            %dma_wait3A_292 = arith.constant 0 : i32
            %dma_wait3A_293 = tpu.memref_slice %arg9[%dma_wait3A_291, %dma_wait3A_292] : memref<32x64xi32, #tpu.memory_space<vmem>> -> memref<1x64xi32, #tpu.memory_space<vmem>>
            %dma_wait3A_294 = tpu.memref_squeeze %dma_wait3A_293 : memref<1x64xi32, #tpu.memory_space<vmem>> -> memref<64xi32, #tpu.memory_space<vmem>>
            %dma_wait3A_295 = arith.constant 0 : i32
            %dma_wait3A_296 = arith.constant 0 : i32
            %dma_wait3A_297 = tpu.memref_slice %arg15[%dma_wait3A_295, %dma_wait3A_296] : memref<10240x128xf32, #tpu.memory_space<vmem_shared>> -> memref<10240x128xf32, #tpu.memory_space<vmem_shared>>
            tpu.wait_indirect_dma semaphore(%arg21 : memref<!tpu.dma_semaphore, #tpu.memory_space<semaphore_mem>>) src(%arg12 : memref<64x128xf32, #tpu.memory_space<vmem>>) dst(%dma_wait3A_297 : memref<10240x128xf32, #tpu.memory_space<vmem_shared>>)
          } else {
          }
          %dma_start3A_285 = arith.constant 0 : i32
          %dma_start3A_286 = tpu.memref_slice %arg7[%add3A_274, %dma_start3A_285] : memref<32x64xi32, #tpu.memory_space<vmem>> -> memref<1x64xi32, #tpu.memory_space<vmem>>
          %dma_start3A_287 = tpu.memref_squeeze %dma_start3A_286 : memref<1x64xi32, #tpu.memory_space<vmem>> -> memref<64xi32, #tpu.memory_space<vmem>>
          %dma_start3A_288 = arith.constant 0 : i32
          %dma_start3A_289 = arith.constant 0 : i32
          %dma_start3A_290 = tpu.memref_slice %arg2[%dma_start3A_288, %dma_start3A_289] : memref<20480x128xf32, #tpu.memory_space<hbm>> -> memref<20480x128xf32, #tpu.memory_space<hbm>>
          tpu.enqueue_indirect_dma source(%dma_start3A_290 : memref<20480x128xf32, #tpu.memory_space<hbm>>) target(%arg12 : memref<64x128xf32, #tpu.memory_space<vmem>>) offsets(%dma_start3A_287 : memref<64xi32, #tpu.memory_space<vmem>>) semaphore(%arg17 : memref<!tpu.dma_semaphore, #tpu.memory_space<semaphore_mem>>)
        } else {
        }
        %scan3A_280 = arith.constant 0 : i32
        scf.yield %scan3A_280 : i32
      }
      %scan3A_77 = arith.constant 8 : i32
      %dma_wait3A_78 = arith.constant 0 : i32
      %dma_wait3A_79 = arith.constant 0 : i32
      %dma_wait3A_80 = tpu.memref_slice %arg9[%dma_wait3A_78, %dma_wait3A_79] : memref<32x64xi32, #tpu.memory_space<vmem>> -> memref<1x64xi32, #tpu.memory_space<vmem>>
      %dma_wait3A_81 = tpu.memref_squeeze %dma_wait3A_80 : memref<1x64xi32, #tpu.memory_space<vmem>> -> memref<64xi32, #tpu.memory_space<vmem>>
      %dma_wait3A_82 = arith.constant 0 : i32
      %dma_wait3A_83 = arith.constant 0 : i32
      %dma_wait3A_84 = tpu.memref_slice %arg15[%dma_wait3A_82, %dma_wait3A_83] : memref<10240x128xf32, #tpu.memory_space<vmem_shared>> -> memref<10240x128xf32, #tpu.memory_space<vmem_shared>>
      tpu.wait_indirect_dma semaphore(%arg20 : memref<!tpu.dma_semaphore, #tpu.memory_space<semaphore_mem>>) src(%arg11 : memref<64x128xf32, #tpu.memory_space<vmem>>) dst(%dma_wait3A_84 : memref<10240x128xf32, #tpu.memory_space<vmem_shared>>)
      %dma_wait3A_85 = arith.constant 0 : i32
      %dma_wait3A_86 = arith.constant 0 : i32
      %dma_wait3A_87 = tpu.memref_slice %arg9[%dma_wait3A_85, %dma_wait3A_86] : memref<32x64xi32, #tpu.memory_space<vmem>> -> memref<1x64xi32, #tpu.memory_space<vmem>>
      %dma_wait3A_88 = tpu.memref_squeeze %dma_wait3A_87 : memref<1x64xi32, #tpu.memory_space<vmem>> -> memref<64xi32, #tpu.memory_space<vmem>>
      %dma_wait3A_89 = arith.constant 0 : i32
      %dma_wait3A_90 = arith.constant 0 : i32
      %dma_wait3A_91 = tpu.memref_slice %arg15[%dma_wait3A_89, %dma_wait3A_90] : memref<10240x128xf32, #tpu.memory_space<vmem_shared>> -> memref<10240x128xf32, #tpu.memory_space<vmem_shared>>
      tpu.wait_indirect_dma semaphore(%arg21 : memref<!tpu.dma_semaphore, #tpu.memory_space<semaphore_mem>>) src(%arg12 : memref<64x128xf32, #tpu.memory_space<vmem>>) dst(%dma_wait3A_91 : memref<10240x128xf32, #tpu.memory_space<vmem_shared>>)
      %dma_wait3A_92 = arith.constant 0 : i32
      %dma_wait3A_93 = arith.constant 0 : i32
      %dma_wait3A_94 = tpu.memref_slice %arg9[%dma_wait3A_92, %dma_wait3A_93] : memref<32x64xi32, #tpu.memory_space<vmem>> -> memref<1x64xi32, #tpu.memory_space<vmem>>
      %dma_wait3A_95 = tpu.memref_squeeze %dma_wait3A_94 : memref<1x64xi32, #tpu.memory_space<vmem>> -> memref<64xi32, #tpu.memory_space<vmem>>
      %dma_wait3A_96 = arith.constant 0 : i32
      %dma_wait3A_97 = arith.constant 0 : i32
      %dma_wait3A_98 = tpu.memref_slice %arg15[%dma_wait3A_96, %dma_wait3A_97] : memref<10240x128xf32, #tpu.memory_space<vmem_shared>> -> memref<10240x128xf32, #tpu.memory_space<vmem_shared>>
      tpu.wait_indirect_dma semaphore(%arg22 : memref<!tpu.dma_semaphore, #tpu.memory_space<semaphore_mem>>) src(%arg13 : memref<64x128xf32, #tpu.memory_space<vmem>>) dst(%dma_wait3A_98 : memref<10240x128xf32, #tpu.memory_space<vmem_shared>>)
      %dma_wait3A_99 = arith.constant 0 : i32
      %dma_wait3A_100 = arith.constant 0 : i32
      %dma_wait3A_101 = tpu.memref_slice %arg9[%dma_wait3A_99, %dma_wait3A_100] : memref<32x64xi32, #tpu.memory_space<vmem>> -> memref<1x64xi32, #tpu.memory_space<vmem>>
      %dma_wait3A_102 = tpu.memref_squeeze %dma_wait3A_101 : memref<1x64xi32, #tpu.memory_space<vmem>> -> memref<64xi32, #tpu.memory_space<vmem>>
      %dma_wait3A_103 = arith.constant 0 : i32
      %dma_wait3A_104 = arith.constant 0 : i32
      %dma_wait3A_105 = tpu.memref_slice %arg15[%dma_wait3A_103, %dma_wait3A_104] : memref<10240x128xf32, #tpu.memory_space<vmem_shared>> -> memref<10240x128xf32, #tpu.memory_space<vmem_shared>>
      tpu.wait_indirect_dma semaphore(%arg23 : memref<!tpu.dma_semaphore, #tpu.memory_space<semaphore_mem>>) src(%arg14 : memref<64x128xf32, #tpu.memory_space<vmem>>) dst(%dma_wait3A_105 : memref<10240x128xf32, #tpu.memory_space<vmem_shared>>)
      %mul3A_106 = arith.constant 2 : i32
      %mul3A_107 = arith.muli %mul3A_106, %scan3A_29 : i32
      %add3A_108 = arith.constant 1 : i32
      %add3A_109 = arith.addi %mul3A_107, %add3A_108 : i32
      %mul3A_110 = arith.constant 32 : i32
      %mul3A_111 = arith.muli %add3A_109, %mul3A_110 : i32
      %add3A_112 = arith.addi %mul3A_2, %mul3A_111 : i32
      %dma_wait3A_113 = arith.constant 0 : i32
      %dma_wait3A_114 = tpu.memref_slice %arg3[%arg0, %add3A_112, %dma_wait3A_113] : memref<2x5120x64xi32, #tpu.memory_space<hbm>> -> memref<1x32x64xi32, #tpu.memory_space<hbm>>
      %dma_wait3A_115 = tpu.memref_squeeze %dma_wait3A_114 : memref<1x32x64xi32, #tpu.memory_space<hbm>> -> memref<32x64xi32, #tpu.memory_space<hbm>>
      %dma_wait3A_116 = arith.constant 0 : i32
      %dma_wait3A_117 = tpu.memref_slice %arg3[%arg0, %add3A_112, %dma_wait3A_116] : memref<2x5120x64xi32, #tpu.memory_space<hbm>> -> memref<1x32x64xi32, #tpu.memory_space<hbm>>
      %dma_wait3A_118 = tpu.memref_squeeze %dma_wait3A_117 : memref<1x32x64xi32, #tpu.memory_space<hbm>> -> memref<32x64xi32, #tpu.memory_space<hbm>>
      tpu.wait_dma2 semaphore(%arg25 : memref<!tpu.dma_semaphore, #tpu.memory_space<semaphore_mem>>) src(%dma_wait3A_118 : memref<32x64xi32, #tpu.memory_space<hbm>>) dst(%arg8 : memref<32x64xi32, #tpu.memory_space<vmem>>)
      %mul3A_119 = arith.constant 32 : i32
      %mul3A_120 = arith.muli %add3A_109, %mul3A_119 : i32
      %add3A_121 = arith.addi %mul3A_2, %mul3A_120 : i32
      %dma_wait3A_122 = arith.constant 0 : i32
      %dma_wait3A_123 = arith.constant 0 : i32
      %dma_wait3A_124 = tpu.memref_slice %arg4[%dma_wait3A_122, %add3A_121, %dma_wait3A_123] : memref<1x5120x64xi32, #tpu.memory_space<hbm>> -> memref<1x32x64xi32, #tpu.memory_space<hbm>>
      %dma_wait3A_125 = tpu.memref_squeeze %dma_wait3A_124 : memref<1x32x64xi32, #tpu.memory_space<hbm>> -> memref<32x64xi32, #tpu.memory_space<hbm>>
      %dma_wait3A_126 = arith.constant 0 : i32
      %dma_wait3A_127 = tpu.memref_slice %arg4[%dma_wait3A_122, %add3A_121, %dma_wait3A_126] : memref<1x5120x64xi32, #tpu.memory_space<hbm>> -> memref<1x32x64xi32, #tpu.memory_space<hbm>>
      %dma_wait3A_128 = tpu.memref_squeeze %dma_wait3A_127 : memref<1x32x64xi32, #tpu.memory_space<hbm>> -> memref<32x64xi32, #tpu.memory_space<hbm>>
      tpu.wait_dma2 semaphore(%arg25 : memref<!tpu.dma_semaphore, #tpu.memory_space<semaphore_mem>>) src(%dma_wait3A_128 : memref<32x64xi32, #tpu.memory_space<hbm>>) dst(%arg10 : memref<32x64xi32, #tpu.memory_space<vmem>>)
      %add3A_129 = arith.constant 1 : i32
      %add3A_130 = arith.addi %add3A_109, %add3A_129 : i32
      %lt3A_131 = arith.constant 10 : i32
      %lt3A_132 = arith.cmpi slt, %add3A_130, %lt3A_131 : i32
      %convert_element_type3A_133 = arith.extui %lt3A_132 : i1 to i32
      %cond3A_134 = arith.constant 0 : i32
      %cond3A_135 = arith.cmpi ne, %convert_element_type3A_133, %cond3A_134 : i32
      scf.if %cond3A_135 {
        %add3A_186 = arith.constant 1 : i32
        %add3A_187 = arith.addi %add3A_109, %add3A_186 : i32
        %mul3A_188 = arith.constant 32 : i32
        %mul3A_189 = arith.muli %add3A_187, %mul3A_188 : i32
        %add3A_190 = arith.addi %mul3A_2, %mul3A_189 : i32
        %dma_start3A_191 = arith.constant 0 : i32
        %dma_start3A_192 = tpu.memref_slice %arg3[%arg0, %add3A_190, %dma_start3A_191] : memref<2x5120x64xi32, #tpu.memory_space<hbm>> -> memref<1x32x64xi32, #tpu.memory_space<hbm>>
        %dma_start3A_193 = tpu.memref_squeeze %dma_start3A_192 : memref<1x32x64xi32, #tpu.memory_space<hbm>> -> memref<32x64xi32, #tpu.memory_space<hbm>>
        %dma_start3A_194 = arith.constant 0 : i32
        %dma_start3A_195 = tpu.memref_slice %arg3[%arg0, %add3A_190, %dma_start3A_194] : memref<2x5120x64xi32, #tpu.memory_space<hbm>> -> memref<1x32x64xi32, #tpu.memory_space<hbm>>
        %dma_start3A_196 = tpu.memref_squeeze %dma_start3A_195 : memref<1x32x64xi32, #tpu.memory_space<hbm>> -> memref<32x64xi32, #tpu.memory_space<hbm>>
        tpu.enqueue_dma source(%dma_start3A_196 : memref<32x64xi32, #tpu.memory_space<hbm>>) target(%arg7 : memref<32x64xi32, #tpu.memory_space<vmem>>) target_semaphore(%arg24 : memref<!tpu.dma_semaphore, #tpu.memory_space<semaphore_mem>>)
        %mul3A_197 = arith.constant 32 : i32
        %mul3A_198 = arith.muli %add3A_187, %mul3A_197 : i32
        %add3A_199 = arith.addi %mul3A_2, %mul3A_198 : i32
        %dma_start3A_200 = arith.constant 0 : i32
        %dma_start3A_201 = arith.constant 0 : i32
        %dma_start3A_202 = tpu.memref_slice %arg4[%dma_start3A_200, %add3A_199, %dma_start3A_201] : memref<1x5120x64xi32, #tpu.memory_space<hbm>> -> memref<1x32x64xi32, #tpu.memory_space<hbm>>
        %dma_start3A_203 = tpu.memref_squeeze %dma_start3A_202 : memref<1x32x64xi32, #tpu.memory_space<hbm>> -> memref<32x64xi32, #tpu.memory_space<hbm>>
        %dma_start3A_204 = arith.constant 0 : i32
        %dma_start3A_205 = tpu.memref_slice %arg4[%dma_start3A_200, %add3A_199, %dma_start3A_204] : memref<1x5120x64xi32, #tpu.memory_space<hbm>> -> memref<1x32x64xi32, #tpu.memory_space<hbm>>
        %dma_start3A_206 = tpu.memref_squeeze %dma_start3A_205 : memref<1x32x64xi32, #tpu.memory_space<hbm>> -> memref<32x64xi32, #tpu.memory_space<hbm>>
        tpu.enqueue_dma source(%dma_start3A_206 : memref<32x64xi32, #tpu.memory_space<hbm>>) target(%arg9 : memref<32x64xi32, #tpu.memory_space<vmem>>) target_semaphore(%arg24 : memref<!tpu.dma_semaphore, #tpu.memory_space<semaphore_mem>>)
      } else {
      }
      %dma_start3A_136 = arith.constant 0 : i32
      %dma_start3A_137 = arith.constant 0 : i32
      %dma_start3A_138 = tpu.memref_slice %arg8[%dma_start3A_136, %dma_start3A_137] : memref<32x64xi32, #tpu.memory_space<vmem>> -> memref<1x64xi32, #tpu.memory_space<vmem>>
      %dma_start3A_139 = tpu.memref_squeeze %dma_start3A_138 : memref<1x64xi32, #tpu.memory_space<vmem>> -> memref<64xi32, #tpu.memory_space<vmem>>
      %dma_start3A_140 = arith.constant 0 : i32
      %dma_start3A_141 = arith.constant 0 : i32
      %dma_start3A_142 = tpu.memref_slice %arg2[%dma_start3A_140, %dma_start3A_141] : memref<20480x128xf32, #tpu.memory_space<hbm>> -> memref<20480x128xf32, #tpu.memory_space<hbm>>
      tpu.enqueue_indirect_dma source(%dma_start3A_142 : memref<20480x128xf32, #tpu.memory_space<hbm>>) target(%arg11 : memref<64x128xf32, #tpu.memory_space<vmem>>) offsets(%dma_start3A_139 : memref<64xi32, #tpu.memory_space<vmem>>) semaphore(%arg16 : memref<!tpu.dma_semaphore, #tpu.memory_space<semaphore_mem>>)
      %dma_start3A_143 = arith.constant 1 : i32
      %dma_start3A_144 = arith.constant 0 : i32
      %dma_start3A_145 = tpu.memref_slice %arg8[%dma_start3A_143, %dma_start3A_144] : memref<32x64xi32, #tpu.memory_space<vmem>> -> memref<1x64xi32, #tpu.memory_space<vmem>>
      %dma_start3A_146 = tpu.memref_squeeze %dma_start3A_145 : memref<1x64xi32, #tpu.memory_space<vmem>> -> memref<64xi32, #tpu.memory_space<vmem>>
      %dma_start3A_147 = arith.constant 0 : i32
      %dma_start3A_148 = arith.constant 0 : i32
      %dma_start3A_149 = tpu.memref_slice %arg2[%dma_start3A_147, %dma_start3A_148] : memref<20480x128xf32, #tpu.memory_space<hbm>> -> memref<20480x128xf32, #tpu.memory_space<hbm>>
      tpu.enqueue_indirect_dma source(%dma_start3A_149 : memref<20480x128xf32, #tpu.memory_space<hbm>>) target(%arg12 : memref<64x128xf32, #tpu.memory_space<vmem>>) offsets(%dma_start3A_146 : memref<64xi32, #tpu.memory_space<vmem>>) semaphore(%arg17 : memref<!tpu.dma_semaphore, #tpu.memory_space<semaphore_mem>>)
      %scan3A_150 = arith.constant 0 : i32
      %scan3A_151 = arith.constant 0 : i32
      %scan3A_152 = arith.constant 8 : i32
      %scan3A_153 = arith.addi %scan3A_151, %scan3A_152 : i32
      %scan3A_154 = arith.constant 1 : i32
      %scan3A_155 = scf.for %scan3A_186 = %scan3A_151 to %scan3A_153 step %scan3A_154 iter_args(%scan3A_187 = %scan3A_150) -> (i32)  : i32 {
        %mul3A_188 = arith.constant 4 : i32
        %mul3A_189 = arith.muli %mul3A_188, %scan3A_186 : i32
        %add3A_190 = arith.constant 0 : i32
        %add3A_191 = arith.addi %mul3A_189, %add3A_190 : i32
        %dma_wait3A_192 = arith.constant 0 : i32
        %dma_wait3A_193 = tpu.memref_slice %arg8[%add3A_191, %dma_wait3A_192] : memref<32x64xi32, #tpu.memory_space<vmem>> -> memref<1x64xi32, #tpu.memory_space<vmem>>
        %dma_wait3A_194 = tpu.memref_squeeze %dma_wait3A_193 : memref<1x64xi32, #tpu.memory_space<vmem>> -> memref<64xi32, #tpu.memory_space<vmem>>
        %dma_wait3A_195 = arith.constant 0 : i32
        %dma_wait3A_196 = arith.constant 0 : i32
        %dma_wait3A_197 = tpu.memref_slice %arg2[%dma_wait3A_195, %dma_wait3A_196] : memref<20480x128xf32, #tpu.memory_space<hbm>> -> memref<20480x128xf32, #tpu.memory_space<hbm>>
        tpu.wait_indirect_dma semaphore(%arg16 : memref<!tpu.dma_semaphore, #tpu.memory_space<semaphore_mem>>) src(%dma_wait3A_197 : memref<20480x128xf32, #tpu.memory_space<hbm>>) dst(%arg11 : memref<64x128xf32, #tpu.memory_space<vmem>>)
        %dma_start3A_198 = arith.constant 0 : i32
        %dma_start3A_199 = tpu.memref_slice %arg10[%add3A_191, %dma_start3A_198] : memref<32x64xi32, #tpu.memory_space<vmem>> -> memref<1x64xi32, #tpu.memory_space<vmem>>
        %dma_start3A_200 = tpu.memref_squeeze %dma_start3A_199 : memref<1x64xi32, #tpu.memory_space<vmem>> -> memref<64xi32, #tpu.memory_space<vmem>>
        %dma_start3A_201 = arith.constant 0 : i32
        %dma_start3A_202 = arith.constant 0 : i32
        %dma_start3A_203 = tpu.memref_slice %arg15[%dma_start3A_201, %dma_start3A_202] : memref<10240x128xf32, #tpu.memory_space<vmem_shared>> -> memref<10240x128xf32, #tpu.memory_space<vmem_shared>>
        tpu.enqueue_indirect_dma source(%arg11 : memref<64x128xf32, #tpu.memory_space<vmem>>) target(%dma_start3A_203 : memref<10240x128xf32, #tpu.memory_space<vmem_shared>>) offsets(%dma_start3A_200 : memref<64xi32, #tpu.memory_space<vmem>>) semaphore(%arg20 : memref<!tpu.dma_semaphore, #tpu.memory_space<semaphore_mem>>) {add = true}
        %add3A_204 = arith.constant 2 : i32
        %add3A_205 = arith.addi %add3A_191, %add3A_204 : i32
        %lt3A_206 = arith.constant 32 : i32
        %lt3A_207 = arith.cmpi slt, %add3A_205, %lt3A_206 : i32
        %convert_element_type3A_208 = arith.extui %lt3A_207 : i1 to i32
        %cond3A_209 = arith.constant 0 : i32
        %cond3A_210 = arith.cmpi ne, %convert_element_type3A_208, %cond3A_209 : i32
        scf.if %cond3A_210 {
          %gt3A = arith.constant 1 : i32
          %gt3A_281 = arith.cmpi sgt, %add3A_191, %gt3A : i32
          %convert_element_type3A_282 = arith.extui %gt3A_281 : i1 to i32
          %cond3A_283 = arith.constant 0 : i32
          %cond3A_284 = arith.cmpi ne, %convert_element_type3A_282, %cond3A_283 : i32
          scf.if %cond3A_284 {
            %dma_wait3A_291 = arith.constant 0 : i32
            %dma_wait3A_292 = arith.constant 0 : i32
            %dma_wait3A_293 = tpu.memref_slice %arg10[%dma_wait3A_291, %dma_wait3A_292] : memref<32x64xi32, #tpu.memory_space<vmem>> -> memref<1x64xi32, #tpu.memory_space<vmem>>
            %dma_wait3A_294 = tpu.memref_squeeze %dma_wait3A_293 : memref<1x64xi32, #tpu.memory_space<vmem>> -> memref<64xi32, #tpu.memory_space<vmem>>
            %dma_wait3A_295 = arith.constant 0 : i32
            %dma_wait3A_296 = arith.constant 0 : i32
            %dma_wait3A_297 = tpu.memref_slice %arg15[%dma_wait3A_295, %dma_wait3A_296] : memref<10240x128xf32, #tpu.memory_space<vmem_shared>> -> memref<10240x128xf32, #tpu.memory_space<vmem_shared>>
            tpu.wait_indirect_dma semaphore(%arg22 : memref<!tpu.dma_semaphore, #tpu.memory_space<semaphore_mem>>) src(%arg13 : memref<64x128xf32, #tpu.memory_space<vmem>>) dst(%dma_wait3A_297 : memref<10240x128xf32, #tpu.memory_space<vmem_shared>>)
          } else {
          }
          %dma_start3A_285 = arith.constant 0 : i32
          %dma_start3A_286 = tpu.memref_slice %arg8[%add3A_205, %dma_start3A_285] : memref<32x64xi32, #tpu.memory_space<vmem>> -> memref<1x64xi32, #tpu.memory_space<vmem>>
          %dma_start3A_287 = tpu.memref_squeeze %dma_start3A_286 : memref<1x64xi32, #tpu.memory_space<vmem>> -> memref<64xi32, #tpu.memory_space<vmem>>
          %dma_start3A_288 = arith.constant 0 : i32
          %dma_start3A_289 = arith.constant 0 : i32
          %dma_start3A_290 = tpu.memref_slice %arg2[%dma_start3A_288, %dma_start3A_289] : memref<20480x128xf32, #tpu.memory_space<hbm>> -> memref<20480x128xf32, #tpu.memory_space<hbm>>
          tpu.enqueue_indirect_dma source(%dma_start3A_290 : memref<20480x128xf32, #tpu.memory_space<hbm>>) target(%arg13 : memref<64x128xf32, #tpu.memory_space<vmem>>) offsets(%dma_start3A_287 : memref<64xi32, #tpu.memory_space<vmem>>) semaphore(%arg18 : memref<!tpu.dma_semaphore, #tpu.memory_space<semaphore_mem>>)
        } else {
        }
        %mul3A_211 = arith.constant 4 : i32
        %mul3A_212 = arith.muli %mul3A_211, %scan3A_186 : i32
        %add3A_213 = arith.constant 1 : i32
        %add3A_214 = arith.addi %mul3A_212, %add3A_213 : i32
        %dma_wait3A_215 = arith.constant 0 : i32
        %dma_wait3A_216 = tpu.memref_slice %arg8[%add3A_214, %dma_wait3A_215] : memref<32x64xi32, #tpu.memory_space<vmem>> -> memref<1x64xi32, #tpu.memory_space<vmem>>
        %dma_wait3A_217 = tpu.memref_squeeze %dma_wait3A_216 : memref<1x64xi32, #tpu.memory_space<vmem>> -> memref<64xi32, #tpu.memory_space<vmem>>
        %dma_wait3A_218 = arith.constant 0 : i32
        %dma_wait3A_219 = arith.constant 0 : i32
        %dma_wait3A_220 = tpu.memref_slice %arg2[%dma_wait3A_218, %dma_wait3A_219] : memref<20480x128xf32, #tpu.memory_space<hbm>> -> memref<20480x128xf32, #tpu.memory_space<hbm>>
        tpu.wait_indirect_dma semaphore(%arg17 : memref<!tpu.dma_semaphore, #tpu.memory_space<semaphore_mem>>) src(%dma_wait3A_220 : memref<20480x128xf32, #tpu.memory_space<hbm>>) dst(%arg12 : memref<64x128xf32, #tpu.memory_space<vmem>>)
        %dma_start3A_221 = arith.constant 0 : i32
        %dma_start3A_222 = tpu.memref_slice %arg10[%add3A_214, %dma_start3A_221] : memref<32x64xi32, #tpu.memory_space<vmem>> -> memref<1x64xi32, #tpu.memory_space<vmem>>
        %dma_start3A_223 = tpu.memref_squeeze %dma_start3A_222 : memref<1x64xi32, #tpu.memory_space<vmem>> -> memref<64xi32, #tpu.memory_space<vmem>>
        %dma_start3A_224 = arith.constant 0 : i32
        %dma_start3A_225 = arith.constant 0 : i32
        %dma_start3A_226 = tpu.memref_slice %arg15[%dma_start3A_224, %dma_start3A_225] : memref<10240x128xf32, #tpu.memory_space<vmem_shared>> -> memref<10240x128xf32, #tpu.memory_space<vmem_shared>>
        tpu.enqueue_indirect_dma source(%arg12 : memref<64x128xf32, #tpu.memory_space<vmem>>) target(%dma_start3A_226 : memref<10240x128xf32, #tpu.memory_space<vmem_shared>>) offsets(%dma_start3A_223 : memref<64xi32, #tpu.memory_space<vmem>>) semaphore(%arg21 : memref<!tpu.dma_semaphore, #tpu.memory_space<semaphore_mem>>) {add = true}
        %add3A_227 = arith.constant 2 : i32
        %add3A_228 = arith.addi %add3A_214, %add3A_227 : i32
        %lt3A_229 = arith.constant 32 : i32
        %lt3A_230 = arith.cmpi slt, %add3A_228, %lt3A_229 : i32
        %convert_element_type3A_231 = arith.extui %lt3A_230 : i1 to i32
        %cond3A_232 = arith.constant 0 : i32
        %cond3A_233 = arith.cmpi ne, %convert_element_type3A_231, %cond3A_232 : i32
        scf.if %cond3A_233 {
          %gt3A = arith.constant 1 : i32
          %gt3A_281 = arith.cmpi sgt, %add3A_214, %gt3A : i32
          %convert_element_type3A_282 = arith.extui %gt3A_281 : i1 to i32
          %cond3A_283 = arith.constant 0 : i32
          %cond3A_284 = arith.cmpi ne, %convert_element_type3A_282, %cond3A_283 : i32
          scf.if %cond3A_284 {
            %dma_wait3A_291 = arith.constant 0 : i32
            %dma_wait3A_292 = arith.constant 0 : i32
            %dma_wait3A_293 = tpu.memref_slice %arg10[%dma_wait3A_291, %dma_wait3A_292] : memref<32x64xi32, #tpu.memory_space<vmem>> -> memref<1x64xi32, #tpu.memory_space<vmem>>
            %dma_wait3A_294 = tpu.memref_squeeze %dma_wait3A_293 : memref<1x64xi32, #tpu.memory_space<vmem>> -> memref<64xi32, #tpu.memory_space<vmem>>
            %dma_wait3A_295 = arith.constant 0 : i32
            %dma_wait3A_296 = arith.constant 0 : i32
            %dma_wait3A_297 = tpu.memref_slice %arg15[%dma_wait3A_295, %dma_wait3A_296] : memref<10240x128xf32, #tpu.memory_space<vmem_shared>> -> memref<10240x128xf32, #tpu.memory_space<vmem_shared>>
            tpu.wait_indirect_dma semaphore(%arg23 : memref<!tpu.dma_semaphore, #tpu.memory_space<semaphore_mem>>) src(%arg14 : memref<64x128xf32, #tpu.memory_space<vmem>>) dst(%dma_wait3A_297 : memref<10240x128xf32, #tpu.memory_space<vmem_shared>>)
          } else {
          }
          %dma_start3A_285 = arith.constant 0 : i32
          %dma_start3A_286 = tpu.memref_slice %arg8[%add3A_228, %dma_start3A_285] : memref<32x64xi32, #tpu.memory_space<vmem>> -> memref<1x64xi32, #tpu.memory_space<vmem>>
          %dma_start3A_287 = tpu.memref_squeeze %dma_start3A_286 : memref<1x64xi32, #tpu.memory_space<vmem>> -> memref<64xi32, #tpu.memory_space<vmem>>
          %dma_start3A_288 = arith.constant 0 : i32
          %dma_start3A_289 = arith.constant 0 : i32
          %dma_start3A_290 = tpu.memref_slice %arg2[%dma_start3A_288, %dma_start3A_289] : memref<20480x128xf32, #tpu.memory_space<hbm>> -> memref<20480x128xf32, #tpu.memory_space<hbm>>
          tpu.enqueue_indirect_dma source(%dma_start3A_290 : memref<20480x128xf32, #tpu.memory_space<hbm>>) target(%arg14 : memref<64x128xf32, #tpu.memory_space<vmem>>) offsets(%dma_start3A_287 : memref<64xi32, #tpu.memory_space<vmem>>) semaphore(%arg19 : memref<!tpu.dma_semaphore, #tpu.memory_space<semaphore_mem>>)
        } else {
        }
        %mul3A_234 = arith.constant 4 : i32
        %mul3A_235 = arith.muli %mul3A_234, %scan3A_186 : i32
        %add3A_236 = arith.constant 2 : i32
        %add3A_237 = arith.addi %mul3A_235, %add3A_236 : i32
        %dma_wait3A_238 = arith.constant 0 : i32
        %dma_wait3A_239 = tpu.memref_slice %arg8[%add3A_237, %dma_wait3A_238] : memref<32x64xi32, #tpu.memory_space<vmem>> -> memref<1x64xi32, #tpu.memory_space<vmem>>
        %dma_wait3A_240 = tpu.memref_squeeze %dma_wait3A_239 : memref<1x64xi32, #tpu.memory_space<vmem>> -> memref<64xi32, #tpu.memory_space<vmem>>
        %dma_wait3A_241 = arith.constant 0 : i32
        %dma_wait3A_242 = arith.constant 0 : i32
        %dma_wait3A_243 = tpu.memref_slice %arg2[%dma_wait3A_241, %dma_wait3A_242] : memref<20480x128xf32, #tpu.memory_space<hbm>> -> memref<20480x128xf32, #tpu.memory_space<hbm>>
        tpu.wait_indirect_dma semaphore(%arg18 : memref<!tpu.dma_semaphore, #tpu.memory_space<semaphore_mem>>) src(%dma_wait3A_243 : memref<20480x128xf32, #tpu.memory_space<hbm>>) dst(%arg13 : memref<64x128xf32, #tpu.memory_space<vmem>>)
        %dma_start3A_244 = arith.constant 0 : i32
        %dma_start3A_245 = tpu.memref_slice %arg10[%add3A_237, %dma_start3A_244] : memref<32x64xi32, #tpu.memory_space<vmem>> -> memref<1x64xi32, #tpu.memory_space<vmem>>
        %dma_start3A_246 = tpu.memref_squeeze %dma_start3A_245 : memref<1x64xi32, #tpu.memory_space<vmem>> -> memref<64xi32, #tpu.memory_space<vmem>>
        %dma_start3A_247 = arith.constant 0 : i32
        %dma_start3A_248 = arith.constant 0 : i32
        %dma_start3A_249 = tpu.memref_slice %arg15[%dma_start3A_247, %dma_start3A_248] : memref<10240x128xf32, #tpu.memory_space<vmem_shared>> -> memref<10240x128xf32, #tpu.memory_space<vmem_shared>>
        tpu.enqueue_indirect_dma source(%arg13 : memref<64x128xf32, #tpu.memory_space<vmem>>) target(%dma_start3A_249 : memref<10240x128xf32, #tpu.memory_space<vmem_shared>>) offsets(%dma_start3A_246 : memref<64xi32, #tpu.memory_space<vmem>>) semaphore(%arg22 : memref<!tpu.dma_semaphore, #tpu.memory_space<semaphore_mem>>) {add = true}
        %add3A_250 = arith.constant 2 : i32
        %add3A_251 = arith.addi %add3A_237, %add3A_250 : i32
        %lt3A_252 = arith.constant 32 : i32
        %lt3A_253 = arith.cmpi slt, %add3A_251, %lt3A_252 : i32
        %convert_element_type3A_254 = arith.extui %lt3A_253 : i1 to i32
        %cond3A_255 = arith.constant 0 : i32
        %cond3A_256 = arith.cmpi ne, %convert_element_type3A_254, %cond3A_255 : i32
        scf.if %cond3A_256 {
          %gt3A = arith.constant 1 : i32
          %gt3A_281 = arith.cmpi sgt, %add3A_237, %gt3A : i32
          %convert_element_type3A_282 = arith.extui %gt3A_281 : i1 to i32
          %cond3A_283 = arith.constant 0 : i32
          %cond3A_284 = arith.cmpi ne, %convert_element_type3A_282, %cond3A_283 : i32
          scf.if %cond3A_284 {
            %dma_wait3A_291 = arith.constant 0 : i32
            %dma_wait3A_292 = arith.constant 0 : i32
            %dma_wait3A_293 = tpu.memref_slice %arg10[%dma_wait3A_291, %dma_wait3A_292] : memref<32x64xi32, #tpu.memory_space<vmem>> -> memref<1x64xi32, #tpu.memory_space<vmem>>
            %dma_wait3A_294 = tpu.memref_squeeze %dma_wait3A_293 : memref<1x64xi32, #tpu.memory_space<vmem>> -> memref<64xi32, #tpu.memory_space<vmem>>
            %dma_wait3A_295 = arith.constant 0 : i32
            %dma_wait3A_296 = arith.constant 0 : i32
            %dma_wait3A_297 = tpu.memref_slice %arg15[%dma_wait3A_295, %dma_wait3A_296] : memref<10240x128xf32, #tpu.memory_space<vmem_shared>> -> memref<10240x128xf32, #tpu.memory_space<vmem_shared>>
            tpu.wait_indirect_dma semaphore(%arg20 : memref<!tpu.dma_semaphore, #tpu.memory_space<semaphore_mem>>) src(%arg11 : memref<64x128xf32, #tpu.memory_space<vmem>>) dst(%dma_wait3A_297 : memref<10240x128xf32, #tpu.memory_space<vmem_shared>>)
          } else {
          }
          %dma_start3A_285 = arith.constant 0 : i32
          %dma_start3A_286 = tpu.memref_slice %arg8[%add3A_251, %dma_start3A_285] : memref<32x64xi32, #tpu.memory_space<vmem>> -> memref<1x64xi32, #tpu.memory_space<vmem>>
          %dma_start3A_287 = tpu.memref_squeeze %dma_start3A_286 : memref<1x64xi32, #tpu.memory_space<vmem>> -> memref<64xi32, #tpu.memory_space<vmem>>
          %dma_start3A_288 = arith.constant 0 : i32
          %dma_start3A_289 = arith.constant 0 : i32
          %dma_start3A_290 = tpu.memref_slice %arg2[%dma_start3A_288, %dma_start3A_289] : memref<20480x128xf32, #tpu.memory_space<hbm>> -> memref<20480x128xf32, #tpu.memory_space<hbm>>
          tpu.enqueue_indirect_dma source(%dma_start3A_290 : memref<20480x128xf32, #tpu.memory_space<hbm>>) target(%arg11 : memref<64x128xf32, #tpu.memory_space<vmem>>) offsets(%dma_start3A_287 : memref<64xi32, #tpu.memory_space<vmem>>) semaphore(%arg16 : memref<!tpu.dma_semaphore, #tpu.memory_space<semaphore_mem>>)
        } else {
        }
        %mul3A_257 = arith.constant 4 : i32
        %mul3A_258 = arith.muli %mul3A_257, %scan3A_186 : i32
        %add3A_259 = arith.constant 3 : i32
        %add3A_260 = arith.addi %mul3A_258, %add3A_259 : i32
        %dma_wait3A_261 = arith.constant 0 : i32
        %dma_wait3A_262 = tpu.memref_slice %arg8[%add3A_260, %dma_wait3A_261] : memref<32x64xi32, #tpu.memory_space<vmem>> -> memref<1x64xi32, #tpu.memory_space<vmem>>
        %dma_wait3A_263 = tpu.memref_squeeze %dma_wait3A_262 : memref<1x64xi32, #tpu.memory_space<vmem>> -> memref<64xi32, #tpu.memory_space<vmem>>
        %dma_wait3A_264 = arith.constant 0 : i32
        %dma_wait3A_265 = arith.constant 0 : i32
        %dma_wait3A_266 = tpu.memref_slice %arg2[%dma_wait3A_264, %dma_wait3A_265] : memref<20480x128xf32, #tpu.memory_space<hbm>> -> memref<20480x128xf32, #tpu.memory_space<hbm>>
        tpu.wait_indirect_dma semaphore(%arg19 : memref<!tpu.dma_semaphore, #tpu.memory_space<semaphore_mem>>) src(%dma_wait3A_266 : memref<20480x128xf32, #tpu.memory_space<hbm>>) dst(%arg14 : memref<64x128xf32, #tpu.memory_space<vmem>>)
        %dma_start3A_267 = arith.constant 0 : i32
        %dma_start3A_268 = tpu.memref_slice %arg10[%add3A_260, %dma_start3A_267] : memref<32x64xi32, #tpu.memory_space<vmem>> -> memref<1x64xi32, #tpu.memory_space<vmem>>
        %dma_start3A_269 = tpu.memref_squeeze %dma_start3A_268 : memref<1x64xi32, #tpu.memory_space<vmem>> -> memref<64xi32, #tpu.memory_space<vmem>>
        %dma_start3A_270 = arith.constant 0 : i32
        %dma_start3A_271 = arith.constant 0 : i32
        %dma_start3A_272 = tpu.memref_slice %arg15[%dma_start3A_270, %dma_start3A_271] : memref<10240x128xf32, #tpu.memory_space<vmem_shared>> -> memref<10240x128xf32, #tpu.memory_space<vmem_shared>>
        tpu.enqueue_indirect_dma source(%arg14 : memref<64x128xf32, #tpu.memory_space<vmem>>) target(%dma_start3A_272 : memref<10240x128xf32, #tpu.memory_space<vmem_shared>>) offsets(%dma_start3A_269 : memref<64xi32, #tpu.memory_space<vmem>>) semaphore(%arg23 : memref<!tpu.dma_semaphore, #tpu.memory_space<semaphore_mem>>) {add = true}
        %add3A_273 = arith.constant 2 : i32
        %add3A_274 = arith.addi %add3A_260, %add3A_273 : i32
        %lt3A_275 = arith.constant 32 : i32
        %lt3A_276 = arith.cmpi slt, %add3A_274, %lt3A_275 : i32
        %convert_element_type3A_277 = arith.extui %lt3A_276 : i1 to i32
        %cond3A_278 = arith.constant 0 : i32
        %cond3A_279 = arith.cmpi ne, %convert_element_type3A_277, %cond3A_278 : i32
        scf.if %cond3A_279 {
          %gt3A = arith.constant 1 : i32
          %gt3A_281 = arith.cmpi sgt, %add3A_260, %gt3A : i32
          %convert_element_type3A_282 = arith.extui %gt3A_281 : i1 to i32
          %cond3A_283 = arith.constant 0 : i32
          %cond3A_284 = arith.cmpi ne, %convert_element_type3A_282, %cond3A_283 : i32
          scf.if %cond3A_284 {
            %dma_wait3A_291 = arith.constant 0 : i32
            %dma_wait3A_292 = arith.constant 0 : i32
            %dma_wait3A_293 = tpu.memref_slice %arg10[%dma_wait3A_291, %dma_wait3A_292] : memref<32x64xi32, #tpu.memory_space<vmem>> -> memref<1x64xi32, #tpu.memory_space<vmem>>
            %dma_wait3A_294 = tpu.memref_squeeze %dma_wait3A_293 : memref<1x64xi32, #tpu.memory_space<vmem>> -> memref<64xi32, #tpu.memory_space<vmem>>
            %dma_wait3A_295 = arith.constant 0 : i32
            %dma_wait3A_296 = arith.constant 0 : i32
            %dma_wait3A_297 = tpu.memref_slice %arg15[%dma_wait3A_295, %dma_wait3A_296] : memref<10240x128xf32, #tpu.memory_space<vmem_shared>> -> memref<10240x128xf32, #tpu.memory_space<vmem_shared>>
            tpu.wait_indirect_dma semaphore(%arg21 : memref<!tpu.dma_semaphore, #tpu.memory_space<semaphore_mem>>) src(%arg12 : memref<64x128xf32, #tpu.memory_space<vmem>>) dst(%dma_wait3A_297 : memref<10240x128xf32, #tpu.memory_space<vmem_shared>>)
          } else {
          }
          %dma_start3A_285 = arith.constant 0 : i32
          %dma_start3A_286 = tpu.memref_slice %arg8[%add3A_274, %dma_start3A_285] : memref<32x64xi32, #tpu.memory_space<vmem>> -> memref<1x64xi32, #tpu.memory_space<vmem>>
          %dma_start3A_287 = tpu.memref_squeeze %dma_start3A_286 : memref<1x64xi32, #tpu.memory_space<vmem>> -> memref<64xi32, #tpu.memory_space<vmem>>
          %dma_start3A_288 = arith.constant 0 : i32
          %dma_start3A_289 = arith.constant 0 : i32
          %dma_start3A_290 = tpu.memref_slice %arg2[%dma_start3A_288, %dma_start3A_289] : memref<20480x128xf32, #tpu.memory_space<hbm>> -> memref<20480x128xf32, #tpu.memory_space<hbm>>
          tpu.enqueue_indirect_dma source(%dma_start3A_290 : memref<20480x128xf32, #tpu.memory_space<hbm>>) target(%arg12 : memref<64x128xf32, #tpu.memory_space<vmem>>) offsets(%dma_start3A_287 : memref<64xi32, #tpu.memory_space<vmem>>) semaphore(%arg17 : memref<!tpu.dma_semaphore, #tpu.memory_space<semaphore_mem>>)
        } else {
        }
        %scan3A_280 = arith.constant 0 : i32
        scf.yield %scan3A_280 : i32
      }
      %scan3A_156 = arith.constant 8 : i32
      %dma_wait3A_157 = arith.constant 0 : i32
      %dma_wait3A_158 = arith.constant 0 : i32
      %dma_wait3A_159 = tpu.memref_slice %arg10[%dma_wait3A_157, %dma_wait3A_158] : memref<32x64xi32, #tpu.memory_space<vmem>> -> memref<1x64xi32, #tpu.memory_space<vmem>>
      %dma_wait3A_160 = tpu.memref_squeeze %dma_wait3A_159 : memref<1x64xi32, #tpu.memory_space<vmem>> -> memref<64xi32, #tpu.memory_space<vmem>>
      %dma_wait3A_161 = arith.constant 0 : i32
      %dma_wait3A_162 = arith.constant 0 : i32
      %dma_wait3A_163 = tpu.memref_slice %arg15[%dma_wait3A_161, %dma_wait3A_162] : memref<10240x128xf32, #tpu.memory_space<vmem_shared>> -> memref<10240x128xf32, #tpu.memory_space<vmem_shared>>
      tpu.wait_indirect_dma semaphore(%arg20 : memref<!tpu.dma_semaphore, #tpu.memory_space<semaphore_mem>>) src(%arg11 : memref<64x128xf32, #tpu.memory_space<vmem>>) dst(%dma_wait3A_163 : memref<10240x128xf32, #tpu.memory_space<vmem_shared>>)
      %dma_wait3A_164 = arith.constant 0 : i32
      %dma_wait3A_165 = arith.constant 0 : i32
      %dma_wait3A_166 = tpu.memref_slice %arg10[%dma_wait3A_164, %dma_wait3A_165] : memref<32x64xi32, #tpu.memory_space<vmem>> -> memref<1x64xi32, #tpu.memory_space<vmem>>
      %dma_wait3A_167 = tpu.memref_squeeze %dma_wait3A_166 : memref<1x64xi32, #tpu.memory_space<vmem>> -> memref<64xi32, #tpu.memory_space<vmem>>
      %dma_wait3A_168 = arith.constant 0 : i32
      %dma_wait3A_169 = arith.constant 0 : i32
      %dma_wait3A_170 = tpu.memref_slice %arg15[%dma_wait3A_168, %dma_wait3A_169] : memref<10240x128xf32, #tpu.memory_space<vmem_shared>> -> memref<10240x128xf32, #tpu.memory_space<vmem_shared>>
      tpu.wait_indirect_dma semaphore(%arg21 : memref<!tpu.dma_semaphore, #tpu.memory_space<semaphore_mem>>) src(%arg12 : memref<64x128xf32, #tpu.memory_space<vmem>>) dst(%dma_wait3A_170 : memref<10240x128xf32, #tpu.memory_space<vmem_shared>>)
      %dma_wait3A_171 = arith.constant 0 : i32
      %dma_wait3A_172 = arith.constant 0 : i32
      %dma_wait3A_173 = tpu.memref_slice %arg10[%dma_wait3A_171, %dma_wait3A_172] : memref<32x64xi32, #tpu.memory_space<vmem>> -> memref<1x64xi32, #tpu.memory_space<vmem>>
      %dma_wait3A_174 = tpu.memref_squeeze %dma_wait3A_173 : memref<1x64xi32, #tpu.memory_space<vmem>> -> memref<64xi32, #tpu.memory_space<vmem>>
      %dma_wait3A_175 = arith.constant 0 : i32
      %dma_wait3A_176 = arith.constant 0 : i32
      %dma_wait3A_177 = tpu.memref_slice %arg15[%dma_wait3A_175, %dma_wait3A_176] : memref<10240x128xf32, #tpu.memory_space<vmem_shared>> -> memref<10240x128xf32, #tpu.memory_space<vmem_shared>>
      tpu.wait_indirect_dma semaphore(%arg22 : memref<!tpu.dma_semaphore, #tpu.memory_space<semaphore_mem>>) src(%arg13 : memref<64x128xf32, #tpu.memory_space<vmem>>) dst(%dma_wait3A_177 : memref<10240x128xf32, #tpu.memory_space<vmem_shared>>)
      %dma_wait3A_178 = arith.constant 0 : i32
      %dma_wait3A_179 = arith.constant 0 : i32
      %dma_wait3A_180 = tpu.memref_slice %arg10[%dma_wait3A_178, %dma_wait3A_179] : memref<32x64xi32, #tpu.memory_space<vmem>> -> memref<1x64xi32, #tpu.memory_space<vmem>>
      %dma_wait3A_181 = tpu.memref_squeeze %dma_wait3A_180 : memref<1x64xi32, #tpu.memory_space<vmem>> -> memref<64xi32, #tpu.memory_space<vmem>>
      %dma_wait3A_182 = arith.constant 0 : i32
      %dma_wait3A_183 = arith.constant 0 : i32
      %dma_wait3A_184 = tpu.memref_slice %arg15[%dma_wait3A_182, %dma_wait3A_183] : memref<10240x128xf32, #tpu.memory_space<vmem_shared>> -> memref<10240x128xf32, #tpu.memory_space<vmem_shared>>
      tpu.wait_indirect_dma semaphore(%arg23 : memref<!tpu.dma_semaphore, #tpu.memory_space<semaphore_mem>>) src(%arg14 : memref<64x128xf32, #tpu.memory_space<vmem>>) dst(%dma_wait3A_184 : memref<10240x128xf32, #tpu.memory_space<vmem_shared>>)
      %scan3A_185 = arith.constant 0 : i32
      scf.yield %scan3A_185 : i32
    }
    %scan3A_23 = arith.constant 5 : i32
    %barrier3A_24 = arith.constant 0 : index
    tpu.barrier barrier_id(%barrier3A_24)
    %mul3A_25 = arith.constant 640 : i32
    %mul3A_26 = arith.muli %arg1, %mul3A_25 : i32
    %mul3A_27 = arith.constant 640 : i32
    %mul3A_28 = arith.muli %arg1, %mul3A_27 : i32
    "tpu.region"() ({
      %run_scoped3A = tpu.sem_alloc : memref<!tpu.dma_semaphore, #tpu.memory_space<semaphore_mem>>
      %dma_start3A_29 = arith.constant 0 : i32
      %dma_start3A_30 = tpu.memref_slice %arg6[%arg0, %mul3A_28, %dma_start3A_29] : memref<2x10240x128xf32, #tpu.memory_space<hbm>> -> memref<1x640x128xf32, #tpu.memory_space<hbm>>
      %dma_start3A_31 = tpu.memref_squeeze %dma_start3A_30 : memref<1x640x128xf32, #tpu.memory_space<hbm>> -> memref<640x128xf32, #tpu.memory_space<hbm>>
      %dma_start3A_32 = arith.constant 0 : i32
      %dma_start3A_33 = tpu.memref_slice %arg15[%mul3A_26, %dma_start3A_32] : memref<10240x128xf32, #tpu.memory_space<vmem_shared>> -> memref<640x128xf32, #tpu.memory_space<vmem_shared>>
      tpu.enqueue_dma source(%dma_start3A_33 : memref<640x128xf32, #tpu.memory_space<vmem_shared>>) target(%dma_start3A_31 : memref<640x128xf32, #tpu.memory_space<hbm>>) target_semaphore(%run_scoped3A : memref<!tpu.dma_semaphore, #tpu.memory_space<semaphore_mem>>)
      %dma_wait3A = arith.constant 0 : i32
      %dma_wait3A_34 = tpu.memref_slice %arg6[%arg0, %mul3A_28, %dma_wait3A] : memref<2x10240x128xf32, #tpu.memory_space<hbm>> -> memref<1x640x128xf32, #tpu.memory_space<hbm>>
      %dma_wait3A_35 = tpu.memref_squeeze %dma_wait3A_34 : memref<1x640x128xf32, #tpu.memory_space<hbm>> -> memref<640x128xf32, #tpu.memory_space<hbm>>
      %dma_wait3A_36 = arith.constant 0 : i32
      %dma_wait3A_37 = tpu.memref_slice %arg15[%mul3A_26, %dma_wait3A_36] : memref<10240x128xf32, #tpu.memory_space<vmem_shared>> -> memref<640x128xf32, #tpu.memory_space<vmem_shared>>
      tpu.wait_dma2 semaphore(%run_scoped3A : memref<!tpu.dma_semaphore, #tpu.memory_space<semaphore_mem>>) src(%dma_wait3A_37 : memref<640x128xf32, #tpu.memory_space<vmem_shared>>) dst(%dma_wait3A_35 : memref<640x128xf32, #tpu.memory_space<hbm>>)
      tpu.yield
    }) : () -> ()
    return
  }
}

module attributes {stable_mosaic.version = 14 : i64} {
  func.func @body(%arg0: i32, %arg1: memref<1x1xf32, #tpu.memory_space<smem>>, %arg2: memref<400x128xf32, #tpu.memory_space<vmem>>, %arg3: memref<2x400x128xf32, #tpu.memory_space<vmem>>, %arg4: memref<128x256xf32, #tpu.memory_space<vmem>>, %arg5: memref<1x256xf32, #tpu.memory_space<vmem>>, %arg6: memref<1x256xf32, #tpu.memory_space<vmem>>, %arg7: memref<1x256xf32, #tpu.memory_space<vmem>>, %arg8: memref<2x400x128xf32, #tpu.memory_space<vmem>>, %arg9: memref<10000x256xf32, #tpu.memory_space<vmem>>, %arg10: memref<8x256xf32, #tpu.memory_space<vmem>>) attributes {dimension_semantics = [#tpu.dimension_semantics<arbitrary>], iteration_bounds = array<i64: 50>, scalar_prefetch = 0 : i64, scratch_operands = 2 : i64, tpu.core_type = #tpu.core_type<tc>, window_params = [{transform_indices = @transform_0, window_bounds = array<i64: 1, 1>}, {transform_indices = @transform_1, window_bounds = array<i64: 400, 128>}, {transform_indices = @transform_2, window_bounds = array<i64: 2, 400, 128>}, {pipeline_mode = #tpu.pipeline_mode<synchronous>, transform_indices = @transform_3, window_bounds = array<i64: 128, 256>}, {pipeline_mode = #tpu.pipeline_mode<synchronous>, transform_indices = @transform_4, window_bounds = array<i64: 1, 256>}, {pipeline_mode = #tpu.pipeline_mode<synchronous>, transform_indices = @transform_5, window_bounds = array<i64: 1, 256>}, {pipeline_mode = #tpu.pipeline_mode<synchronous>, transform_indices = @transform_6, window_bounds = array<i64: 1, 256>}, {transform_indices = @transform_7, window_bounds = array<i64: 2, 400, 128>}]} {
    %lt3A = arith.constant 25 : i32
    %lt3A_0 = arith.cmpi slt, %arg0, %lt3A : i32
    %convert_element_type3A = arith.extui %lt3A_0 : i1 to i32
    %cond3A = arith.constant 0 : i32
    %cond3A_1 = arith.cmpi ne, %convert_element_type3A, %cond3A : i32
    scf.if %cond3A_1 {
      %get3A = arith.constant 0 : index
      %get3A_6 = arith.constant 0 : index
      %get3A_7 = memref.load %arg1[%get3A, %get3A_6] : memref<1x1xf32, #tpu.memory_space<smem>>
      %add3A = arith.constant 1.000000e+00 : f32
      %add3A_8 = arith.addf %add3A, %get3A_7 : f32
      %get3A_9 = arith.constant 0 : index
      %get3A_10 = arith.constant 0 : index
      %get3A_11 = vector.load %arg2[%get3A_9, %get3A_10] : memref<400x128xf32, #tpu.memory_space<vmem>>, vector<400x128xf32>
      %mul3A = vector.broadcast %add3A_8 : f32 to vector<400x128xf32>
      %mul3A_12 = arith.mulf %mul3A, %get3A_11 : vector<400x128xf32>
      %get3A_13 = arith.constant 0 : index
      %get3A_14 = arith.constant 0 : index
      %get3A_15 = arith.constant 0 : index
      %get3A_16 = vector.load %arg3[%get3A_13, %get3A_14, %get3A_15] : memref<2x400x128xf32, #tpu.memory_space<vmem>>, vector<1x400x128xf32>
      %get3A_17 = vector.shape_cast %get3A_16 : vector<1x400x128xf32> to vector<400x128xf32>
      %add3A_18 = arith.addf %mul3A_12, %get3A_17 : vector<400x128xf32>
      %get3A_19 = arith.constant 1 : index
      %get3A_20 = arith.constant 0 : index
      %get3A_21 = arith.constant 0 : index
      %get3A_22 = vector.load %arg3[%get3A_19, %get3A_20, %get3A_21] : memref<2x400x128xf32, #tpu.memory_space<vmem>>, vector<1x400x128xf32>
      %get3A_23 = vector.shape_cast %get3A_22 : vector<1x400x128xf32> to vector<400x128xf32>
      %add3A_24 = arith.addf %add3A_18, %get3A_23 : vector<400x128xf32>
      %get3A_25 = arith.constant 0 : index
      %get3A_26 = arith.constant 0 : index
      %get3A_27 = vector.load %arg4[%get3A_25, %get3A_26] : memref<128x256xf32, #tpu.memory_space<vmem>>, vector<128x256xf32>
      %dot_general3A = arith.constant dense<0.000000e+00> : vector<400x256xf32>
      %dot_general3A_28 = tpu.matmul %add3A_24, %get3A_27, %dot_general3A {dimension_numbers = #tpu.dot_dimension_numbers<[1], [0], [0], [1], [0, 0, 1, 1], [], []>, transpose_lhs_hint = false} : vector<400x128xf32>, vector<128x256xf32>, vector<400x256xf32> -> vector<400x256xf32>
      %get3A_29 = arith.constant 0 : index
      %get3A_30 = arith.constant 0 : index
      %get3A_31 = vector.load %arg5[%get3A_29, %get3A_30] : memref<1x256xf32, #tpu.memory_space<vmem>>, vector<1x256xf32>
      %add3A_32 = vector.broadcast %get3A_31 : vector<1x256xf32> to vector<400x256xf32>
      %add3A_33 = arith.addf %dot_general3A_28, %add3A_32 : vector<400x256xf32>
      %mul3A_34 = arith.constant 400 : i32
      %mul3A_35 = arith.muli %arg0, %mul3A_34 : i32
      %swap3A = arith.index_cast %mul3A_35 : i32 to index
      %swap3A_36 = arith.constant 0 : index
      %swap3A_37 = vector.load %arg9[%swap3A, %swap3A_36] : memref<10000x256xf32, #tpu.memory_space<vmem>>, vector<400x256xf32>
      tpu.vector_store %arg9[%swap3A, %swap3A_36], %add3A_33 {strides = array<i32>} : memref<10000x256xf32, #tpu.memory_space<vmem>>, vector<400x256xf32>,
      %eq3A = arith.constant 0 : i32
      %eq3A_38 = arith.cmpi eq, %arg0, %eq3A : i32
      %convert_element_type3A_39 = arith.extui %eq3A_38 : i1 to i32
      %cond3A_40 = arith.constant 0 : i32
      %cond3A_41 = arith.cmpi ne, %convert_element_type3A_39, %cond3A_40 : i32
      scf.if %cond3A_41 {
        %broadcast_in_dim3A_61 = arith.constant 0.000000e+00 : f32
        %broadcast_in_dim3A_62 = vector.broadcast %broadcast_in_dim3A_61 : f32 to vector<8x256xf32>
        %swap3A_63 = arith.constant 0 : index
        %swap3A_64 = arith.constant 0 : index
        %swap3A_65 = vector.load %arg10[%swap3A_63, %swap3A_64] : memref<8x256xf32, #tpu.memory_space<vmem>>, vector<8x256xf32>
        tpu.vector_store %arg10[%swap3A_63, %swap3A_64], %broadcast_in_dim3A_62 {strides = array<i32>} : memref<8x256xf32, #tpu.memory_space<vmem>>, vector<8x256xf32>,
      } else {
      }
      %get3A_42 = arith.constant 0 : index
      %get3A_43 = arith.constant 0 : index
      %get3A_44 = vector.load %arg10[%get3A_42, %get3A_43] : memref<8x256xf32, #tpu.memory_space<vmem>>, vector<1x256xf32>
      %reduce_sum3A = arith.constant dense<0.000000e+00> : vector<256xf32>
      %reduce_sum3A_45 = vector.multi_reduction <add>, %add3A_33, %reduce_sum3A [0] : vector<400x256xf32> to vector<256xf32>
      %broadcast_in_dim3A = vector.shape_cast %reduce_sum3A_45 : vector<256xf32> to vector<1x256xf32>
      %add3A_46 = arith.addf %get3A_44, %broadcast_in_dim3A : vector<1x256xf32>
      %swap3A_47 = arith.constant 0 : index
      %swap3A_48 = arith.constant 0 : index
      %swap3A_49 = vector.load %arg10[%swap3A_47, %swap3A_48] : memref<8x256xf32, #tpu.memory_space<vmem>>, vector<1x256xf32>
      tpu.vector_store %arg10[%swap3A_47, %swap3A_48], %add3A_46 {strides = array<i32>} : memref<8x256xf32, #tpu.memory_space<vmem>>, vector<1x256xf32>,
      %get3A_50 = arith.constant 1 : index
      %get3A_51 = arith.constant 0 : index
      %get3A_52 = vector.load %arg10[%get3A_50, %get3A_51] : memref<8x256xf32, #tpu.memory_space<vmem>>, vector<1x256xf32>
      %mul3A_53 = arith.mulf %add3A_33, %add3A_33 : vector<400x256xf32>
      %reduce_sum3A_54 = arith.constant dense<0.000000e+00> : vector<256xf32>
      %reduce_sum3A_55 = vector.multi_reduction <add>, %mul3A_53, %reduce_sum3A_54 [0] : vector<400x256xf32> to vector<256xf32>
      %broadcast_in_dim3A_56 = vector.shape_cast %reduce_sum3A_55 : vector<256xf32> to vector<1x256xf32>
      %add3A_57 = arith.addf %get3A_52, %broadcast_in_dim3A_56 : vector<1x256xf32>
      %swap3A_58 = arith.constant 1 : index
      %swap3A_59 = arith.constant 0 : index
      %swap3A_60 = vector.load %arg10[%swap3A_58, %swap3A_59] : memref<8x256xf32, #tpu.memory_space<vmem>>, vector<1x256xf32>
      tpu.vector_store %arg10[%swap3A_58, %swap3A_59], %add3A_57 {strides = array<i32>} : memref<8x256xf32, #tpu.memory_space<vmem>>, vector<1x256xf32>,
    } else {
    }
    %ge3A = arith.constant 25 : i32
    %ge3A_2 = arith.cmpi sge, %arg0, %ge3A : i32
    %convert_element_type3A_3 = arith.extui %ge3A_2 : i1 to i32
    %cond3A_4 = arith.constant 0 : i32
    %cond3A_5 = arith.cmpi ne, %convert_element_type3A_3, %cond3A_4 : i32
    scf.if %cond3A_5 {
      %sub3A = arith.constant 25 : i32
      %sub3A_6 = arith.subi %arg0, %sub3A : i32
      %get3A = arith.constant 0 : index
      %get3A_7 = arith.constant 0 : index
      %get3A_8 = vector.load %arg10[%get3A, %get3A_7] : memref<8x256xf32, #tpu.memory_space<vmem>>, vector<1x256xf32>
      %mul3A = arith.constant 9.99999974E-5 : f32
      %mul3A_9 = vector.broadcast %mul3A : f32 to vector<1x256xf32>
      %mul3A_10 = arith.mulf %get3A_8, %mul3A_9 : vector<1x256xf32>
      %get3A_11 = arith.constant 1 : index
      %get3A_12 = arith.constant 0 : index
      %get3A_13 = vector.load %arg10[%get3A_11, %get3A_12] : memref<8x256xf32, #tpu.memory_space<vmem>>, vector<1x256xf32>
      %mul3A_14 = arith.constant 9.99999974E-5 : f32
      %mul3A_15 = vector.broadcast %mul3A_14 : f32 to vector<1x256xf32>
      %mul3A_16 = arith.mulf %get3A_13, %mul3A_15 : vector<1x256xf32>
      %mul3A_17 = arith.mulf %mul3A_10, %mul3A_10 : vector<1x256xf32>
      %sub3A_18 = arith.subf %mul3A_16, %mul3A_17 : vector<1x256xf32>
      %add3A = arith.constant 9.99999974E-6 : f32
      %add3A_19 = vector.broadcast %add3A : f32 to vector<1x256xf32>
      %add3A_20 = arith.addf %sub3A_18, %add3A_19 : vector<1x256xf32>
      %rsqrt3A = math.rsqrt %add3A_20 : vector<1x256xf32>
      %get3A_21 = arith.constant 0 : index
      %get3A_22 = arith.constant 0 : index
      %get3A_23 = vector.load %arg6[%get3A_21, %get3A_22] : memref<1x256xf32, #tpu.memory_space<vmem>>, vector<1x256xf32>
      %mul3A_24 = arith.mulf %rsqrt3A, %get3A_23 : vector<1x256xf32>
      %mul3A_25 = arith.constant 400 : i32
      %mul3A_26 = arith.muli %sub3A_6, %mul3A_25 : i32
      %get3A_27 = arith.index_cast %mul3A_26 : i32 to index
      %get3A_28 = arith.constant 0 : index
      %get3A_29 = vector.load %arg9[%get3A_27, %get3A_28] : memref<10000x256xf32, #tpu.memory_space<vmem>>, vector<400x256xf32>
      %sub3A_30 = vector.broadcast %mul3A_10 : vector<1x256xf32> to vector<400x256xf32>
      %sub3A_31 = arith.subf %get3A_29, %sub3A_30 : vector<400x256xf32>
      %mul3A_32 = vector.broadcast %mul3A_24 : vector<1x256xf32> to vector<400x256xf32>
      %mul3A_33 = arith.mulf %sub3A_31, %mul3A_32 : vector<400x256xf32>
      %get3A_34 = arith.constant 0 : index
      %get3A_35 = arith.constant 0 : index
      %get3A_36 = vector.load %arg7[%get3A_34, %get3A_35] : memref<1x256xf32, #tpu.memory_space<vmem>>, vector<1x256xf32>
      %add3A_37 = vector.broadcast %get3A_36 : vector<1x256xf32> to vector<400x256xf32>
      %add3A_38 = arith.addf %mul3A_33, %add3A_37 : vector<400x256xf32>
      %gt3A = arith.constant 0.000000e+00 : f32
      %gt3A_39 = vector.broadcast %gt3A : f32 to vector<400x256xf32>
      %gt3A_40 = arith.cmpf ogt, %add3A_38, %gt3A_39 : vector<400x256xf32>
      %mul3A_41 = arith.constant 0.00999999977 : f32
      %mul3A_42 = vector.broadcast %mul3A_41 : f32 to vector<400x256xf32>
      %mul3A_43 = arith.mulf %mul3A_42, %add3A_38 : vector<400x256xf32>
      %select_n3A = arith.select %gt3A_40, %add3A_38, %mul3A_43 : vector<400x256xi1>, vector<400x256xf32>
      %gt3A_44 = arith.constant 0.000000e+00 : f32
      %gt3A_45 = vector.broadcast %gt3A_44 : f32 to vector<400x256xf32>
      %gt3A_46 = arith.cmpf ogt, %select_n3A, %gt3A_45 : vector<400x256xf32>
      %mul3A_47 = arith.constant 0.00999999977 : f32
      %mul3A_48 = vector.broadcast %mul3A_47 : f32 to vector<400x256xf32>
      %mul3A_49 = arith.mulf %mul3A_48, %select_n3A : vector<400x256xf32>
      %select_n3A_50 = arith.select %gt3A_46, %select_n3A, %mul3A_49 : vector<400x256xi1>, vector<400x256xf32>
      %slice3A = vector.extract_strided_slice %select_n3A_50 {offsets = [0, 0], sizes = [400, 128], strides = [1, 1]} : vector<400x256xf32> to vector<400x128xf32>
      %slice3A_51 = vector.extract_strided_slice %select_n3A_50 {offsets = [0, 128], sizes = [400, 128], strides = [1, 1]} : vector<400x256xf32> to vector<400x128xf32>
      %stack3A = vector.shape_cast %slice3A : vector<400x128xf32> to vector<1x400x128xf32>
      %stack3A_52 = vector.shape_cast %slice3A_51 : vector<400x128xf32> to vector<1x400x128xf32>
      %stack3A_53 = tpu.concatenate %stack3A, %stack3A_52 in 0 : vector<1x400x128xf32>, vector<1x400x128xf32> -> vector<2x400x128xf32>
      %swap3A = arith.constant 0 : index
      %swap3A_54 = arith.constant 0 : index
      %swap3A_55 = arith.constant 0 : index
      %swap3A_56 = vector.load %arg8[%swap3A, %swap3A_54, %swap3A_55] : memref<2x400x128xf32, #tpu.memory_space<vmem>>, vector<2x400x128xf32>
      tpu.vector_store %arg8[%swap3A, %swap3A_54, %swap3A_55], %stack3A_53 {strides = array<i32>} : memref<2x400x128xf32, #tpu.memory_space<vmem>>, vector<2x400x128xf32>,
    } else {
    }
    return
  }
  func.func @transform_0(%arg0: i32) -> (i32, i32) {
    %c0_i32 = arith.constant 0 : i32
    %c0_i32_0 = arith.constant 0 : i32
    %c0_i32_1 = arith.constant 0 : i32
    return %c0_i32, %c0_i32_0 : i32, i32
  }
  func.func @transform_1(%arg0: i32) -> (i32, i32) {
    %min3A = arith.constant 24 : i32
    %min3A_0 = arith.minsi %arg0, %min3A : i32
    %c0_i32 = arith.constant 0 : i32
    %c0_i32_1 = arith.constant 0 : i32
    return %min3A_0, %c0_i32 : i32, i32
  }
  func.func @transform_2(%arg0: i32) -> (i32, i32, i32) {
    %min3A = arith.constant 24 : i32
    %min3A_0 = arith.minsi %arg0, %min3A : i32
    %c0_i32 = arith.constant 0 : i32
    %c0_i32_1 = arith.constant 0 : i32
    %c0_i32_2 = arith.constant 0 : i32
    return %c0_i32, %min3A_0, %c0_i32_1 : i32, i32, i32
  }
  func.func @transform_3(%arg0: i32) -> (i32, i32) {
    %c0_i32 = arith.constant 0 : i32
    %c0_i32_0 = arith.constant 0 : i32
    %c0_i32_1 = arith.constant 0 : i32
    return %c0_i32, %c0_i32_0 : i32, i32
  }
  func.func @transform_4(%arg0: i32) -> (i32, i32) {
    %c0_i32 = arith.constant 0 : i32
    %c0_i32_0 = arith.constant 0 : i32
    %c0_i32_1 = arith.constant 0 : i32
    return %c0_i32, %c0_i32_0 : i32, i32
  }
  func.func @transform_5(%arg0: i32) -> (i32, i32) {
    %c0_i32 = arith.constant 0 : i32
    %c0_i32_0 = arith.constant 0 : i32
    %c0_i32_1 = arith.constant 0 : i32
    return %c0_i32, %c0_i32_0 : i32, i32
  }
  func.func @transform_6(%arg0: i32) -> (i32, i32) {
    %c0_i32 = arith.constant 0 : i32
    %c0_i32_0 = arith.constant 0 : i32
    %c0_i32_1 = arith.constant 0 : i32
    return %c0_i32, %c0_i32_0 : i32, i32
  }
  func.func @transform_7(%arg0: i32) -> (i32, i32, i32) {
    %sub3A = arith.constant 25 : i32
    %sub3A_0 = arith.subi %arg0, %sub3A : i32
    %max3A = arith.constant 0 : i32
    %max3A_1 = arith.maxsi %sub3A_0, %max3A : i32
    %c0_i32 = arith.constant 0 : i32
    %c0_i32_2 = arith.constant 0 : i32
    %c0_i32_3 = arith.constant 0 : i32
    return %c0_i32, %max3A_1, %c0_i32_2 : i32, i32, i32
  }
}

module attributes {stable_mosaic.version = 14 : i64} {
  func.func @body(%arg0: i32, %arg1: memref<1x1xf32, #tpu.memory_space<smem>>, %arg2: memref<2x400x128xf32, #tpu.memory_space<vmem>>, %arg3: memref<2x400x128xf32, #tpu.memory_space<vmem>>, %arg4: memref<256x256xf32, #tpu.memory_space<vmem>>, %arg5: memref<1x256xf32, #tpu.memory_space<vmem>>, %arg6: memref<1x256xf32, #tpu.memory_space<vmem>>, %arg7: memref<1x256xf32, #tpu.memory_space<vmem>>, %arg8: memref<2x400x128xf32, #tpu.memory_space<vmem>>, %arg9: memref<10000x256xf32, #tpu.memory_space<vmem>>, %arg10: memref<8x256xf32, #tpu.memory_space<vmem>>) attributes {dimension_semantics = [#tpu.dimension_semantics<arbitrary>], iteration_bounds = array<i64: 50>, scalar_prefetch = 0 : i64, scratch_operands = 2 : i64, tpu.core_type = #tpu.core_type<tc>, window_params = [{transform_indices = @transform_0, window_bounds = array<i64: 1, 1>}, {transform_indices = @transform_1, window_bounds = array<i64: 2, 400, 128>}, {transform_indices = @transform_2, window_bounds = array<i64: 2, 400, 128>}, {pipeline_mode = #tpu.pipeline_mode<synchronous>, transform_indices = @transform_3, window_bounds = array<i64: 256, 256>}, {pipeline_mode = #tpu.pipeline_mode<synchronous>, transform_indices = @transform_4, window_bounds = array<i64: 1, 256>}, {pipeline_mode = #tpu.pipeline_mode<synchronous>, transform_indices = @transform_5, window_bounds = array<i64: 1, 256>}, {pipeline_mode = #tpu.pipeline_mode<synchronous>, transform_indices = @transform_6, window_bounds = array<i64: 1, 256>}, {transform_indices = @transform_7, window_bounds = array<i64: 2, 400, 128>}]} {
    %lt3A = arith.constant 25 : i32
    %lt3A_0 = arith.cmpi slt, %arg0, %lt3A : i32
    %convert_element_type3A = arith.extui %lt3A_0 : i1 to i32
    %cond3A = arith.constant 0 : i32
    %cond3A_1 = arith.cmpi ne, %convert_element_type3A, %cond3A : i32
    scf.if %cond3A_1 {
      %get3A = arith.constant 0 : index
      %get3A_6 = arith.constant 0 : index
      %get3A_7 = arith.constant 0 : index
      %get3A_8 = vector.load %arg2[%get3A, %get3A_6, %get3A_7] : memref<2x400x128xf32, #tpu.memory_space<vmem>>, vector<1x400x128xf32>
      %get3A_9 = vector.shape_cast %get3A_8 : vector<1x400x128xf32> to vector<400x128xf32>
      %get3A_10 = arith.constant 1 : index
      %get3A_11 = arith.constant 0 : index
      %get3A_12 = arith.constant 0 : index
      %get3A_13 = vector.load %arg2[%get3A_10, %get3A_11, %get3A_12] : memref<2x400x128xf32, #tpu.memory_space<vmem>>, vector<1x400x128xf32>
      %get3A_14 = vector.shape_cast %get3A_13 : vector<1x400x128xf32> to vector<400x128xf32>
      %concatenate3A = tpu.concatenate %get3A_9, %get3A_14 in 1 : vector<400x128xf32>, vector<400x128xf32> -> vector<400x256xf32>
      %get3A_15 = arith.constant 0 : index
      %get3A_16 = arith.constant 0 : index
      %get3A_17 = arith.constant 0 : index
      %get3A_18 = vector.load %arg3[%get3A_15, %get3A_16, %get3A_17] : memref<2x400x128xf32, #tpu.memory_space<vmem>>, vector<1x400x128xf32>
      %get3A_19 = vector.shape_cast %get3A_18 : vector<1x400x128xf32> to vector<400x128xf32>
      %get3A_20 = arith.constant 1 : index
      %get3A_21 = arith.constant 0 : index
      %get3A_22 = arith.constant 0 : index
      %get3A_23 = vector.load %arg3[%get3A_20, %get3A_21, %get3A_22] : memref<2x400x128xf32, #tpu.memory_space<vmem>>, vector<1x400x128xf32>
      %get3A_24 = vector.shape_cast %get3A_23 : vector<1x400x128xf32> to vector<400x128xf32>
      %concatenate3A_25 = tpu.concatenate %get3A_19, %get3A_24 in 1 : vector<400x128xf32>, vector<400x128xf32> -> vector<400x256xf32>
      %get3A_26 = arith.constant 0 : index
      %get3A_27 = arith.constant 0 : index
      %get3A_28 = memref.load %arg1[%get3A_26, %get3A_27] : memref<1x1xf32, #tpu.memory_space<smem>>
      %add3A = arith.constant 1.000000e+00 : f32
      %add3A_29 = arith.addf %add3A, %get3A_28 : f32
      %mul3A = vector.broadcast %add3A_29 : f32 to vector<400x256xf32>
      %mul3A_30 = arith.mulf %mul3A, %concatenate3A : vector<400x256xf32>
      %add3A_31 = arith.addf %mul3A_30, %concatenate3A_25 : vector<400x256xf32>
      %get3A_32 = arith.constant 0 : index
      %get3A_33 = arith.constant 0 : index
      %get3A_34 = vector.load %arg4[%get3A_32, %get3A_33] : memref<256x256xf32, #tpu.memory_space<vmem>>, vector<256x256xf32>
      %dot_general3A = arith.constant dense<0.000000e+00> : vector<400x256xf32>
      %dot_general3A_35 = tpu.matmul %add3A_31, %get3A_34, %dot_general3A {dimension_numbers = #tpu.dot_dimension_numbers<[1], [0], [0], [1], [0, 0, 1, 1], [], []>, transpose_lhs_hint = false} : vector<400x256xf32>, vector<256x256xf32>, vector<400x256xf32> -> vector<400x256xf32>
      %get3A_36 = arith.constant 0 : index
      %get3A_37 = arith.constant 0 : index
      %get3A_38 = vector.load %arg5[%get3A_36, %get3A_37] : memref<1x256xf32, #tpu.memory_space<vmem>>, vector<1x256xf32>
      %add3A_39 = vector.broadcast %get3A_38 : vector<1x256xf32> to vector<400x256xf32>
      %add3A_40 = arith.addf %dot_general3A_35, %add3A_39 : vector<400x256xf32>
      %mul3A_41 = arith.constant 400 : i32
      %mul3A_42 = arith.muli %arg0, %mul3A_41 : i32
      %swap3A = arith.index_cast %mul3A_42 : i32 to index
      %swap3A_43 = arith.constant 0 : index
      %swap3A_44 = vector.load %arg9[%swap3A, %swap3A_43] : memref<10000x256xf32, #tpu.memory_space<vmem>>, vector<400x256xf32>
      tpu.vector_store %arg9[%swap3A, %swap3A_43], %add3A_40 {strides = array<i32>} : memref<10000x256xf32, #tpu.memory_space<vmem>>, vector<400x256xf32>,
      %eq3A = arith.constant 0 : i32
      %eq3A_45 = arith.cmpi eq, %arg0, %eq3A : i32
      %convert_element_type3A_46 = arith.extui %eq3A_45 : i1 to i32
      %cond3A_47 = arith.constant 0 : i32
      %cond3A_48 = arith.cmpi ne, %convert_element_type3A_46, %cond3A_47 : i32
      scf.if %cond3A_48 {
        %broadcast_in_dim3A_68 = arith.constant 0.000000e+00 : f32
        %broadcast_in_dim3A_69 = vector.broadcast %broadcast_in_dim3A_68 : f32 to vector<8x256xf32>
        %swap3A_70 = arith.constant 0 : index
        %swap3A_71 = arith.constant 0 : index
        %swap3A_72 = vector.load %arg10[%swap3A_70, %swap3A_71] : memref<8x256xf32, #tpu.memory_space<vmem>>, vector<8x256xf32>
        tpu.vector_store %arg10[%swap3A_70, %swap3A_71], %broadcast_in_dim3A_69 {strides = array<i32>} : memref<8x256xf32, #tpu.memory_space<vmem>>, vector<8x256xf32>,
      } else {
      }
      %get3A_49 = arith.constant 0 : index
      %get3A_50 = arith.constant 0 : index
      %get3A_51 = vector.load %arg10[%get3A_49, %get3A_50] : memref<8x256xf32, #tpu.memory_space<vmem>>, vector<1x256xf32>
      %reduce_sum3A = arith.constant dense<0.000000e+00> : vector<256xf32>
      %reduce_sum3A_52 = vector.multi_reduction <add>, %add3A_40, %reduce_sum3A [0] : vector<400x256xf32> to vector<256xf32>
      %broadcast_in_dim3A = vector.shape_cast %reduce_sum3A_52 : vector<256xf32> to vector<1x256xf32>
      %add3A_53 = arith.addf %get3A_51, %broadcast_in_dim3A : vector<1x256xf32>
      %swap3A_54 = arith.constant 0 : index
      %swap3A_55 = arith.constant 0 : index
      %swap3A_56 = vector.load %arg10[%swap3A_54, %swap3A_55] : memref<8x256xf32, #tpu.memory_space<vmem>>, vector<1x256xf32>
      tpu.vector_store %arg10[%swap3A_54, %swap3A_55], %add3A_53 {strides = array<i32>} : memref<8x256xf32, #tpu.memory_space<vmem>>, vector<1x256xf32>,
      %get3A_57 = arith.constant 1 : index
      %get3A_58 = arith.constant 0 : index
      %get3A_59 = vector.load %arg10[%get3A_57, %get3A_58] : memref<8x256xf32, #tpu.memory_space<vmem>>, vector<1x256xf32>
      %mul3A_60 = arith.mulf %add3A_40, %add3A_40 : vector<400x256xf32>
      %reduce_sum3A_61 = arith.constant dense<0.000000e+00> : vector<256xf32>
      %reduce_sum3A_62 = vector.multi_reduction <add>, %mul3A_60, %reduce_sum3A_61 [0] : vector<400x256xf32> to vector<256xf32>
      %broadcast_in_dim3A_63 = vector.shape_cast %reduce_sum3A_62 : vector<256xf32> to vector<1x256xf32>
      %add3A_64 = arith.addf %get3A_59, %broadcast_in_dim3A_63 : vector<1x256xf32>
      %swap3A_65 = arith.constant 1 : index
      %swap3A_66 = arith.constant 0 : index
      %swap3A_67 = vector.load %arg10[%swap3A_65, %swap3A_66] : memref<8x256xf32, #tpu.memory_space<vmem>>, vector<1x256xf32>
      tpu.vector_store %arg10[%swap3A_65, %swap3A_66], %add3A_64 {strides = array<i32>} : memref<8x256xf32, #tpu.memory_space<vmem>>, vector<1x256xf32>,
    } else {
    }
    %ge3A = arith.constant 25 : i32
    %ge3A_2 = arith.cmpi sge, %arg0, %ge3A : i32
    %convert_element_type3A_3 = arith.extui %ge3A_2 : i1 to i32
    %cond3A_4 = arith.constant 0 : i32
    %cond3A_5 = arith.cmpi ne, %convert_element_type3A_3, %cond3A_4 : i32
    scf.if %cond3A_5 {
      %sub3A = arith.constant 25 : i32
      %sub3A_6 = arith.subi %arg0, %sub3A : i32
      %get3A = arith.constant 0 : index
      %get3A_7 = arith.constant 0 : index
      %get3A_8 = vector.load %arg10[%get3A, %get3A_7] : memref<8x256xf32, #tpu.memory_space<vmem>>, vector<1x256xf32>
      %mul3A = arith.constant 9.99999974E-5 : f32
      %mul3A_9 = vector.broadcast %mul3A : f32 to vector<1x256xf32>
      %mul3A_10 = arith.mulf %get3A_8, %mul3A_9 : vector<1x256xf32>
      %get3A_11 = arith.constant 1 : index
      %get3A_12 = arith.constant 0 : index
      %get3A_13 = vector.load %arg10[%get3A_11, %get3A_12] : memref<8x256xf32, #tpu.memory_space<vmem>>, vector<1x256xf32>
      %mul3A_14 = arith.constant 9.99999974E-5 : f32
      %mul3A_15 = vector.broadcast %mul3A_14 : f32 to vector<1x256xf32>
      %mul3A_16 = arith.mulf %get3A_13, %mul3A_15 : vector<1x256xf32>
      %mul3A_17 = arith.mulf %mul3A_10, %mul3A_10 : vector<1x256xf32>
      %sub3A_18 = arith.subf %mul3A_16, %mul3A_17 : vector<1x256xf32>
      %add3A = arith.constant 9.99999974E-6 : f32
      %add3A_19 = vector.broadcast %add3A : f32 to vector<1x256xf32>
      %add3A_20 = arith.addf %sub3A_18, %add3A_19 : vector<1x256xf32>
      %rsqrt3A = math.rsqrt %add3A_20 : vector<1x256xf32>
      %get3A_21 = arith.constant 0 : index
      %get3A_22 = arith.constant 0 : index
      %get3A_23 = vector.load %arg6[%get3A_21, %get3A_22] : memref<1x256xf32, #tpu.memory_space<vmem>>, vector<1x256xf32>
      %mul3A_24 = arith.mulf %rsqrt3A, %get3A_23 : vector<1x256xf32>
      %mul3A_25 = arith.constant 400 : i32
      %mul3A_26 = arith.muli %sub3A_6, %mul3A_25 : i32
      %get3A_27 = arith.index_cast %mul3A_26 : i32 to index
      %get3A_28 = arith.constant 0 : index
      %get3A_29 = vector.load %arg9[%get3A_27, %get3A_28] : memref<10000x256xf32, #tpu.memory_space<vmem>>, vector<400x256xf32>
      %sub3A_30 = vector.broadcast %mul3A_10 : vector<1x256xf32> to vector<400x256xf32>
      %sub3A_31 = arith.subf %get3A_29, %sub3A_30 : vector<400x256xf32>
      %mul3A_32 = vector.broadcast %mul3A_24 : vector<1x256xf32> to vector<400x256xf32>
      %mul3A_33 = arith.mulf %sub3A_31, %mul3A_32 : vector<400x256xf32>
      %get3A_34 = arith.constant 0 : index
      %get3A_35 = arith.constant 0 : index
      %get3A_36 = vector.load %arg7[%get3A_34, %get3A_35] : memref<1x256xf32, #tpu.memory_space<vmem>>, vector<1x256xf32>
      %add3A_37 = vector.broadcast %get3A_36 : vector<1x256xf32> to vector<400x256xf32>
      %add3A_38 = arith.addf %mul3A_33, %add3A_37 : vector<400x256xf32>
      %gt3A = arith.constant 0.000000e+00 : f32
      %gt3A_39 = vector.broadcast %gt3A : f32 to vector<400x256xf32>
      %gt3A_40 = arith.cmpf ogt, %add3A_38, %gt3A_39 : vector<400x256xf32>
      %mul3A_41 = arith.constant 0.00999999977 : f32
      %mul3A_42 = vector.broadcast %mul3A_41 : f32 to vector<400x256xf32>
      %mul3A_43 = arith.mulf %mul3A_42, %add3A_38 : vector<400x256xf32>
      %select_n3A = arith.select %gt3A_40, %add3A_38, %mul3A_43 : vector<400x256xi1>, vector<400x256xf32>
      %gt3A_44 = arith.constant 0.000000e+00 : f32
      %gt3A_45 = vector.broadcast %gt3A_44 : f32 to vector<400x256xf32>
      %gt3A_46 = arith.cmpf ogt, %select_n3A, %gt3A_45 : vector<400x256xf32>
      %mul3A_47 = arith.constant 0.00999999977 : f32
      %mul3A_48 = vector.broadcast %mul3A_47 : f32 to vector<400x256xf32>
      %mul3A_49 = arith.mulf %mul3A_48, %select_n3A : vector<400x256xf32>
      %select_n3A_50 = arith.select %gt3A_46, %select_n3A, %mul3A_49 : vector<400x256xi1>, vector<400x256xf32>
      %slice3A = vector.extract_strided_slice %select_n3A_50 {offsets = [0, 0], sizes = [400, 128], strides = [1, 1]} : vector<400x256xf32> to vector<400x128xf32>
      %slice3A_51 = vector.extract_strided_slice %select_n3A_50 {offsets = [0, 128], sizes = [400, 128], strides = [1, 1]} : vector<400x256xf32> to vector<400x128xf32>
      %stack3A = vector.shape_cast %slice3A : vector<400x128xf32> to vector<1x400x128xf32>
      %stack3A_52 = vector.shape_cast %slice3A_51 : vector<400x128xf32> to vector<1x400x128xf32>
      %stack3A_53 = tpu.concatenate %stack3A, %stack3A_52 in 0 : vector<1x400x128xf32>, vector<1x400x128xf32> -> vector<2x400x128xf32>
      %swap3A = arith.constant 0 : index
      %swap3A_54 = arith.constant 0 : index
      %swap3A_55 = arith.constant 0 : index
      %swap3A_56 = vector.load %arg8[%swap3A, %swap3A_54, %swap3A_55] : memref<2x400x128xf32, #tpu.memory_space<vmem>>, vector<2x400x128xf32>
      tpu.vector_store %arg8[%swap3A, %swap3A_54, %swap3A_55], %stack3A_53 {strides = array<i32>} : memref<2x400x128xf32, #tpu.memory_space<vmem>>, vector<2x400x128xf32>,
    } else {
    }
    return
  }
  func.func @transform_0(%arg0: i32) -> (i32, i32) {
    %c0_i32 = arith.constant 0 : i32
    %c0_i32_0 = arith.constant 0 : i32
    %c0_i32_1 = arith.constant 0 : i32
    return %c0_i32, %c0_i32_0 : i32, i32
  }
  func.func @transform_1(%arg0: i32) -> (i32, i32, i32) {
    %min3A = arith.constant 24 : i32
    %min3A_0 = arith.minsi %arg0, %min3A : i32
    %c0_i32 = arith.constant 0 : i32
    %c0_i32_1 = arith.constant 0 : i32
    %c0_i32_2 = arith.constant 0 : i32
    return %c0_i32, %min3A_0, %c0_i32_1 : i32, i32, i32
  }
  func.func @transform_2(%arg0: i32) -> (i32, i32, i32) {
    %min3A = arith.constant 24 : i32
    %min3A_0 = arith.minsi %arg0, %min3A : i32
    %c0_i32 = arith.constant 0 : i32
    %c0_i32_1 = arith.constant 0 : i32
    %c0_i32_2 = arith.constant 0 : i32
    return %c0_i32, %min3A_0, %c0_i32_1 : i32, i32, i32
  }
  func.func @transform_3(%arg0: i32) -> (i32, i32) {
    %c0_i32 = arith.constant 0 : i32
    %c0_i32_0 = arith.constant 0 : i32
    %c0_i32_1 = arith.constant 0 : i32
    return %c0_i32, %c0_i32_0 : i32, i32
  }
  func.func @transform_4(%arg0: i32) -> (i32, i32) {
    %c0_i32 = arith.constant 0 : i32
    %c0_i32_0 = arith.constant 0 : i32
    %c0_i32_1 = arith.constant 0 : i32
    return %c0_i32, %c0_i32_0 : i32, i32
  }
  func.func @transform_5(%arg0: i32) -> (i32, i32) {
    %c0_i32 = arith.constant 0 : i32
    %c0_i32_0 = arith.constant 0 : i32
    %c0_i32_1 = arith.constant 0 : i32
    return %c0_i32, %c0_i32_0 : i32, i32
  }
  func.func @transform_6(%arg0: i32) -> (i32, i32) {
    %c0_i32 = arith.constant 0 : i32
    %c0_i32_0 = arith.constant 0 : i32
    %c0_i32_1 = arith.constant 0 : i32
    return %c0_i32, %c0_i32_0 : i32, i32
  }
  func.func @transform_7(%arg0: i32) -> (i32, i32, i32) {
    %sub3A = arith.constant 25 : i32
    %sub3A_0 = arith.subi %arg0, %sub3A : i32
    %max3A = arith.constant 0 : i32
    %max3A_1 = arith.maxsi %sub3A_0, %max3A : i32
    %c0_i32 = arith.constant 0 : i32
    %c0_i32_2 = arith.constant 0 : i32
    %c0_i32_3 = arith.constant 0 : i32
    return %c0_i32, %max3A_1, %c0_i32_2 : i32, i32, i32
  }
}

module attributes {stable_mosaic.version = 14 : i64} {
  func.func @_classifier_body(%arg0: i32, %arg1: memref<2x400x128xf32, #tpu.memory_space<vmem>>, %arg2: memref<256x256xf32, #tpu.memory_space<vmem>>, %arg3: memref<1x256xf32, #tpu.memory_space<vmem>>, %arg4: memref<256x256xf32, #tpu.memory_space<vmem>>, %arg5: memref<1x256xf32, #tpu.memory_space<vmem>>, %arg6: memref<256x256xf32, #tpu.memory_space<vmem>>, %arg7: memref<1x256xf32, #tpu.memory_space<vmem>>, %arg8: memref<256x1xf32, #tpu.memory_space<vmem>>, %arg9: memref<1x1xf32, #tpu.memory_space<vmem>>, %arg10: memref<400x1xf32, #tpu.memory_space<vmem>>) attributes {dimension_semantics = [#tpu.dimension_semantics<arbitrary>], iteration_bounds = array<i64: 25>, scalar_prefetch = 0 : i64, scratch_operands = 0 : i64, tpu.core_type = #tpu.core_type<tc>, window_params = [{transform_indices = @transform_0, window_bounds = array<i64: 2, 400, 128>}, {pipeline_mode = #tpu.pipeline_mode<synchronous>, transform_indices = @transform_1, window_bounds = array<i64: 256, 256>}, {pipeline_mode = #tpu.pipeline_mode<synchronous>, transform_indices = @transform_2, window_bounds = array<i64: 1, 256>}, {pipeline_mode = #tpu.pipeline_mode<synchronous>, transform_indices = @transform_3, window_bounds = array<i64: 256, 256>}, {pipeline_mode = #tpu.pipeline_mode<synchronous>, transform_indices = @transform_4, window_bounds = array<i64: 1, 256>}, {pipeline_mode = #tpu.pipeline_mode<synchronous>, transform_indices = @transform_5, window_bounds = array<i64: 256, 256>}, {pipeline_mode = #tpu.pipeline_mode<synchronous>, transform_indices = @transform_6, window_bounds = array<i64: 1, 256>}, {pipeline_mode = #tpu.pipeline_mode<synchronous>, transform_indices = @transform_7, window_bounds = array<i64: 256, 1>}, {pipeline_mode = #tpu.pipeline_mode<synchronous>, transform_indices = @transform_8, window_bounds = array<i64: 1, 1>}, {transform_indices = @transform_9, window_bounds = array<i64: 400, 1>}]} {
    %get3A = arith.constant 0 : index
    %get3A_0 = arith.constant 0 : index
    %get3A_1 = arith.constant 0 : index
    %get3A_2 = vector.load %arg1[%get3A, %get3A_0, %get3A_1] : memref<2x400x128xf32, #tpu.memory_space<vmem>>, vector<1x400x128xf32>
    %get3A_3 = vector.shape_cast %get3A_2 : vector<1x400x128xf32> to vector<400x128xf32>
    %get3A_4 = arith.constant 1 : index
    %get3A_5 = arith.constant 0 : index
    %get3A_6 = arith.constant 0 : index
    %get3A_7 = vector.load %arg1[%get3A_4, %get3A_5, %get3A_6] : memref<2x400x128xf32, #tpu.memory_space<vmem>>, vector<1x400x128xf32>
    %get3A_8 = vector.shape_cast %get3A_7 : vector<1x400x128xf32> to vector<400x128xf32>
    %concatenate3A = tpu.concatenate %get3A_3, %get3A_8 in 1 : vector<400x128xf32>, vector<400x128xf32> -> vector<400x256xf32>
    %get3A_9 = arith.constant 0 : index
    %get3A_10 = arith.constant 0 : index
    %get3A_11 = vector.load %arg2[%get3A_9, %get3A_10] : memref<256x256xf32, #tpu.memory_space<vmem>>, vector<256x256xf32>
    %dot_general3A = arith.constant dense<0.000000e+00> : vector<400x256xf32>
    %dot_general3A_12 = tpu.matmul %concatenate3A, %get3A_11, %dot_general3A {dimension_numbers = #tpu.dot_dimension_numbers<[1], [0], [0], [1], [0, 0, 1, 1], [], []>, transpose_lhs_hint = false} : vector<400x256xf32>, vector<256x256xf32>, vector<400x256xf32> -> vector<400x256xf32>
    %get3A_13 = arith.constant 0 : index
    %get3A_14 = arith.constant 0 : index
    %get3A_15 = vector.load %arg3[%get3A_13, %get3A_14] : memref<1x256xf32, #tpu.memory_space<vmem>>, vector<1x256xf32>
    %add3A = vector.broadcast %get3A_15 : vector<1x256xf32> to vector<400x256xf32>
    %add3A_16 = arith.addf %dot_general3A_12, %add3A : vector<400x256xf32>
    %get3A_17 = arith.constant 0 : index
    %get3A_18 = arith.constant 0 : index
    %get3A_19 = vector.load %arg4[%get3A_17, %get3A_18] : memref<256x256xf32, #tpu.memory_space<vmem>>, vector<256x256xf32>
    %dot_general3A_20 = arith.constant dense<0.000000e+00> : vector<400x256xf32>
    %dot_general3A_21 = tpu.matmul %add3A_16, %get3A_19, %dot_general3A_20 {dimension_numbers = #tpu.dot_dimension_numbers<[1], [0], [0], [1], [0, 0, 1, 1], [], []>, transpose_lhs_hint = false} : vector<400x256xf32>, vector<256x256xf32>, vector<400x256xf32> -> vector<400x256xf32>
    %get3A_22 = arith.constant 0 : index
    %get3A_23 = arith.constant 0 : index
    %get3A_24 = vector.load %arg5[%get3A_22, %get3A_23] : memref<1x256xf32, #tpu.memory_space<vmem>>, vector<1x256xf32>
    %add3A_25 = vector.broadcast %get3A_24 : vector<1x256xf32> to vector<400x256xf32>
    %add3A_26 = arith.addf %dot_general3A_21, %add3A_25 : vector<400x256xf32>
    %gt3A = arith.constant 0.000000e+00 : f32
    %gt3A_27 = vector.broadcast %gt3A : f32 to vector<400x256xf32>
    %gt3A_28 = arith.cmpf ogt, %add3A_26, %gt3A_27 : vector<400x256xf32>
    %mul3A = arith.constant 0.00999999977 : f32
    %mul3A_29 = vector.broadcast %mul3A : f32 to vector<400x256xf32>
    %mul3A_30 = arith.mulf %mul3A_29, %add3A_26 : vector<400x256xf32>
    %select_n3A = arith.select %gt3A_28, %add3A_26, %mul3A_30 : vector<400x256xi1>, vector<400x256xf32>
    %get3A_31 = arith.constant 0 : index
    %get3A_32 = arith.constant 0 : index
    %get3A_33 = vector.load %arg6[%get3A_31, %get3A_32] : memref<256x256xf32, #tpu.memory_space<vmem>>, vector<256x256xf32>
    %dot_general3A_34 = arith.constant dense<0.000000e+00> : vector<400x256xf32>
    %dot_general3A_35 = tpu.matmul %select_n3A, %get3A_33, %dot_general3A_34 {dimension_numbers = #tpu.dot_dimension_numbers<[1], [0], [0], [1], [0, 0, 1, 1], [], []>, transpose_lhs_hint = false} : vector<400x256xf32>, vector<256x256xf32>, vector<400x256xf32> -> vector<400x256xf32>
    %get3A_36 = arith.constant 0 : index
    %get3A_37 = arith.constant 0 : index
    %get3A_38 = vector.load %arg7[%get3A_36, %get3A_37] : memref<1x256xf32, #tpu.memory_space<vmem>>, vector<1x256xf32>
    %add3A_39 = vector.broadcast %get3A_38 : vector<1x256xf32> to vector<400x256xf32>
    %add3A_40 = arith.addf %dot_general3A_35, %add3A_39 : vector<400x256xf32>
    %gt3A_41 = arith.constant 0.000000e+00 : f32
    %gt3A_42 = vector.broadcast %gt3A_41 : f32 to vector<400x256xf32>
    %gt3A_43 = arith.cmpf ogt, %add3A_40, %gt3A_42 : vector<400x256xf32>
    %mul3A_44 = arith.constant 0.00999999977 : f32
    %mul3A_45 = vector.broadcast %mul3A_44 : f32 to vector<400x256xf32>
    %mul3A_46 = arith.mulf %mul3A_45, %add3A_40 : vector<400x256xf32>
    %select_n3A_47 = arith.select %gt3A_43, %add3A_40, %mul3A_46 : vector<400x256xi1>, vector<400x256xf32>
    %get3A_48 = arith.constant 0 : index
    %get3A_49 = arith.constant 0 : index
    %get3A_50 = vector.load %arg8[%get3A_48, %get3A_49] : memref<256x1xf32, #tpu.memory_space<vmem>>, vector<256x1xf32>
    %dot_general3A_51 = arith.constant dense<0.000000e+00> : vector<400x1xf32>
    %dot_general3A_52 = tpu.matmul %select_n3A_47, %get3A_50, %dot_general3A_51 {dimension_numbers = #tpu.dot_dimension_numbers<[1], [0], [0], [1], [0, 0, 1, 1], [], []>, transpose_lhs_hint = false} : vector<400x256xf32>, vector<256x1xf32>, vector<400x1xf32> -> vector<400x1xf32>
    %get3A_53 = arith.constant 0 : index
    %get3A_54 = arith.constant 0 : index
    %get3A_55 = vector.load %arg9[%get3A_53, %get3A_54] : memref<1x1xf32, #tpu.memory_space<vmem>>, vector<1x1xf32>
    %add3A_56 = vector.broadcast %get3A_55 : vector<1x1xf32> to vector<400x1xf32>
    %add3A_57 = arith.addf %dot_general3A_52, %add3A_56 : vector<400x1xf32>
    %neg3A = arith.constant 0.000000e+00 : f32
    %neg3A_58 = vector.broadcast %neg3A : f32 to vector<400x1xf32>
    %neg3A_59 = arith.subf %neg3A_58, %add3A_57 : vector<400x1xf32>
    %exp3A = math.exp %neg3A_59 : vector<400x1xf32>
    %add3A_60 = arith.constant 1.000000e+00 : f32
    %add3A_61 = vector.broadcast %add3A_60 : f32 to vector<400x1xf32>
    %add3A_62 = arith.addf %add3A_61, %exp3A : vector<400x1xf32>
    %div3A = arith.constant 1.000000e+00 : f32
    %div3A_63 = vector.broadcast %div3A : f32 to vector<400x1xf32>
    %div3A_64 = arith.divf %div3A_63, %add3A_62 : vector<400x1xf32>
    %swap3A = arith.constant 0 : index
    %swap3A_65 = arith.constant 0 : index
    %swap3A_66 = vector.load %arg10[%swap3A, %swap3A_65] : memref<400x1xf32, #tpu.memory_space<vmem>>, vector<400x1xf32>
    tpu.vector_store %arg10[%swap3A, %swap3A_65], %div3A_64 {strides = array<i32>} : memref<400x1xf32, #tpu.memory_space<vmem>>, vector<400x1xf32>,
    return
  }
  func.func @transform_0(%arg0: i32) -> (i32, i32, i32) {
    %c0_i32 = arith.constant 0 : i32
    %c0_i32_0 = arith.constant 0 : i32
    %c0_i32_1 = arith.constant 0 : i32
    return %c0_i32, %arg0, %c0_i32_0 : i32, i32, i32
  }
  func.func @transform_1(%arg0: i32) -> (i32, i32) {
    %c0_i32 = arith.constant 0 : i32
    %c0_i32_0 = arith.constant 0 : i32
    %c0_i32_1 = arith.constant 0 : i32
    return %c0_i32, %c0_i32_0 : i32, i32
  }
  func.func @transform_2(%arg0: i32) -> (i32, i32) {
    %c0_i32 = arith.constant 0 : i32
    %c0_i32_0 = arith.constant 0 : i32
    %c0_i32_1 = arith.constant 0 : i32
    return %c0_i32, %c0_i32_0 : i32, i32
  }
  func.func @transform_3(%arg0: i32) -> (i32, i32) {
    %c0_i32 = arith.constant 0 : i32
    %c0_i32_0 = arith.constant 0 : i32
    %c0_i32_1 = arith.constant 0 : i32
    return %c0_i32, %c0_i32_0 : i32, i32
  }
  func.func @transform_4(%arg0: i32) -> (i32, i32) {
    %c0_i32 = arith.constant 0 : i32
    %c0_i32_0 = arith.constant 0 : i32
    %c0_i32_1 = arith.constant 0 : i32
    return %c0_i32, %c0_i32_0 : i32, i32
  }
  func.func @transform_5(%arg0: i32) -> (i32, i32) {
    %c0_i32 = arith.constant 0 : i32
    %c0_i32_0 = arith.constant 0 : i32
    %c0_i32_1 = arith.constant 0 : i32
    return %c0_i32, %c0_i32_0 : i32, i32
  }
  func.func @transform_6(%arg0: i32) -> (i32, i32) {
    %c0_i32 = arith.constant 0 : i32
    %c0_i32_0 = arith.constant 0 : i32
    %c0_i32_1 = arith.constant 0 : i32
    return %c0_i32, %c0_i32_0 : i32, i32
  }
  func.func @transform_7(%arg0: i32) -> (i32, i32) {
    %c0_i32 = arith.constant 0 : i32
    %c0_i32_0 = arith.constant 0 : i32
    %c0_i32_1 = arith.constant 0 : i32
    return %c0_i32, %c0_i32_0 : i32, i32
  }
  func.func @transform_8(%arg0: i32) -> (i32, i32) {
    %c0_i32 = arith.constant 0 : i32
    %c0_i32_0 = arith.constant 0 : i32
    %c0_i32_1 = arith.constant 0 : i32
    return %c0_i32, %c0_i32_0 : i32, i32
  }
  func.func @transform_9(%arg0: i32) -> (i32, i32) {
    %c0_i32 = arith.constant 0 : i32
    %c0_i32_0 = arith.constant 0 : i32
    return %arg0, %c0_i32 : i32, i32
  }
}

</mosaic_0001>

<sc_bundles>
// kernel: kernel.12.cloned.1.call-start
scs
__scs_entry_jumppad:
0x0: {  	(pc) =	sbr.rel $0x88, $3  }
0x1: {  	(tag) =	ssettag $0x0;
	lr =	simm.s32 $0x1  }
0x2: {  	[smem:$0x3F88] =	sst lr;
	_ =	strace $0xD0000000  }
0x3: {  	_ = 	snop  }
0x4: {  	_ = 	snop  }
0x5: {  	_ = 	snop  }
0x6: {  	_ = 	snop  }
0x7: {  	_ = 	snop  }
__scs_overlays_trampoline_lowered:
0x8: {  	[smem:$0x3F97] =	sst s0  }
0x9: {  	[smem:$0x3F98] =	sst s1  }
0xa: {  	[smem:$0x3F99] =	sst s2  }
0xb: {  	[smem:$0x3F9A] =	sst s3  }
0xc: {  	[smem:$0x3F9B] =	sst s4  }
0xd: {  	[smem:$0x3F9C] =	sst s5  }
0xe: {  	[smem:$0x3F9D] =	sst s6  }
0xf: {  	[smem:$0x3F9E] =	sst s7  }
0x10: {  	[smem:$0x3F9F] =	sst s8  }
0x11: {  	[smem:$0x3FA0] =	sst s9;
	s0 =	simm.s32 @!p0 $0x0  }
0x12: {  	s1 =	sld [smem:$0x3F86];
	s0 =	simm.s32 @p0 $0x1  }
0x13: {  	[smem:$0x3FA1] =	sst s0;
	s0 =	simm.s32 @!p1 $0x0  }
0x14: {  	s2 =	sld [smem:$0x3F85];
	s0 =	simm.s32 @p1 $0x1  }
0x15: {  	[smem:$0x3FA2] =	sst s0;
	s0 =	simm.s32 @!p2 $0x0  }
0x16: {  	s3 =	sld [smem:$0x3FDB];
	s0 =	simm.s32 @p2 $0x1  }
0x17: {  	s4 =	simm.s32 $0x1BF5;
	[smem:$0x3FA4] =	sst s0  }
0x18: {  	s0 =	sld [smem:$0x3F87];
	_ =	swait.ge [sflag:s4], $0x0  }
0x19: {  	s7 =	sld [smem:$0x3F88]  }
0x1a: {  	s8 =	sadd.s32 $0xFFFFE003, lr  }
0x1b: {  	s9 =	sadd.s32 $0xFFFFFEF7, lr;
	s5 =	simm.s32 $0xFFFFFFFF;
	p2 =	slt.u32 s8, $0xFFFFF086  }
0x1c: {  	p1 =	slt.u32 s9, $0xF7A;
	s5 =	simm.s32 @!p2 $0x0  }
0x1d: {  	s5 =	simm.s32 @p1 $0x1;
	p0 =	seq.s32 s7, s2  }
0x1e: {  	s7 =	smul.u32 @!p0 $0xF7A, s2;
	p2 =	seq.s32 @!p0 s5, $0x0  }
0x1f: {  	s9 =	smul.u32 $0xF7A, s1;
	s8 =	simm.s32 @!p0 $0x1BF5;
	p2 =	por !p2, p0  }
0x20: {  	[sflag:s8] =	ssyncset.s32 @!p0 $0xFFFFF086;
	s6 =	sadd.s32 @!p0 s3, s7;
	s7 =	simm.s32 @!p0 $0x108  }
0x21: {  	s3 =	sadd.s32 s3, s9;
	s6 =	sadd.s32 @!p0 $0x88, s6;
	s7 =	simm.s32 @p2 $0x1082  }
0x22: {  	[simem:s7], [sflag:s8] =	dma.local @!p0 [hbm:s6], $0xF7A  }
0x23: {  	s9 =	sor.u32 $0xD0000000, s2;
	s6 =	simm.s32 $0x108;
	_ =	swait.ge @!p0 [sflag:s8], $0x0  }
0x24: {  	s3 =	sadd.s32 $0x88, s3;
	s6 =	simm.s32 @!p1 $0x1082;
	[sflag:s4] =	ssyncset.s32 $0xFFFFF086  }
0x25: {  	[simem:s6], [sflag:s4] =	dma.local [hbm:s3], $0xF7A  }
0x26: {  	[smem:$0x3F88] =	sst s1;
	(tag) =	ssettag s2;
	_ =	strace s9  }
0x27: {  	s1 =	sld [smem:$0x3F98]  }
0x28: {  	s2 =	sld [smem:$0x3F99]  }
0x29: {  	s4 =	sld [smem:$0x3F9B]  }
0x2a: {  	p0 =	seq.s32 s5, $0x0;
	s5 =	sld [smem:$0x3F9C]  }
0x2b: {  	s6 =	sld [smem:$0x3F9D]  }
0x2c: {  	s7 =	sld [smem:$0x3F9E]  }
0x2d: {  	s3 =	simm.s32 $0x108;
	s8 =	sld [smem:$0x3F9F]  }
0x2e: {  	s3 =	simm.s32 @!p0 $0x1082;
	s9 =	sld [smem:$0x3FA0]  }
0x2f: {  	lr =	sadd.s32 s0, s3;
	s0 =	sld [smem:$0x3F97]  }
0x30: {  	s3 =	sld [smem:$0x3F9A]  }
0x31: {  	[smem:$0x3FA3] =	sst s10  }
0x32: {  	s10 =	sld [smem:$0x3FA1];
	_ =	sdelay $0x3  }
0x33: {  	p0 =	seq.s32 s10, $0x1;
	s10 =	sld [smem:$0x3FA3];
	_ =	sdelay $0x3  }
0x34: {  	[smem:$0x3FA3] =	sst s10  }
0x35: {  	s10 =	sld [smem:$0x3FA2];
	_ =	sdelay $0x3  }
0x36: {  	p1 =	seq.s32 s10, $0x1;
	s10 =	sld [smem:$0x3FA3];
	_ =	sdelay $0x3  }
0x37: {  	[smem:$0x3FA3] =	sst s10  }
0x38: {  	s10 =	sld [smem:$0x3FA4]  }
0x39: {  	_ = 	snop;
	(pc) =	sbr.ind lr, $3  }
0x3a: {  	_ = 	snop  }
0x3b: {  	_ = 	snop  }
0x3c: {  	p2 =	seq.s32 s10, $0x1;
	s10 =	sld [smem:$0x3FA3]  }
0x3d: {  	_ =	shalt  }
0x3e: {  	_ =	shalt  }
0x3f: {  	_ =	shalt  }
0x40: {  	_ =	shalt  }
0x41: {  	_ =	shalt  }
0x42: {  	_ =	shalt  }
0x43: {  	_ =	shalt  }
0x44: {  	_ =	shalt  }
0x45: {  	_ =	shalt  }
0x46: {  	_ =	shalt  }
0x47: {  	_ =	shalt  }
0x48: {  	_ =	shalt  }
0x49: {  	_ =	shalt  }
0x4a: {  	_ =	shalt  }
0x4b: {  	_ =	shalt  }
0x4c: {  	_ =	shalt  }
0x4d: {  	_ =	shalt  }
0x4e: {  	_ =	shalt  }
0x4f: {  	_ =	shalt  }
0x50: {  	_ =	shalt  }
0x51: {  	_ =	shalt  }
0x52: {  	_ =	shalt  }
0x53: {  	_ =	shalt  }
0x54: {  	_ =	shalt  }
0x55: {  	_ =	shalt  }
0x56: {  	_ =	shalt  }
0x57: {  	_ =	shalt  }
0x58: {  	_ =	shalt  }
0x59: {  	_ =	shalt  }
0x5a: {  	_ =	shalt  }
0x5b: {  	_ =	shalt  }
0x5c: {  	_ =	shalt  }
0x5d: {  	_ =	shalt  }
0x5e: {  	_ =	shalt  }
0x5f: {  	_ =	shalt  }
0x60: {  	_ =	shalt  }
0x61: {  	_ =	shalt  }
0x62: {  	_ =	shalt  }
0x63: {  	_ =	shalt  }
0x64: {  	_ =	shalt  }
0x65: {  	_ =	shalt  }
0x66: {  	_ =	shalt  }
0x67: {  	_ =	shalt  }
0x68: {  	_ =	shalt  }
0x69: {  	_ =	shalt  }
0x6a: {  	_ =	shalt  }
0x6b: {  	_ =	shalt  }
0x6c: {  	_ =	shalt  }
0x6d: {  	_ =	shalt  }
0x6e: {  	_ =	shalt  }
0x6f: {  	_ =	shalt  }
0x70: {  	_ =	shalt  }
0x71: {  	_ =	shalt  }
0x72: {  	_ =	shalt  }
0x73: {  	_ =	shalt  }
0x74: {  	_ =	shalt  }
0x75: {  	_ =	shalt  }
0x76: {  	_ =	shalt  }
0x77: {  	_ =	shalt  }
0x78: {  	_ =	shalt  }
0x79: {  	_ =	shalt  }
0x7a: {  	_ =	shalt  }
0x7b: {  	_ =	shalt  }
0x7c: {  	_ =	shalt  }
0x7d: {  	_ =	shalt  }
0x7e: {  	_ =	shalt  }
0x7f: {  	_ =	shalt  }
0x80: {  	_ =	shalt  }
0x81: {  	_ =	shalt  }
0x82: {  	_ =	shalt  }
0x83: {  	_ =	shalt  }
0x84: {  	_ =	shalt  }
0x85: {  	_ =	shalt  }
0x86: {  	_ =	shalt  }
0x87: {  	_ =	shalt  }
.Lfunc_end0:
.L_simem_size_0:
called_computation.1_lowered:
.L_overlay_start_0:
0x88: {  	s2 =	sld [smem:$0x3FD9]  }
0x89: {  	s3 =	sld [smem:$0x3FFE];
	_ =	sdelay $0x1  }
0x8a: {  	s1 =	srdreg.scid  }
0x8b: {  	s0 =	sand.u32 $0x1, s1  }
0x8c: {  	s16 =	sshll.u32 s0, $0xA;
	s2 =	sadd.s32 s3, s2  }
0x8d: {  	s2 =	sadd.s32 s2, s16  }
0x8e: {  	[smem:$0x3FAF] =	sst s2  }
0x8f: {  	_ = 	snop  }
0x90: {  	(tm) =	ssettm $0x1  }
0x91: {  	s17 =	sld [smem:$0x3FFB];
	_ =	sdelay $0x3  }
0x92: {  	_ =	strace s17  }
0x93: {  	s2 =	sld [smem:$0x3FFC];
	_ =	sdelay $0x3  }
0x94: {  	_ =	strace s2  }
0x95: {  	s2 =	sld [smem:$0x3FFD];
	_ =	sdelay $0x3  }
0x96: {  	_ =	strace s2  }
0x97: {  	_ =	strace $0x8FFFFFFF  }
0x98: {  	s18 =	sld [smem:$0x3FDB];
	_ =	sdelay $0x1  }
0x99: {  	s19 =	simm.s32 $_scs_section_size  }
0x9a: {  	s4 =	simm.s32 $_size__tile_overlayer_lowered;
	s5 =	simm.s32 $_tile_overlayer_lowered  }
0x9b: {  	s22 =	simm.s32 $0x1BFF;
	s21 =	sshll.u32 s5, $0x1;
	s2 =	sadd.s32 s19, s18  }
0x9c: {  	s6 =	simm.s32 $0x0;
	s20 =	sshll.u32 s4, $0x1;
	s4 =	sadd.s32 s21, s2  }
0x9d: {  	[timem:s6], [sflag:s22] =	dma.local [hbm:s4], s20  }
0x9e: {  	_ =	swait.ge [sflag:s22], s20  }
0x9f: {  	s3 =	ssub.s32 $0x0, s20;
	[sflag:s22] =	ssyncset.done $0x0  }
0xa0: {  	[sflag:s22] =	ssyncadd.s32 s3;
	_ =	sdelay $0x1  }
0xa1: {  	s23 =	simm.s32 $0x1B8B  }
0xa2: {  	_ =	swait.ge [sflag:s23], $0x1  }
0xa3: {  	[sflag:s23] =	ssyncset.done $0x0  }
0xa4: {  	s25 =	simm.s32 $0x1B8E;
	s24 =	sld [smem:$0x3FFE];
	[sflag:s23] =	ssyncadd.s32 $0xFFFFFFFF  }
0xa5: {  	s26 =	simm.s32 $execute0_lowered;
	[smem:$0x3FD2] =	sst s25  }
0xa6: {  	s4 =	sshll.u32 s26, $0x1;
	_ =	strace $0x80000049;
	[dreg:$0x1] =	wrdreg $0xFFFFFFFF  }
0xa7: {  	s28 =	simm.s32 $_size_execute0_lowered;
	s2 =	sadd.s32 s2, s4;
	[dreg:$0x0] =	wrdreg $0x0  }
0xa8: {  	s4 =	sshll.u32 s28, $0x1;
	[dreg:$0x2] =	wrdreg s2  }
0xa9: {  	[dreg:$0x3] =	wrdreg s4  }
0xaa: {  	[dreg:$0x4] =	wrdreg $0xC0  }
0xab: {  	_ =	task [dreg:s6], $0x5FFFF  }
0xac: {  	[dreg:$0x1] =	wrdreg $0xFFFFFFFF  }
0xad: {  	[dreg:$0x0] =	wrdreg $0x60  }
0xae: {  	[dreg:$0x2] =	wrdreg s24  }
0xaf: {  	[dreg:$0x3] =	wrdreg $0xC0000  }
0xb0: {  	[dreg:$0x4] =	wrdreg $0x9  }
0xb1: {  	_ =	task.clear_ibuf [dreg:s6], $0x5FFFF;
	_ =	strace $0x90000049  }
0xb2: {  	s29 =	simm.s32 $0x9;
	_ =	strace $0x8000004B  }
0xb3: {  	_ =	swait.ge [sflag:s29], $0x1  }
0xb4: {  	[sflag:s29] =	ssyncadd.s32 $0xFFFFFFFF  }
0xb5: {  	_ =	strace $0x9000004B  }
0xb6: {  	_ =	sfence  }
0xb7: {  	s30 =	sld [smem:$0x0];
	_ =	sdelay $0x2  }
0xb8: {  	s31 =	sshll.u32 s1, $0xD;
	s1 =	sshrl.u32 s1, $0x2  }
0xb9: {  	s3 =	sand.u32 $0x4000, s31;
	s1 =	sadd.s32 s1, s30  }
0xba: {  	s0 =	sor.u32 s3, s0;
	s1 =	sshll.u32 s1, $0x11  }
0xbb: {  	s0 =	sor.u32 s1, s0  }
0xbc: {  	s0 =	sadd.s32 $0x8F2B, s0  }
0xbd: {  	[sflag:s0] =	ssyncadd.remote.s32 $0x1  }
0xbe: {  	_ =	sfence.sel $0xFFFF  }
0xbf: {  	[dreg:$0x0] =	wrdreg $0xFFFFFFFF;
	(pc) =	sbr.abs _section_cstart, $3  }
0xc0: {  	[dreg:$0x1] =	wrdreg $0xFFFFFFFF  }
0xc1: {  	_ =	task.clear_ibuf [dreg:s6], $0x2FFFF;
	_ =	strace $0x9FFFFFFF  }
0xc2: {  	(tm) =	ssettm $0x7FFFFFFF  }
0xc3: {  	_ =	shalt  }
tec
execute0_lowered:
.L_overlay_start_1:
0x0: {  	(tag) =	ssettag $0x1  }
0x1: {  	s0 =	rddreg [dreg:$0x0]  }
0x2: {  	s1 =	rddreg [dreg:$0x1];
	s3 =	simm.s32 $0x0;
	s2 =	srdreg.scid  }
0x3: {  	s11 =	stileid.u32;
	s15 =	simm.s32 $0xB;
	s29 =	simm.s32 $0x8000  }
0x4: {  	s30 =	simm.s32 $0x2;
	s14 =	simm.s32 $0x4;
	s28 =	simm.s32 $0xA  }
0x5: {  	[smem:$0x7FF] =	sst s3;
	s2 =	sand.u32 $0x1, s2;
	s7 =	smul.u32 $0x14000, s11  }
0x6: {  	s4 =	sadd.s32 $0x2F400, s0;
	s5 =	sadd.s32 $0x93400, s0;
	s10 =	smul.u32 $0x50000, s11  }
0x7: {  	s6 =	sadd.s32 $0x7F400, s0;
	s8 =	sadd.s32 $0x2CC00, s0;
	s9 =	smul.u32 $0xA000, s11  }
0x8: {  	s22 =	sshll.u32 s11, $0x6;
	s11 =	simm.s32 $0x5;
	_ =	strace $0x8000004A  }
0x9: {  	s16 =	smul.u32 $0x140000, s2;
	[dreg:$0x3] =	wrdreg s8;
	s17 =	ssub.s32 $0x2, s2  }
0xa: {  	s8 =	smul.u32 $0xA0000, s2;
	s12 =	sor.u32 $0x1C0B, s22;
	s22 =	simm.s32 $0x40  }
0xb: {  	s2 =	simm.s32 $0x3;
	s19 =	sshrl.u32 s17, $0x1;
	s21 =	sshrl.u32 s10, $0x2  }
0xc: {  	s25 =	sshrl.u32 s9, $0x3;
	s13 =	sadd.s32 $0x2000, s9;
	s10 =	simm.s32 $0x6  }
0xd: {  	[dreg:$0x4] =	wrdreg s12;
	s3 =	sadd.s32 s7, s16;
	s20 =	ssub.s32 s17, s19  }
0xe: {  	s23 =	sadd.s32 s9, s8;
	s26 =	sadd.s32 s6, s25;
	s19 =	simm.s32 $0x9  }
0xf: {  	s25 =	simm.s32 $0x6000;
	s17 =	simm.s32 $0x7;
	s16 =	simm.s32 $0x0  }
0x10: {  	s18 =	sshrl.u32 s3, $0x3;
	s3 =	sadd.s32 s21, s1;
	s24 =	sshrl.u32 s23, $0x3  }
0x11: {  	[dreg:$0x6] =	wrdreg s26;
	s31 =	smax.u32 s20, $0x1;
	s20 =	simm.s32 $0x1000  }
.Ltmp0:
0x12: {  	s21 =	simm.s32 $0x3000;
	s23 =	simm.s32 $0x4000;
	(pc) =	sbr.rel .LBB2_1-.Ltmp0, $4  }
0x13: {  	s0 =	sadd.s32 s18, s0;
	s7 =	sadd.s32 s5, s24;
	[dreg:$0x8] =	wrdreg s31  }
0x14: {  	s26 =	simm.s32 $0x1;
	[dreg:$0x5] =	wrdreg s7;
	s0 =	sadd.s32 $0xBB400, s0  }
0x15: {  	s24 =	simm.s32 $0x8;
	s7 =	sshrl.u32 s3, $0x3;
	[dreg:$0x7] =	wrdreg s0  }
0x16: {  	s18 =	simm.s32 $0x1280;
	s3 =	simm.s32 $0xA000;
	[dreg:$0x9] =	wrdreg s7  }
.LBB2_9:
0x17: {  	[bflag:$0x0] =	sbarrier.arrive $0xFFFF  }
0x18: {  	s12 =	rddreg [dreg:$0x4]  }
0x19: {  	s0 =	rddreg [dreg:$0x7]  }
0x1a: {  	s15 =	simm.s32 $0xB;
	s7 =	rddreg [dreg:$0x9]  }
0x1b: {  	[hbm:s0], [sflag:s12] =	dma.local [spmem:s7], $0x2800  }
0x1c: {  	_ =	swait.ge [sflag:s15], $0x2800  }
0x1d: {  	s16 =	rddreg [dreg:$0xa]  }
0x1e: {  	s31 =	rddreg [dreg:$0x8];
	s16 =	sadd.s32 $0x1, s16  }
0x1f: {  	p0 =	sne.s32 s16, s31  }
.Ltmp1:
0x20: {  	_ = 	snop;
	(pc) =	sbr.rel @!p0 .LBB2_10-.Ltmp1, $3  }
0x21: {  	_ =	sdelay $0x1  }
0x22: {  	[sflag:s15] =	ssyncset.done $0x0  }
0x23: {  	[sflag:s15] =	ssyncadd.s32 $0xFFFFD800  }
.LBB2_1:
0x24: {  	[dreg:$0xa] =	wrdreg s16  }
0x25: {  	s0 =	rddreg [dreg:$0x3]  }
0x26: {  	[spmem:s7], [sflag:s12] =	dma.local [hbm:s0], $0x2800  }
0x27: {  	_ =	swait.ge [sflag:s15], $0x2800  }
0x28: {  	[sflag:s15] =	ssyncset.done $0x0  }
0x29: {  	[sflag:s15] =	ssyncadd.s32 $0xFFFFD800  }
.Ltmp2:
0x2a: {  	[bflag:$0x0] =	sbarrier.arrive $0xFFFF;
	(pc) =	sbr.rel .LBB2_2-.Ltmp2, $4  }
0x2b: {  	s0 =	simm.s32 $0x0;
	s12 =	rddreg [dreg:$0x5]  }
0x2c: {  	[tilespmem:s0], [sflag:$0x9] =	stream.linear.gather [hbm4b:s12+s0], $0x1000, $0x38;
	v63 =	vld [tilespmem:$0x0]  }
0x2d: {  	s16 =	simm.s32 $0x2000;
	s31 =	simm.s32 $0x0;
	s15 =	rddreg [dreg:$0x6]  }
0x2e: {  	[tilespmem:s16], [sflag:$0x9] =	stream.linear.gather [hbm4b:s15+s0], $0x1000, $0x38;
	v63 =	vld [tilespmem:$0x0]  }
.LBB2_8:
0x2f: {  	_ =	swait.ge [sflag:s14], $0x2000  }
0x30: {  	[sflag:s14] =	ssyncset.done $0x0  }
0x31: {  	[sflag:s14] =	ssyncadd.s32 $0xFFFFE000  }
0x32: {  	[spmem:s1] =	stream.indirect.scatter.add.f32 [tilespmem:s3], [sflag:$0x8], $0x80, s12, s22, $0xb8;
	v63 =	vld [tilespmem:$0x0]  }
0x33: {  	_ =	swait.ge [sflag:s11], $0x2000  }
0x34: {  	[sflag:s11] =	ssyncset.done $0x0  }
0x35: {  	[sflag:s11] =	ssyncadd.s32 $0xFFFFE000  }
0x36: {  	_ =	swait.ge [sflag:s10], $0x2000  }
0x37: {  	[sflag:s10] =	ssyncset.done $0x0  }
0x38: {  	s31 =	sadd.s32 $0x1, s31;
	[sflag:s10] =	ssyncadd.s32 $0xFFFFE000  }
0x39: {  	p0 =	sne.s32 s31, $0x5;
	_ =	swait.ge [sflag:s17], $0x2000  }
.Ltmp3:
0x3a: {  	[sflag:s17] =	ssyncset.done $0x0;
	(pc) =	sbr.rel @!p0 .LBB2_9-.Ltmp3, $4  }
0x3b: {  	[sflag:s17] =	ssyncadd.s32 $0xFFFFE000  }
0x3c: {  	_ =	swait.ge [sflag:s24], $0x2000  }
0x3d: {  	[sflag:s24] =	ssyncset.done $0x0  }
0x3e: {  	[sflag:s24] =	ssyncadd.s32 $0xFFFFE000  }
.LBB2_2:
0x3f: {  	s0 =	sshll.u32 s31, $0xD;
	_ =	swait.ge [sflag:s19], $0x1000  }
0x40: {  	[sflag:s19] =	ssyncset.done $0x0;
	s7 =	sadd.s32 s0, s9  }
0x41: {  	[sflag:s19] =	ssyncadd.s32 $0xFFFFF000;
	s12 =	sadd.s32 $0x1000, s7  }
0x42: {  	_ =	swait.ge [sflag:s19], $0x1000;
	s7 =	sadd.s32 s8, s12  }
0x43: {  	s12 =	sshrl.u32 s12, $0x3;
	[sflag:s19] =	ssyncset.done $0x0;
	s7 =	sshrl.u32 s7, $0x3  }
0x44: {  	[sflag:s19] =	ssyncadd.s32 $0xFFFFF000;
	s15 =	sadd.s32 s5, s7;
	s7 =	simm.s32 $0x0  }
0x45: {  	[tilespmem:s20], [sflag:$0xA] =	stream.linear.gather [hbm4b:s15+s7], $0x1000, $0x38;
	v63 =	vld [tilespmem:$0x0]  }
0x46: {  	s12 =	sadd.s32 s6, s12  }
0x47: {  	[tilespmem:s21], [sflag:$0xA] =	stream.linear.gather [hbm4b:s12+s7], $0x1000, $0x38;
	v63 =	vld [tilespmem:$0x0]  }
0x48: {  	_ = 	snop  }
0x49: {  	[tilespmem:s23], [sflag:$0x1] =	stream.indirect.gather [hbm4b:s4+s22], $0x80, s7, s22, $0xb8;
	v63 =	vld [tilespmem:$0x0]  }
0x4a: {  	s16 =	simm.s32 $0x80  }
0x4b: {  	[tilespmem:s25], [sflag:$0x2] =	stream.indirect.gather [hbm4b:s4+s22], $0x80, s16, s22, $0xb8;
	v63 =	vld [tilespmem:$0x0]  }
0x4c: {  	_ =	swait.ge [sflag:s26], $0x2000  }
0x4d: {  	[sflag:s26] =	ssyncset.done $0x0  }
0x4e: {  	s15 =	simm.s32 $0x2000;
	[sflag:s26] =	ssyncadd.s32 $0xFFFFE000  }
0x4f: {  	[spmem:s1] =	stream.indirect.scatter.add.f32 [tilespmem:s23], [sflag:$0x5], $0x80, s15, s22, $0xb8;
	v63 =	vld [tilespmem:$0x0]  }
0x50: {  	s16 =	simm.s32 $0x100  }
0x51: {  	[tilespmem:s29], [sflag:$0x3] =	stream.indirect.gather [hbm4b:s4+s22], $0x80, s16, s22, $0xb8;
	v63 =	vld [tilespmem:$0x0]  }
0x52: {  	_ =	swait.ge [sflag:s30], $0x2000  }
0x53: {  	[sflag:s30] =	ssyncset.done $0x0  }
0x54: {  	s15 =	simm.s32 $0x2080;
	[sflag:s30] =	ssyncadd.s32 $0xFFFFE000  }
0x55: {  	[spmem:s1] =	stream.indirect.scatter.add.f32 [tilespmem:s25], [sflag:$0x6], $0x80, s15, s22, $0xb8;
	v63 =	vld [tilespmem:$0x0]  }
0x56: {  	s16 =	simm.s32 $0x180  }
0x57: {  	[tilespmem:s3], [sflag:$0x4] =	stream.indirect.gather [hbm4b:s4+s22], $0x80, s16, s22, $0xb8;
	v63 =	vld [tilespmem:$0x0]  }
0x58: {  	_ =	swait.ge [sflag:s2], $0x2000  }
0x59: {  	[sflag:s2] =	ssyncset.done $0x0  }
0x5a: {  	s15 =	simm.s32 $0x2100;
	[sflag:s2] =	ssyncadd.s32 $0xFFFFE000  }
0x5b: {  	[spmem:s1] =	stream.indirect.scatter.add.f32 [tilespmem:s29], [sflag:$0x7], $0x80, s15, s22, $0xb8;
	v63 =	vld [tilespmem:$0x0]  }
0x5c: {  	_ =	swait.ge [sflag:s11], $0x2000  }
0x5d: {  	[sflag:s11] =	ssyncset.done $0x0  }
0x5e: {  	s16 =	simm.s32 $0x200;
	[sflag:s11] =	ssyncadd.s32 $0xFFFFE000  }
0x5f: {  	[tilespmem:s23], [sflag:$0x1] =	stream.indirect.gather [hbm4b:s4+s22], $0x80, s16, s22, $0xb8;
	v63 =	vld [tilespmem:$0x0]  }
0x60: {  	_ =	swait.ge [sflag:s14], $0x2000  }
0x61: {  	[sflag:s14] =	ssyncset.done $0x0  }
0x62: {  	s15 =	simm.s32 $0x2180;
	[sflag:s14] =	ssyncadd.s32 $0xFFFFE000  }
0x63: {  	[spmem:s1] =	stream.indirect.scatter.add.f32 [tilespmem:s3], [sflag:$0x8], $0x80, s15, s22, $0xb8;
	v63 =	vld [tilespmem:$0x0]  }
0x64: {  	_ =	swait.ge [sflag:s10], $0x2000  }
0x65: {  	[sflag:s10] =	ssyncset.done $0x0  }
0x66: {  	s16 =	simm.s32 $0x280;
	[sflag:s10] =	ssyncadd.s32 $0xFFFFE000  }
0x67: {  	[tilespmem:s25], [sflag:$0x2] =	stream.indirect.gather [hbm4b:s4+s22], $0x80, s16, s22, $0xb8;
	v63 =	vld [tilespmem:$0x0]  }
.LBB2_3:
0x68: {  	_ =	swait.ge [sflag:s26], $0x2000  }
0x69: {  	s12 =	sshra.s32 s7, $0x2;
	[sflag:s26] =	ssyncset.done $0x0  }
0x6a: {  	s15 =	sadd.s32 $0x2200, s12;
	[sflag:s26] =	ssyncadd.s32 $0xFFFFE000  }
0x6b: {  	[spmem:s1] =	stream.indirect.scatter.add.f32 [tilespmem:s23], [sflag:$0x5], $0x80, s15, s22, $0xb8;
	v63 =	vld [tilespmem:$0x0]  }
0x6c: {  	_ =	swait.ge [sflag:s17], $0x2000  }
0x6d: {  	[sflag:s17] =	ssyncset.done $0x0  }
0x6e: {  	s16 =	sadd.s32 $0x300, s12;
	[sflag:s17] =	ssyncadd.s32 $0xFFFFE000  }
0x6f: {  	[tilespmem:s29], [sflag:$0x3] =	stream.indirect.gather [hbm4b:s4+s22], $0x80, s16, s22, $0xb8;
	v63 =	vld [tilespmem:$0x0]  }
0x70: {  	_ =	swait.ge [sflag:s30], $0x2000  }
0x71: {  	[sflag:s30] =	ssyncset.done $0x0  }
0x72: {  	s16 =	sadd.s32 $0x2280, s12;
	[sflag:s30] =	ssyncadd.s32 $0xFFFFE000  }
0x73: {  	[spmem:s1] =	stream.indirect.scatter.add.f32 [tilespmem:s25], [sflag:$0x6], $0x80, s16, s22, $0xb8;
	v63 =	vld [tilespmem:$0x0]  }
0x74: {  	_ =	swait.ge [sflag:s24], $0x2000  }
0x75: {  	[sflag:s24] =	ssyncset.done $0x0  }
0x76: {  	p0 =	seq.s32 s7, $0x3000;
	s16 =	sadd.s32 $0x380, s12;
	[sflag:s24] =	ssyncadd.s32 $0xFFFFE000  }
0x77: {  	[tilespmem:s3], [sflag:$0x4] =	stream.indirect.gather [hbm4b:s4+s22], $0x80, s16, s22, $0xb8;
	v63 =	vld [tilespmem:$0x0]  }
.Ltmp4:
0x78: {  	_ = 	snop;
	(pc) =	sbr.rel @p0 .LBB2_5-.Ltmp4, $4  }
0x79: {  	_ =	swait.ge [sflag:s2], $0x2000  }
0x7a: {  	[sflag:s2] =	ssyncset.done $0x0  }
0x7b: {  	s15 =	sadd.s32 $0x2380, s12;
	s16 =	sadd.s32 $0x2300, s12;
	[sflag:s2] =	ssyncadd.s32 $0xFFFFE000  }
0x7c: {  	[spmem:s1] =	stream.indirect.scatter.add.f32 [tilespmem:s29], [sflag:$0x7], $0x80, s16, s22, $0xb8;
	v63 =	vld [tilespmem:$0x0]  }
0x7d: {  	_ =	swait.ge [sflag:s11], $0x2000  }
0x7e: {  	[sflag:s11] =	ssyncset.done $0x0  }
0x7f: {  	s16 =	sadd.s32 $0x400, s12;
	[sflag:s11] =	ssyncadd.s32 $0xFFFFE000  }
0x80: {  	[tilespmem:s23], [sflag:$0x1] =	stream.indirect.gather [hbm4b:s4+s22], $0x80, s16, s22, $0xb8;
	v63 =	vld [tilespmem:$0x0]  }
0x81: {  	_ =	swait.ge [sflag:s14], $0x2000  }
0x82: {  	[sflag:s14] =	ssyncset.done $0x0  }
0x83: {  	[sflag:s14] =	ssyncadd.s32 $0xFFFFE000  }
0x84: {  	[spmem:s1] =	stream.indirect.scatter.add.f32 [tilespmem:s3], [sflag:$0x8], $0x80, s15, s22, $0xb8;
	v63 =	vld [tilespmem:$0x0]  }
.Ltmp5:
0x85: {  	_ = 	snop;
	(pc) =	sbr.rel .LBB2_3-.Ltmp5, $4  }
0x86: {  	_ =	swait.ge [sflag:s10], $0x2000  }
0x87: {  	[sflag:s10] =	ssyncset.done $0x0  }
0x88: {  	s7 =	sadd.s32 $0x800, s7;
	s16 =	sadd.s32 $0x480, s12;
	[sflag:s10] =	ssyncadd.s32 $0xFFFFE000  }
0x89: {  	[tilespmem:s25], [sflag:$0x2] =	stream.indirect.gather [hbm4b:s4+s22], $0x80, s16, s22, $0xb8;
	v63 =	vld [tilespmem:$0x0]  }
.LBB2_5:
0x8a: {  	_ =	swait.ge [sflag:s14], $0x2000  }
0x8b: {  	[sflag:s14] =	ssyncset.done $0x0  }
0x8c: {  	[sflag:s14] =	ssyncadd.s32 $0xFFFFE000  }
0x8d: {  	[spmem:s1] =	stream.indirect.scatter.add.f32 [tilespmem:s3], [sflag:$0x8], $0x80, s15, s22, $0xb8;
	v63 =	vld [tilespmem:$0x0]  }
0x8e: {  	_ =	swait.ge [sflag:s11], $0x2000  }
0x8f: {  	[sflag:s11] =	ssyncset.done $0x0  }
0x90: {  	[sflag:s11] =	ssyncadd.s32 $0xFFFFE000  }
0x91: {  	_ =	swait.ge [sflag:s10], $0x2000  }
0x92: {  	[sflag:s10] =	ssyncset.done $0x0  }
0x93: {  	[sflag:s10] =	ssyncadd.s32 $0xFFFFE000  }
0x94: {  	_ =	swait.ge [sflag:s17], $0x2000  }
0x95: {  	[sflag:s17] =	ssyncset.done $0x0  }
0x96: {  	[sflag:s17] =	ssyncadd.s32 $0xFFFFE000  }
0x97: {  	_ =	swait.ge [sflag:s24], $0x2000  }
0x98: {  	[sflag:s24] =	ssyncset.done $0x0  }
0x99: {  	[sflag:s24] =	ssyncadd.s32 $0xFFFFE000  }
0x9a: {  	_ =	swait.ge [sflag:s28], $0x1000  }
0x9b: {  	p0 =	seq.s32 s31, $0x4;
	[sflag:s28] =	ssyncset.done $0x0  }
0x9c: {  	s0 =	sadd.s32 @!p0 s0, s13;
	[sflag:s28] =	ssyncadd.s32 $0xFFFFF000  }
0x9d: {  	s7 =	sadd.s32 @!p0 s8, s0;
	_ =	swait.ge [sflag:s28], $0x1000  }
0x9e: {  	s12 =	simm.s32 @!p0 $0x0;
	s7 =	sshrl.u32 @!p0 s7, $0x3;
	[sflag:s28] =	ssyncset.done $0x0  }
0x9f: {  	s0 =	sshrl.u32 @!p0 s0, $0x3;
	s7 =	sadd.s32 @!p0 s5, s7;
	[sflag:s28] =	ssyncadd.s32 $0xFFFFF000  }
0xa0: {  	[tilespmem:s12], [sflag:$0x9] =	stream.linear.gather @!p0 [hbm4b:s7+s12], $0x1000, $0x38;
	v63 =	vld [tilespmem:$0x0]  }
0xa1: {  	s0 =	sadd.s32 @!p0 s6, s0;
	s7 =	simm.s32 @!p0 $0x2000  }
0xa2: {  	[tilespmem:s7], [sflag:$0x9] =	stream.linear.gather @!p0 [hbm4b:s0+s12], $0x1000, $0x38;
	v63 =	vld [tilespmem:$0x0]  }
0xa3: {  	_ = 	snop  }
0xa4: {  	[tilespmem:s23], [sflag:$0x1] =	stream.indirect.gather [hbm4b:s4+s22], $0x80, s20, s22, $0xb8;
	v63 =	vld [tilespmem:$0x0]  }
0xa5: {  	s12 =	simm.s32 $0x1080  }
0xa6: {  	[tilespmem:s25], [sflag:$0x2] =	stream.indirect.gather [hbm4b:s4+s22], $0x80, s12, s22, $0xb8;
	v63 =	vld [tilespmem:$0x0]  }
0xa7: {  	_ =	swait.ge [sflag:s26], $0x2000  }
0xa8: {  	[sflag:s26] =	ssyncset.done $0x0  }
0xa9: {  	[sflag:s26] =	ssyncadd.s32 $0xFFFFE000  }
0xaa: {  	[spmem:s1] =	stream.indirect.scatter.add.f32 [tilespmem:s23], [sflag:$0x5], $0x80, s21, s22, $0xb8;
	v63 =	vld [tilespmem:$0x0]  }
0xab: {  	s15 =	simm.s32 $0x1100  }
0xac: {  	[tilespmem:s29], [sflag:$0x3] =	stream.indirect.gather [hbm4b:s4+s22], $0x80, s15, s22, $0xb8;
	v63 =	vld [tilespmem:$0x0]  }
0xad: {  	_ =	swait.ge [sflag:s30], $0x2000  }
0xae: {  	[sflag:s30] =	ssyncset.done $0x0  }
0xaf: {  	s16 =	simm.s32 $0x3080;
	[sflag:s30] =	ssyncadd.s32 $0xFFFFE000  }
0xb0: {  	[spmem:s1] =	stream.indirect.scatter.add.f32 [tilespmem:s25], [sflag:$0x6], $0x80, s16, s22, $0xb8;
	v63 =	vld [tilespmem:$0x0]  }
0xb1: {  	s7 =	simm.s32 $0x1180  }
0xb2: {  	[tilespmem:s3], [sflag:$0x4] =	stream.indirect.gather [hbm4b:s4+s22], $0x80, s7, s22, $0xb8;
	v63 =	vld [tilespmem:$0x0]  }
0xb3: {  	_ =	swait.ge [sflag:s2], $0x2000  }
0xb4: {  	[sflag:s2] =	ssyncset.done $0x0  }
0xb5: {  	s12 =	simm.s32 $0x3100;
	[sflag:s2] =	ssyncadd.s32 $0xFFFFE000  }
0xb6: {  	[spmem:s1] =	stream.indirect.scatter.add.f32 [tilespmem:s29], [sflag:$0x7], $0x80, s12, s22, $0xb8;
	v63 =	vld [tilespmem:$0x0]  }
0xb7: {  	_ =	swait.ge [sflag:s11], $0x2000  }
0xb8: {  	[sflag:s11] =	ssyncset.done $0x0  }
0xb9: {  	s15 =	simm.s32 $0x1200;
	[sflag:s11] =	ssyncadd.s32 $0xFFFFE000  }
0xba: {  	[tilespmem:s23], [sflag:$0x1] =	stream.indirect.gather [hbm4b:s4+s22], $0x80, s15, s22, $0xb8;
	v63 =	vld [tilespmem:$0x0]  }
0xbb: {  	_ =	swait.ge [sflag:s14], $0x2000  }
0xbc: {  	[sflag:s14] =	ssyncset.done $0x0  }
0xbd: {  	s16 =	simm.s32 $0x3180;
	[sflag:s14] =	ssyncadd.s32 $0xFFFFE000  }
0xbe: {  	[spmem:s1] =	stream.indirect.scatter.add.f32 [tilespmem:s3], [sflag:$0x8], $0x80, s16, s22, $0xb8;
	v63 =	vld [tilespmem:$0x0]  }
0xbf: {  	_ =	swait.ge [sflag:s10], $0x2000  }
0xc0: {  	[sflag:s10] =	ssyncset.done $0x0  }
0xc1: {  	s0 =	simm.s32 $0x0;
	[sflag:s10] =	ssyncadd.s32 $0xFFFFE000  }
0xc2: {  	[tilespmem:s25], [sflag:$0x2] =	stream.indirect.gather [hbm4b:s4+s22], $0x80, s18, s22, $0xb8;
	v63 =	vld [tilespmem:$0x0]  }
.LBB2_6:
0xc3: {  	_ =	swait.ge [sflag:s26], $0x2000  }
0xc4: {  	s7 =	sshra.s32 s0, $0x2;
	[sflag:s26] =	ssyncset.done $0x0  }
0xc5: {  	s12 =	sadd.s32 $0x3200, s7;
	[sflag:s26] =	ssyncadd.s32 $0xFFFFE000  }
0xc6: {  	[spmem:s1] =	stream.indirect.scatter.add.f32 [tilespmem:s23], [sflag:$0x5], $0x80, s12, s22, $0xb8;
	v63 =	vld [tilespmem:$0x0]  }
0xc7: {  	_ =	swait.ge [sflag:s17], $0x2000  }
0xc8: {  	[sflag:s17] =	ssyncset.done $0x0  }
0xc9: {  	s15 =	sadd.s32 $0x1300, s7;
	[sflag:s17] =	ssyncadd.s32 $0xFFFFE000  }
0xca: {  	[tilespmem:s29], [sflag:$0x3] =	stream.indirect.gather [hbm4b:s4+s22], $0x80, s15, s22, $0xb8;
	v63 =	vld [tilespmem:$0x0]  }
0xcb: {  	_ =	swait.ge [sflag:s30], $0x2000  }
0xcc: {  	[sflag:s30] =	ssyncset.done $0x0  }
0xcd: {  	s16 =	sadd.s32 $0x3280, s7;
	[sflag:s30] =	ssyncadd.s32 $0xFFFFE000  }
0xce: {  	[spmem:s1] =	stream.indirect.scatter.add.f32 [tilespmem:s25], [sflag:$0x6], $0x80, s16, s22, $0xb8;
	v63 =	vld [tilespmem:$0x0]  }
0xcf: {  	_ =	swait.ge [sflag:s24], $0x2000  }
0xd0: {  	[sflag:s24] =	ssyncset.done $0x0  }
0xd1: {  	p0 =	seq.s32 s0, $0x3000;
	s15 =	sadd.s32 $0x1380, s7;
	[sflag:s24] =	ssyncadd.s32 $0xFFFFE000  }
0xd2: {  	[tilespmem:s3], [sflag:$0x4] =	stream.indirect.gather [hbm4b:s4+s22], $0x80, s15, s22, $0xb8;
	v63 =	vld [tilespmem:$0x0]  }
.Ltmp6:
0xd3: {  	_ = 	snop;
	(pc) =	sbr.rel @p0 .LBB2_8-.Ltmp6, $4  }
0xd4: {  	_ =	swait.ge [sflag:s2], $0x2000  }
0xd5: {  	[sflag:s2] =	ssyncset.done $0x0  }
0xd6: {  	s12 =	sadd.s32 $0x3380, s7;
	s16 =	sadd.s32 $0x3300, s7;
	[sflag:s2] =	ssyncadd.s32 $0xFFFFE000  }
0xd7: {  	[spmem:s1] =	stream.indirect.scatter.add.f32 [tilespmem:s29], [sflag:$0x7], $0x80, s16, s22, $0xb8;
	v63 =	vld [tilespmem:$0x0]  }
0xd8: {  	_ =	swait.ge [sflag:s11], $0x2000  }
0xd9: {  	[sflag:s11] =	ssyncset.done $0x0  }
0xda: {  	s15 =	sadd.s32 $0x1400, s7;
	[sflag:s11] =	ssyncadd.s32 $0xFFFFE000  }
0xdb: {  	[tilespmem:s23], [sflag:$0x1] =	stream.indirect.gather [hbm4b:s4+s22], $0x80, s15, s22, $0xb8;
	v63 =	vld [tilespmem:$0x0]  }
0xdc: {  	_ =	swait.ge [sflag:s14], $0x2000  }
0xdd: {  	[sflag:s14] =	ssyncset.done $0x0  }
0xde: {  	[sflag:s14] =	ssyncadd.s32 $0xFFFFE000  }
0xdf: {  	[spmem:s1] =	stream.indirect.scatter.add.f32 [tilespmem:s3], [sflag:$0x8], $0x80, s12, s22, $0xb8;
	v63 =	vld [tilespmem:$0x0]  }
.Ltmp7:
0xe0: {  	_ = 	snop;
	(pc) =	sbr.rel .LBB2_6-.Ltmp7, $4  }
0xe1: {  	_ =	swait.ge [sflag:s10], $0x2000  }
0xe2: {  	[sflag:s10] =	ssyncset.done $0x0  }
0xe3: {  	s16 =	sadd.s32 $0x1480, s7;
	s0 =	sadd.s32 $0x800, s0;
	[sflag:s10] =	ssyncadd.s32 $0xFFFFE000  }
0xe4: {  	[tilespmem:s25], [sflag:$0x2] =	stream.indirect.gather [hbm4b:s4+s22], $0x80, s16, s22, $0xb8;
	v63 =	vld [tilespmem:$0x0]  }
.LBB2_10:
0xe5: {  	_ =	sfence.sel $0x180000  }
0xe6: {  	[bflag:$0x0] =	sbarrier.arrive $0xFFFF  }
0xe7: {  	_ =	strace $0x9000004A  }
0xe8: {  	s0 =	stileid.u32;
	[bflag:$0x2] =	sbarrier.arrive $0xFFFF  }
0xe9: {  	p0 =	sne.s32 s0, $0x0;
	s0 =	rddreg [dreg:$0x2]  }
0xea: {  	s0 =	sadd.s32 @!p0 $0x100000, s0  }
0xeb: {  	[sflag:s0] =	ssyncadd.tile.s32 @!p0 $0x1;
	_ =	shalt  }
.Lfunc_end2:
_tile_overlayer_lowered:
.L_overlay_start_2:
0xec: {  	(tag) =	ssettag $0x2  }
0xed: {  	s0 =	rddreg [dreg:$0x0];
	s2 =	stileid.u32  }
0xee: {  	s1 =	rddreg [dreg:$0x1];
	p0 =	sne.s32 s2, $0x0  }
0xef: {  	s3 =	rddreg [dreg:$0x2];
	[bflag:$0x3] =	sbarrier.arrive $0xFFFF;
	s2 =	simm.s32 @!p0 $0x1C0B  }
0xf0: {  	[timem:s3], [sflag:s2] =	dma.local @!p0 [hbm:s0], s1  }
0xf1: {  	s0 =	simm.s32 @!p0 $0xB  }
0xf2: {  	_ =	swait.ge @!p0 [sflag:s0], s1  }
0xf3: {  	s1 =	ssub.s32 @!p0 $0x0, s1;
	[sflag:s0] =	ssyncset.done @!p0 $0x0  }
0xf4: {  	[sflag:s0] =	ssyncadd.s32 @!p0 s1  }
0xf5: {  	[bflag:$0x3] =	sbarrier.arrive $0xFFFF  }
0xf6: {  	_ =	shalt  }

// kernel: kernel.15.cloned.1.call-start
scs
__scs_entry_jumppad:
0x0: {  	(pc) =	sbr.rel $0x88, $3  }
0x1: {  	(tag) =	ssettag $0x0;
	lr =	simm.s32 $0x1  }
0x2: {  	[smem:$0x3F88] =	sst lr;
	_ =	strace $0xD0000000  }
0x3: {  	_ = 	snop  }
0x4: {  	_ = 	snop  }
0x5: {  	_ = 	snop  }
0x6: {  	_ = 	snop  }
0x7: {  	_ = 	snop  }
__scs_overlays_trampoline_lowered:
0x8: {  	[smem:$0x3F97] =	sst s0  }
0x9: {  	[smem:$0x3F98] =	sst s1  }
0xa: {  	[smem:$0x3F99] =	sst s2  }
0xb: {  	[smem:$0x3F9A] =	sst s3  }
0xc: {  	[smem:$0x3F9B] =	sst s4  }
0xd: {  	[smem:$0x3F9C] =	sst s5  }
0xe: {  	[smem:$0x3F9D] =	sst s6  }
0xf: {  	[smem:$0x3F9E] =	sst s7  }
0x10: {  	[smem:$0x3F9F] =	sst s8  }
0x11: {  	[smem:$0x3FA0] =	sst s9;
	s0 =	simm.s32 @!p0 $0x0  }
0x12: {  	s1 =	sld [smem:$0x3F86];
	s0 =	simm.s32 @p0 $0x1  }
0x13: {  	[smem:$0x3FA1] =	sst s0;
	s0 =	simm.s32 @!p1 $0x0  }
0x14: {  	s2 =	sld [smem:$0x3F85];
	s0 =	simm.s32 @p1 $0x1  }
0x15: {  	[smem:$0x3FA2] =	sst s0;
	s0 =	simm.s32 @!p2 $0x0  }
0x16: {  	s3 =	sld [smem:$0x3FDB];
	s0 =	simm.s32 @p2 $0x1  }
0x17: {  	s4 =	simm.s32 $0x1BF5;
	[smem:$0x3FA4] =	sst s0  }
0x18: {  	s0 =	sld [smem:$0x3F87];
	_ =	swait.ge [sflag:s4], $0x0  }
0x19: {  	s7 =	sld [smem:$0x3F88]  }
0x1a: {  	s8 =	sadd.s32 $0xFFFFE003, lr  }
0x1b: {  	s9 =	sadd.s32 $0xFFFFFEF7, lr;
	s5 =	simm.s32 $0xFFFFFFFF;
	p2 =	slt.u32 s8, $0xFFFFF086  }
0x1c: {  	p1 =	slt.u32 s9, $0xF7A;
	s5 =	simm.s32 @!p2 $0x0  }
0x1d: {  	s5 =	simm.s32 @p1 $0x1;
	p0 =	seq.s32 s7, s2  }
0x1e: {  	s7 =	smul.u32 @!p0 $0xF7A, s2;
	p2 =	seq.s32 @!p0 s5, $0x0  }
0x1f: {  	s9 =	smul.u32 $0xF7A, s1;
	s8 =	simm.s32 @!p0 $0x1BF5;
	p2 =	por !p2, p0  }
0x20: {  	[sflag:s8] =	ssyncset.s32 @!p0 $0xFFFFF086;
	s6 =	sadd.s32 @!p0 s3, s7;
	s7 =	simm.s32 @!p0 $0x108  }
0x21: {  	s3 =	sadd.s32 s3, s9;
	s6 =	sadd.s32 @!p0 $0x88, s6;
	s7 =	simm.s32 @p2 $0x1082  }
0x22: {  	[simem:s7], [sflag:s8] =	dma.local @!p0 [hbm:s6], $0xF7A  }
0x23: {  	s9 =	sor.u32 $0xD0000000, s2;
	s6 =	simm.s32 $0x108;
	_ =	swait.ge @!p0 [sflag:s8], $0x0  }
0x24: {  	s3 =	sadd.s32 $0x88, s3;
	s6 =	simm.s32 @!p1 $0x1082;
	[sflag:s4] =	ssyncset.s32 $0xFFFFF086  }
0x25: {  	[simem:s6], [sflag:s4] =	dma.local [hbm:s3], $0xF7A  }
0x26: {  	[smem:$0x3F88] =	sst s1;
	(tag) =	ssettag s2;
	_ =	strace s9  }
0x27: {  	s1 =	sld [smem:$0x3F98]  }
0x28: {  	s2 =	sld [smem:$0x3F99]  }
0x29: {  	s4 =	sld [smem:$0x3F9B]  }
0x2a: {  	p0 =	seq.s32 s5, $0x0;
	s5 =	sld [smem:$0x3F9C]  }
0x2b: {  	s6 =	sld [smem:$0x3F9D]  }
0x2c: {  	s7 =	sld [smem:$0x3F9E]  }
0x2d: {  	s3 =	simm.s32 $0x108;
	s8 =	sld [smem:$0x3F9F]  }
0x2e: {  	s3 =	simm.s32 @!p0 $0x1082;
	s9 =	sld [smem:$0x3FA0]  }
0x2f: {  	lr =	sadd.s32 s0, s3;
	s0 =	sld [smem:$0x3F97]  }
0x30: {  	s3 =	sld [smem:$0x3F9A]  }
0x31: {  	[smem:$0x3FA3] =	sst s10  }
0x32: {  	s10 =	sld [smem:$0x3FA1];
	_ =	sdelay $0x3  }
0x33: {  	p0 =	seq.s32 s10, $0x1;
	s10 =	sld [smem:$0x3FA3];
	_ =	sdelay $0x3  }
0x34: {  	[smem:$0x3FA3] =	sst s10  }
0x35: {  	s10 =	sld [smem:$0x3FA2];
	_ =	sdelay $0x3  }
0x36: {  	p1 =	seq.s32 s10, $0x1;
	s10 =	sld [smem:$0x3FA3];
	_ =	sdelay $0x3  }
0x37: {  	[smem:$0x3FA3] =	sst s10  }
0x38: {  	s10 =	sld [smem:$0x3FA4]  }
0x39: {  	_ = 	snop;
	(pc) =	sbr.ind lr, $3  }
0x3a: {  	_ = 	snop  }
0x3b: {  	_ = 	snop  }
0x3c: {  	p2 =	seq.s32 s10, $0x1;
	s10 =	sld [smem:$0x3FA3]  }
0x3d: {  	_ =	shalt  }
0x3e: {  	_ =	shalt  }
0x3f: {  	_ =	shalt  }
0x40: {  	_ =	shalt  }
0x41: {  	_ =	shalt  }
0x42: {  	_ =	shalt  }
0x43: {  	_ =	shalt  }
0x44: {  	_ =	shalt  }
0x45: {  	_ =	shalt  }
0x46: {  	_ =	shalt  }
0x47: {  	_ =	shalt  }
0x48: {  	_ =	shalt  }
0x49: {  	_ =	shalt  }
0x4a: {  	_ =	shalt  }
0x4b: {  	_ =	shalt  }
0x4c: {  	_ =	shalt  }
0x4d: {  	_ =	shalt  }
0x4e: {  	_ =	shalt  }
0x4f: {  	_ =	shalt  }
0x50: {  	_ =	shalt  }
0x51: {  	_ =	shalt  }
0x52: {  	_ =	shalt  }
0x53: {  	_ =	shalt  }
0x54: {  	_ =	shalt  }
0x55: {  	_ =	shalt  }
0x56: {  	_ =	shalt  }
0x57: {  	_ =	shalt  }
0x58: {  	_ =	shalt  }
0x59: {  	_ =	shalt  }
0x5a: {  	_ =	shalt  }
0x5b: {  	_ =	shalt  }
0x5c: {  	_ =	shalt  }
0x5d: {  	_ =	shalt  }
0x5e: {  	_ =	shalt  }
0x5f: {  	_ =	shalt  }
0x60: {  	_ =	shalt  }
0x61: {  	_ =	shalt  }
0x62: {  	_ =	shalt  }
0x63: {  	_ =	shalt  }
0x64: {  	_ =	shalt  }
0x65: {  	_ =	shalt  }
0x66: {  	_ =	shalt  }
0x67: {  	_ =	shalt  }
0x68: {  	_ =	shalt  }
0x69: {  	_ =	shalt  }
0x6a: {  	_ =	shalt  }
0x6b: {  	_ =	shalt  }
0x6c: {  	_ =	shalt  }
0x6d: {  	_ =	shalt  }
0x6e: {  	_ =	shalt  }
0x6f: {  	_ =	shalt  }
0x70: {  	_ =	shalt  }
0x71: {  	_ =	shalt  }
0x72: {  	_ =	shalt  }
0x73: {  	_ =	shalt  }
0x74: {  	_ =	shalt  }
0x75: {  	_ =	shalt  }
0x76: {  	_ =	shalt  }
0x77: {  	_ =	shalt  }
0x78: {  	_ =	shalt  }
0x79: {  	_ =	shalt  }
0x7a: {  	_ =	shalt  }
0x7b: {  	_ =	shalt  }
0x7c: {  	_ =	shalt  }
0x7d: {  	_ =	shalt  }
0x7e: {  	_ =	shalt  }
0x7f: {  	_ =	shalt  }
0x80: {  	_ =	shalt  }
0x81: {  	_ =	shalt  }
0x82: {  	_ =	shalt  }
0x83: {  	_ =	shalt  }
0x84: {  	_ =	shalt  }
0x85: {  	_ =	shalt  }
0x86: {  	_ =	shalt  }
0x87: {  	_ =	shalt  }
.Lfunc_end0:
.L_simem_size_0:
called_computation.2_lowered:
.L_overlay_start_0:
0x88: {  	s2 =	sld [smem:$0x3FD9]  }
0x89: {  	s3 =	sld [smem:$0x3FFE];
	_ =	sdelay $0x1  }
0x8a: {  	s1 =	srdreg.scid  }
0x8b: {  	s0 =	sand.u32 $0x1, s1  }
0x8c: {  	s16 =	sshll.u32 s0, $0xA;
	s2 =	sadd.s32 s3, s2  }
0x8d: {  	s2 =	sadd.s32 s2, s16  }
0x8e: {  	[smem:$0x3FAF] =	sst s2  }
0x8f: {  	_ = 	snop  }
0x90: {  	(tm) =	ssettm $0x1  }
0x91: {  	s17 =	sld [smem:$0x3FFB];
	_ =	sdelay $0x3  }
0x92: {  	_ =	strace s17  }
0x93: {  	s2 =	sld [smem:$0x3FFC];
	_ =	sdelay $0x3  }
0x94: {  	_ =	strace s2  }
0x95: {  	s2 =	sld [smem:$0x3FFD];
	_ =	sdelay $0x3  }
0x96: {  	_ =	strace s2  }
0x97: {  	_ =	strace $0x8FFFFFFF  }
0x98: {  	s18 =	sld [smem:$0x3FDB];
	_ =	sdelay $0x1  }
0x99: {  	s19 =	simm.s32 $_scs_section_size  }
0x9a: {  	s4 =	simm.s32 $_size__tile_overlayer_lowered;
	s5 =	simm.s32 $_tile_overlayer_lowered  }
0x9b: {  	s22 =	simm.s32 $0x1BFF;
	s21 =	sshll.u32 s5, $0x1;
	s2 =	sadd.s32 s19, s18  }
0x9c: {  	s6 =	simm.s32 $0x0;
	s20 =	sshll.u32 s4, $0x1;
	s4 =	sadd.s32 s21, s2  }
0x9d: {  	[timem:s6], [sflag:s22] =	dma.local [hbm:s4], s20  }
0x9e: {  	_ =	swait.ge [sflag:s22], s20  }
0x9f: {  	s3 =	ssub.s32 $0x0, s20;
	[sflag:s22] =	ssyncset.done $0x0  }
0xa0: {  	[sflag:s22] =	ssyncadd.s32 s3;
	_ =	sdelay $0x1  }
0xa1: {  	s23 =	simm.s32 $0x1B8B  }
0xa2: {  	_ =	swait.ge [sflag:s23], $0x1  }
0xa3: {  	[sflag:s23] =	ssyncset.done $0x0  }
0xa4: {  	s25 =	simm.s32 $0x1B8E;
	s24 =	sld [smem:$0x3FFE];
	[sflag:s23] =	ssyncadd.s32 $0xFFFFFFFF  }
0xa5: {  	s26 =	simm.s32 $execute0_lowered;
	[smem:$0x3FD2] =	sst s25  }
0xa6: {  	s4 =	sshll.u32 s26, $0x1;
	_ =	strace $0x8000004C;
	[dreg:$0x1] =	wrdreg $0xFFFFFFFF  }
0xa7: {  	s28 =	simm.s32 $_size_execute0_lowered;
	s2 =	sadd.s32 s2, s4;
	[dreg:$0x0] =	wrdreg $0x0  }
0xa8: {  	s4 =	sshll.u32 s28, $0x1;
	[dreg:$0x2] =	wrdreg s2  }
0xa9: {  	[dreg:$0x3] =	wrdreg s4  }
0xaa: {  	[dreg:$0x4] =	wrdreg $0xC0  }
0xab: {  	_ =	task [dreg:s6], $0x5FFFF  }
0xac: {  	[dreg:$0x1] =	wrdreg $0xFFFFFFFF  }
0xad: {  	[dreg:$0x0] =	wrdreg $0x60  }
0xae: {  	[dreg:$0x2] =	wrdreg s24  }
0xaf: {  	[dreg:$0x3] =	wrdreg $0xC0000  }
0xb0: {  	[dreg:$0x4] =	wrdreg $0x9  }
0xb1: {  	_ =	task.clear_ibuf [dreg:s6], $0x5FFFF;
	_ =	strace $0x9000004C  }
0xb2: {  	s29 =	simm.s32 $0x9;
	_ =	strace $0x8000004E  }
0xb3: {  	_ =	swait.ge [sflag:s29], $0x1  }
0xb4: {  	[sflag:s29] =	ssyncadd.s32 $0xFFFFFFFF  }
0xb5: {  	_ =	strace $0x9000004E  }
0xb6: {  	_ =	sfence  }
0xb7: {  	s30 =	sld [smem:$0x0];
	_ =	sdelay $0x2  }
0xb8: {  	s31 =	sshll.u32 s1, $0xD;
	s1 =	sshrl.u32 s1, $0x2  }
0xb9: {  	s3 =	sand.u32 $0x4000, s31;
	s1 =	sadd.s32 s1, s30  }
0xba: {  	s0 =	sor.u32 s3, s0;
	s1 =	sshll.u32 s1, $0x11  }
0xbb: {  	s0 =	sor.u32 s1, s0  }
0xbc: {  	s0 =	sadd.s32 $0x8F2B, s0  }
0xbd: {  	[sflag:s0] =	ssyncadd.remote.s32 $0x1  }
0xbe: {  	_ =	sfence.sel $0xFFFF  }
0xbf: {  	[dreg:$0x0] =	wrdreg $0xFFFFFFFF;
	(pc) =	sbr.abs _section_cstart, $3  }
0xc0: {  	[dreg:$0x1] =	wrdreg $0xFFFFFFFF  }
0xc1: {  	_ =	task.clear_ibuf [dreg:s6], $0x2FFFF;
	_ =	strace $0x9FFFFFFF  }
0xc2: {  	(tm) =	ssettm $0x7FFFFFFF  }
0xc3: {  	_ =	shalt  }
tec
execute0_lowered:
.L_overlay_start_1:
0x0: {  	(tag) =	ssettag $0x1  }
0x1: {  	s0 =	rddreg [dreg:$0x0]  }
0x2: {  	s1 =	rddreg [dreg:$0x1];
	s3 =	simm.s32 $0x0;
	s2 =	srdreg.scid  }
0x3: {  	s11 =	stileid.u32;
	s15 =	simm.s32 $0xB;
	s29 =	simm.s32 $0x8000  }
0x4: {  	s30 =	simm.s32 $0x2;
	s14 =	simm.s32 $0x4;
	s28 =	simm.s32 $0xA  }
0x5: {  	[smem:$0x7FF] =	sst s3;
	s2 =	sand.u32 $0x1, s2;
	s7 =	smul.u32 $0x14000, s11  }
0x6: {  	s4 =	sadd.s32 $0x2F400, s0;
	s5 =	sadd.s32 $0x93400, s0;
	s10 =	smul.u32 $0x50000, s11  }
0x7: {  	s6 =	sadd.s32 $0x7F400, s0;
	s8 =	sadd.s32 $0x2CC00, s0;
	s9 =	smul.u32 $0xA000, s11  }
0x8: {  	s22 =	sshll.u32 s11, $0x6;
	s11 =	simm.s32 $0x5;
	_ =	strace $0x8000004D  }
0x9: {  	s16 =	smul.u32 $0x140000, s2;
	[dreg:$0x3] =	wrdreg s8;
	s17 =	ssub.s32 $0x2, s2  }
0xa: {  	s8 =	smul.u32 $0xA0000, s2;
	s12 =	sor.u32 $0x1C0B, s22;
	s22 =	simm.s32 $0x40  }
0xb: {  	s2 =	simm.s32 $0x3;
	s19 =	sshrl.u32 s17, $0x1;
	s21 =	sshrl.u32 s10, $0x2  }
0xc: {  	s25 =	sshrl.u32 s9, $0x3;
	s13 =	sadd.s32 $0x2000, s9;
	s10 =	simm.s32 $0x6  }
0xd: {  	[dreg:$0x4] =	wrdreg s12;
	s3 =	sadd.s32 s7, s16;
	s20 =	ssub.s32 s17, s19  }
0xe: {  	s23 =	sadd.s32 s9, s8;
	s26 =	sadd.s32 s6, s25;
	s19 =	simm.s32 $0x9  }
0xf: {  	s25 =	simm.s32 $0x6000;
	s17 =	simm.s32 $0x7;
	s16 =	simm.s32 $0x0  }
0x10: {  	s18 =	sshrl.u32 s3, $0x3;
	s3 =	sadd.s32 s21, s1;
	s24 =	sshrl.u32 s23, $0x3  }
0x11: {  	[dreg:$0x6] =	wrdreg s26;
	s31 =	smax.u32 s20, $0x1;
	s20 =	simm.s32 $0x1000  }
.Ltmp0:
0x12: {  	s21 =	simm.s32 $0x3000;
	s23 =	simm.s32 $0x4000;
	(pc) =	sbr.rel .LBB2_1-.Ltmp0, $4  }
0x13: {  	s0 =	sadd.s32 s18, s0;
	s7 =	sadd.s32 s5, s24;
	[dreg:$0x8] =	wrdreg s31  }
0x14: {  	s26 =	simm.s32 $0x1;
	[dreg:$0x5] =	wrdreg s7;
	s0 =	sadd.s32 $0xBB400, s0  }
0x15: {  	s24 =	simm.s32 $0x8;
	s7 =	sshrl.u32 s3, $0x3;
	[dreg:$0x7] =	wrdreg s0  }
0x16: {  	s18 =	simm.s32 $0x1280;
	s3 =	simm.s32 $0xA000;
	[dreg:$0x9] =	wrdreg s7  }
.LBB2_9:
0x17: {  	[bflag:$0x0] =	sbarrier.arrive $0xFFFF  }
0x18: {  	s12 =	rddreg [dreg:$0x4]  }
0x19: {  	s0 =	rddreg [dreg:$0x7]  }
0x1a: {  	s15 =	simm.s32 $0xB;
	s7 =	rddreg [dreg:$0x9]  }
0x1b: {  	[hbm:s0], [sflag:s12] =	dma.local [spmem:s7], $0x2800  }
0x1c: {  	_ =	swait.ge [sflag:s15], $0x2800  }
0x1d: {  	s16 =	rddreg [dreg:$0xa]  }
0x1e: {  	s31 =	rddreg [dreg:$0x8];
	s16 =	sadd.s32 $0x1, s16  }
0x1f: {  	p0 =	sne.s32 s16, s31  }
.Ltmp1:
0x20: {  	_ = 	snop;
	(pc) =	sbr.rel @!p0 .LBB2_10-.Ltmp1, $3  }
0x21: {  	_ =	sdelay $0x1  }
0x22: {  	[sflag:s15] =	ssyncset.done $0x0  }
0x23: {  	[sflag:s15] =	ssyncadd.s32 $0xFFFFD800  }
.LBB2_1:
0x24: {  	[dreg:$0xa] =	wrdreg s16  }
0x25: {  	s0 =	rddreg [dreg:$0x3]  }
0x26: {  	[spmem:s7], [sflag:s12] =	dma.local [hbm:s0], $0x2800  }
0x27: {  	_ =	swait.ge [sflag:s15], $0x2800  }
0x28: {  	[sflag:s15] =	ssyncset.done $0x0  }
0x29: {  	[sflag:s15] =	ssyncadd.s32 $0xFFFFD800  }
.Ltmp2:
0x2a: {  	[bflag:$0x0] =	sbarrier.arrive $0xFFFF;
	(pc) =	sbr.rel .LBB2_2-.Ltmp2, $4  }
0x2b: {  	s0 =	simm.s32 $0x0;
	s12 =	rddreg [dreg:$0x5]  }
0x2c: {  	[tilespmem:s0], [sflag:$0x9] =	stream.linear.gather [hbm4b:s12+s0], $0x1000, $0x38;
	v63 =	vld [tilespmem:$0x0]  }
0x2d: {  	s16 =	simm.s32 $0x2000;
	s31 =	simm.s32 $0x0;
	s15 =	rddreg [dreg:$0x6]  }
0x2e: {  	[tilespmem:s16], [sflag:$0x9] =	stream.linear.gather [hbm4b:s15+s0], $0x1000, $0x38;
	v63 =	vld [tilespmem:$0x0]  }
.LBB2_8:
0x2f: {  	_ =	swait.ge [sflag:s14], $0x2000  }
0x30: {  	[sflag:s14] =	ssyncset.done $0x0  }
0x31: {  	[sflag:s14] =	ssyncadd.s32 $0xFFFFE000  }
0x32: {  	[spmem:s1] =	stream.indirect.scatter.add.f32 [tilespmem:s3], [sflag:$0x8], $0x80, s12, s22, $0xb8;
	v63 =	vld [tilespmem:$0x0]  }
0x33: {  	_ =	swait.ge [sflag:s11], $0x2000  }
0x34: {  	[sflag:s11] =	ssyncset.done $0x0  }
0x35: {  	[sflag:s11] =	ssyncadd.s32 $0xFFFFE000  }
0x36: {  	_ =	swait.ge [sflag:s10], $0x2000  }
0x37: {  	[sflag:s10] =	ssyncset.done $0x0  }
0x38: {  	s31 =	sadd.s32 $0x1, s31;
	[sflag:s10] =	ssyncadd.s32 $0xFFFFE000  }
0x39: {  	p0 =	sne.s32 s31, $0x5;
	_ =	swait.ge [sflag:s17], $0x2000  }
.Ltmp3:
0x3a: {  	[sflag:s17] =	ssyncset.done $0x0;
	(pc) =	sbr.rel @!p0 .LBB2_9-.Ltmp3, $4  }
0x3b: {  	[sflag:s17] =	ssyncadd.s32 $0xFFFFE000  }
0x3c: {  	_ =	swait.ge [sflag:s24], $0x2000  }
0x3d: {  	[sflag:s24] =	ssyncset.done $0x0  }
0x3e: {  	[sflag:s24] =	ssyncadd.s32 $0xFFFFE000  }
.LBB2_2:
0x3f: {  	s0 =	sshll.u32 s31, $0xD;
	_ =	swait.ge [sflag:s19], $0x1000  }
0x40: {  	[sflag:s19] =	ssyncset.done $0x0;
	s7 =	sadd.s32 s0, s9  }
0x41: {  	[sflag:s19] =	ssyncadd.s32 $0xFFFFF000;
	s12 =	sadd.s32 $0x1000, s7  }
0x42: {  	_ =	swait.ge [sflag:s19], $0x1000;
	s7 =	sadd.s32 s8, s12  }
0x43: {  	s12 =	sshrl.u32 s12, $0x3;
	[sflag:s19] =	ssyncset.done $0x0;
	s7 =	sshrl.u32 s7, $0x3  }
0x44: {  	[sflag:s19] =	ssyncadd.s32 $0xFFFFF000;
	s15 =	sadd.s32 s5, s7;
	s7 =	simm.s32 $0x0  }
0x45: {  	[tilespmem:s20], [sflag:$0xA] =	stream.linear.gather [hbm4b:s15+s7], $0x1000, $0x38;
	v63 =	vld [tilespmem:$0x0]  }
0x46: {  	s12 =	sadd.s32 s6, s12  }
0x47: {  	[tilespmem:s21], [sflag:$0xA] =	stream.linear.gather [hbm4b:s12+s7], $0x1000, $0x38;
	v63 =	vld [tilespmem:$0x0]  }
0x48: {  	_ = 	snop  }
0x49: {  	[tilespmem:s23], [sflag:$0x1] =	stream.indirect.gather [hbm4b:s4+s22], $0x80, s7, s22, $0xb8;
	v63 =	vld [tilespmem:$0x0]  }
0x4a: {  	s16 =	simm.s32 $0x80  }
0x4b: {  	[tilespmem:s25], [sflag:$0x2] =	stream.indirect.gather [hbm4b:s4+s22], $0x80, s16, s22, $0xb8;
	v63 =	vld [tilespmem:$0x0]  }
0x4c: {  	_ =	swait.ge [sflag:s26], $0x2000  }
0x4d: {  	[sflag:s26] =	ssyncset.done $0x0  }
0x4e: {  	s15 =	simm.s32 $0x2000;
	[sflag:s26] =	ssyncadd.s32 $0xFFFFE000  }
0x4f: {  	[spmem:s1] =	stream.indirect.scatter.add.f32 [tilespmem:s23], [sflag:$0x5], $0x80, s15, s22, $0xb8;
	v63 =	vld [tilespmem:$0x0]  }
0x50: {  	s16 =	simm.s32 $0x100  }
0x51: {  	[tilespmem:s29], [sflag:$0x3] =	stream.indirect.gather [hbm4b:s4+s22], $0x80, s16, s22, $0xb8;
	v63 =	vld [tilespmem:$0x0]  }
0x52: {  	_ =	swait.ge [sflag:s30], $0x2000  }
0x53: {  	[sflag:s30] =	ssyncset.done $0x0  }
0x54: {  	s15 =	simm.s32 $0x2080;
	[sflag:s30] =	ssyncadd.s32 $0xFFFFE000  }
0x55: {  	[spmem:s1] =	stream.indirect.scatter.add.f32 [tilespmem:s25], [sflag:$0x6], $0x80, s15, s22, $0xb8;
	v63 =	vld [tilespmem:$0x0]  }
0x56: {  	s16 =	simm.s32 $0x180  }
0x57: {  	[tilespmem:s3], [sflag:$0x4] =	stream.indirect.gather [hbm4b:s4+s22], $0x80, s16, s22, $0xb8;
	v63 =	vld [tilespmem:$0x0]  }
0x58: {  	_ =	swait.ge [sflag:s2], $0x2000  }
0x59: {  	[sflag:s2] =	ssyncset.done $0x0  }
0x5a: {  	s15 =	simm.s32 $0x2100;
	[sflag:s2] =	ssyncadd.s32 $0xFFFFE000  }
0x5b: {  	[spmem:s1] =	stream.indirect.scatter.add.f32 [tilespmem:s29], [sflag:$0x7], $0x80, s15, s22, $0xb8;
	v63 =	vld [tilespmem:$0x0]  }
0x5c: {  	_ =	swait.ge [sflag:s11], $0x2000  }
0x5d: {  	[sflag:s11] =	ssyncset.done $0x0  }
0x5e: {  	s16 =	simm.s32 $0x200;
	[sflag:s11] =	ssyncadd.s32 $0xFFFFE000  }
0x5f: {  	[tilespmem:s23], [sflag:$0x1] =	stream.indirect.gather [hbm4b:s4+s22], $0x80, s16, s22, $0xb8;
	v63 =	vld [tilespmem:$0x0]  }
0x60: {  	_ =	swait.ge [sflag:s14], $0x2000  }
0x61: {  	[sflag:s14] =	ssyncset.done $0x0  }
0x62: {  	s15 =	simm.s32 $0x2180;
	[sflag:s14] =	ssyncadd.s32 $0xFFFFE000  }
0x63: {  	[spmem:s1] =	stream.indirect.scatter.add.f32 [tilespmem:s3], [sflag:$0x8], $0x80, s15, s22, $0xb8;
	v63 =	vld [tilespmem:$0x0]  }
0x64: {  	_ =	swait.ge [sflag:s10], $0x2000  }
0x65: {  	[sflag:s10] =	ssyncset.done $0x0  }
0x66: {  	s16 =	simm.s32 $0x280;
	[sflag:s10] =	ssyncadd.s32 $0xFFFFE000  }
0x67: {  	[tilespmem:s25], [sflag:$0x2] =	stream.indirect.gather [hbm4b:s4+s22], $0x80, s16, s22, $0xb8;
	v63 =	vld [tilespmem:$0x0]  }
.LBB2_3:
0x68: {  	_ =	swait.ge [sflag:s26], $0x2000  }
0x69: {  	s12 =	sshra.s32 s7, $0x2;
	[sflag:s26] =	ssyncset.done $0x0  }
0x6a: {  	s15 =	sadd.s32 $0x2200, s12;
	[sflag:s26] =	ssyncadd.s32 $0xFFFFE000  }
0x6b: {  	[spmem:s1] =	stream.indirect.scatter.add.f32 [tilespmem:s23], [sflag:$0x5], $0x80, s15, s22, $0xb8;
	v63 =	vld [tilespmem:$0x0]  }
0x6c: {  	_ =	swait.ge [sflag:s17], $0x2000  }
0x6d: {  	[sflag:s17] =	ssyncset.done $0x0  }
0x6e: {  	s16 =	sadd.s32 $0x300, s12;
	[sflag:s17] =	ssyncadd.s32 $0xFFFFE000  }
0x6f: {  	[tilespmem:s29], [sflag:$0x3] =	stream.indirect.gather [hbm4b:s4+s22], $0x80, s16, s22, $0xb8;
	v63 =	vld [tilespmem:$0x0]  }
0x70: {  	_ =	swait.ge [sflag:s30], $0x2000  }
0x71: {  	[sflag:s30] =	ssyncset.done $0x0  }
0x72: {  	s16 =	sadd.s32 $0x2280, s12;
	[sflag:s30] =	ssyncadd.s32 $0xFFFFE000  }
0x73: {  	[spmem:s1] =	stream.indirect.scatter.add.f32 [tilespmem:s25], [sflag:$0x6], $0x80, s16, s22, $0xb8;
	v63 =	vld [tilespmem:$0x0]  }
0x74: {  	_ =	swait.ge [sflag:s24], $0x2000  }
0x75: {  	[sflag:s24] =	ssyncset.done $0x0  }
0x76: {  	p0 =	seq.s32 s7, $0x3000;
	s16 =	sadd.s32 $0x380, s12;
	[sflag:s24] =	ssyncadd.s32 $0xFFFFE000  }
0x77: {  	[tilespmem:s3], [sflag:$0x4] =	stream.indirect.gather [hbm4b:s4+s22], $0x80, s16, s22, $0xb8;
	v63 =	vld [tilespmem:$0x0]  }
.Ltmp4:
0x78: {  	_ = 	snop;
	(pc) =	sbr.rel @p0 .LBB2_5-.Ltmp4, $4  }
0x79: {  	_ =	swait.ge [sflag:s2], $0x2000  }
0x7a: {  	[sflag:s2] =	ssyncset.done $0x0  }
0x7b: {  	s15 =	sadd.s32 $0x2380, s12;
	s16 =	sadd.s32 $0x2300, s12;
	[sflag:s2] =	ssyncadd.s32 $0xFFFFE000  }
0x7c: {  	[spmem:s1] =	stream.indirect.scatter.add.f32 [tilespmem:s29], [sflag:$0x7], $0x80, s16, s22, $0xb8;
	v63 =	vld [tilespmem:$0x0]  }
0x7d: {  	_ =	swait.ge [sflag:s11], $0x2000  }
0x7e: {  	[sflag:s11] =	ssyncset.done $0x0  }
0x7f: {  	s16 =	sadd.s32 $0x400, s12;
	[sflag:s11] =	ssyncadd.s32 $0xFFFFE000  }
0x80: {  	[tilespmem:s23], [sflag:$0x1] =	stream.indirect.gather [hbm4b:s4+s22], $0x80, s16, s22, $0xb8;
	v63 =	vld [tilespmem:$0x0]  }
0x81: {  	_ =	swait.ge [sflag:s14], $0x2000  }
0x82: {  	[sflag:s14] =	ssyncset.done $0x0  }
0x83: {  	[sflag:s14] =	ssyncadd.s32 $0xFFFFE000  }
0x84: {  	[spmem:s1] =	stream.indirect.scatter.add.f32 [tilespmem:s3], [sflag:$0x8], $0x80, s15, s22, $0xb8;
	v63 =	vld [tilespmem:$0x0]  }
.Ltmp5:
0x85: {  	_ = 	snop;
	(pc) =	sbr.rel .LBB2_3-.Ltmp5, $4  }
0x86: {  	_ =	swait.ge [sflag:s10], $0x2000  }
0x87: {  	[sflag:s10] =	ssyncset.done $0x0  }
0x88: {  	s7 =	sadd.s32 $0x800, s7;
	s16 =	sadd.s32 $0x480, s12;
	[sflag:s10] =	ssyncadd.s32 $0xFFFFE000  }
0x89: {  	[tilespmem:s25], [sflag:$0x2] =	stream.indirect.gather [hbm4b:s4+s22], $0x80, s16, s22, $0xb8;
	v63 =	vld [tilespmem:$0x0]  }
.LBB2_5:
0x8a: {  	_ =	swait.ge [sflag:s14], $0x2000  }
0x8b: {  	[sflag:s14] =	ssyncset.done $0x0  }
0x8c: {  	[sflag:s14] =	ssyncadd.s32 $0xFFFFE000  }
0x8d: {  	[spmem:s1] =	stream.indirect.scatter.add.f32 [tilespmem:s3], [sflag:$0x8], $0x80, s15, s22, $0xb8;
	v63 =	vld [tilespmem:$0x0]  }
0x8e: {  	_ =	swait.ge [sflag:s11], $0x2000  }
0x8f: {  	[sflag:s11] =	ssyncset.done $0x0  }
0x90: {  	[sflag:s11] =	ssyncadd.s32 $0xFFFFE000  }
0x91: {  	_ =	swait.ge [sflag:s10], $0x2000  }
0x92: {  	[sflag:s10] =	ssyncset.done $0x0  }
0x93: {  	[sflag:s10] =	ssyncadd.s32 $0xFFFFE000  }
0x94: {  	_ =	swait.ge [sflag:s17], $0x2000  }
0x95: {  	[sflag:s17] =	ssyncset.done $0x0  }
0x96: {  	[sflag:s17] =	ssyncadd.s32 $0xFFFFE000  }
0x97: {  	_ =	swait.ge [sflag:s24], $0x2000  }
0x98: {  	[sflag:s24] =	ssyncset.done $0x0  }
0x99: {  	[sflag:s24] =	ssyncadd.s32 $0xFFFFE000  }
0x9a: {  	_ =	swait.ge [sflag:s28], $0x1000  }
0x9b: {  	p0 =	seq.s32 s31, $0x4;
	[sflag:s28] =	ssyncset.done $0x0  }
0x9c: {  	s0 =	sadd.s32 @!p0 s0, s13;
	[sflag:s28] =	ssyncadd.s32 $0xFFFFF000  }
0x9d: {  	s7 =	sadd.s32 @!p0 s8, s0;
	_ =	swait.ge [sflag:s28], $0x1000  }
0x9e: {  	s12 =	simm.s32 @!p0 $0x0;
	s7 =	sshrl.u32 @!p0 s7, $0x3;
	[sflag:s28] =	ssyncset.done $0x0  }
0x9f: {  	s0 =	sshrl.u32 @!p0 s0, $0x3;
	s7 =	sadd.s32 @!p0 s5, s7;
	[sflag:s28] =	ssyncadd.s32 $0xFFFFF000  }
0xa0: {  	[tilespmem:s12], [sflag:$0x9] =	stream.linear.gather @!p0 [hbm4b:s7+s12], $0x1000, $0x38;
	v63 =	vld [tilespmem:$0x0]  }
0xa1: {  	s0 =	sadd.s32 @!p0 s6, s0;
	s7 =	simm.s32 @!p0 $0x2000  }
0xa2: {  	[tilespmem:s7], [sflag:$0x9] =	stream.linear.gather @!p0 [hbm4b:s0+s12], $0x1000, $0x38;
	v63 =	vld [tilespmem:$0x0]  }
0xa3: {  	_ = 	snop  }
0xa4: {  	[tilespmem:s23], [sflag:$0x1] =	stream.indirect.gather [hbm4b:s4+s22], $0x80, s20, s22, $0xb8;
	v63 =	vld [tilespmem:$0x0]  }
0xa5: {  	s12 =	simm.s32 $0x1080  }
0xa6: {  	[tilespmem:s25], [sflag:$0x2] =	stream.indirect.gather [hbm4b:s4+s22], $0x80, s12, s22, $0xb8;
	v63 =	vld [tilespmem:$0x0]  }
0xa7: {  	_ =	swait.ge [sflag:s26], $0x2000  }
0xa8: {  	[sflag:s26] =	ssyncset.done $0x0  }
0xa9: {  	[sflag:s26] =	ssyncadd.s32 $0xFFFFE000  }
0xaa: {  	[spmem:s1] =	stream.indirect.scatter.add.f32 [tilespmem:s23], [sflag:$0x5], $0x80, s21, s22, $0xb8;
	v63 =	vld [tilespmem:$0x0]  }
0xab: {  	s15 =	simm.s32 $0x1100  }
0xac: {  	[tilespmem:s29], [sflag:$0x3] =	stream.indirect.gather [hbm4b:s4+s22], $0x80, s15, s22, $0xb8;
	v63 =	vld [tilespmem:$0x0]  }
0xad: {  	_ =	swait.ge [sflag:s30], $0x2000  }
0xae: {  	[sflag:s30] =	ssyncset.done $0x0  }
0xaf: {  	s16 =	simm.s32 $0x3080;
	[sflag:s30] =	ssyncadd.s32 $0xFFFFE000  }
0xb0: {  	[spmem:s1] =	stream.indirect.scatter.add.f32 [tilespmem:s25], [sflag:$0x6], $0x80, s16, s22, $0xb8;
	v63 =	vld [tilespmem:$0x0]  }
0xb1: {  	s7 =	simm.s32 $0x1180  }
0xb2: {  	[tilespmem:s3], [sflag:$0x4] =	stream.indirect.gather [hbm4b:s4+s22], $0x80, s7, s22, $0xb8;
	v63 =	vld [tilespmem:$0x0]  }
0xb3: {  	_ =	swait.ge [sflag:s2], $0x2000  }
0xb4: {  	[sflag:s2] =	ssyncset.done $0x0  }
0xb5: {  	s12 =	simm.s32 $0x3100;
	[sflag:s2] =	ssyncadd.s32 $0xFFFFE000  }
0xb6: {  	[spmem:s1] =	stream.indirect.scatter.add.f32 [tilespmem:s29], [sflag:$0x7], $0x80, s12, s22, $0xb8;
	v63 =	vld [tilespmem:$0x0]  }
0xb7: {  	_ =	swait.ge [sflag:s11], $0x2000  }
0xb8: {  	[sflag:s11] =	ssyncset.done $0x0  }
0xb9: {  	s15 =	simm.s32 $0x1200;
	[sflag:s11] =	ssyncadd.s32 $0xFFFFE000  }
0xba: {  	[tilespmem:s23], [sflag:$0x1] =	stream.indirect.gather [hbm4b:s4+s22], $0x80, s15, s22, $0xb8;
	v63 =	vld [tilespmem:$0x0]  }
0xbb: {  	_ =	swait.ge [sflag:s14], $0x2000  }
0xbc: {  	[sflag:s14] =	ssyncset.done $0x0  }
0xbd: {  	s16 =	simm.s32 $0x3180;
	[sflag:s14] =	ssyncadd.s32 $0xFFFFE000  }
0xbe: {  	[spmem:s1] =	stream.indirect.scatter.add.f32 [tilespmem:s3], [sflag:$0x8], $0x80, s16, s22, $0xb8;
	v63 =	vld [tilespmem:$0x0]  }
0xbf: {  	_ =	swait.ge [sflag:s10], $0x2000  }
0xc0: {  	[sflag:s10] =	ssyncset.done $0x0  }
0xc1: {  	s0 =	simm.s32 $0x0;
	[sflag:s10] =	ssyncadd.s32 $0xFFFFE000  }
0xc2: {  	[tilespmem:s25], [sflag:$0x2] =	stream.indirect.gather [hbm4b:s4+s22], $0x80, s18, s22, $0xb8;
	v63 =	vld [tilespmem:$0x0]  }
.LBB2_6:
0xc3: {  	_ =	swait.ge [sflag:s26], $0x2000  }
0xc4: {  	s7 =	sshra.s32 s0, $0x2;
	[sflag:s26] =	ssyncset.done $0x0  }
0xc5: {  	s12 =	sadd.s32 $0x3200, s7;
	[sflag:s26] =	ssyncadd.s32 $0xFFFFE000  }
0xc6: {  	[spmem:s1] =	stream.indirect.scatter.add.f32 [tilespmem:s23], [sflag:$0x5], $0x80, s12, s22, $0xb8;
	v63 =	vld [tilespmem:$0x0]  }
0xc7: {  	_ =	swait.ge [sflag:s17], $0x2000  }
0xc8: {  	[sflag:s17] =	ssyncset.done $0x0  }
0xc9: {  	s15 =	sadd.s32 $0x1300, s7;
	[sflag:s17] =	ssyncadd.s32 $0xFFFFE000  }
0xca: {  	[tilespmem:s29], [sflag:$0x3] =	stream.indirect.gather [hbm4b:s4+s22], $0x80, s15, s22, $0xb8;
	v63 =	vld [tilespmem:$0x0]  }
0xcb: {  	_ =	swait.ge [sflag:s30], $0x2000  }
0xcc: {  	[sflag:s30] =	ssyncset.done $0x0  }
0xcd: {  	s16 =	sadd.s32 $0x3280, s7;
	[sflag:s30] =	ssyncadd.s32 $0xFFFFE000  }
0xce: {  	[spmem:s1] =	stream.indirect.scatter.add.f32 [tilespmem:s25], [sflag:$0x6], $0x80, s16, s22, $0xb8;
	v63 =	vld [tilespmem:$0x0]  }
0xcf: {  	_ =	swait.ge [sflag:s24], $0x2000  }
0xd0: {  	[sflag:s24] =	ssyncset.done $0x0  }
0xd1: {  	p0 =	seq.s32 s0, $0x3000;
	s15 =	sadd.s32 $0x1380, s7;
	[sflag:s24] =	ssyncadd.s32 $0xFFFFE000  }
0xd2: {  	[tilespmem:s3], [sflag:$0x4] =	stream.indirect.gather [hbm4b:s4+s22], $0x80, s15, s22, $0xb8;
	v63 =	vld [tilespmem:$0x0]  }
.Ltmp6:
0xd3: {  	_ = 	snop;
	(pc) =	sbr.rel @p0 .LBB2_8-.Ltmp6, $4  }
0xd4: {  	_ =	swait.ge [sflag:s2], $0x2000  }
0xd5: {  	[sflag:s2] =	ssyncset.done $0x0  }
0xd6: {  	s12 =	sadd.s32 $0x3380, s7;
	s16 =	sadd.s32 $0x3300, s7;
	[sflag:s2] =	ssyncadd.s32 $0xFFFFE000  }
0xd7: {  	[spmem:s1] =	stream.indirect.scatter.add.f32 [tilespmem:s29], [sflag:$0x7], $0x80, s16, s22, $0xb8;
	v63 =	vld [tilespmem:$0x0]  }
0xd8: {  	_ =	swait.ge [sflag:s11], $0x2000  }
0xd9: {  	[sflag:s11] =	ssyncset.done $0x0  }
0xda: {  	s15 =	sadd.s32 $0x1400, s7;
	[sflag:s11] =	ssyncadd.s32 $0xFFFFE000  }
0xdb: {  	[tilespmem:s23], [sflag:$0x1] =	stream.indirect.gather [hbm4b:s4+s22], $0x80, s15, s22, $0xb8;
	v63 =	vld [tilespmem:$0x0]  }
0xdc: {  	_ =	swait.ge [sflag:s14], $0x2000  }
0xdd: {  	[sflag:s14] =	ssyncset.done $0x0  }
0xde: {  	[sflag:s14] =	ssyncadd.s32 $0xFFFFE000  }
0xdf: {  	[spmem:s1] =	stream.indirect.scatter.add.f32 [tilespmem:s3], [sflag:$0x8], $0x80, s12, s22, $0xb8;
	v63 =	vld [tilespmem:$0x0]  }
.Ltmp7:
0xe0: {  	_ = 	snop;
	(pc) =	sbr.rel .LBB2_6-.Ltmp7, $4  }
0xe1: {  	_ =	swait.ge [sflag:s10], $0x2000  }
0xe2: {  	[sflag:s10] =	ssyncset.done $0x0  }
0xe3: {  	s16 =	sadd.s32 $0x1480, s7;
	s0 =	sadd.s32 $0x800, s0;
	[sflag:s10] =	ssyncadd.s32 $0xFFFFE000  }
0xe4: {  	[tilespmem:s25], [sflag:$0x2] =	stream.indirect.gather [hbm4b:s4+s22], $0x80, s16, s22, $0xb8;
	v63 =	vld [tilespmem:$0x0]  }
.LBB2_10:
0xe5: {  	_ =	sfence.sel $0x180000  }
0xe6: {  	[bflag:$0x0] =	sbarrier.arrive $0xFFFF  }
0xe7: {  	_ =	strace $0x9000004D  }
0xe8: {  	s0 =	stileid.u32;
	[bflag:$0x2] =	sbarrier.arrive $0xFFFF  }
0xe9: {  	p0 =	sne.s32 s0, $0x0;
	s0 =	rddreg [dreg:$0x2]  }
0xea: {  	s0 =	sadd.s32 @!p0 $0x100000, s0  }
0xeb: {  	[sflag:s0] =	ssyncadd.tile.s32 @!p0 $0x1;
	_ =	shalt  }
.Lfunc_end2:
_tile_overlayer_lowered:
.L_overlay_start_2:
0xec: {  	(tag) =	ssettag $0x2  }
0xed: {  	s0 =	rddreg [dreg:$0x0];
	s2 =	stileid.u32  }
0xee: {  	s1 =	rddreg [dreg:$0x1];
	p0 =	sne.s32 s2, $0x0  }
0xef: {  	s3 =	rddreg [dreg:$0x2];
	[bflag:$0x3] =	sbarrier.arrive $0xFFFF;
	s2 =	simm.s32 @!p0 $0x1C0B  }
0xf0: {  	[timem:s3], [sflag:s2] =	dma.local @!p0 [hbm:s0], s1  }
0xf1: {  	s0 =	simm.s32 @!p0 $0xB  }
0xf2: {  	_ =	swait.ge @!p0 [sflag:s0], s1  }
0xf3: {  	s1 =	ssub.s32 @!p0 $0x0, s1;
	[sflag:s0] =	ssyncset.done @!p0 $0x0  }
0xf4: {  	[sflag:s0] =	ssyncadd.s32 @!p0 s1  }
0xf5: {  	[bflag:$0x3] =	sbarrier.arrive $0xFFFF  }
0xf6: {  	_ =	shalt  }

// kernel: kernel.9.cloned.1.call-start
scs
__scs_entry_jumppad:
0x0: {  	(pc) =	sbr.rel $0x88, $3  }
0x1: {  	(tag) =	ssettag $0x0;
	lr =	simm.s32 $0x1  }
0x2: {  	[smem:$0x3F88] =	sst lr;
	_ =	strace $0xD0000000  }
0x3: {  	_ = 	snop  }
0x4: {  	_ = 	snop  }
0x5: {  	_ = 	snop  }
0x6: {  	_ = 	snop  }
0x7: {  	_ = 	snop  }
__scs_overlays_trampoline_lowered:
0x8: {  	[smem:$0x3F97] =	sst s0  }
0x9: {  	[smem:$0x3F98] =	sst s1  }
0xa: {  	[smem:$0x3F99] =	sst s2  }
0xb: {  	[smem:$0x3F9A] =	sst s3  }
0xc: {  	[smem:$0x3F9B] =	sst s4  }
0xd: {  	[smem:$0x3F9C] =	sst s5  }
0xe: {  	[smem:$0x3F9D] =	sst s6  }
0xf: {  	[smem:$0x3F9E] =	sst s7  }
0x10: {  	[smem:$0x3F9F] =	sst s8  }
0x11: {  	[smem:$0x3FA0] =	sst s9;
	s0 =	simm.s32 @!p0 $0x0  }
0x12: {  	s1 =	sld [smem:$0x3F86];
	s0 =	simm.s32 @p0 $0x1  }
0x13: {  	[smem:$0x3FA1] =	sst s0;
	s0 =	simm.s32 @!p1 $0x0  }
0x14: {  	s2 =	sld [smem:$0x3F85];
	s0 =	simm.s32 @p1 $0x1  }
0x15: {  	[smem:$0x3FA2] =	sst s0;
	s0 =	simm.s32 @!p2 $0x0  }
0x16: {  	s3 =	sld [smem:$0x3FDB];
	s0 =	simm.s32 @p2 $0x1  }
0x17: {  	s4 =	simm.s32 $0x1BF5;
	[smem:$0x3FA4] =	sst s0  }
0x18: {  	s0 =	sld [smem:$0x3F87];
	_ =	swait.ge [sflag:s4], $0x0  }
0x19: {  	s7 =	sld [smem:$0x3F88]  }
0x1a: {  	s8 =	sadd.s32 $0xFFFFE003, lr  }
0x1b: {  	s9 =	sadd.s32 $0xFFFFFEF7, lr;
	s5 =	simm.s32 $0xFFFFFFFF;
	p2 =	slt.u32 s8, $0xFFFFF086  }
0x1c: {  	p1 =	slt.u32 s9, $0xF7A;
	s5 =	simm.s32 @!p2 $0x0  }
0x1d: {  	s5 =	simm.s32 @p1 $0x1;
	p0 =	seq.s32 s7, s2  }
0x1e: {  	s7 =	smul.u32 @!p0 $0xF7A, s2;
	p2 =	seq.s32 @!p0 s5, $0x0  }
0x1f: {  	s9 =	smul.u32 $0xF7A, s1;
	s8 =	simm.s32 @!p0 $0x1BF5;
	p2 =	por !p2, p0  }
0x20: {  	[sflag:s8] =	ssyncset.s32 @!p0 $0xFFFFF086;
	s6 =	sadd.s32 @!p0 s3, s7;
	s7 =	simm.s32 @!p0 $0x108  }
0x21: {  	s3 =	sadd.s32 s3, s9;
	s6 =	sadd.s32 @!p0 $0x88, s6;
	s7 =	simm.s32 @p2 $0x1082  }
0x22: {  	[simem:s7], [sflag:s8] =	dma.local @!p0 [hbm:s6], $0xF7A  }
0x23: {  	s9 =	sor.u32 $0xD0000000, s2;
	s6 =	simm.s32 $0x108;
	_ =	swait.ge @!p0 [sflag:s8], $0x0  }
0x24: {  	s3 =	sadd.s32 $0x88, s3;
	s6 =	simm.s32 @!p1 $0x1082;
	[sflag:s4] =	ssyncset.s32 $0xFFFFF086  }
0x25: {  	[simem:s6], [sflag:s4] =	dma.local [hbm:s3], $0xF7A  }
0x26: {  	[smem:$0x3F88] =	sst s1;
	(tag) =	ssettag s2;
	_ =	strace s9  }
0x27: {  	s1 =	sld [smem:$0x3F98]  }
0x28: {  	s2 =	sld [smem:$0x3F99]  }
0x29: {  	s4 =	sld [smem:$0x3F9B]  }
0x2a: {  	p0 =	seq.s32 s5, $0x0;
	s5 =	sld [smem:$0x3F9C]  }
0x2b: {  	s6 =	sld [smem:$0x3F9D]  }
0x2c: {  	s7 =	sld [smem:$0x3F9E]  }
0x2d: {  	s3 =	simm.s32 $0x108;
	s8 =	sld [smem:$0x3F9F]  }
0x2e: {  	s3 =	simm.s32 @!p0 $0x1082;
	s9 =	sld [smem:$0x3FA0]  }
0x2f: {  	lr =	sadd.s32 s0, s3;
	s0 =	sld [smem:$0x3F97]  }
0x30: {  	s3 =	sld [smem:$0x3F9A]  }
0x31: {  	[smem:$0x3FA3] =	sst s10  }
0x32: {  	s10 =	sld [smem:$0x3FA1];
	_ =	sdelay $0x3  }
0x33: {  	p0 =	seq.s32 s10, $0x1;
	s10 =	sld [smem:$0x3FA3];
	_ =	sdelay $0x3  }
0x34: {  	[smem:$0x3FA3] =	sst s10  }
0x35: {  	s10 =	sld [smem:$0x3FA2];
	_ =	sdelay $0x3  }
0x36: {  	p1 =	seq.s32 s10, $0x1;
	s10 =	sld [smem:$0x3FA3];
	_ =	sdelay $0x3  }
0x37: {  	[smem:$0x3FA3] =	sst s10  }
0x38: {  	s10 =	sld [smem:$0x3FA4]  }
0x39: {  	_ = 	snop;
	(pc) =	sbr.ind lr, $3  }
0x3a: {  	_ = 	snop  }
0x3b: {  	_ = 	snop  }
0x3c: {  	p2 =	seq.s32 s10, $0x1;
	s10 =	sld [smem:$0x3FA3]  }
0x3d: {  	_ =	shalt  }
0x3e: {  	_ =	shalt  }
0x3f: {  	_ =	shalt  }
0x40: {  	_ =	shalt  }
0x41: {  	_ =	shalt  }
0x42: {  	_ =	shalt  }
0x43: {  	_ =	shalt  }
0x44: {  	_ =	shalt  }
0x45: {  	_ =	shalt  }
0x46: {  	_ =	shalt  }
0x47: {  	_ =	shalt  }
0x48: {  	_ =	shalt  }
0x49: {  	_ =	shalt  }
0x4a: {  	_ =	shalt  }
0x4b: {  	_ =	shalt  }
0x4c: {  	_ =	shalt  }
0x4d: {  	_ =	shalt  }
0x4e: {  	_ =	shalt  }
0x4f: {  	_ =	shalt  }
0x50: {  	_ =	shalt  }
0x51: {  	_ =	shalt  }
0x52: {  	_ =	shalt  }
0x53: {  	_ =	shalt  }
0x54: {  	_ =	shalt  }
0x55: {  	_ =	shalt  }
0x56: {  	_ =	shalt  }
0x57: {  	_ =	shalt  }
0x58: {  	_ =	shalt  }
0x59: {  	_ =	shalt  }
0x5a: {  	_ =	shalt  }
0x5b: {  	_ =	shalt  }
0x5c: {  	_ =	shalt  }
0x5d: {  	_ =	shalt  }
0x5e: {  	_ =	shalt  }
0x5f: {  	_ =	shalt  }
0x60: {  	_ =	shalt  }
0x61: {  	_ =	shalt  }
0x62: {  	_ =	shalt  }
0x63: {  	_ =	shalt  }
0x64: {  	_ =	shalt  }
0x65: {  	_ =	shalt  }
0x66: {  	_ =	shalt  }
0x67: {  	_ =	shalt  }
0x68: {  	_ =	shalt  }
0x69: {  	_ =	shalt  }
0x6a: {  	_ =	shalt  }
0x6b: {  	_ =	shalt  }
0x6c: {  	_ =	shalt  }
0x6d: {  	_ =	shalt  }
0x6e: {  	_ =	shalt  }
0x6f: {  	_ =	shalt  }
0x70: {  	_ =	shalt  }
0x71: {  	_ =	shalt  }
0x72: {  	_ =	shalt  }
0x73: {  	_ =	shalt  }
0x74: {  	_ =	shalt  }
0x75: {  	_ =	shalt  }
0x76: {  	_ =	shalt  }
0x77: {  	_ =	shalt  }
0x78: {  	_ =	shalt  }
0x79: {  	_ =	shalt  }
0x7a: {  	_ =	shalt  }
0x7b: {  	_ =	shalt  }
0x7c: {  	_ =	shalt  }
0x7d: {  	_ =	shalt  }
0x7e: {  	_ =	shalt  }
0x7f: {  	_ =	shalt  }
0x80: {  	_ =	shalt  }
0x81: {  	_ =	shalt  }
0x82: {  	_ =	shalt  }
0x83: {  	_ =	shalt  }
0x84: {  	_ =	shalt  }
0x85: {  	_ =	shalt  }
0x86: {  	_ =	shalt  }
0x87: {  	_ =	shalt  }
.Lfunc_end0:
.L_simem_size_0:
called_computation_lowered:
.L_overlay_start_0:
0x88: {  	s2 =	sld [smem:$0x3FD9]  }
0x89: {  	s3 =	sld [smem:$0x3FFE];
	_ =	sdelay $0x1  }
0x8a: {  	s1 =	srdreg.scid  }
0x8b: {  	s0 =	sand.u32 $0x1, s1  }
0x8c: {  	s17 =	sshll.u32 s0, $0xA;
	s2 =	sadd.s32 s3, s2  }
0x8d: {  	s2 =	sadd.s32 s2, s17  }
0x8e: {  	[smem:$0x3FAF] =	sst s2  }
0x8f: {  	_ = 	snop  }
0x90: {  	s2 =	sld [smem:$0x3FC9];
	(tm) =	ssettm $0x1  }
0x91: {  	s18 =	sld [smem:$0x3FFB];
	_ =	sdelay $0x3  }
0x92: {  	_ =	strace s18  }
0x93: {  	s3 =	sld [smem:$0x3FFC];
	_ =	sdelay $0x3  }
0x94: {  	_ =	strace s3  }
0x95: {  	s3 =	sld [smem:$0x3FFD];
	_ =	sdelay $0x3  }
0x96: {  	_ =	strace s3  }
0x97: {  	_ =	strace $0x8FFFFFFF  }
0x98: {  	s19 =	sld [smem:$0x3FDB];
	_ =	sdelay $0x1  }
0x99: {  	s4 =	simm.s32 $_scs_section_size  }
0x9a: {  	s5 =	simm.s32 $_size__tile_overlayer_lowered;
	s6 =	simm.s32 $_tile_overlayer_lowered  }
0x9b: {  	s22 =	simm.s32 $0x1BFF;
	s21 =	sshll.u32 s6, $0x1;
	s3 =	sadd.s32 s4, s19  }
0x9c: {  	s7 =	simm.s32 $0x0;
	s20 =	sshll.u32 s5, $0x1;
	s5 =	sadd.s32 s21, s3  }
0x9d: {  	[timem:s7], [sflag:s22] =	dma.local [hbm:s5], s20  }
0x9e: {  	_ =	swait.ge [sflag:s22], s20  }
0x9f: {  	s4 =	ssub.s32 $0x0, s20;
	[sflag:s22] =	ssyncset.done $0x0  }
0xa0: {  	[sflag:s22] =	ssyncadd.s32 s4;
	_ =	sdelay $0x1  }
0xa1: {  	s23 =	simm.s32 $0x1B8B  }
0xa2: {  	_ =	swait.ge [sflag:s23], $0x1  }
0xa3: {  	[sflag:s23] =	ssyncset.done $0x0  }
0xa4: {  	s25 =	simm.s32 $0x1B8E;
	s24 =	sld [smem:$0x3FFE];
	[sflag:s23] =	ssyncadd.s32 $0xFFFFFFFF  }
0xa5: {  	s26 =	simm.s32 $execute0_lowered;
	[smem:$0x3FD2] =	sst s25  }
0xa6: {  	s5 =	sshll.u32 s26, $0x1;
	_ =	strace $0x80000046;
	[dreg:$0x1] =	wrdreg $0xFFFFFFFF  }
0xa7: {  	s28 =	simm.s32 $_size_execute0_lowered;
	s3 =	sadd.s32 s3, s5;
	[dreg:$0x0] =	wrdreg $0x0  }
0xa8: {  	s5 =	sshll.u32 s28, $0x1;
	[dreg:$0x2] =	wrdreg s3  }
0xa9: {  	[dreg:$0x3] =	wrdreg s5  }
0xaa: {  	[dreg:$0x4] =	wrdreg $0xC0  }
0xab: {  	_ =	task [dreg:s7], $0x5FFFF  }
0xac: {  	[dreg:$0x1] =	wrdreg $0xFFFFFFFF  }
0xad: {  	[dreg:$0x0] =	wrdreg $0x60  }
0xae: {  	[dreg:$0x2] =	wrdreg s2  }
0xaf: {  	[dreg:$0x3] =	wrdreg s24  }
0xb0: {  	[dreg:$0x4] =	wrdreg $0xA0000  }
0xb1: {  	[dreg:$0x5] =	wrdreg $0x9  }
0xb2: {  	_ =	task.clear_ibuf [dreg:s7], $0x6FFFF;
	_ =	strace $0x90000046  }
0xb3: {  	s29 =	simm.s32 $0x9;
	_ =	strace $0x80000048  }
0xb4: {  	_ =	swait.ge [sflag:s29], $0x1  }
0xb5: {  	[sflag:s29] =	ssyncadd.s32 $0xFFFFFFFF  }
0xb6: {  	_ =	strace $0x90000048  }
0xb7: {  	_ =	sfence  }
0xb8: {  	s30 =	sld [smem:$0x0];
	_ =	sdelay $0x2  }
0xb9: {  	s31 =	sshll.u32 s1, $0xD;
	s1 =	sshrl.u32 s1, $0x2  }
0xba: {  	s3 =	sand.u32 $0x4000, s31;
	s1 =	sadd.s32 s1, s30  }
0xbb: {  	s0 =	sor.u32 s3, s0;
	s1 =	sshll.u32 s1, $0x11  }
0xbc: {  	s0 =	sor.u32 s1, s0  }
0xbd: {  	s0 =	sadd.s32 $0x8F2B, s0  }
0xbe: {  	[sflag:s0] =	ssyncadd.remote.s32 $0x1  }
0xbf: {  	_ =	sfence.sel $0xFFFF  }
0xc0: {  	[dreg:$0x0] =	wrdreg $0xFFFFFFFF;
	(pc) =	sbr.abs _section_cstart, $3  }
0xc1: {  	[dreg:$0x1] =	wrdreg $0xFFFFFFFF  }
0xc2: {  	_ =	task.clear_ibuf [dreg:s7], $0x2FFFF;
	_ =	strace $0x9FFFFFFF  }
0xc3: {  	(tm) =	ssettm $0x7FFFFFFF  }
tec
execute0_lowered:
.L_overlay_start_1:
0x0: {  	(tag) =	ssettag $0x1  }
0x1: {  	s0 =	srdreg.scid;
	s11 =	stileid.u32  }
0x2: {  	s1 =	sand.u32 $0x1, s0;
	s4 =	smul.u32 $0x5000, s11  }
0x3: {  	s2 =	rddreg [dreg:$0x0];
	s0 =	smul.u32 $0x50000, s1  }
0x4: {  	s7 =	rddreg [dreg:$0x1]  }
0x5: {  	s3 =	rddreg [dreg:$0x2];
	s0 =	sadd.s32 s4, s0;
	s4 =	simm.s32 $0x0  }
0x6: {  	s25 =	simm.s32 $0x80;
	[smem:$0x7FF] =	sst s4  }
0x7: {  	s26 =	simm.s32 $0x100;
	_ =	strace $0x80000047;
	[dreg:$0x6] =	wrdreg s25  }
0x8: {  	s10 =	simm.s32 $0x180;
	[dreg:$0x7] =	wrdreg s26  }
0x9: {  	s12 =	simm.s32 $0x1100;
	[dreg:$0x9] =	wrdreg s10  }
0xa: {  	s13 =	simm.s32 $0x200;
	[dreg:$0xa] =	wrdreg s12  }
0xb: {  	s14 =	simm.s32 $0x1180;
	[dreg:$0xb] =	wrdreg s13  }
0xc: {  	s15 =	simm.s32 $0x280;
	[dreg:$0xc] =	wrdreg s14  }
0xd: {  	s16 =	simm.s32 $0x1200;
	[dreg:$0xd] =	wrdreg s15  }
0xe: {  	s17 =	simm.s32 $0x300;
	[dreg:$0xe] =	wrdreg s16  }
0xf: {  	s18 =	simm.s32 $0x1280;
	[dreg:$0xf] =	wrdreg s17  }
0x10: {  	s19 =	simm.s32 $0x380;
	[dreg:$0x10] =	wrdreg s18  }
0x11: {  	s20 =	simm.s32 $0x1300;
	[dreg:$0x11] =	wrdreg s19  }
0x12: {  	s21 =	simm.s32 $0x400;
	[dreg:$0x12] =	wrdreg s20  }
0x13: {  	s22 =	simm.s32 $0x1380;
	[dreg:$0x13] =	wrdreg s21  }
0x14: {  	s23 =	simm.s32 $0x480;
	[dreg:$0x14] =	wrdreg s22  }
0x15: {  	s24 =	simm.s32 $0x1400;
	[dreg:$0x15] =	wrdreg s23  }
0x16: {  	[dreg:$0x16] =	wrdreg s24;
	s25 =	simm.s32 $0x500  }
0x17: {  	s26 =	simm.s32 $0x1480;
	[dreg:$0x17] =	wrdreg s25  }
0x18: {  	s10 =	simm.s32 $0x1500;
	[dreg:$0x18] =	wrdreg s26  }
0x19: {  	s12 =	simm.s32 $0x600;
	[dreg:$0x1a] =	wrdreg s10  }
0x1a: {  	s13 =	simm.s32 $0x1580;
	[dreg:$0x1b] =	wrdreg s12  }
0x1b: {  	s14 =	simm.s32 $0x680;
	[dreg:$0x1c] =	wrdreg s13  }
0x1c: {  	s15 =	simm.s32 $0x1600;
	[dreg:$0x1d] =	wrdreg s14  }
0x1d: {  	s16 =	simm.s32 $0x700;
	[dreg:$0x1e] =	wrdreg s15  }
0x1e: {  	s17 =	simm.s32 $0x1680;
	[dreg:$0x1f] =	wrdreg s16  }
0x1f: {  	s18 =	simm.s32 $0x780;
	[smem:$0x7D5] =	sst s17  }
0x20: {  	s19 =	simm.s32 $0x1700;
	[smem:$0x7D6] =	sst s18  }
0x21: {  	s20 =	simm.s32 $0x1780;
	[smem:$0x7D7] =	sst s19  }
0x22: {  	s5 =	sadd.s32 $0x18C00, s7;
	s22 =	simm.s32 $0x880;
	[smem:$0x7D8] =	sst s20  }
0x23: {  	s6 =	sor.u32 $0x800, s0;
	s23 =	simm.s32 $0x900;
	[smem:$0x7D9] =	sst s22  }
0x24: {  	s8 =	sshrl.u32 s6, $0x3;
	s24 =	simm.s32 $0x1880;
	[smem:$0x7DB] =	sst s23  }
0x25: {  	s6 =	sadd.s32 $0x4C00, s7;
	s9 =	sadd.s32 s8, s5;
	[smem:$0x7DC] =	sst s24  }
0x26: {  	s8 =	sadd.s32 s8, s6;
	[dreg:$0x4] =	wrdreg s9  }
0x27: {  	s12 =	sadd.s32 $0x2CC00, s7;
	[dreg:$0x5] =	wrdreg s8  }
0x28: {  	s25 =	simm.s32 $0x980;
	[smem:$0x7DA] =	sst s12  }
0x29: {  	s26 =	simm.s32 $0x1900;
	[smem:$0x7DD] =	sst s25  }
0x2a: {  	s13 =	simm.s32 $0xA80;
	[smem:$0x7DE] =	sst s26  }
0x2b: {  	s28 =	simm.s32 $0x3;
	s15 =	simm.s32 $0x1A00;
	[smem:$0x7E1] =	sst s13  }
0x2c: {  	s29 =	simm.s32 $0x5;
	s16 =	simm.s32 $0xB00;
	[smem:$0x7E2] =	sst s15  }
0x2d: {  	s30 =	simm.s32 $0x4;
	s18 =	simm.s32 $0x1A80;
	[smem:$0x7E3] =	sst s16  }
0x2e: {  	s31 =	simm.s32 $0x6;
	s19 =	simm.s32 $0xB80;
	[smem:$0x7E4] =	sst s18  }
0x2f: {  	s21 =	smul.u32 $0x140000, s1;
	s22 =	simm.s32 $0xC00;
	[smem:$0x7E5] =	sst s19  }
0x30: {  	s1 =	ssub.s32 $0x2, s1;
	s24 =	simm.s32 $0x1B80;
	[smem:$0x7E7] =	sst s22  }
0x31: {  	s23 =	sshrl.u32 s0, $0x3;
	s0 =	sadd.s32 $0x1000, s0;
	[smem:$0x7E9] =	sst s24  }
0x32: {  	s10 =	smul.u32 $0x14000, s11;
	s9 =	simm.s32 $0x1080;
	[smem:$0x7F0] =	sst s0  }
0x33: {  	s14 =	smul.u32 $0x50000, s11;
	s25 =	sadd.s32 s6, s23;
	[dreg:$0x8] =	wrdreg s9  }
0x34: {  	s20 =	sshll.u32 s11, $0x6;
	s11 =	sadd.s32 s5, s23;
	[smem:$0x7E8] =	sst s25  }
0x35: {  	s12 =	sshrl.u32 s1, $0x1;
	s26 =	simm.s32 $0xC80;
	[smem:$0x7EA] =	sst s11  }
0x36: {  	s13 =	simm.s32 $0x1C00;
	s15 =	simm.s32 $0x1C80;
	[smem:$0x7EB] =	sst s26  }
0x37: {  	s16 =	simm.s32 $0xD80;
	s18 =	simm.s32 $0xE00;
	[smem:$0x7ED] =	sst s13  }
0x38: {  	s19 =	simm.s32 $0x1D80;
	s22 =	simm.s32 $0xF00;
	[smem:$0x7F1] =	sst s15  }
0x39: {  	s23 =	simm.s32 $0x1E80;
	s24 =	simm.s32 $0xF80;
	[smem:$0x7F2] =	sst s16  }
0x3a: {  	s0 =	simm.s32 $0x8;
	s9 =	simm.s32 $0x580;
	[smem:$0x7F4] =	sst s18  }
0x3b: {  	s1 =	ssub.s32 s1, s12;
	s17 =	sshrl.u32 s14, $0x2;
	[smem:$0x7F5] =	sst s19  }
0x3c: {  	s12 =	sor.u32 $0x1C0B, s20;
	s14 =	simm.s32 $0xD00;
	[smem:$0x7F8] =	sst s22  }
0x3d: {  	s15 =	simm.s32 $0xB;
	s16 =	simm.s32 $0x1000;
	[smem:$0x7F9] =	sst s23  }
0x3e: {  	s20 =	simm.s32 $0xE80;
	s18 =	simm.s32 $0x800;
	[smem:$0x7FA] =	sst s24  }
0x3f: {  	s19 =	simm.s32 $0x1800;
	s22 =	simm.s32 $0x4000;
	[dreg:$0x19] =	wrdreg s9  }
0x40: {  	s25 =	simm.s32 $0x1F00;
	s23 =	simm.s32 $0x1;
	[smem:$0x7EF] =	sst s14  }
0x41: {  	s26 =	simm.s32 $0x1F80;
	s24 =	simm.s32 $0x6000;
	[smem:$0x7F6] =	sst s20  }
0x42: {  	s9 =	sadd.s32 s10, s21;
	s10 =	simm.s32 $0x1980;
	[smem:$0x7FB] =	sst s25  }
0x43: {  	s21 =	simm.s32 $0x1B00;
	s1 =	smax.u32 s1, $0x1;
	[smem:$0x7FC] =	sst s26  }
0x44: {  	s20 =	simm.s32 $0x40;
	s25 =	simm.s32 $0x2;
	[smem:$0x7E0] =	sst s10  }
0x45: {  	s26 =	simm.s32 $0x8000;
	s9 =	sshrl.u32 s9, $0x3;
	[smem:$0x7E6] =	sst s21  }
0x46: {  	[smem:$0x7EE] =	sst s1;
	s21 =	simm.s32 $0x1E00;
	s1 =	simm.s32 $0x7  }
0x47: {  	s7 =	sadd.s32 s9, s7;
	s9 =	simm.s32 $0xA00;
	[smem:$0x7F7] =	sst s21  }
0x48: {  	s21 =	simm.s32 $0x2000;
	[smem:$0x7DF] =	sst s9;
	s7 =	sadd.s32 $0x2F400, s7  }
0x49: {  	s9 =	sadd.s32 s17, s3;
	s17 =	simm.s32 $0x1D00;
	[smem:$0x7EC] =	sst s7  }
0x4a: {  	s10 =	sshrl.u32 s9, $0x3;
	[smem:$0x7F3] =	sst s17;
	s17 =	simm.s32 $0x9  }
0x4b: {  	s7 =	simm.s32 $0xA;
	s9 =	simm.s32 $0x0;
	[smem:$0x7FD] =	sst s10  }
.LBB2_1:
0x4c: {  	s8 =	sld [smem:$0x7DA];
	_ =	sdelay $0x2  }
0x4d: {  	[spmem:s10], [sflag:s12] =	dma.local [hbm:s8], $0x2800  }
0x4e: {  	_ =	swait.ge [sflag:s15], $0x2800  }
0x4f: {  	[sflag:s15] =	ssyncset.done $0x0  }
0x50: {  	[sflag:s15] =	ssyncadd.s32 $0xFFFFD800  }
0x51: {  	[bflag:$0x0] =	sbarrier.arrive $0xFFFF  }
0x52: {  	s10 =	sld [smem:$0x7E8];
	_ =	sdelay $0x1  }
0x53: {  	s11 =	smov.u32 s12;
	s12 =	sld [smem:$0x7EA]  }
0x54: {  	[tilespmem:s4], [sflag:$0x9] =	stream.linear.gather [hbm4b:s10+s4], $0x800, $0x38;
	[tilespmem:$0x1E000] =	vst v63  }
0x55: {  	_ = 	snop  }
0x56: {  	[tilespmem:s16], [sflag:$0x9] =	stream.linear.gather [hbm4b:s12+s4], $0x800, $0x38;
	[tilespmem:$0x1E000] =	vst v63  }
0x57: {  	_ =	swait.ge [sflag:s17], $0x800  }
0x58: {  	[sflag:s17] =	ssyncset.done $0x0  }
0x59: {  	[sflag:s17] =	ssyncadd.s32 $0xFFFFF800  }
0x5a: {  	_ =	swait.ge [sflag:s17], $0x800  }
0x5b: {  	s13 =	rddreg [dreg:$0x5];
	[sflag:s17] =	ssyncset.done $0x0  }
0x5c: {  	s14 =	rddreg [dreg:$0x4];
	[sflag:s17] =	ssyncadd.s32 $0xFFFFF800;
	s10 =	sadd.s32 $0x0, s13  }
0x5d: {  	[tilespmem:s18], [sflag:$0xA] =	stream.linear.gather [hbm4b:s10+s4], $0x800, $0x38;
	[tilespmem:$0x1E000] =	vst v63  }
0x5e: {  	s8 =	sadd.s32 $0x0, s14  }
0x5f: {  	[tilespmem:s19], [sflag:$0xA] =	stream.linear.gather [hbm4b:s8+s4], $0x800, $0x38;
	[tilespmem:$0x1E000] =	vst v63  }
0x60: {  	_ = 	snop  }
0x61: {  	[tilespmem:s21], [sflag:$0x1] =	stream.indirect.gather [hbm4b:s2+s20], $0x80, s4, s20, $0xb8;
	[tilespmem:$0x1E000] =	vst v63  }
0x62: {  	s12 =	rddreg [dreg:$0x6]  }
0x63: {  	[tilespmem:s22], [sflag:$0x2] =	stream.indirect.gather [hbm4b:s2+s20], $0x80, s12, s20, $0xb8;
	[tilespmem:$0x1E000] =	vst v63  }
0x64: {  	_ =	swait.ge [sflag:s23], $0x2000  }
0x65: {  	[sflag:s23] =	ssyncset.done $0x0  }
0x66: {  	[sflag:s23] =	ssyncadd.s32 $0xFFFFE000  }
0x67: {  	[spmem:s3] =	stream.indirect.scatter.add.f32 [tilespmem:s21], [sflag:$0x5], $0x80, s16, s20, $0xb8;
	[tilespmem:$0x1E000] =	vst v63  }
0x68: {  	s13 =	rddreg [dreg:$0x7]  }
0x69: {  	[tilespmem:s24], [sflag:$0x3] =	stream.indirect.gather [hbm4b:s2+s20], $0x80, s13, s20, $0xb8;
	[tilespmem:$0x1E000] =	vst v63  }
0x6a: {  	_ =	swait.ge [sflag:s25], $0x2000  }
0x6b: {  	[sflag:s25] =	ssyncset.done $0x0  }
0x6c: {  	s14 =	rddreg [dreg:$0x8];
	[sflag:s25] =	ssyncadd.s32 $0xFFFFE000  }
0x6d: {  	[spmem:s3] =	stream.indirect.scatter.add.f32 [tilespmem:s22], [sflag:$0x6], $0x80, s14, s20, $0xb8;
	[tilespmem:$0x1E000] =	vst v63  }
0x6e: {  	s8 =	rddreg [dreg:$0x9]  }
0x6f: {  	[tilespmem:s26], [sflag:$0x4] =	stream.indirect.gather [hbm4b:s2+s20], $0x80, s8, s20, $0xb8;
	[tilespmem:$0x1E000] =	vst v63  }
0x70: {  	_ =	swait.ge [sflag:s28], $0x2000  }
0x71: {  	[sflag:s28] =	ssyncset.done $0x0  }
0x72: {  	s12 =	rddreg [dreg:$0xa];
	[sflag:s28] =	ssyncadd.s32 $0xFFFFE000  }
0x73: {  	[spmem:s3] =	stream.indirect.scatter.add.f32 [tilespmem:s24], [sflag:$0x7], $0x80, s12, s20, $0xb8;
	[tilespmem:$0x1E000] =	vst v63  }
0x74: {  	_ =	swait.ge [sflag:s29], $0x2000  }
0x75: {  	[sflag:s29] =	ssyncset.done $0x0  }
0x76: {  	s13 =	rddreg [dreg:$0xb];
	[sflag:s29] =	ssyncadd.s32 $0xFFFFE000  }
0x77: {  	[tilespmem:s21], [sflag:$0x1] =	stream.indirect.gather [hbm4b:s2+s20], $0x80, s13, s20, $0xb8;
	[tilespmem:$0x1E000] =	vst v63  }
0x78: {  	_ =	swait.ge [sflag:s30], $0x2000  }
0x79: {  	[sflag:s30] =	ssyncset.done $0x0  }
0x7a: {  	s14 =	rddreg [dreg:$0xc];
	[sflag:s30] =	ssyncadd.s32 $0xFFFFE000  }
0x7b: {  	[spmem:s3] =	stream.indirect.scatter.add.f32 [tilespmem:s26], [sflag:$0x8], $0x80, s14, s20, $0xb8;
	[tilespmem:$0x1E000] =	vst v63  }
0x7c: {  	_ =	swait.ge [sflag:s31], $0x2000  }
0x7d: {  	[sflag:s31] =	ssyncset.done $0x0  }
0x7e: {  	s8 =	rddreg [dreg:$0xd];
	[sflag:s31] =	ssyncadd.s32 $0xFFFFE000  }
0x7f: {  	[tilespmem:s22], [sflag:$0x2] =	stream.indirect.gather [hbm4b:s2+s20], $0x80, s8, s20, $0xb8;
	[tilespmem:$0x1E000] =	vst v63  }
0x80: {  	_ =	swait.ge [sflag:s23], $0x2000  }
0x81: {  	[sflag:s23] =	ssyncset.done $0x0  }
0x82: {  	s12 =	rddreg [dreg:$0xe];
	[sflag:s23] =	ssyncadd.s32 $0xFFFFE000  }
0x83: {  	[spmem:s3] =	stream.indirect.scatter.add.f32 [tilespmem:s21], [sflag:$0x5], $0x80, s12, s20, $0xb8;
	[tilespmem:$0x1E000] =	vst v63  }
0x84: {  	_ =	swait.ge [sflag:s1], $0x2000  }
0x85: {  	[sflag:s1] =	ssyncset.done $0x0  }
0x86: {  	s13 =	rddreg [dreg:$0xf];
	[sflag:s1] =	ssyncadd.s32 $0xFFFFE000  }
0x87: {  	[tilespmem:s24], [sflag:$0x3] =	stream.indirect.gather [hbm4b:s2+s20], $0x80, s13, s20, $0xb8;
	[tilespmem:$0x1E000] =	vst v63  }
0x88: {  	_ =	swait.ge [sflag:s25], $0x2000  }
0x89: {  	[sflag:s25] =	ssyncset.done $0x0  }
0x8a: {  	s14 =	rddreg [dreg:$0x10];
	[sflag:s25] =	ssyncadd.s32 $0xFFFFE000  }
0x8b: {  	[spmem:s3] =	stream.indirect.scatter.add.f32 [tilespmem:s22], [sflag:$0x6], $0x80, s14, s20, $0xb8;
	[tilespmem:$0x1E000] =	vst v63  }
0x8c: {  	_ =	swait.ge [sflag:s0], $0x2000  }
0x8d: {  	[sflag:s0] =	ssyncset.done $0x0  }
0x8e: {  	s8 =	rddreg [dreg:$0x11];
	[sflag:s0] =	ssyncadd.s32 $0xFFFFE000  }
0x8f: {  	[tilespmem:s26], [sflag:$0x4] =	stream.indirect.gather [hbm4b:s2+s20], $0x80, s8, s20, $0xb8;
	[tilespmem:$0x1E000] =	vst v63  }
0x90: {  	_ =	swait.ge [sflag:s28], $0x2000  }
0x91: {  	[sflag:s28] =	ssyncset.done $0x0  }
0x92: {  	s12 =	rddreg [dreg:$0x12];
	[sflag:s28] =	ssyncadd.s32 $0xFFFFE000  }
0x93: {  	[spmem:s3] =	stream.indirect.scatter.add.f32 [tilespmem:s24], [sflag:$0x7], $0x80, s12, s20, $0xb8;
	[tilespmem:$0x1E000] =	vst v63  }
0x94: {  	_ =	swait.ge [sflag:s29], $0x2000  }
0x95: {  	[sflag:s29] =	ssyncset.done $0x0  }
0x96: {  	s13 =	rddreg [dreg:$0x13];
	[sflag:s29] =	ssyncadd.s32 $0xFFFFE000  }
0x97: {  	[tilespmem:s21], [sflag:$0x1] =	stream.indirect.gather [hbm4b:s2+s20], $0x80, s13, s20, $0xb8;
	[tilespmem:$0x1E000] =	vst v63  }
0x98: {  	_ =	swait.ge [sflag:s30], $0x2000  }
0x99: {  	[sflag:s30] =	ssyncset.done $0x0  }
0x9a: {  	s14 =	rddreg [dreg:$0x14];
	[sflag:s30] =	ssyncadd.s32 $0xFFFFE000  }
0x9b: {  	[spmem:s3] =	stream.indirect.scatter.add.f32 [tilespmem:s26], [sflag:$0x8], $0x80, s14, s20, $0xb8;
	[tilespmem:$0x1E000] =	vst v63  }
0x9c: {  	_ =	swait.ge [sflag:s31], $0x2000  }
0x9d: {  	[sflag:s31] =	ssyncset.done $0x0  }
0x9e: {  	s8 =	rddreg [dreg:$0x15];
	[sflag:s31] =	ssyncadd.s32 $0xFFFFE000  }
0x9f: {  	[tilespmem:s22], [sflag:$0x2] =	stream.indirect.gather [hbm4b:s2+s20], $0x80, s8, s20, $0xb8;
	[tilespmem:$0x1E000] =	vst v63  }
0xa0: {  	_ =	swait.ge [sflag:s23], $0x2000  }
0xa1: {  	[sflag:s23] =	ssyncset.done $0x0  }
0xa2: {  	s12 =	rddreg [dreg:$0x16];
	[sflag:s23] =	ssyncadd.s32 $0xFFFFE000  }
0xa3: {  	[spmem:s3] =	stream.indirect.scatter.add.f32 [tilespmem:s21], [sflag:$0x5], $0x80, s12, s20, $0xb8;
	[tilespmem:$0x1E000] =	vst v63  }
0xa4: {  	_ =	swait.ge [sflag:s1], $0x2000  }
0xa5: {  	[sflag:s1] =	ssyncset.done $0x0  }
0xa6: {  	s13 =	rddreg [dreg:$0x17];
	[sflag:s1] =	ssyncadd.s32 $0xFFFFE000  }
0xa7: {  	[tilespmem:s24], [sflag:$0x3] =	stream.indirect.gather [hbm4b:s2+s20], $0x80, s13, s20, $0xb8;
	[tilespmem:$0x1E000] =	vst v63  }
0xa8: {  	_ =	swait.ge [sflag:s25], $0x2000  }
0xa9: {  	[sflag:s25] =	ssyncset.done $0x0  }
0xaa: {  	s14 =	rddreg [dreg:$0x18];
	[sflag:s25] =	ssyncadd.s32 $0xFFFFE000  }
0xab: {  	[spmem:s3] =	stream.indirect.scatter.add.f32 [tilespmem:s22], [sflag:$0x6], $0x80, s14, s20, $0xb8;
	[tilespmem:$0x1E000] =	vst v63  }
0xac: {  	_ =	swait.ge [sflag:s0], $0x2000  }
0xad: {  	[sflag:s0] =	ssyncset.done $0x0  }
0xae: {  	s8 =	rddreg [dreg:$0x19];
	[sflag:s0] =	ssyncadd.s32 $0xFFFFE000  }
0xaf: {  	[tilespmem:s26], [sflag:$0x4] =	stream.indirect.gather [hbm4b:s2+s20], $0x80, s8, s20, $0xb8;
	[tilespmem:$0x1E000] =	vst v63  }
0xb0: {  	_ =	swait.ge [sflag:s28], $0x2000  }
0xb1: {  	[sflag:s28] =	ssyncset.done $0x0  }
0xb2: {  	s12 =	rddreg [dreg:$0x1a];
	[sflag:s28] =	ssyncadd.s32 $0xFFFFE000  }
0xb3: {  	[spmem:s3] =	stream.indirect.scatter.add.f32 [tilespmem:s24], [sflag:$0x7], $0x80, s12, s20, $0xb8;
	[tilespmem:$0x1E000] =	vst v63  }
0xb4: {  	_ =	swait.ge [sflag:s29], $0x2000  }
0xb5: {  	[sflag:s29] =	ssyncset.done $0x0  }
0xb6: {  	s13 =	rddreg [dreg:$0x1b];
	[sflag:s29] =	ssyncadd.s32 $0xFFFFE000  }
0xb7: {  	[tilespmem:s21], [sflag:$0x1] =	stream.indirect.gather [hbm4b:s2+s20], $0x80, s13, s20, $0xb8;
	[tilespmem:$0x1E000] =	vst v63  }
0xb8: {  	_ =	swait.ge [sflag:s30], $0x2000  }
0xb9: {  	[sflag:s30] =	ssyncset.done $0x0  }
0xba: {  	s14 =	rddreg [dreg:$0x1c];
	[sflag:s30] =	ssyncadd.s32 $0xFFFFE000  }
0xbb: {  	[spmem:s3] =	stream.indirect.scatter.add.f32 [tilespmem:s26], [sflag:$0x8], $0x80, s14, s20, $0xb8;
	[tilespmem:$0x1E000] =	vst v63  }
0xbc: {  	_ =	swait.ge [sflag:s31], $0x2000  }
0xbd: {  	[sflag:s31] =	ssyncset.done $0x0  }
0xbe: {  	s8 =	rddreg [dreg:$0x1d];
	[sflag:s31] =	ssyncadd.s32 $0xFFFFE000  }
0xbf: {  	[tilespmem:s22], [sflag:$0x2] =	stream.indirect.gather [hbm4b:s2+s20], $0x80, s8, s20, $0xb8;
	[tilespmem:$0x1E000] =	vst v63  }
0xc0: {  	_ =	swait.ge [sflag:s23], $0x2000  }
0xc1: {  	[sflag:s23] =	ssyncset.done $0x0  }
0xc2: {  	s12 =	rddreg [dreg:$0x1e];
	[sflag:s23] =	ssyncadd.s32 $0xFFFFE000  }
0xc3: {  	[spmem:s3] =	stream.indirect.scatter.add.f32 [tilespmem:s21], [sflag:$0x5], $0x80, s12, s20, $0xb8;
	[tilespmem:$0x1E000] =	vst v63  }
0xc4: {  	_ =	swait.ge [sflag:s1], $0x2000  }
0xc5: {  	[sflag:s1] =	ssyncset.done $0x0  }
0xc6: {  	s13 =	rddreg [dreg:$0x1f];
	[sflag:s1] =	ssyncadd.s32 $0xFFFFE000  }
0xc7: {  	[tilespmem:s24], [sflag:$0x3] =	stream.indirect.gather [hbm4b:s2+s20], $0x80, s13, s20, $0xb8;
	[tilespmem:$0x1E000] =	vst v63  }
0xc8: {  	_ =	swait.ge [sflag:s25], $0x2000  }
0xc9: {  	s14 =	sld [smem:$0x7D5]  }
0xca: {  	[sflag:s25] =	ssyncset.done $0x0  }
0xcb: {  	[sflag:s25] =	ssyncadd.s32 $0xFFFFE000  }
0xcc: {  	[spmem:s3] =	stream.indirect.scatter.add.f32 [tilespmem:s22], [sflag:$0x6], $0x80, s14, s20, $0xb8;
	[tilespmem:$0x1E000] =	vst v63  }
0xcd: {  	_ =	swait.ge [sflag:s0], $0x2000  }
0xce: {  	s8 =	sld [smem:$0x7D6]  }
0xcf: {  	[sflag:s0] =	ssyncset.done $0x0  }
0xd0: {  	[sflag:s0] =	ssyncadd.s32 $0xFFFFE000  }
0xd1: {  	[tilespmem:s26], [sflag:$0x4] =	stream.indirect.gather [hbm4b:s2+s20], $0x80, s8, s20, $0xb8;
	[tilespmem:$0x1E000] =	vst v63  }
0xd2: {  	_ =	swait.ge [sflag:s28], $0x2000  }
0xd3: {  	s12 =	sld [smem:$0x7D7]  }
0xd4: {  	[sflag:s28] =	ssyncset.done $0x0  }
0xd5: {  	[sflag:s28] =	ssyncadd.s32 $0xFFFFE000  }
0xd6: {  	[spmem:s3] =	stream.indirect.scatter.add.f32 [tilespmem:s24], [sflag:$0x7], $0x80, s12, s20, $0xb8;
	[tilespmem:$0x1E000] =	vst v63  }
0xd7: {  	_ =	swait.ge [sflag:s30], $0x2000  }
0xd8: {  	s13 =	sld [smem:$0x7D8]  }
0xd9: {  	[sflag:s30] =	ssyncset.done $0x0  }
0xda: {  	[sflag:s30] =	ssyncadd.s32 $0xFFFFE000  }
0xdb: {  	[spmem:s3] =	stream.indirect.scatter.add.f32 [tilespmem:s26], [sflag:$0x8], $0x80, s13, s20, $0xb8;
	[tilespmem:$0x1E000] =	vst v63  }
0xdc: {  	_ =	swait.ge [sflag:s29], $0x2000  }
0xdd: {  	[sflag:s29] =	ssyncset.done $0x0  }
0xde: {  	[sflag:s29] =	ssyncadd.s32 $0xFFFFE000  }
0xdf: {  	_ =	swait.ge [sflag:s31], $0x2000  }
0xe0: {  	[sflag:s31] =	ssyncset.done $0x0  }
0xe1: {  	[sflag:s31] =	ssyncadd.s32 $0xFFFFE000  }
0xe2: {  	_ =	swait.ge [sflag:s1], $0x2000  }
0xe3: {  	[sflag:s1] =	ssyncset.done $0x0  }
0xe4: {  	[sflag:s1] =	ssyncadd.s32 $0xFFFFE000  }
0xe5: {  	_ =	swait.ge [sflag:s0], $0x2000  }
0xe6: {  	[sflag:s0] =	ssyncset.done $0x0  }
0xe7: {  	[sflag:s0] =	ssyncadd.s32 $0xFFFFE000  }
0xe8: {  	_ =	swait.ge [sflag:s7], $0x800  }
0xe9: {  	[sflag:s7] =	ssyncset.done $0x0  }
0xea: {  	[sflag:s7] =	ssyncadd.s32 $0xFFFFF800  }
0xeb: {  	_ =	swait.ge [sflag:s7], $0x800  }
0xec: {  	s8 =	sld [smem:$0x7F0];
	_ =	sdelay $0x1  }
0xed: {  	p0 =	por $0x0, $0x0  }
0xee: {  	[sflag:s7] =	ssyncset.done $0x0;
	s10 =	sshrl.u32 @!p0 s8, $0x3  }
0xef: {  	s13 =	simm.s32 @!p0 $0x0;
	[sflag:s7] =	ssyncadd.s32 $0xFFFFF800;
	s12 =	sadd.s32 @!p0 s6, s10  }
0xf0: {  	[tilespmem:s13], [sflag:$0x9] =	stream.linear.gather @!p0 [hbm4b:s12+s13], $0x800, $0x38;
	[tilespmem:$0x1E000] =	vst v63  }
0xf1: {  	s10 =	sadd.s32 @!p0 s5, s10;
	s12 =	simm.s32 @!p0 $0x1000  }
0xf2: {  	[tilespmem:s12], [sflag:$0x9] =	stream.linear.gather @!p0 [hbm4b:s10+s13], $0x800, $0x38;
	[tilespmem:$0x1E000] =	vst v63  }
0xf3: {  	s14 =	sld [smem:$0x7D9]  }
0xf4: {  	[tilespmem:s21], [sflag:$0x1] =	stream.indirect.gather [hbm4b:s2+s20], $0x80, s18, s20, $0xb8;
	[tilespmem:$0x1E000] =	vst v63  }
0xf5: {  	_ = 	snop  }
0xf6: {  	[tilespmem:s22], [sflag:$0x2] =	stream.indirect.gather [hbm4b:s2+s20], $0x80, s14, s20, $0xb8;
	[tilespmem:$0x1E000] =	vst v63  }
0xf7: {  	_ =	swait.ge [sflag:s23], $0x2000  }
0xf8: {  	[sflag:s23] =	ssyncset.done $0x0  }
0xf9: {  	s12 =	sld [smem:$0x7DB];
	[sflag:s23] =	ssyncadd.s32 $0xFFFFE000  }
0xfa: {  	[spmem:s3] =	stream.indirect.scatter.add.f32 [tilespmem:s21], [sflag:$0x5], $0x80, s19, s20, $0xb8;
	[tilespmem:$0x1E000] =	vst v63  }
0xfb: {  	_ = 	snop  }
0xfc: {  	[tilespmem:s24], [sflag:$0x3] =	stream.indirect.gather [hbm4b:s2+s20], $0x80, s12, s20, $0xb8;
	[tilespmem:$0x1E000] =	vst v63  }
0xfd: {  	_ =	swait.ge [sflag:s25], $0x2000  }
0xfe: {  	s13 =	sld [smem:$0x7DC]  }
0xff: {  	[sflag:s25] =	ssyncset.done $0x0  }
0x100: {  	s14 =	sld [smem:$0x7DD];
	[sflag:s25] =	ssyncadd.s32 $0xFFFFE000  }
0x101: {  	[spmem:s3] =	stream.indirect.scatter.add.f32 [tilespmem:s22], [sflag:$0x6], $0x80, s13, s20, $0xb8;
	[tilespmem:$0x1E000] =	vst v63  }
0x102: {  	_ = 	snop  }
0x103: {  	[tilespmem:s26], [sflag:$0x4] =	stream.indirect.gather [hbm4b:s2+s20], $0x80, s14, s20, $0xb8;
	[tilespmem:$0x1E000] =	vst v63  }
0x104: {  	_ =	swait.ge [sflag:s28], $0x2000  }
0x105: {  	s13 =	sld [smem:$0x7DE]  }
0x106: {  	[sflag:s28] =	ssyncset.done $0x0  }
0x107: {  	[sflag:s28] =	ssyncadd.s32 $0xFFFFE000  }
0x108: {  	[spmem:s3] =	stream.indirect.scatter.add.f32 [tilespmem:s24], [sflag:$0x7], $0x80, s13, s20, $0xb8;
	[tilespmem:$0x1E000] =	vst v63  }
0x109: {  	_ =	swait.ge [sflag:s29], $0x2000  }
0x10a: {  	s14 =	sld [smem:$0x7DF]  }
0x10b: {  	[sflag:s29] =	ssyncset.done $0x0  }
0x10c: {  	[sflag:s29] =	ssyncadd.s32 $0xFFFFE000  }
0x10d: {  	[tilespmem:s21], [sflag:$0x1] =	stream.indirect.gather [hbm4b:s2+s20], $0x80, s14, s20, $0xb8;
	[tilespmem:$0x1E000] =	vst v63  }
0x10e: {  	_ =	swait.ge [sflag:s30], $0x2000  }
0x10f: {  	s12 =	sld [smem:$0x7E0]  }
0x110: {  	[sflag:s30] =	ssyncset.done $0x0  }
0x111: {  	[sflag:s30] =	ssyncadd.s32 $0xFFFFE000  }
0x112: {  	[spmem:s3] =	stream.indirect.scatter.add.f32 [tilespmem:s26], [sflag:$0x8], $0x80, s12, s20, $0xb8;
	[tilespmem:$0x1E000] =	vst v63  }
0x113: {  	_ =	swait.ge [sflag:s31], $0x2000  }
0x114: {  	s13 =	sld [smem:$0x7E1]  }
0x115: {  	[sflag:s31] =	ssyncset.done $0x0  }
0x116: {  	[sflag:s31] =	ssyncadd.s32 $0xFFFFE000  }
0x117: {  	[tilespmem:s22], [sflag:$0x2] =	stream.indirect.gather [hbm4b:s2+s20], $0x80, s13, s20, $0xb8;
	[tilespmem:$0x1E000] =	vst v63  }
0x118: {  	_ =	swait.ge [sflag:s23], $0x2000  }
0x119: {  	s14 =	sld [smem:$0x7E2]  }
0x11a: {  	[sflag:s23] =	ssyncset.done $0x0  }
0x11b: {  	[sflag:s23] =	ssyncadd.s32 $0xFFFFE000  }
0x11c: {  	[spmem:s3] =	stream.indirect.scatter.add.f32 [tilespmem:s21], [sflag:$0x5], $0x80, s14, s20, $0xb8;
	[tilespmem:$0x1E000] =	vst v63  }
0x11d: {  	_ =	swait.ge [sflag:s1], $0x2000  }
0x11e: {  	s12 =	sld [smem:$0x7E3]  }
0x11f: {  	[sflag:s1] =	ssyncset.done $0x0  }
0x120: {  	[sflag:s1] =	ssyncadd.s32 $0xFFFFE000  }
0x121: {  	[tilespmem:s24], [sflag:$0x3] =	stream.indirect.gather [hbm4b:s2+s20], $0x80, s12, s20, $0xb8;
	[tilespmem:$0x1E000] =	vst v63  }
0x122: {  	_ =	swait.ge [sflag:s25], $0x2000  }
0x123: {  	s13 =	sld [smem:$0x7E4]  }
0x124: {  	[sflag:s25] =	ssyncset.done $0x0  }
0x125: {  	[sflag:s25] =	ssyncadd.s32 $0xFFFFE000  }
0x126: {  	[spmem:s3] =	stream.indirect.scatter.add.f32 [tilespmem:s22], [sflag:$0x6], $0x80, s13, s20, $0xb8;
	[tilespmem:$0x1E000] =	vst v63  }
0x127: {  	_ =	swait.ge [sflag:s0], $0x2000  }
0x128: {  	s14 =	sld [smem:$0x7E5]  }
0x129: {  	[sflag:s0] =	ssyncset.done $0x0  }
0x12a: {  	[sflag:s0] =	ssyncadd.s32 $0xFFFFE000  }
0x12b: {  	[tilespmem:s26], [sflag:$0x4] =	stream.indirect.gather [hbm4b:s2+s20], $0x80, s14, s20, $0xb8;
	[tilespmem:$0x1E000] =	vst v63  }
0x12c: {  	_ =	swait.ge [sflag:s28], $0x2000  }
0x12d: {  	s12 =	sld [smem:$0x7E6]  }
0x12e: {  	[sflag:s28] =	ssyncset.done $0x0  }
0x12f: {  	[sflag:s28] =	ssyncadd.s32 $0xFFFFE000  }
0x130: {  	[spmem:s3] =	stream.indirect.scatter.add.f32 [tilespmem:s24], [sflag:$0x7], $0x80, s12, s20, $0xb8;
	[tilespmem:$0x1E000] =	vst v63  }
0x131: {  	_ =	swait.ge [sflag:s29], $0x2000  }
0x132: {  	s13 =	sld [smem:$0x7E7]  }
0x133: {  	[sflag:s29] =	ssyncset.done $0x0  }
0x134: {  	[sflag:s29] =	ssyncadd.s32 $0xFFFFE000  }
0x135: {  	[tilespmem:s21], [sflag:$0x1] =	stream.indirect.gather [hbm4b:s2+s20], $0x80, s13, s20, $0xb8;
	[tilespmem:$0x1E000] =	vst v63  }
0x136: {  	_ =	swait.ge [sflag:s30], $0x2000  }
0x137: {  	s14 =	sld [smem:$0x7E9]  }
0x138: {  	[sflag:s30] =	ssyncset.done $0x0  }
0x139: {  	[sflag:s30] =	ssyncadd.s32 $0xFFFFE000  }
0x13a: {  	[spmem:s3] =	stream.indirect.scatter.add.f32 [tilespmem:s26], [sflag:$0x8], $0x80, s14, s20, $0xb8;
	[tilespmem:$0x1E000] =	vst v63  }
0x13b: {  	_ =	swait.ge [sflag:s31], $0x2000  }
0x13c: {  	s12 =	sld [smem:$0x7EB]  }
0x13d: {  	[sflag:s31] =	ssyncset.done $0x0  }
0x13e: {  	[sflag:s31] =	ssyncadd.s32 $0xFFFFE000  }
0x13f: {  	[tilespmem:s22], [sflag:$0x2] =	stream.indirect.gather [hbm4b:s2+s20], $0x80, s12, s20, $0xb8;
	[tilespmem:$0x1E000] =	vst v63  }
0x140: {  	_ =	swait.ge [sflag:s23], $0x2000  }
0x141: {  	s13 =	sld [smem:$0x7ED]  }
0x142: {  	[sflag:s23] =	ssyncset.done $0x0  }
0x143: {  	[sflag:s23] =	ssyncadd.s32 $0xFFFFE000  }
0x144: {  	[spmem:s3] =	stream.indirect.scatter.add.f32 [tilespmem:s21], [sflag:$0x5], $0x80, s13, s20, $0xb8;
	[tilespmem:$0x1E000] =	vst v63  }
0x145: {  	_ =	swait.ge [sflag:s1], $0x2000  }
0x146: {  	s14 =	sld [smem:$0x7EF]  }
0x147: {  	[sflag:s1] =	ssyncset.done $0x0  }
0x148: {  	[sflag:s1] =	ssyncadd.s32 $0xFFFFE000  }
0x149: {  	[tilespmem:s24], [sflag:$0x3] =	stream.indirect.gather [hbm4b:s2+s20], $0x80, s14, s20, $0xb8;
	[tilespmem:$0x1E000] =	vst v63  }
0x14a: {  	_ =	swait.ge [sflag:s25], $0x2000  }
0x14b: {  	s12 =	sld [smem:$0x7F1]  }
0x14c: {  	[sflag:s25] =	ssyncset.done $0x0  }
0x14d: {  	[sflag:s25] =	ssyncadd.s32 $0xFFFFE000  }
0x14e: {  	[spmem:s3] =	stream.indirect.scatter.add.f32 [tilespmem:s22], [sflag:$0x6], $0x80, s12, s20, $0xb8;
	[tilespmem:$0x1E000] =	vst v63  }
0x14f: {  	_ =	swait.ge [sflag:s0], $0x2000  }
0x150: {  	s13 =	sld [smem:$0x7F2]  }
0x151: {  	[sflag:s0] =	ssyncset.done $0x0  }
0x152: {  	[sflag:s0] =	ssyncadd.s32 $0xFFFFE000  }
0x153: {  	[tilespmem:s26], [sflag:$0x4] =	stream.indirect.gather [hbm4b:s2+s20], $0x80, s13, s20, $0xb8;
	[tilespmem:$0x1E000] =	vst v63  }
0x154: {  	_ =	swait.ge [sflag:s28], $0x2000  }
0x155: {  	s14 =	sld [smem:$0x7F3]  }
0x156: {  	[sflag:s28] =	ssyncset.done $0x0  }
0x157: {  	[sflag:s28] =	ssyncadd.s32 $0xFFFFE000  }
0x158: {  	[spmem:s3] =	stream.indirect.scatter.add.f32 [tilespmem:s24], [sflag:$0x7], $0x80, s14, s20, $0xb8;
	[tilespmem:$0x1E000] =	vst v63  }
0x159: {  	_ =	swait.ge [sflag:s29], $0x2000  }
0x15a: {  	s12 =	sld [smem:$0x7F4]  }
0x15b: {  	[sflag:s29] =	ssyncset.done $0x0  }
0x15c: {  	[sflag:s29] =	ssyncadd.s32 $0xFFFFE000  }
0x15d: {  	[tilespmem:s21], [sflag:$0x1] =	stream.indirect.gather [hbm4b:s2+s20], $0x80, s12, s20, $0xb8;
	[tilespmem:$0x1E000] =	vst v63  }
0x15e: {  	_ =	swait.ge [sflag:s30], $0x2000  }
0x15f: {  	s13 =	sld [smem:$0x7F5]  }
0x160: {  	[sflag:s30] =	ssyncset.done $0x0  }
0x161: {  	[sflag:s30] =	ssyncadd.s32 $0xFFFFE000  }
0x162: {  	[spmem:s3] =	stream.indirect.scatter.add.f32 [tilespmem:s26], [sflag:$0x8], $0x80, s13, s20, $0xb8;
	[tilespmem:$0x1E000] =	vst v63  }
0x163: {  	_ =	swait.ge [sflag:s31], $0x2000  }
0x164: {  	s14 =	sld [smem:$0x7F6]  }
0x165: {  	[sflag:s31] =	ssyncset.done $0x0  }
0x166: {  	[sflag:s31] =	ssyncadd.s32 $0xFFFFE000  }
0x167: {  	[tilespmem:s22], [sflag:$0x2] =	stream.indirect.gather [hbm4b:s2+s20], $0x80, s14, s20, $0xb8;
	[tilespmem:$0x1E000] =	vst v63  }
0x168: {  	_ =	swait.ge [sflag:s23], $0x2000  }
0x169: {  	s12 =	sld [smem:$0x7F7]  }
0x16a: {  	[sflag:s23] =	ssyncset.done $0x0  }
0x16b: {  	[sflag:s23] =	ssyncadd.s32 $0xFFFFE000  }
0x16c: {  	[spmem:s3] =	stream.indirect.scatter.add.f32 [tilespmem:s21], [sflag:$0x5], $0x80, s12, s20, $0xb8;
	[tilespmem:$0x1E000] =	vst v63  }
0x16d: {  	_ =	swait.ge [sflag:s1], $0x2000  }
0x16e: {  	s13 =	sld [smem:$0x7F8]  }
0x16f: {  	[sflag:s1] =	ssyncset.done $0x0  }
0x170: {  	[sflag:s1] =	ssyncadd.s32 $0xFFFFE000  }
0x171: {  	[tilespmem:s24], [sflag:$0x3] =	stream.indirect.gather [hbm4b:s2+s20], $0x80, s13, s20, $0xb8;
	[tilespmem:$0x1E000] =	vst v63  }
0x172: {  	_ =	swait.ge [sflag:s25], $0x2000  }
0x173: {  	s14 =	sld [smem:$0x7F9]  }
0x174: {  	[sflag:s25] =	ssyncset.done $0x0  }
0x175: {  	[sflag:s25] =	ssyncadd.s32 $0xFFFFE000  }
0x176: {  	[spmem:s3] =	stream.indirect.scatter.add.f32 [tilespmem:s22], [sflag:$0x6], $0x80, s14, s20, $0xb8;
	[tilespmem:$0x1E000] =	vst v63  }
0x177: {  	_ =	swait.ge [sflag:s0], $0x2000  }
0x178: {  	s12 =	sld [smem:$0x7FA]  }
0x179: {  	[sflag:s0] =	ssyncset.done $0x0  }
0x17a: {  	[sflag:s0] =	ssyncadd.s32 $0xFFFFE000  }
0x17b: {  	[tilespmem:s26], [sflag:$0x4] =	stream.indirect.gather [hbm4b:s2+s20], $0x80, s12, s20, $0xb8;
	[tilespmem:$0x1E000] =	vst v63  }
0x17c: {  	_ =	swait.ge [sflag:s28], $0x2000  }
0x17d: {  	s13 =	sld [smem:$0x7FB]  }
0x17e: {  	[sflag:s28] =	ssyncset.done $0x0  }
0x17f: {  	[sflag:s28] =	ssyncadd.s32 $0xFFFFE000  }
0x180: {  	[spmem:s3] =	stream.indirect.scatter.add.f32 [tilespmem:s24], [sflag:$0x7], $0x80, s13, s20, $0xb8;
	[tilespmem:$0x1E000] =	vst v63  }
0x181: {  	_ =	swait.ge [sflag:s30], $0x2000  }
0x182: {  	s14 =	sld [smem:$0x7FC]  }
0x183: {  	[sflag:s30] =	ssyncset.done $0x0  }
0x184: {  	[sflag:s30] =	ssyncadd.s32 $0xFFFFE000  }
0x185: {  	[spmem:s3] =	stream.indirect.scatter.add.f32 [tilespmem:s26], [sflag:$0x8], $0x80, s14, s20, $0xb8;
	[tilespmem:$0x1E000] =	vst v63  }
0x186: {  	_ =	swait.ge [sflag:s29], $0x2000  }
0x187: {  	[sflag:s29] =	ssyncset.done $0x0  }
0x188: {  	[sflag:s29] =	ssyncadd.s32 $0xFFFFE000  }
0x189: {  	_ =	swait.ge [sflag:s31], $0x2000  }
0x18a: {  	[sflag:s31] =	ssyncset.done $0x0  }
0x18b: {  	[sflag:s31] =	ssyncadd.s32 $0xFFFFE000  }
0x18c: {  	_ =	swait.ge [sflag:s1], $0x2000  }
0x18d: {  	[sflag:s1] =	ssyncset.done $0x0  }
0x18e: {  	[sflag:s1] =	ssyncadd.s32 $0xFFFFE000  }
0x18f: {  	_ =	swait.ge [sflag:s0], $0x2000  }
0x190: {  	s10 =	simm.s32 $0x200;
	s13 =	smov.u32 s8;
	[sflag:s0] =	ssyncset.done $0x0  }
.LBB2_2:
0x191: {  	[sflag:s0] =	ssyncadd.s32 $0xFFFFE000  }
0x192: {  	_ =	swait.ge [sflag:s17], $0x800  }
0x193: {  	[sflag:s17] =	ssyncset.done $0x0  }
0x194: {  	[sflag:s17] =	ssyncadd.s32 $0xFFFFF800  }
0x195: {  	_ =	swait.ge [sflag:s17], $0x800  }
0x196: {  	s12 =	smov.u32 s10;
	s8 =	rddreg [dreg:$0x5];
	[sflag:s17] =	ssyncset.done $0x0  }
0x197: {  	s14 =	rddreg [dreg:$0x4];
	[sflag:s17] =	ssyncadd.s32 $0xFFFFF800;
	s8 =	sadd.s32 s12, s8  }
0x198: {  	[tilespmem:s18], [sflag:$0xA] =	stream.linear.gather [hbm4b:s8+s4], $0x800, $0x38;
	[tilespmem:$0x1E000] =	vst v63  }
0x199: {  	s14 =	sadd.s32 s12, s14  }
0x19a: {  	[tilespmem:s19], [sflag:$0xA] =	stream.linear.gather [hbm4b:s14+s4], $0x800, $0x38;
	[tilespmem:$0x1E000] =	vst v63  }
0x19b: {  	_ = 	snop  }
0x19c: {  	[tilespmem:s21], [sflag:$0x1] =	stream.indirect.gather [hbm4b:s2+s20], $0x80, s4, s20, $0xb8;
	[tilespmem:$0x1E000] =	vst v63  }
0x19d: {  	s14 =	rddreg [dreg:$0x6]  }
0x19e: {  	[tilespmem:s22], [sflag:$0x2] =	stream.indirect.gather [hbm4b:s2+s20], $0x80, s14, s20, $0xb8;
	[tilespmem:$0x1E000] =	vst v63  }
0x19f: {  	_ =	swait.ge [sflag:s23], $0x2000  }
0x1a0: {  	[sflag:s23] =	ssyncset.done $0x0  }
0x1a1: {  	[sflag:s23] =	ssyncadd.s32 $0xFFFFE000  }
0x1a2: {  	[spmem:s3] =	stream.indirect.scatter.add.f32 [tilespmem:s21], [sflag:$0x5], $0x80, s16, s20, $0xb8;
	[tilespmem:$0x1E000] =	vst v63  }
0x1a3: {  	s14 =	rddreg [dreg:$0x7]  }
0x1a4: {  	[tilespmem:s24], [sflag:$0x3] =	stream.indirect.gather [hbm4b:s2+s20], $0x80, s14, s20, $0xb8;
	[tilespmem:$0x1E000] =	vst v63  }
0x1a5: {  	_ =	swait.ge [sflag:s25], $0x2000  }
0x1a6: {  	[sflag:s25] =	ssyncset.done $0x0  }
0x1a7: {  	s8 =	rddreg [dreg:$0x8];
	[sflag:s25] =	ssyncadd.s32 $0xFFFFE000  }
0x1a8: {  	[spmem:s3] =	stream.indirect.scatter.add.f32 [tilespmem:s22], [sflag:$0x6], $0x80, s8, s20, $0xb8;
	[tilespmem:$0x1E000] =	vst v63  }
0x1a9: {  	s14 =	rddreg [dreg:$0x9]  }
0x1aa: {  	[tilespmem:s26], [sflag:$0x4] =	stream.indirect.gather [hbm4b:s2+s20], $0x80, s14, s20, $0xb8;
	[tilespmem:$0x1E000] =	vst v63  }
0x1ab: {  	_ =	swait.ge [sflag:s28], $0x2000  }
0x1ac: {  	[sflag:s28] =	ssyncset.done $0x0  }
0x1ad: {  	s14 =	rddreg [dreg:$0xa];
	[sflag:s28] =	ssyncadd.s32 $0xFFFFE000  }
0x1ae: {  	[spmem:s3] =	stream.indirect.scatter.add.f32 [tilespmem:s24], [sflag:$0x7], $0x80, s14, s20, $0xb8;
	[tilespmem:$0x1E000] =	vst v63  }
0x1af: {  	_ =	swait.ge [sflag:s29], $0x2000  }
0x1b0: {  	[sflag:s29] =	ssyncset.done $0x0  }
0x1b1: {  	s14 =	rddreg [dreg:$0xb];
	[sflag:s29] =	ssyncadd.s32 $0xFFFFE000  }
0x1b2: {  	[tilespmem:s21], [sflag:$0x1] =	stream.indirect.gather [hbm4b:s2+s20], $0x80, s14, s20, $0xb8;
	[tilespmem:$0x1E000] =	vst v63  }
0x1b3: {  	_ =	swait.ge [sflag:s30], $0x2000  }
0x1b4: {  	[sflag:s30] =	ssyncset.done $0x0  }
0x1b5: {  	s14 =	rddreg [dreg:$0xc];
	[sflag:s30] =	ssyncadd.s32 $0xFFFFE000  }
0x1b6: {  	[spmem:s3] =	stream.indirect.scatter.add.f32 [tilespmem:s26], [sflag:$0x8], $0x80, s14, s20, $0xb8;
	[tilespmem:$0x1E000] =	vst v63  }
0x1b7: {  	_ =	swait.ge [sflag:s31], $0x2000  }
0x1b8: {  	[sflag:s31] =	ssyncset.done $0x0  }
0x1b9: {  	s14 =	rddreg [dreg:$0xd];
	[sflag:s31] =	ssyncadd.s32 $0xFFFFE000  }
0x1ba: {  	[tilespmem:s22], [sflag:$0x2] =	stream.indirect.gather [hbm4b:s2+s20], $0x80, s14, s20, $0xb8;
	[tilespmem:$0x1E000] =	vst v63  }
0x1bb: {  	_ =	swait.ge [sflag:s23], $0x2000  }
0x1bc: {  	[sflag:s23] =	ssyncset.done $0x0  }
0x1bd: {  	s14 =	rddreg [dreg:$0xe];
	[sflag:s23] =	ssyncadd.s32 $0xFFFFE000  }
0x1be: {  	[spmem:s3] =	stream.indirect.scatter.add.f32 [tilespmem:s21], [sflag:$0x5], $0x80, s14, s20, $0xb8;
	[tilespmem:$0x1E000] =	vst v63  }
0x1bf: {  	_ =	swait.ge [sflag:s1], $0x2000  }
0x1c0: {  	[sflag:s1] =	ssyncset.done $0x0  }
0x1c1: {  	s14 =	rddreg [dreg:$0xf];
	[sflag:s1] =	ssyncadd.s32 $0xFFFFE000  }
0x1c2: {  	[tilespmem:s24], [sflag:$0x3] =	stream.indirect.gather [hbm4b:s2+s20], $0x80, s14, s20, $0xb8;
	[tilespmem:$0x1E000] =	vst v63  }
0x1c3: {  	_ =	swait.ge [sflag:s25], $0x2000  }
0x1c4: {  	[sflag:s25] =	ssyncset.done $0x0  }
0x1c5: {  	s14 =	rddreg [dreg:$0x10];
	[sflag:s25] =	ssyncadd.s32 $0xFFFFE000  }
0x1c6: {  	[spmem:s3] =	stream.indirect.scatter.add.f32 [tilespmem:s22], [sflag:$0x6], $0x80, s14, s20, $0xb8;
	[tilespmem:$0x1E000] =	vst v63  }
0x1c7: {  	_ =	swait.ge [sflag:s0], $0x2000  }
0x1c8: {  	[sflag:s0] =	ssyncset.done $0x0  }
0x1c9: {  	s14 =	rddreg [dreg:$0x11];
	[sflag:s0] =	ssyncadd.s32 $0xFFFFE000  }
0x1ca: {  	[tilespmem:s26], [sflag:$0x4] =	stream.indirect.gather [hbm4b:s2+s20], $0x80, s14, s20, $0xb8;
	[tilespmem:$0x1E000] =	vst v63  }
0x1cb: {  	_ =	swait.ge [sflag:s28], $0x2000  }
0x1cc: {  	[sflag:s28] =	ssyncset.done $0x0  }
0x1cd: {  	s14 =	rddreg [dreg:$0x12];
	[sflag:s28] =	ssyncadd.s32 $0xFFFFE000  }
0x1ce: {  	[spmem:s3] =	stream.indirect.scatter.add.f32 [tilespmem:s24], [sflag:$0x7], $0x80, s14, s20, $0xb8;
	[tilespmem:$0x1E000] =	vst v63  }
0x1cf: {  	_ =	swait.ge [sflag:s29], $0x2000  }
0x1d0: {  	[sflag:s29] =	ssyncset.done $0x0  }
0x1d1: {  	s14 =	rddreg [dreg:$0x13];
	[sflag:s29] =	ssyncadd.s32 $0xFFFFE000  }
0x1d2: {  	[tilespmem:s21], [sflag:$0x1] =	stream.indirect.gather [hbm4b:s2+s20], $0x80, s14, s20, $0xb8;
	[tilespmem:$0x1E000] =	vst v63  }
0x1d3: {  	_ =	swait.ge [sflag:s30], $0x2000  }
0x1d4: {  	[sflag:s30] =	ssyncset.done $0x0  }
0x1d5: {  	s14 =	rddreg [dreg:$0x14];
	[sflag:s30] =	ssyncadd.s32 $0xFFFFE000  }
0x1d6: {  	[spmem:s3] =	stream.indirect.scatter.add.f32 [tilespmem:s26], [sflag:$0x8], $0x80, s14, s20, $0xb8;
	[tilespmem:$0x1E000] =	vst v63  }
0x1d7: {  	_ =	swait.ge [sflag:s31], $0x2000  }
0x1d8: {  	[sflag:s31] =	ssyncset.done $0x0  }
0x1d9: {  	s14 =	rddreg [dreg:$0x15];
	[sflag:s31] =	ssyncadd.s32 $0xFFFFE000  }
0x1da: {  	[tilespmem:s22], [sflag:$0x2] =	stream.indirect.gather [hbm4b:s2+s20], $0x80, s14, s20, $0xb8;
	[tilespmem:$0x1E000] =	vst v63  }
0x1db: {  	_ =	swait.ge [sflag:s23], $0x2000  }
0x1dc: {  	[sflag:s23] =	ssyncset.done $0x0  }
0x1dd: {  	s14 =	rddreg [dreg:$0x16];
	[sflag:s23] =	ssyncadd.s32 $0xFFFFE000  }
0x1de: {  	[spmem:s3] =	stream.indirect.scatter.add.f32 [tilespmem:s21], [sflag:$0x5], $0x80, s14, s20, $0xb8;
	[tilespmem:$0x1E000] =	vst v63  }
0x1df: {  	_ =	swait.ge [sflag:s1], $0x2000  }
0x1e0: {  	[sflag:s1] =	ssyncset.done $0x0  }
0x1e1: {  	s14 =	rddreg [dreg:$0x17];
	[sflag:s1] =	ssyncadd.s32 $0xFFFFE000  }
0x1e2: {  	[tilespmem:s24], [sflag:$0x3] =	stream.indirect.gather [hbm4b:s2+s20], $0x80, s14, s20, $0xb8;
	[tilespmem:$0x1E000] =	vst v63  }
0x1e3: {  	_ =	swait.ge [sflag:s25], $0x2000  }
0x1e4: {  	[sflag:s25] =	ssyncset.done $0x0  }
0x1e5: {  	s14 =	rddreg [dreg:$0x18];
	[sflag:s25] =	ssyncadd.s32 $0xFFFFE000  }
0x1e6: {  	[spmem:s3] =	stream.indirect.scatter.add.f32 [tilespmem:s22], [sflag:$0x6], $0x80, s14, s20, $0xb8;
	[tilespmem:$0x1E000] =	vst v63  }
0x1e7: {  	_ =	swait.ge [sflag:s0], $0x2000  }
0x1e8: {  	[sflag:s0] =	ssyncset.done $0x0  }
0x1e9: {  	s14 =	rddreg [dreg:$0x19];
	[sflag:s0] =	ssyncadd.s32 $0xFFFFE000  }
0x1ea: {  	[tilespmem:s26], [sflag:$0x4] =	stream.indirect.gather [hbm4b:s2+s20], $0x80, s14, s20, $0xb8;
	[tilespmem:$0x1E000] =	vst v63  }
0x1eb: {  	_ =	swait.ge [sflag:s28], $0x2000  }
0x1ec: {  	[sflag:s28] =	ssyncset.done $0x0  }
0x1ed: {  	s14 =	rddreg [dreg:$0x1a];
	[sflag:s28] =	ssyncadd.s32 $0xFFFFE000  }
0x1ee: {  	[spmem:s3] =	stream.indirect.scatter.add.f32 [tilespmem:s24], [sflag:$0x7], $0x80, s14, s20, $0xb8;
	[tilespmem:$0x1E000] =	vst v63  }
0x1ef: {  	_ =	swait.ge [sflag:s29], $0x2000  }
0x1f0: {  	[sflag:s29] =	ssyncset.done $0x0  }
0x1f1: {  	s14 =	rddreg [dreg:$0x1b];
	[sflag:s29] =	ssyncadd.s32 $0xFFFFE000  }
0x1f2: {  	[tilespmem:s21], [sflag:$0x1] =	stream.indirect.gather [hbm4b:s2+s20], $0x80, s14, s20, $0xb8;
	[tilespmem:$0x1E000] =	vst v63  }
0x1f3: {  	_ =	swait.ge [sflag:s30], $0x2000  }
0x1f4: {  	[sflag:s30] =	ssyncset.done $0x0  }
0x1f5: {  	s14 =	rddreg [dreg:$0x1c];
	[sflag:s30] =	ssyncadd.s32 $0xFFFFE000  }
0x1f6: {  	[spmem:s3] =	stream.indirect.scatter.add.f32 [tilespmem:s26], [sflag:$0x8], $0x80, s14, s20, $0xb8;
	[tilespmem:$0x1E000] =	vst v63  }
0x1f7: {  	_ =	swait.ge [sflag:s31], $0x2000  }
0x1f8: {  	[sflag:s31] =	ssyncset.done $0x0  }
0x1f9: {  	s14 =	rddreg [dreg:$0x1d];
	[sflag:s31] =	ssyncadd.s32 $0xFFFFE000  }
0x1fa: {  	[tilespmem:s22], [sflag:$0x2] =	stream.indirect.gather [hbm4b:s2+s20], $0x80, s14, s20, $0xb8;
	[tilespmem:$0x1E000] =	vst v63  }
0x1fb: {  	_ =	swait.ge [sflag:s23], $0x2000  }
0x1fc: {  	[sflag:s23] =	ssyncset.done $0x0  }
0x1fd: {  	s14 =	rddreg [dreg:$0x1e];
	[sflag:s23] =	ssyncadd.s32 $0xFFFFE000  }
0x1fe: {  	[spmem:s3] =	stream.indirect.scatter.add.f32 [tilespmem:s21], [sflag:$0x5], $0x80, s14, s20, $0xb8;
	[tilespmem:$0x1E000] =	vst v63  }
0x1ff: {  	_ =	swait.ge [sflag:s1], $0x2000  }
0x200: {  	[sflag:s1] =	ssyncset.done $0x0  }
0x201: {  	s14 =	rddreg [dreg:$0x1f];
	[sflag:s1] =	ssyncadd.s32 $0xFFFFE000  }
0x202: {  	[tilespmem:s24], [sflag:$0x3] =	stream.indirect.gather [hbm4b:s2+s20], $0x80, s14, s20, $0xb8;
	[tilespmem:$0x1E000] =	vst v63  }
0x203: {  	_ =	swait.ge [sflag:s25], $0x2000  }
0x204: {  	s14 =	sld [smem:$0x7D5]  }
0x205: {  	[sflag:s25] =	ssyncset.done $0x0  }
0x206: {  	[sflag:s25] =	ssyncadd.s32 $0xFFFFE000  }
0x207: {  	[spmem:s3] =	stream.indirect.scatter.add.f32 [tilespmem:s22], [sflag:$0x6], $0x80, s14, s20, $0xb8;
	[tilespmem:$0x1E000] =	vst v63  }
0x208: {  	_ =	swait.ge [sflag:s0], $0x2000  }
0x209: {  	s14 =	sld [smem:$0x7D6]  }
0x20a: {  	[sflag:s0] =	ssyncset.done $0x0  }
0x20b: {  	[sflag:s0] =	ssyncadd.s32 $0xFFFFE000  }
0x20c: {  	[tilespmem:s26], [sflag:$0x4] =	stream.indirect.gather [hbm4b:s2+s20], $0x80, s14, s20, $0xb8;
	[tilespmem:$0x1E000] =	vst v63  }
0x20d: {  	_ =	swait.ge [sflag:s28], $0x2000  }
0x20e: {  	s14 =	sld [smem:$0x7D7]  }
0x20f: {  	[sflag:s28] =	ssyncset.done $0x0  }
0x210: {  	[sflag:s28] =	ssyncadd.s32 $0xFFFFE000  }
0x211: {  	[spmem:s3] =	stream.indirect.scatter.add.f32 [tilespmem:s24], [sflag:$0x7], $0x80, s14, s20, $0xb8;
	[tilespmem:$0x1E000] =	vst v63  }
0x212: {  	_ =	swait.ge [sflag:s30], $0x2000  }
0x213: {  	s14 =	sld [smem:$0x7D8]  }
0x214: {  	[sflag:s30] =	ssyncset.done $0x0  }
0x215: {  	[sflag:s30] =	ssyncadd.s32 $0xFFFFE000  }
0x216: {  	[spmem:s3] =	stream.indirect.scatter.add.f32 [tilespmem:s26], [sflag:$0x8], $0x80, s14, s20, $0xb8;
	[tilespmem:$0x1E000] =	vst v63  }
0x217: {  	_ =	swait.ge [sflag:s29], $0x2000  }
0x218: {  	[sflag:s29] =	ssyncset.done $0x0  }
0x219: {  	[sflag:s29] =	ssyncadd.s32 $0xFFFFE000  }
0x21a: {  	_ =	swait.ge [sflag:s31], $0x2000  }
0x21b: {  	[sflag:s31] =	ssyncset.done $0x0  }
0x21c: {  	[sflag:s31] =	ssyncadd.s32 $0xFFFFE000  }
0x21d: {  	_ =	swait.ge [sflag:s1], $0x2000  }
0x21e: {  	[sflag:s1] =	ssyncset.done $0x0  }
0x21f: {  	[sflag:s1] =	ssyncadd.s32 $0xFFFFE000  }
0x220: {  	_ =	swait.ge [sflag:s0], $0x2000  }
0x221: {  	[sflag:s0] =	ssyncset.done $0x0  }
0x222: {  	[sflag:s0] =	ssyncadd.s32 $0xFFFFE000  }
0x223: {  	_ =	swait.ge [sflag:s7], $0x800  }
0x224: {  	[sflag:s7] =	ssyncset.done $0x0  }
0x225: {  	[sflag:s7] =	ssyncadd.s32 $0xFFFFF800  }
0x226: {  	s13 =	sadd.s32 $0x1000, s13;
	p1 =	seq.s32 s12, $0x800;
	_ =	swait.ge [sflag:s7], $0x800  }
0x227: {  	s8 =	sshrl.u32 @!p1 s13, $0x3;
	[sflag:s7] =	ssyncset.done $0x0  }
0x228: {  	s12 =	sadd.s32 @!p1 s6, s8;
	s14 =	simm.s32 @!p1 $0x0;
	[sflag:s7] =	ssyncadd.s32 $0xFFFFF800  }
0x229: {  	[tilespmem:s14], [sflag:$0x9] =	stream.linear.gather @!p1 [hbm4b:s12+s14], $0x800, $0x38;
	[tilespmem:$0x1E000] =	vst v63  }
0x22a: {  	s8 =	sadd.s32 @!p1 s5, s8;
	s12 =	simm.s32 @!p1 $0x1000  }
0x22b: {  	[tilespmem:s12], [sflag:$0x9] =	stream.linear.gather @!p1 [hbm4b:s8+s14], $0x800, $0x38;
	[tilespmem:$0x1E000] =	vst v63  }
0x22c: {  	s12 =	sld [smem:$0x7D9]  }
0x22d: {  	[tilespmem:s21], [sflag:$0x1] =	stream.indirect.gather [hbm4b:s2+s20], $0x80, s18, s20, $0xb8;
	[tilespmem:$0x1E000] =	vst v63  }
0x22e: {  	_ = 	snop  }
0x22f: {  	[tilespmem:s22], [sflag:$0x2] =	stream.indirect.gather [hbm4b:s2+s20], $0x80, s12, s20, $0xb8;
	[tilespmem:$0x1E000] =	vst v63  }
0x230: {  	_ =	swait.ge [sflag:s23], $0x2000  }
0x231: {  	[sflag:s23] =	ssyncset.done $0x0  }
0x232: {  	s14 =	sld [smem:$0x7DB];
	[sflag:s23] =	ssyncadd.s32 $0xFFFFE000  }
0x233: {  	[spmem:s3] =	stream.indirect.scatter.add.f32 [tilespmem:s21], [sflag:$0x5], $0x80, s19, s20, $0xb8;
	[tilespmem:$0x1E000] =	vst v63  }
0x234: {  	_ = 	snop  }
0x235: {  	[tilespmem:s24], [sflag:$0x3] =	stream.indirect.gather [hbm4b:s2+s20], $0x80, s14, s20, $0xb8;
	[tilespmem:$0x1E000] =	vst v63  }
0x236: {  	_ =	swait.ge [sflag:s25], $0x2000  }
0x237: {  	s12 =	sld [smem:$0x7DC]  }
0x238: {  	[sflag:s25] =	ssyncset.done $0x0  }
0x239: {  	s14 =	sld [smem:$0x7DD];
	[sflag:s25] =	ssyncadd.s32 $0xFFFFE000  }
0x23a: {  	[spmem:s3] =	stream.indirect.scatter.add.f32 [tilespmem:s22], [sflag:$0x6], $0x80, s12, s20, $0xb8;
	[tilespmem:$0x1E000] =	vst v63  }
0x23b: {  	_ = 	snop  }
0x23c: {  	[tilespmem:s26], [sflag:$0x4] =	stream.indirect.gather [hbm4b:s2+s20], $0x80, s14, s20, $0xb8;
	[tilespmem:$0x1E000] =	vst v63  }
0x23d: {  	_ =	swait.ge [sflag:s28], $0x2000  }
0x23e: {  	s12 =	sld [smem:$0x7DE]  }
0x23f: {  	[sflag:s28] =	ssyncset.done $0x0  }
0x240: {  	[sflag:s28] =	ssyncadd.s32 $0xFFFFE000  }
0x241: {  	[spmem:s3] =	stream.indirect.scatter.add.f32 [tilespmem:s24], [sflag:$0x7], $0x80, s12, s20, $0xb8;
	[tilespmem:$0x1E000] =	vst v63  }
0x242: {  	_ =	swait.ge [sflag:s29], $0x2000  }
0x243: {  	s14 =	sld [smem:$0x7DF]  }
0x244: {  	[sflag:s29] =	ssyncset.done $0x0  }
0x245: {  	[sflag:s29] =	ssyncadd.s32 $0xFFFFE000  }
0x246: {  	[tilespmem:s21], [sflag:$0x1] =	stream.indirect.gather [hbm4b:s2+s20], $0x80, s14, s20, $0xb8;
	[tilespmem:$0x1E000] =	vst v63  }
0x247: {  	_ =	swait.ge [sflag:s30], $0x2000  }
0x248: {  	s12 =	sld [smem:$0x7E0]  }
0x249: {  	[sflag:s30] =	ssyncset.done $0x0  }
0x24a: {  	[sflag:s30] =	ssyncadd.s32 $0xFFFFE000  }
0x24b: {  	[spmem:s3] =	stream.indirect.scatter.add.f32 [tilespmem:s26], [sflag:$0x8], $0x80, s12, s20, $0xb8;
	[tilespmem:$0x1E000] =	vst v63  }
0x24c: {  	_ =	swait.ge [sflag:s31], $0x2000  }
0x24d: {  	s14 =	sld [smem:$0x7E1]  }
0x24e: {  	[sflag:s31] =	ssyncset.done $0x0  }
0x24f: {  	[sflag:s31] =	ssyncadd.s32 $0xFFFFE000  }
0x250: {  	[tilespmem:s22], [sflag:$0x2] =	stream.indirect.gather [hbm4b:s2+s20], $0x80, s14, s20, $0xb8;
	[tilespmem:$0x1E000] =	vst v63  }
0x251: {  	_ =	swait.ge [sflag:s23], $0x2000  }
0x252: {  	s12 =	sld [smem:$0x7E2]  }
0x253: {  	[sflag:s23] =	ssyncset.done $0x0  }
0x254: {  	[sflag:s23] =	ssyncadd.s32 $0xFFFFE000  }
0x255: {  	[spmem:s3] =	stream.indirect.scatter.add.f32 [tilespmem:s21], [sflag:$0x5], $0x80, s12, s20, $0xb8;
	[tilespmem:$0x1E000] =	vst v63  }
0x256: {  	_ =	swait.ge [sflag:s1], $0x2000  }
0x257: {  	s14 =	sld [smem:$0x7E3]  }
0x258: {  	[sflag:s1] =	ssyncset.done $0x0  }
0x259: {  	[sflag:s1] =	ssyncadd.s32 $0xFFFFE000  }
0x25a: {  	[tilespmem:s24], [sflag:$0x3] =	stream.indirect.gather [hbm4b:s2+s20], $0x80, s14, s20, $0xb8;
	[tilespmem:$0x1E000] =	vst v63  }
0x25b: {  	_ =	swait.ge [sflag:s25], $0x2000  }
0x25c: {  	s12 =	sld [smem:$0x7E4]  }
0x25d: {  	[sflag:s25] =	ssyncset.done $0x0  }
0x25e: {  	[sflag:s25] =	ssyncadd.s32 $0xFFFFE000  }
0x25f: {  	[spmem:s3] =	stream.indirect.scatter.add.f32 [tilespmem:s22], [sflag:$0x6], $0x80, s12, s20, $0xb8;
	[tilespmem:$0x1E000] =	vst v63  }
0x260: {  	_ =	swait.ge [sflag:s0], $0x2000  }
0x261: {  	s14 =	sld [smem:$0x7E5]  }
0x262: {  	[sflag:s0] =	ssyncset.done $0x0  }
0x263: {  	[sflag:s0] =	ssyncadd.s32 $0xFFFFE000  }
0x264: {  	[tilespmem:s26], [sflag:$0x4] =	stream.indirect.gather [hbm4b:s2+s20], $0x80, s14, s20, $0xb8;
	[tilespmem:$0x1E000] =	vst v63  }
0x265: {  	_ =	swait.ge [sflag:s28], $0x2000  }
0x266: {  	s12 =	sld [smem:$0x7E6]  }
0x267: {  	[sflag:s28] =	ssyncset.done $0x0  }
0x268: {  	[sflag:s28] =	ssyncadd.s32 $0xFFFFE000  }
0x269: {  	[spmem:s3] =	stream.indirect.scatter.add.f32 [tilespmem:s24], [sflag:$0x7], $0x80, s12, s20, $0xb8;
	[tilespmem:$0x1E000] =	vst v63  }
0x26a: {  	_ =	swait.ge [sflag:s29], $0x2000  }
0x26b: {  	s14 =	sld [smem:$0x7E7]  }
0x26c: {  	[sflag:s29] =	ssyncset.done $0x0  }
0x26d: {  	[sflag:s29] =	ssyncadd.s32 $0xFFFFE000  }
0x26e: {  	[tilespmem:s21], [sflag:$0x1] =	stream.indirect.gather [hbm4b:s2+s20], $0x80, s14, s20, $0xb8;
	[tilespmem:$0x1E000] =	vst v63  }
0x26f: {  	_ =	swait.ge [sflag:s30], $0x2000  }
0x270: {  	s12 =	sld [smem:$0x7E9]  }
0x271: {  	[sflag:s30] =	ssyncset.done $0x0  }
0x272: {  	[sflag:s30] =	ssyncadd.s32 $0xFFFFE000  }
0x273: {  	[spmem:s3] =	stream.indirect.scatter.add.f32 [tilespmem:s26], [sflag:$0x8], $0x80, s12, s20, $0xb8;
	[tilespmem:$0x1E000] =	vst v63  }
0x274: {  	_ =	swait.ge [sflag:s31], $0x2000  }
0x275: {  	s14 =	sld [smem:$0x7EB]  }
0x276: {  	[sflag:s31] =	ssyncset.done $0x0  }
0x277: {  	[sflag:s31] =	ssyncadd.s32 $0xFFFFE000  }
0x278: {  	[tilespmem:s22], [sflag:$0x2] =	stream.indirect.gather [hbm4b:s2+s20], $0x80, s14, s20, $0xb8;
	[tilespmem:$0x1E000] =	vst v63  }
0x279: {  	_ =	swait.ge [sflag:s23], $0x2000  }
0x27a: {  	s12 =	sld [smem:$0x7ED]  }
0x27b: {  	[sflag:s23] =	ssyncset.done $0x0  }
0x27c: {  	[sflag:s23] =	ssyncadd.s32 $0xFFFFE000  }
0x27d: {  	[spmem:s3] =	stream.indirect.scatter.add.f32 [tilespmem:s21], [sflag:$0x5], $0x80, s12, s20, $0xb8;
	[tilespmem:$0x1E000] =	vst v63  }
0x27e: {  	_ =	swait.ge [sflag:s1], $0x2000  }
0x27f: {  	s14 =	sld [smem:$0x7EF]  }
0x280: {  	[sflag:s1] =	ssyncset.done $0x0  }
0x281: {  	[sflag:s1] =	ssyncadd.s32 $0xFFFFE000  }
0x282: {  	[tilespmem:s24], [sflag:$0x3] =	stream.indirect.gather [hbm4b:s2+s20], $0x80, s14, s20, $0xb8;
	[tilespmem:$0x1E000] =	vst v63  }
0x283: {  	_ =	swait.ge [sflag:s25], $0x2000  }
0x284: {  	s12 =	sld [smem:$0x7F1]  }
0x285: {  	[sflag:s25] =	ssyncset.done $0x0  }
0x286: {  	[sflag:s25] =	ssyncadd.s32 $0xFFFFE000  }
0x287: {  	[spmem:s3] =	stream.indirect.scatter.add.f32 [tilespmem:s22], [sflag:$0x6], $0x80, s12, s20, $0xb8;
	[tilespmem:$0x1E000] =	vst v63  }
0x288: {  	_ =	swait.ge [sflag:s0], $0x2000  }
0x289: {  	s14 =	sld [smem:$0x7F2]  }
0x28a: {  	[sflag:s0] =	ssyncset.done $0x0  }
0x28b: {  	[sflag:s0] =	ssyncadd.s32 $0xFFFFE000  }
0x28c: {  	[tilespmem:s26], [sflag:$0x4] =	stream.indirect.gather [hbm4b:s2+s20], $0x80, s14, s20, $0xb8;
	[tilespmem:$0x1E000] =	vst v63  }
0x28d: {  	_ =	swait.ge [sflag:s28], $0x2000  }
0x28e: {  	s12 =	sld [smem:$0x7F3]  }
0x28f: {  	[sflag:s28] =	ssyncset.done $0x0  }
0x290: {  	[sflag:s28] =	ssyncadd.s32 $0xFFFFE000  }
0x291: {  	[spmem:s3] =	stream.indirect.scatter.add.f32 [tilespmem:s24], [sflag:$0x7], $0x80, s12, s20, $0xb8;
	[tilespmem:$0x1E000] =	vst v63  }
0x292: {  	_ =	swait.ge [sflag:s29], $0x2000  }
0x293: {  	s14 =	sld [smem:$0x7F4]  }
0x294: {  	[sflag:s29] =	ssyncset.done $0x0  }
0x295: {  	[sflag:s29] =	ssyncadd.s32 $0xFFFFE000  }
0x296: {  	[tilespmem:s21], [sflag:$0x1] =	stream.indirect.gather [hbm4b:s2+s20], $0x80, s14, s20, $0xb8;
	[tilespmem:$0x1E000] =	vst v63  }
0x297: {  	_ =	swait.ge [sflag:s30], $0x2000  }
0x298: {  	s12 =	sld [smem:$0x7F5]  }
0x299: {  	[sflag:s30] =	ssyncset.done $0x0  }
0x29a: {  	[sflag:s30] =	ssyncadd.s32 $0xFFFFE000  }
0x29b: {  	[spmem:s3] =	stream.indirect.scatter.add.f32 [tilespmem:s26], [sflag:$0x8], $0x80, s12, s20, $0xb8;
	[tilespmem:$0x1E000] =	vst v63  }
0x29c: {  	_ =	swait.ge [sflag:s31], $0x2000  }
0x29d: {  	s14 =	sld [smem:$0x7F6]  }
0x29e: {  	[sflag:s31] =	ssyncset.done $0x0  }
0x29f: {  	[sflag:s31] =	ssyncadd.s32 $0xFFFFE000  }
0x2a0: {  	[tilespmem:s22], [sflag:$0x2] =	stream.indirect.gather [hbm4b:s2+s20], $0x80, s14, s20, $0xb8;
	[tilespmem:$0x1E000] =	vst v63  }
0x2a1: {  	_ =	swait.ge [sflag:s23], $0x2000  }
0x2a2: {  	s12 =	sld [smem:$0x7F7]  }
0x2a3: {  	[sflag:s23] =	ssyncset.done $0x0  }
0x2a4: {  	[sflag:s23] =	ssyncadd.s32 $0xFFFFE000  }
0x2a5: {  	[spmem:s3] =	stream.indirect.scatter.add.f32 [tilespmem:s21], [sflag:$0x5], $0x80, s12, s20, $0xb8;
	[tilespmem:$0x1E000] =	vst v63  }
0x2a6: {  	_ =	swait.ge [sflag:s1], $0x2000  }
0x2a7: {  	s14 =	sld [smem:$0x7F8]  }
0x2a8: {  	[sflag:s1] =	ssyncset.done $0x0  }
0x2a9: {  	[sflag:s1] =	ssyncadd.s32 $0xFFFFE000  }
0x2aa: {  	[tilespmem:s24], [sflag:$0x3] =	stream.indirect.gather [hbm4b:s2+s20], $0x80, s14, s20, $0xb8;
	[tilespmem:$0x1E000] =	vst v63  }
0x2ab: {  	_ =	swait.ge [sflag:s25], $0x2000  }
0x2ac: {  	s12 =	sld [smem:$0x7F9]  }
0x2ad: {  	[sflag:s25] =	ssyncset.done $0x0  }
0x2ae: {  	[sflag:s25] =	ssyncadd.s32 $0xFFFFE000  }
0x2af: {  	[spmem:s3] =	stream.indirect.scatter.add.f32 [tilespmem:s22], [sflag:$0x6], $0x80, s12, s20, $0xb8;
	[tilespmem:$0x1E000] =	vst v63  }
0x2b0: {  	_ =	swait.ge [sflag:s0], $0x2000  }
0x2b1: {  	s14 =	sld [smem:$0x7FA]  }
0x2b2: {  	[sflag:s0] =	ssyncset.done $0x0  }
0x2b3: {  	[sflag:s0] =	ssyncadd.s32 $0xFFFFE000  }
0x2b4: {  	[tilespmem:s26], [sflag:$0x4] =	stream.indirect.gather [hbm4b:s2+s20], $0x80, s14, s20, $0xb8;
	[tilespmem:$0x1E000] =	vst v63  }
0x2b5: {  	_ =	swait.ge [sflag:s28], $0x2000  }
0x2b6: {  	s12 =	sld [smem:$0x7FB]  }
0x2b7: {  	[sflag:s28] =	ssyncset.done $0x0  }
0x2b8: {  	[sflag:s28] =	ssyncadd.s32 $0xFFFFE000  }
0x2b9: {  	[spmem:s3] =	stream.indirect.scatter.add.f32 [tilespmem:s24], [sflag:$0x7], $0x80, s12, s20, $0xb8;
	[tilespmem:$0x1E000] =	vst v63  }
0x2ba: {  	_ =	swait.ge [sflag:s30], $0x2000  }
0x2bb: {  	s14 =	sld [smem:$0x7FC]  }
0x2bc: {  	[sflag:s30] =	ssyncset.done $0x0  }
0x2bd: {  	[sflag:s30] =	ssyncadd.s32 $0xFFFFE000  }
0x2be: {  	[spmem:s3] =	stream.indirect.scatter.add.f32 [tilespmem:s26], [sflag:$0x8], $0x80, s14, s20, $0xb8;
	[tilespmem:$0x1E000] =	vst v63  }
0x2bf: {  	_ =	swait.ge [sflag:s29], $0x2000  }
0x2c0: {  	[sflag:s29] =	ssyncset.done $0x0  }
0x2c1: {  	[sflag:s29] =	ssyncadd.s32 $0xFFFFE000  }
0x2c2: {  	_ =	swait.ge [sflag:s31], $0x2000  }
0x2c3: {  	s10 =	sadd.s32 $0x200, s10;
	[sflag:s31] =	ssyncset.done $0x0  }
0x2c4: {  	p0 =	sne.s32 s10, $0xA00;
	[sflag:s31] =	ssyncadd.s32 $0xFFFFE000  }
.Ltmp0:
0x2c5: {  	_ =	swait.ge [sflag:s1], $0x2000;
	(pc) =	sbr.rel @p0 .LBB2_2-.Ltmp0, $4  }
0x2c6: {  	[sflag:s1] =	ssyncset.done $0x0  }
0x2c7: {  	[sflag:s1] =	ssyncadd.s32 $0xFFFFE000  }
0x2c8: {  	_ =	swait.ge [sflag:s0], $0x2000  }
0x2c9: {  	[sflag:s0] =	ssyncset.done $0x0  }
0x2ca: {  	[sflag:s0] =	ssyncadd.s32 $0xFFFFE000  }
0x2cb: {  	[bflag:$0x0] =	sbarrier.arrive $0xFFFF  }
0x2cc: {  	s8 =	sld [smem:$0x7EC]  }
0x2cd: {  	s10 =	sld [smem:$0x7FD];
	_ =	sdelay $0x2  }
0x2ce: {  	[hbm:s8], [sflag:s11] =	dma.local [spmem:s10], $0x2800  }
0x2cf: {  	_ =	swait.ge [sflag:s15], $0x2800  }
0x2d0: {  	s14 =	sld [smem:$0x7EE];
	_ =	sdelay $0x1  }
0x2d1: {  	s9 =	sadd.s32 $0x1, s9  }
0x2d2: {  	p0 =	sne.s32 s9, s14  }
.Ltmp1:
0x2d3: {  	_ = 	snop;
	(pc) =	sbr.rel @p0 .LBB2_1-.Ltmp1, $3  }
0x2d4: {  	_ =	sdelay $0x1  }
0x2d5: {  	[sflag:s15] =	ssyncset.done $0x0  }
0x2d6: {  	s12 =	smov.u32 s11;
	[sflag:s15] =	ssyncadd.s32 $0xFFFFD800  }
0x2d7: {  	_ =	sfence.sel $0x180000  }
0x2d8: {  	[bflag:$0x0] =	sbarrier.arrive $0xFFFF  }
0x2d9: {  	_ =	strace $0x90000047  }
0x2da: {  	s0 =	stileid.u32;
	[bflag:$0x2] =	sbarrier.arrive $0xFFFF  }
0x2db: {  	p0 =	sne.s32 s0, $0x0;
	s0 =	rddreg [dreg:$0x3]  }
0x2dc: {  	s0 =	sadd.s32 @!p0 $0x100000, s0  }
0x2dd: {  	[sflag:s0] =	ssyncadd.tile.s32 @!p0 $0x1;
	_ =	shalt  }
.Lfunc_end2:
_tile_overlayer_lowered:
.L_overlay_start_2:
0x2de: {  	(tag) =	ssettag $0x2  }
0x2df: {  	s0 =	rddreg [dreg:$0x0];
	s2 =	stileid.u32  }
0x2e0: {  	s1 =	rddreg [dreg:$0x1];
	p0 =	sne.s32 s2, $0x0  }
0x2e1: {  	s3 =	rddreg [dreg:$0x2];
	[bflag:$0x3] =	sbarrier.arrive $0xFFFF;
	s2 =	simm.s32 @!p0 $0x1C0B  }
0x2e2: {  	[timem:s3], [sflag:s2] =	dma.local @!p0 [hbm:s0], s1  }
0x2e3: {  	s0 =	simm.s32 @!p0 $0xB  }
0x2e4: {  	_ =	swait.ge @!p0 [sflag:s0], s1  }
0x2e5: {  	s1 =	ssub.s32 @!p0 $0x0, s1;
	[sflag:s0] =	ssyncset.done @!p0 $0x0  }
0x2e6: {  	[sflag:s0] =	ssyncadd.s32 @!p0 s1  }
0x2e7: {  	[bflag:$0x3] =	sbarrier.arrive $0xFFFF  }
0x2e8: {  	_ =	shalt  }

</sc_bundles>
